<compile_context>
chip_gen: v7x
topology: tpu7x:2x2x1
jax: 0.10.2.dev20260603
libtpu: 0.0.44.dev20260713+nightly
codegen_flags: <defaults>
</compile_context>

<pallas_src>
import functools

import jax
import jax.numpy as jnp
from jax import lax
from jax.experimental import pallas as pl
from jax.experimental.pallas import tpu as pltpu
from jax.experimental.pallas import tpu_sc as plsc

N = 10000
D = 128
DH = D // 2
E = 320000
NC = 2
NS = 16
L = 16
NW = NC * NS
CHUNK = 128
EPT = 10240
NCHUNK = EPT // CHUNK
E_PAD = NW * EPT
N_ACC = 10240
ROWS_PT = N_ACC // NS
RZ = 128

_mesh = plsc.VectorSubcoreMesh(core_axis_name="c", subcore_axis_name="s")


@functools.partial(
    pl.kernel,
    mesh=_mesh,
    out_type=jax.ShapeDtypeStruct((NC, 2, N_ACC, DH), jnp.float32),
    scratch_types=[
        pltpu.VMEM((NCHUNK, CHUNK), jnp.int32),
        pltpu.VMEM((NCHUNK, CHUNK), jnp.int32),
        pltpu.VMEM((NCHUNK, CHUNK), jnp.int32),
        pltpu.VMEM((NCHUNK, CHUNK), jnp.float32),
        pltpu.VMEM((CHUNK, DH), jnp.float32),
        pltpu.VMEM((RZ, DH), jnp.float32),
        pltpu.VMEM_SHARED((N_ACC, DH), jnp.float32),
        pltpu.SemaphoreType.DMA,
    ],
    compiler_params=pltpu.CompilerParams(use_tc_tiling_on_sc=False),
)
def _spmm_sc(support_hbm, srcA_hbm, srcB_hbm, dst_hbm, w_hbm, out_hbm,
             srcA_v, srcB_v, dst_v, w_v, rows_v, zbuf, acc, sem):
    c = lax.axis_index("c")
    s = lax.axis_index("s")
    wid = c * NS + s

    def _zb(i, carry):
        for j in range(DH // L):
            zbuf[i, pl.ds(j * L, L)] = jnp.zeros((L,), jnp.float32)
        return carry
    lax.fori_loop(0, RZ, _zb, 0)

    pltpu.sync_copy(srcA_hbm.at[pl.ds(wid * NCHUNK, NCHUNK)], srcA_v)
    pltpu.sync_copy(srcB_hbm.at[pl.ds(wid * NCHUNK, NCHUNK)], srcB_v)
    pltpu.sync_copy(dst_hbm.at[pl.ds(wid * NCHUNK, NCHUNK)], dst_v)
    pltpu.sync_copy(w_hbm.at[pl.ds(wid * NCHUNK, NCHUNK)], w_v)

    for h in range(2):
        src_v = srcA_v if h == 0 else srcB_v
        for q in range(ROWS_PT // RZ):
            pltpu.sync_copy(zbuf, acc.at[pl.ds(s * ROWS_PT + q * RZ, RZ)])
        plsc.subcore_barrier()

        def _chunk(k, carry):
            pltpu.async_copy(support_hbm.at[src_v.at[k]], rows_v, sem).wait()

            def _scale(g, cc):
                wvec = w_v[k, pl.ds(g * L, L)]
                for li in range(L):
                    e = g * L + li
                    w = wvec[li]
                    for j in range(DH // L):
                        sl = pl.ds(j * L, L)
                        rows_v[e, sl] = rows_v[e, sl] * w
                return cc
            lax.fori_loop(0, CHUNK // L, _scale, 0)

            pltpu.sync_copy(rows_v, acc.at[dst_v.at[k]], add=True)
            return carry
        lax.fori_loop(0, NCHUNK, _chunk, 0)

        plsc.subcore_barrier()
        pltpu.sync_copy(acc.at[pl.ds(s * ROWS_PT, ROWS_PT)],
                        out_hbm.at[c, h, pl.ds(s * ROWS_PT, ROWS_PT)])
        plsc.subcore_barrier()


_BR = 1000


def _mm1_body(x_ref, w_ref, o_ref):
    o_ref[...] = jnp.dot(x_ref[...], w_ref[...],
                         preferred_element_type=jnp.float32)


def _mm1(x, W):
    return pl.pallas_call(
        _mm1_body,
        grid=(N // _BR,),
        in_specs=[
            pl.BlockSpec((_BR, D), lambda k: (k, 0)),
            pl.BlockSpec((D, D), lambda k: (0, 0)),
        ],
        out_specs=pl.BlockSpec((_BR, D), lambda k: (k, 0)),
        out_shape=jax.ShapeDtypeStruct((N, D), jnp.float32),
    )(x, W)


def _mm2_body(p_ref, b_ref, w_ref, o_ref):
    x0 = jnp.maximum(p_ref[0, 0] + p_ref[1, 0] + b_ref[0], 0.0)
    x1 = jnp.maximum(p_ref[0, 1] + p_ref[1, 1] + b_ref[1], 0.0)
    o_ref[...] = (
        jnp.dot(x0, w_ref[0], preferred_element_type=jnp.float32)
        + jnp.dot(x1, w_ref[1], preferred_element_type=jnp.float32)
    )


def _mm2(p, b_halves, W_halves):
    return pl.pallas_call(
        _mm2_body,
        grid=(N // _BR,),
        in_specs=[
            pl.BlockSpec((NC, 2, _BR, DH), lambda k: (0, 0, k, 0)),
            pl.BlockSpec((2, 1, DH), lambda k: (0, 0, 0)),
            pl.BlockSpec((2, DH, D), lambda k: (0, 0, 0)),
        ],
        out_specs=pl.BlockSpec((_BR, D), lambda k: (k, 0)),
        out_shape=jax.ShapeDtypeStruct((N, D), jnp.float32),
    )(p, b_halves, W_halves)


def _fin_body(p_ref, b_ref, o_ref):
    o_ref[:, 0, :] = p_ref[0, 0] + p_ref[1, 0] + b_ref[0]
    o_ref[:, 1, :] = p_ref[0, 1] + p_ref[1, 1] + b_ref[1]


def _fin(p, b_halves):
    return pl.pallas_call(
        _fin_body,
        grid=(N // _BR,),
        in_specs=[
            pl.BlockSpec((NC, 2, _BR, DH), lambda k: (0, 0, k, 0)),
            pl.BlockSpec((2, 1, DH), lambda k: (0, 0, 0)),
        ],
        out_specs=pl.BlockSpec((_BR, 2, DH), lambda k: (k, 0, 0)),
        out_shape=jax.ShapeDtypeStruct((N, 2, DH), jnp.float32),
    )(p, b_halves)


def kernel(x, edge_index, edge_weight, W1, b1, W2, b2):
    src = edge_index[0].astype(jnp.int32)
    dst = edge_index[1].astype(jnp.int32)
    w = edge_weight.astype(jnp.float32)
    pad = E_PAD - E
    srcA = jnp.pad(2 * src, (0, pad)).reshape(NW * NCHUNK, CHUNK)
    srcB = jnp.pad(2 * src + 1, (0, pad)).reshape(NW * NCHUNK, CHUNK)
    dst2 = jnp.pad(dst, (0, pad)).reshape(NW * NCHUNK, CHUNK)
    w2 = jnp.pad(w, (0, pad)).reshape(NW * NCHUNK, CHUNK)
    b1h = b1.reshape(2, 1, DH)
    b2h = b2.reshape(2, 1, DH)
    W2h = W2.reshape(2, DH, D)

    support1 = _mm1(x, W1).reshape(2 * N, DH)
    p1 = _spmm_sc(support1, srcA, srcB, dst2, w2)
    support2 = _mm2(p1, b1h, W2h).reshape(2 * N, DH)
    p2 = _spmm_sc(support2, srcA, srcB, dst2, w2)
    return _fin(p2, b2h).reshape(N, D)

# --- scband reference (transcript-rebuilt; emitter-appended) ---
"""Pipeline reference for scband-node-encoder-32255204393669 (READ-ONLY COPY).

The authoritative reference and input builder live on the scoring server;
editing this copy changes nothing except your own understanding.
"""

import jax, jax.numpy as jnp
import numpy as np

N_NODES = 10000
N_EDGES = 320000
D_IN = 128
D_HID = 128
D_OUT = 128


def setup_inputs(seed: int = 0) -> dict:
    key = jax.random.key(seed)
    k_x, k_ei, k_ew, k_w1, k_b1, k_w2, k_b2 = jax.random.split(key, 7)
    x = jax.random.normal(k_x, (N_NODES, D_IN), dtype=jnp.float32)
    edge_index = jax.random.randint(k_ei, (2, N_EDGES), 0, N_NODES, dtype=jnp.int64)
    edge_weight = jax.random.uniform(k_ew, (N_EDGES,), dtype=jnp.float32)
    # GCN layer parameters (GraphConvolution: support = x @ W; out = spmm(adj, support) + b)
    s1 = 1.0 / np.sqrt(D_IN)
    s2 = 1.0 / np.sqrt(D_HID)
    W1 = jax.random.uniform(k_w1, (D_IN, D_HID), dtype=jnp.float32, minval=-s1, maxval=s1)
    b1 = jax.random.uniform(k_b1, (D_HID,), dtype=jnp.float32, minval=-s1, maxval=s1)
    W2 = jax.random.uniform(k_w2, (D_HID, D_OUT), dtype=jnp.float32, minval=-s2, maxval=s2)
    b2 = jax.random.uniform(k_b2, (D_OUT,), dtype=jnp.float32, minval=-s2, maxval=s2)
    return {"x": x, "edge_index": edge_index, "edge_weight": edge_weight,
            "W1": W1, "b1": b1, "W2": W2, "b2": b2}


def _gcn_layer(x, src, dst, edge_weight, W, b, num_nodes):
    support = x @ W                                  # dense projection
    msgs = support[src] * edge_weight[:, None]       # gather + edge scaling (spmm values)
    agg = jax.ops.segment_sum(msgs, dst, num_segments=num_nodes)  # scatter-add
    return agg + b


def reference(x, edge_index, edge_weight, W1, b1, W2, b2):
    # NodeEncoder forward with args.node_encoder_model == 'gcn', dropout=0 (eval mode):
    #   x1 = relu(gc1(x, adj)); x2 = gc2(x1, adj)
    n = x.shape[0]
    src = edge_index[0]
    dst = edge_index[1]
    x1 = jax.nn.relu(_gcn_layer(x, src, dst, edge_weight, W1, b1, n))
    x2 = _gcn_layer(x1, src, dst, edge_weight, W2, b2, n)
    return x2

if __name__ == "__main__":
    import jax
    _d = setup_inputs()
    print(jax.jit(kernel)(*tuple(_d.values())))

</pallas_src>

<mosaic_0001>
#map = affine_map<(d0, d1) -> (0, 0)>
#map1 = affine_map<(d0, d1) -> (0, 0, 0, 0)>
module attributes {stable_mosaic.version = 14 : i64} {
  func.func @_spmm_sc(%arg0: i32, %arg1: i32, %arg2: memref<20000x64xf32, #tpu.memory_space<hbm>>, %arg3: memref<2560x128xi32, #tpu.memory_space<hbm>>, %arg4: memref<2560x128xi32, #tpu.memory_space<hbm>>, %arg5: memref<2560x128xi32, #tpu.memory_space<hbm>>, %arg6: memref<2560x128xf32, #tpu.memory_space<hbm>>, %arg7: memref<2x2x10240x64xf32, #tpu.memory_space<hbm>>, %arg8: memref<80x128xi32, #tpu.memory_space<vmem>>, %arg9: memref<80x128xi32, #tpu.memory_space<vmem>>, %arg10: memref<80x128xi32, #tpu.memory_space<vmem>>, %arg11: memref<80x128xf32, #tpu.memory_space<vmem>>, %arg12: memref<128x64xf32, #tpu.memory_space<vmem>>, %arg13: memref<128x64xf32, #tpu.memory_space<vmem>>, %arg14: memref<10240x64xf32, #tpu.memory_space<vmem_shared>>, %arg15: memref<!tpu.dma_semaphore, #tpu.memory_space<semaphore_mem>>) attributes {dimension_semantics = [#tpu.dimension_semantics<core_parallel>, #tpu.dimension_semantics<subcore_parallel>], iteration_bounds = array<i64: 2, 16>, scalar_prefetch = 0 : i64, scratch_operands = 8 : i64, tpu.core_type = #tpu.core_type<sc_vector_subcore>, window_params = [{transform_indices = #map}, {transform_indices = #map}, {transform_indices = #map}, {transform_indices = #map}, {transform_indices = #map}, {transform_indices = #map1}]} {
    %mul3A = arith.constant 16 : i32
    %mul3A_0 = arith.muli %arg0, %mul3A : i32
    %add3A = arith.addi %mul3A_0, %arg1 : i32
    %scan3A = arith.constant 0 : i32
    %scan3A_1 = arith.constant 0 : i32
    %scan3A_2 = arith.constant 128 : i32
    %scan3A_3 = arith.addi %scan3A_1, %scan3A_2 : i32
    %scan3A_4 = arith.constant 1 : i32
    scf.for %scan3A_80 = %scan3A_1 to %scan3A_3 step %scan3A_4  : i32 {
      %broadcast_in_dim3A = arith.constant 0.000000e+00 : f32
      %broadcast_in_dim3A_81 = vector.broadcast %broadcast_in_dim3A : f32 to vector<16xf32>
      %swap3A = arith.index_cast %scan3A_80 : i32 to index
      %swap3A_82 = arith.constant 0 : index
      %swap3A_83 = tpu.vector_load %arg13[%swap3A, %swap3A_82] {strides = array<i32>} : memref<128x64xf32, #tpu.memory_space<vmem>>, vector<1x16xf32>,
      %swap3A_84 = vector.shape_cast %swap3A_83 : vector<1x16xf32> to vector<16xf32>
      %swap3A_85 = vector.shape_cast %broadcast_in_dim3A_81 : vector<16xf32> to vector<1x16xf32>
      tpu.vector_store %arg13[%swap3A, %swap3A_82], %swap3A_85 {strides = array<i32>} : memref<128x64xf32, #tpu.memory_space<vmem>>, vector<1x16xf32>,
      %broadcast_in_dim3A_86 = arith.constant 0.000000e+00 : f32
      %broadcast_in_dim3A_87 = vector.broadcast %broadcast_in_dim3A_86 : f32 to vector<16xf32>
      %swap3A_88 = arith.index_cast %scan3A_80 : i32 to index
      %swap3A_89 = arith.constant 16 : index
      %swap3A_90 = tpu.vector_load %arg13[%swap3A_88, %swap3A_89] {strides = array<i32>} : memref<128x64xf32, #tpu.memory_space<vmem>>, vector<1x16xf32>,
      %swap3A_91 = vector.shape_cast %swap3A_90 : vector<1x16xf32> to vector<16xf32>
      %swap3A_92 = vector.shape_cast %broadcast_in_dim3A_87 : vector<16xf32> to vector<1x16xf32>
      tpu.vector_store %arg13[%swap3A_88, %swap3A_89], %swap3A_92 {strides = array<i32>} : memref<128x64xf32, #tpu.memory_space<vmem>>, vector<1x16xf32>,
      %broadcast_in_dim3A_93 = arith.constant 0.000000e+00 : f32
      %broadcast_in_dim3A_94 = vector.broadcast %broadcast_in_dim3A_93 : f32 to vector<16xf32>
      %swap3A_95 = arith.index_cast %scan3A_80 : i32 to index
      %swap3A_96 = arith.constant 32 : index
      %swap3A_97 = tpu.vector_load %arg13[%swap3A_95, %swap3A_96] {strides = array<i32>} : memref<128x64xf32, #tpu.memory_space<vmem>>, vector<1x16xf32>,
      %swap3A_98 = vector.shape_cast %swap3A_97 : vector<1x16xf32> to vector<16xf32>
      %swap3A_99 = vector.shape_cast %broadcast_in_dim3A_94 : vector<16xf32> to vector<1x16xf32>
      tpu.vector_store %arg13[%swap3A_95, %swap3A_96], %swap3A_99 {strides = array<i32>} : memref<128x64xf32, #tpu.memory_space<vmem>>, vector<1x16xf32>,
      %broadcast_in_dim3A_100 = arith.constant 0.000000e+00 : f32
      %broadcast_in_dim3A_101 = vector.broadcast %broadcast_in_dim3A_100 : f32 to vector<16xf32>
      %swap3A_102 = arith.index_cast %scan3A_80 : i32 to index
      %swap3A_103 = arith.constant 48 : index
      %swap3A_104 = tpu.vector_load %arg13[%swap3A_102, %swap3A_103] {strides = array<i32>} : memref<128x64xf32, #tpu.memory_space<vmem>>, vector<1x16xf32>,
      %swap3A_105 = vector.shape_cast %swap3A_104 : vector<1x16xf32> to vector<16xf32>
      %swap3A_106 = vector.shape_cast %broadcast_in_dim3A_101 : vector<16xf32> to vector<1x16xf32>
      tpu.vector_store %arg13[%swap3A_102, %swap3A_103], %swap3A_106 {strides = array<i32>} : memref<128x64xf32, #tpu.memory_space<vmem>>, vector<1x16xf32>,
    }
    %scan3A_5 = arith.constant 128 : i32
    %mul3A_6 = arith.constant 80 : i32
    %mul3A_7 = arith.muli %add3A, %mul3A_6 : i32
    "tpu.region"() ({
      %run_scoped3A_80 = tpu.sem_alloc : memref<!tpu.dma_semaphore, #tpu.memory_space<semaphore_mem>>
      %dma_start3A = arith.constant 0 : i32
      %dma_start3A_81 = tpu.memref_slice %arg3[%mul3A_7, %dma_start3A] : memref<2560x128xi32, #tpu.memory_space<hbm>> -> memref<80x128xi32, #tpu.memory_space<hbm>>
      %dma_start3A_82 = arith.constant 0 : i32
      %dma_start3A_83 = tpu.memref_slice %arg3[%mul3A_7, %dma_start3A_82] : memref<2560x128xi32, #tpu.memory_space<hbm>> -> memref<80x128xi32, #tpu.memory_space<hbm>>
      tpu.enqueue_dma source(%dma_start3A_83 : memref<80x128xi32, #tpu.memory_space<hbm>>) target(%arg8 : memref<80x128xi32, #tpu.memory_space<vmem>>) target_semaphore(%run_scoped3A_80 : memref<!tpu.dma_semaphore, #tpu.memory_space<semaphore_mem>>)
      %dma_wait3A = arith.constant 0 : i32
      %dma_wait3A_84 = tpu.memref_slice %arg3[%mul3A_7, %dma_wait3A] : memref<2560x128xi32, #tpu.memory_space<hbm>> -> memref<80x128xi32, #tpu.memory_space<hbm>>
      %dma_wait3A_85 = arith.constant 0 : i32
      %dma_wait3A_86 = tpu.memref_slice %arg3[%mul3A_7, %dma_wait3A_85] : memref<2560x128xi32, #tpu.memory_space<hbm>> -> memref<80x128xi32, #tpu.memory_space<hbm>>
      tpu.wait_dma2 semaphore(%run_scoped3A_80 : memref<!tpu.dma_semaphore, #tpu.memory_space<semaphore_mem>>) src(%dma_wait3A_86 : memref<80x128xi32, #tpu.memory_space<hbm>>) dst(%arg8 : memref<80x128xi32, #tpu.memory_space<vmem>>)
      tpu.yield
    }) : () -> ()
    %mul3A_8 = arith.constant 80 : i32
    %mul3A_9 = arith.muli %add3A, %mul3A_8 : i32
    "tpu.region"() ({
      %run_scoped3A_80 = tpu.sem_alloc : memref<!tpu.dma_semaphore, #tpu.memory_space<semaphore_mem>>
      %dma_start3A = arith.constant 0 : i32
      %dma_start3A_81 = tpu.memref_slice %arg4[%mul3A_9, %dma_start3A] : memref<2560x128xi32, #tpu.memory_space<hbm>> -> memref<80x128xi32, #tpu.memory_space<hbm>>
      %dma_start3A_82 = arith.constant 0 : i32
      %dma_start3A_83 = tpu.memref_slice %arg4[%mul3A_9, %dma_start3A_82] : memref<2560x128xi32, #tpu.memory_space<hbm>> -> memref<80x128xi32, #tpu.memory_space<hbm>>
      tpu.enqueue_dma source(%dma_start3A_83 : memref<80x128xi32, #tpu.memory_space<hbm>>) target(%arg9 : memref<80x128xi32, #tpu.memory_space<vmem>>) target_semaphore(%run_scoped3A_80 : memref<!tpu.dma_semaphore, #tpu.memory_space<semaphore_mem>>)
      %dma_wait3A = arith.constant 0 : i32
      %dma_wait3A_84 = tpu.memref_slice %arg4[%mul3A_9, %dma_wait3A] : memref<2560x128xi32, #tpu.memory_space<hbm>> -> memref<80x128xi32, #tpu.memory_space<hbm>>
      %dma_wait3A_85 = arith.constant 0 : i32
      %dma_wait3A_86 = tpu.memref_slice %arg4[%mul3A_9, %dma_wait3A_85] : memref<2560x128xi32, #tpu.memory_space<hbm>> -> memref<80x128xi32, #tpu.memory_space<hbm>>
      tpu.wait_dma2 semaphore(%run_scoped3A_80 : memref<!tpu.dma_semaphore, #tpu.memory_space<semaphore_mem>>) src(%dma_wait3A_86 : memref<80x128xi32, #tpu.memory_space<hbm>>) dst(%arg9 : memref<80x128xi32, #tpu.memory_space<vmem>>)
      tpu.yield
    }) : () -> ()
    %mul3A_10 = arith.constant 80 : i32
    %mul3A_11 = arith.muli %add3A, %mul3A_10 : i32
    "tpu.region"() ({
      %run_scoped3A_80 = tpu.sem_alloc : memref<!tpu.dma_semaphore, #tpu.memory_space<semaphore_mem>>
      %dma_start3A = arith.constant 0 : i32
      %dma_start3A_81 = tpu.memref_slice %arg5[%mul3A_11, %dma_start3A] : memref<2560x128xi32, #tpu.memory_space<hbm>> -> memref<80x128xi32, #tpu.memory_space<hbm>>
      %dma_start3A_82 = arith.constant 0 : i32
      %dma_start3A_83 = tpu.memref_slice %arg5[%mul3A_11, %dma_start3A_82] : memref<2560x128xi32, #tpu.memory_space<hbm>> -> memref<80x128xi32, #tpu.memory_space<hbm>>
      tpu.enqueue_dma source(%dma_start3A_83 : memref<80x128xi32, #tpu.memory_space<hbm>>) target(%arg10 : memref<80x128xi32, #tpu.memory_space<vmem>>) target_semaphore(%run_scoped3A_80 : memref<!tpu.dma_semaphore, #tpu.memory_space<semaphore_mem>>)
      %dma_wait3A = arith.constant 0 : i32
      %dma_wait3A_84 = tpu.memref_slice %arg5[%mul3A_11, %dma_wait3A] : memref<2560x128xi32, #tpu.memory_space<hbm>> -> memref<80x128xi32, #tpu.memory_space<hbm>>
      %dma_wait3A_85 = arith.constant 0 : i32
      %dma_wait3A_86 = tpu.memref_slice %arg5[%mul3A_11, %dma_wait3A_85] : memref<2560x128xi32, #tpu.memory_space<hbm>> -> memref<80x128xi32, #tpu.memory_space<hbm>>
      tpu.wait_dma2 semaphore(%run_scoped3A_80 : memref<!tpu.dma_semaphore, #tpu.memory_space<semaphore_mem>>) src(%dma_wait3A_86 : memref<80x128xi32, #tpu.memory_space<hbm>>) dst(%arg10 : memref<80x128xi32, #tpu.memory_space<vmem>>)
      tpu.yield
    }) : () -> ()
    %mul3A_12 = arith.constant 80 : i32
    %mul3A_13 = arith.muli %add3A, %mul3A_12 : i32
    "tpu.region"() ({
      %run_scoped3A_80 = tpu.sem_alloc : memref<!tpu.dma_semaphore, #tpu.memory_space<semaphore_mem>>
      %dma_start3A = arith.constant 0 : i32
      %dma_start3A_81 = tpu.memref_slice %arg6[%mul3A_13, %dma_start3A] : memref<2560x128xf32, #tpu.memory_space<hbm>> -> memref<80x128xf32, #tpu.memory_space<hbm>>
      %dma_start3A_82 = arith.constant 0 : i32
      %dma_start3A_83 = tpu.memref_slice %arg6[%mul3A_13, %dma_start3A_82] : memref<2560x128xf32, #tpu.memory_space<hbm>> -> memref<80x128xf32, #tpu.memory_space<hbm>>
      tpu.enqueue_dma source(%dma_start3A_83 : memref<80x128xf32, #tpu.memory_space<hbm>>) target(%arg11 : memref<80x128xf32, #tpu.memory_space<vmem>>) target_semaphore(%run_scoped3A_80 : memref<!tpu.dma_semaphore, #tpu.memory_space<semaphore_mem>>)
      %dma_wait3A = arith.constant 0 : i32
      %dma_wait3A_84 = tpu.memref_slice %arg6[%mul3A_13, %dma_wait3A] : memref<2560x128xf32, #tpu.memory_space<hbm>> -> memref<80x128xf32, #tpu.memory_space<hbm>>
      %dma_wait3A_85 = arith.constant 0 : i32
      %dma_wait3A_86 = tpu.memref_slice %arg6[%mul3A_13, %dma_wait3A_85] : memref<2560x128xf32, #tpu.memory_space<hbm>> -> memref<80x128xf32, #tpu.memory_space<hbm>>
      tpu.wait_dma2 semaphore(%run_scoped3A_80 : memref<!tpu.dma_semaphore, #tpu.memory_space<semaphore_mem>>) src(%dma_wait3A_86 : memref<80x128xf32, #tpu.memory_space<hbm>>) dst(%arg11 : memref<80x128xf32, #tpu.memory_space<vmem>>)
      tpu.yield
    }) : () -> ()
    %mul3A_14 = arith.constant 640 : i32
    %mul3A_15 = arith.muli %arg1, %mul3A_14 : i32
    %add3A_16 = arith.constant 0 : i32
    %add3A_17 = arith.addi %mul3A_15, %add3A_16 : i32
    "tpu.region"() ({
      %run_scoped3A_80 = tpu.sem_alloc : memref<!tpu.dma_semaphore, #tpu.memory_space<semaphore_mem>>
      %dma_start3A = arith.constant 0 : i32
      %dma_start3A_81 = tpu.memref_slice %arg14[%add3A_17, %dma_start3A] : memref<10240x64xf32, #tpu.memory_space<vmem_shared>> -> memref<128x64xf32, #tpu.memory_space<vmem_shared>>
      %dma_start3A_82 = arith.constant 0 : i32
      %dma_start3A_83 = tpu.memref_slice %arg14[%add3A_17, %dma_start3A_82] : memref<10240x64xf32, #tpu.memory_space<vmem_shared>> -> memref<128x64xf32, #tpu.memory_space<vmem_shared>>
      tpu.enqueue_dma source(%arg13 : memref<128x64xf32, #tpu.memory_space<vmem>>) target(%dma_start3A_83 : memref<128x64xf32, #tpu.memory_space<vmem_shared>>) target_semaphore(%run_scoped3A_80 : memref<!tpu.dma_semaphore, #tpu.memory_space<semaphore_mem>>)
      %dma_wait3A = arith.constant 0 : i32
      %dma_wait3A_84 = tpu.memref_slice %arg14[%add3A_17, %dma_wait3A] : memref<10240x64xf32, #tpu.memory_space<vmem_shared>> -> memref<128x64xf32, #tpu.memory_space<vmem_shared>>
      %dma_wait3A_85 = arith.constant 0 : i32
      %dma_wait3A_86 = tpu.memref_slice %arg14[%add3A_17, %dma_wait3A_85] : memref<10240x64xf32, #tpu.memory_space<vmem_shared>> -> memref<128x64xf32, #tpu.memory_space<vmem_shared>>
      tpu.wait_dma2 semaphore(%run_scoped3A_80 : memref<!tpu.dma_semaphore, #tpu.memory_space<semaphore_mem>>) src(%arg13 : memref<128x64xf32, #tpu.memory_space<vmem>>) dst(%dma_wait3A_86 : memref<128x64xf32, #tpu.memory_space<vmem_shared>>)
      tpu.yield
    }) : () -> ()
    %mul3A_18 = arith.constant 640 : i32
    %mul3A_19 = arith.muli %arg1, %mul3A_18 : i32
    %add3A_20 = arith.constant 128 : i32
    %add3A_21 = arith.addi %mul3A_19, %add3A_20 : i32
    "tpu.region"() ({
      %run_scoped3A_80 = tpu.sem_alloc : memref<!tpu.dma_semaphore, #tpu.memory_space<semaphore_mem>>
      %dma_start3A = arith.constant 0 : i32
      %dma_start3A_81 = tpu.memref_slice %arg14[%add3A_21, %dma_start3A] : memref<10240x64xf32, #tpu.memory_space<vmem_shared>> -> memref<128x64xf32, #tpu.memory_space<vmem_shared>>
      %dma_start3A_82 = arith.constant 0 : i32
      %dma_start3A_83 = tpu.memref_slice %arg14[%add3A_21, %dma_start3A_82] : memref<10240x64xf32, #tpu.memory_space<vmem_shared>> -> memref<128x64xf32, #tpu.memory_space<vmem_shared>>
      tpu.enqueue_dma source(%arg13 : memref<128x64xf32, #tpu.memory_space<vmem>>) target(%dma_start3A_83 : memref<128x64xf32, #tpu.memory_space<vmem_shared>>) target_semaphore(%run_scoped3A_80 : memref<!tpu.dma_semaphore, #tpu.memory_space<semaphore_mem>>)
      %dma_wait3A = arith.constant 0 : i32
      %dma_wait3A_84 = tpu.memref_slice %arg14[%add3A_21, %dma_wait3A] : memref<10240x64xf32, #tpu.memory_space<vmem_shared>> -> memref<128x64xf32, #tpu.memory_space<vmem_shared>>
      %dma_wait3A_85 = arith.constant 0 : i32
      %dma_wait3A_86 = tpu.memref_slice %arg14[%add3A_21, %dma_wait3A_85] : memref<10240x64xf32, #tpu.memory_space<vmem_shared>> -> memref<128x64xf32, #tpu.memory_space<vmem_shared>>
      tpu.wait_dma2 semaphore(%run_scoped3A_80 : memref<!tpu.dma_semaphore, #tpu.memory_space<semaphore_mem>>) src(%arg13 : memref<128x64xf32, #tpu.memory_space<vmem>>) dst(%dma_wait3A_86 : memref<128x64xf32, #tpu.memory_space<vmem_shared>>)
      tpu.yield
    }) : () -> ()
    %mul3A_22 = arith.constant 640 : i32
    %mul3A_23 = arith.muli %arg1, %mul3A_22 : i32
    %add3A_24 = arith.constant 256 : i32
    %add3A_25 = arith.addi %mul3A_23, %add3A_24 : i32
    "tpu.region"() ({
      %run_scoped3A_80 = tpu.sem_alloc : memref<!tpu.dma_semaphore, #tpu.memory_space<semaphore_mem>>
      %dma_start3A = arith.constant 0 : i32
      %dma_start3A_81 = tpu.memref_slice %arg14[%add3A_25, %dma_start3A] : memref<10240x64xf32, #tpu.memory_space<vmem_shared>> -> memref<128x64xf32, #tpu.memory_space<vmem_shared>>
      %dma_start3A_82 = arith.constant 0 : i32
      %dma_start3A_83 = tpu.memref_slice %arg14[%add3A_25, %dma_start3A_82] : memref<10240x64xf32, #tpu.memory_space<vmem_shared>> -> memref<128x64xf32, #tpu.memory_space<vmem_shared>>
      tpu.enqueue_dma source(%arg13 : memref<128x64xf32, #tpu.memory_space<vmem>>) target(%dma_start3A_83 : memref<128x64xf32, #tpu.memory_space<vmem_shared>>) target_semaphore(%run_scoped3A_80 : memref<!tpu.dma_semaphore, #tpu.memory_space<semaphore_mem>>)
      %dma_wait3A = arith.constant 0 : i32
      %dma_wait3A_84 = tpu.memref_slice %arg14[%add3A_25, %dma_wait3A] : memref<10240x64xf32, #tpu.memory_space<vmem_shared>> -> memref<128x64xf32, #tpu.memory_space<vmem_shared>>
      %dma_wait3A_85 = arith.constant 0 : i32
      %dma_wait3A_86 = tpu.memref_slice %arg14[%add3A_25, %dma_wait3A_85] : memref<10240x64xf32, #tpu.memory_space<vmem_shared>> -> memref<128x64xf32, #tpu.memory_space<vmem_shared>>
      tpu.wait_dma2 semaphore(%run_scoped3A_80 : memref<!tpu.dma_semaphore, #tpu.memory_space<semaphore_mem>>) src(%arg13 : memref<128x64xf32, #tpu.memory_space<vmem>>) dst(%dma_wait3A_86 : memref<128x64xf32, #tpu.memory_space<vmem_shared>>)
      tpu.yield
    }) : () -> ()
    %mul3A_26 = arith.constant 640 : i32
    %mul3A_27 = arith.muli %arg1, %mul3A_26 : i32
    %add3A_28 = arith.constant 384 : i32
    %add3A_29 = arith.addi %mul3A_27, %add3A_28 : i32
    "tpu.region"() ({
      %run_scoped3A_80 = tpu.sem_alloc : memref<!tpu.dma_semaphore, #tpu.memory_space<semaphore_mem>>
      %dma_start3A = arith.constant 0 : i32
      %dma_start3A_81 = tpu.memref_slice %arg14[%add3A_29, %dma_start3A] : memref<10240x64xf32, #tpu.memory_space<vmem_shared>> -> memref<128x64xf32, #tpu.memory_space<vmem_shared>>
      %dma_start3A_82 = arith.constant 0 : i32
      %dma_start3A_83 = tpu.memref_slice %arg14[%add3A_29, %dma_start3A_82] : memref<10240x64xf32, #tpu.memory_space<vmem_shared>> -> memref<128x64xf32, #tpu.memory_space<vmem_shared>>
      tpu.enqueue_dma source(%arg13 : memref<128x64xf32, #tpu.memory_space<vmem>>) target(%dma_start3A_83 : memref<128x64xf32, #tpu.memory_space<vmem_shared>>) target_semaphore(%run_scoped3A_80 : memref<!tpu.dma_semaphore, #tpu.memory_space<semaphore_mem>>)
      %dma_wait3A = arith.constant 0 : i32
      %dma_wait3A_84 = tpu.memref_slice %arg14[%add3A_29, %dma_wait3A] : memref<10240x64xf32, #tpu.memory_space<vmem_shared>> -> memref<128x64xf32, #tpu.memory_space<vmem_shared>>
      %dma_wait3A_85 = arith.constant 0 : i32
      %dma_wait3A_86 = tpu.memref_slice %arg14[%add3A_29, %dma_wait3A_85] : memref<10240x64xf32, #tpu.memory_space<vmem_shared>> -> memref<128x64xf32, #tpu.memory_space<vmem_shared>>
      tpu.wait_dma2 semaphore(%run_scoped3A_80 : memref<!tpu.dma_semaphore, #tpu.memory_space<semaphore_mem>>) src(%arg13 : memref<128x64xf32, #tpu.memory_space<vmem>>) dst(%dma_wait3A_86 : memref<128x64xf32, #tpu.memory_space<vmem_shared>>)
      tpu.yield
    }) : () -> ()
    %mul3A_30 = arith.constant 640 : i32
    %mul3A_31 = arith.muli %arg1, %mul3A_30 : i32
    %add3A_32 = arith.constant 512 : i32
    %add3A_33 = arith.addi %mul3A_31, %add3A_32 : i32
    "tpu.region"() ({
      %run_scoped3A_80 = tpu.sem_alloc : memref<!tpu.dma_semaphore, #tpu.memory_space<semaphore_mem>>
      %dma_start3A = arith.constant 0 : i32
      %dma_start3A_81 = tpu.memref_slice %arg14[%add3A_33, %dma_start3A] : memref<10240x64xf32, #tpu.memory_space<vmem_shared>> -> memref<128x64xf32, #tpu.memory_space<vmem_shared>>
      %dma_start3A_82 = arith.constant 0 : i32
      %dma_start3A_83 = tpu.memref_slice %arg14[%add3A_33, %dma_start3A_82] : memref<10240x64xf32, #tpu.memory_space<vmem_shared>> -> memref<128x64xf32, #tpu.memory_space<vmem_shared>>
      tpu.enqueue_dma source(%arg13 : memref<128x64xf32, #tpu.memory_space<vmem>>) target(%dma_start3A_83 : memref<128x64xf32, #tpu.memory_space<vmem_shared>>) target_semaphore(%run_scoped3A_80 : memref<!tpu.dma_semaphore, #tpu.memory_space<semaphore_mem>>)
      %dma_wait3A = arith.constant 0 : i32
      %dma_wait3A_84 = tpu.memref_slice %arg14[%add3A_33, %dma_wait3A] : memref<10240x64xf32, #tpu.memory_space<vmem_shared>> -> memref<128x64xf32, #tpu.memory_space<vmem_shared>>
      %dma_wait3A_85 = arith.constant 0 : i32
      %dma_wait3A_86 = tpu.memref_slice %arg14[%add3A_33, %dma_wait3A_85] : memref<10240x64xf32, #tpu.memory_space<vmem_shared>> -> memref<128x64xf32, #tpu.memory_space<vmem_shared>>
      tpu.wait_dma2 semaphore(%run_scoped3A_80 : memref<!tpu.dma_semaphore, #tpu.memory_space<semaphore_mem>>) src(%arg13 : memref<128x64xf32, #tpu.memory_space<vmem>>) dst(%dma_wait3A_86 : memref<128x64xf32, #tpu.memory_space<vmem_shared>>)
      tpu.yield
    }) : () -> ()
    %barrier3A = arith.constant 0 : index
    tpu.barrier barrier_id(%barrier3A)
    %scan3A_34 = arith.constant 0 : i32
    %scan3A_35 = arith.constant 0 : i32
    %scan3A_36 = arith.constant 80 : i32
    %scan3A_37 = arith.addi %scan3A_35, %scan3A_36 : i32
    %scan3A_38 = arith.constant 1 : i32
    scf.for %scan3A_80 = %scan3A_35 to %scan3A_37 step %scan3A_38  : i32 {
      %dma_start3A = arith.constant 0 : i32
      %dma_start3A_81 = tpu.memref_slice %arg8[%scan3A_80, %dma_start3A] : memref<80x128xi32, #tpu.memory_space<vmem>> -> memref<1x128xi32, #tpu.memory_space<vmem>>
      %dma_start3A_82 = tpu.memref_squeeze %dma_start3A_81 : memref<1x128xi32, #tpu.memory_space<vmem>> -> memref<128xi32, #tpu.memory_space<vmem>>
      %dma_start3A_83 = arith.constant 0 : i32
      %dma_start3A_84 = arith.constant 0 : i32
      %dma_start3A_85 = tpu.memref_slice %arg2[%dma_start3A_83, %dma_start3A_84] : memref<20000x64xf32, #tpu.memory_space<hbm>> -> memref<20000x64xf32, #tpu.memory_space<hbm>>
      tpu.enqueue_indirect_dma source(%dma_start3A_85 : memref<20000x64xf32, #tpu.memory_space<hbm>>) target(%arg12 : memref<128x64xf32, #tpu.memory_space<vmem>>) offsets(%dma_start3A_82 : memref<128xi32, #tpu.memory_space<vmem>>) semaphore(%arg15 : memref<!tpu.dma_semaphore, #tpu.memory_space<semaphore_mem>>)
      %dma_wait3A = arith.constant 0 : i32
      %dma_wait3A_86 = tpu.memref_slice %arg8[%scan3A_80, %dma_wait3A] : memref<80x128xi32, #tpu.memory_space<vmem>> -> memref<1x128xi32, #tpu.memory_space<vmem>>
      %dma_wait3A_87 = tpu.memref_squeeze %dma_wait3A_86 : memref<1x128xi32, #tpu.memory_space<vmem>> -> memref<128xi32, #tpu.memory_space<vmem>>
      %dma_wait3A_88 = arith.constant 0 : i32
      %dma_wait3A_89 = arith.constant 0 : i32
      %dma_wait3A_90 = tpu.memref_slice %arg2[%dma_wait3A_88, %dma_wait3A_89] : memref<20000x64xf32, #tpu.memory_space<hbm>> -> memref<20000x64xf32, #tpu.memory_space<hbm>>
      tpu.wait_indirect_dma semaphore(%arg15 : memref<!tpu.dma_semaphore, #tpu.memory_space<semaphore_mem>>) src(%dma_wait3A_90 : memref<20000x64xf32, #tpu.memory_space<hbm>>) dst(%arg12 : memref<128x64xf32, #tpu.memory_space<vmem>>)
      %scan3A_91 = arith.constant 0 : i32
      %scan3A_92 = arith.constant 0 : i32
      %scan3A_93 = arith.constant 8 : i32
      %scan3A_94 = arith.addi %scan3A_92, %scan3A_93 : i32
      %scan3A_95 = arith.constant 1 : i32
      scf.for %scan3A_97 = %scan3A_92 to %scan3A_94 step %scan3A_95  : i32 {
        %mul3A_98 = arith.constant 16 : i32
        %mul3A_99 = arith.muli %scan3A_97, %mul3A_98 : i32
        %get3A = arith.index_cast %scan3A_80 : i32 to index
        %get3A_100 = arith.index_cast %mul3A_99 : i32 to index
        %get3A_101 = tpu.vector_load %arg11[%get3A, %get3A_100] {strides = array<i32>} : memref<80x128xf32, #tpu.memory_space<vmem>>, vector<1x16xf32>,
        %get3A_102 = vector.shape_cast %get3A_101 : vector<1x16xf32> to vector<16xf32>
        %mul3A_103 = arith.constant 16 : i32
        %mul3A_104 = arith.muli %scan3A_97, %mul3A_103 : i32
        %add3A_105 = arith.constant 0 : i32
        %add3A_106 = arith.addi %mul3A_104, %add3A_105 : i32
        %slice3A = vector.extract_strided_slice %get3A_102 {offsets = [0], sizes = [1], strides = [1]} : vector<16xf32> to vector<1xf32>
        %squeeze3A = vector.extract %slice3A[0] : f32 from vector<1xf32>
        %get3A_107 = arith.index_cast %add3A_106 : i32 to index
        %get3A_108 = arith.constant 0 : index
        %get3A_109 = tpu.vector_load %arg12[%get3A_107, %get3A_108] {strides = array<i32>} : memref<128x64xf32, #tpu.memory_space<vmem>>, vector<1x16xf32>,
        %get3A_110 = vector.shape_cast %get3A_109 : vector<1x16xf32> to vector<16xf32>
        %mul3A_111 = vector.broadcast %squeeze3A : f32 to vector<16xf32>
        %mul3A_112 = arith.mulf %get3A_110, %mul3A_111 : vector<16xf32>
        %swap3A = arith.index_cast %add3A_106 : i32 to index
        %swap3A_113 = arith.constant 0 : index
        %swap3A_114 = tpu.vector_load %arg12[%swap3A, %swap3A_113] {strides = array<i32>} : memref<128x64xf32, #tpu.memory_space<vmem>>, vector<1x16xf32>,
        %swap3A_115 = vector.shape_cast %swap3A_114 : vector<1x16xf32> to vector<16xf32>
        %swap3A_116 = vector.shape_cast %mul3A_112 : vector<16xf32> to vector<1x16xf32>
        tpu.vector_store %arg12[%swap3A, %swap3A_113], %swap3A_116 {strides = array<i32>} : memref<128x64xf32, #tpu.memory_space<vmem>>, vector<1x16xf32>,
        %get3A_117 = arith.index_cast %add3A_106 : i32 to index
        %get3A_118 = arith.constant 16 : index
        %get3A_119 = tpu.vector_load %arg12[%get3A_117, %get3A_118] {strides = array<i32>} : memref<128x64xf32, #tpu.memory_space<vmem>>, vector<1x16xf32>,
        %get3A_120 = vector.shape_cast %get3A_119 : vector<1x16xf32> to vector<16xf32>
        %mul3A_121 = vector.broadcast %squeeze3A : f32 to vector<16xf32>
        %mul3A_122 = arith.mulf %get3A_120, %mul3A_121 : vector<16xf32>
        %swap3A_123 = arith.index_cast %add3A_106 : i32 to index
        %swap3A_124 = arith.constant 16 : index
        %swap3A_125 = tpu.vector_load %arg12[%swap3A_123, %swap3A_124] {strides = array<i32>} : memref<128x64xf32, #tpu.memory_space<vmem>>, vector<1x16xf32>,
        %swap3A_126 = vector.shape_cast %swap3A_125 : vector<1x16xf32> to vector<16xf32>
        %swap3A_127 = vector.shape_cast %mul3A_122 : vector<16xf32> to vector<1x16xf32>
        tpu.vector_store %arg12[%swap3A_123, %swap3A_124], %swap3A_127 {strides = array<i32>} : memref<128x64xf32, #tpu.memory_space<vmem>>, vector<1x16xf32>,
        %get3A_128 = arith.index_cast %add3A_106 : i32 to index
        %get3A_129 = arith.constant 32 : index
        %get3A_130 = tpu.vector_load %arg12[%get3A_128, %get3A_129] {strides = array<i32>} : memref<128x64xf32, #tpu.memory_space<vmem>>, vector<1x16xf32>,
        %get3A_131 = vector.shape_cast %get3A_130 : vector<1x16xf32> to vector<16xf32>
        %mul3A_132 = vector.broadcast %squeeze3A : f32 to vector<16xf32>
        %mul3A_133 = arith.mulf %get3A_131, %mul3A_132 : vector<16xf32>
        %swap3A_134 = arith.index_cast %add3A_106 : i32 to index
        %swap3A_135 = arith.constant 32 : index
        %swap3A_136 = tpu.vector_load %arg12[%swap3A_134, %swap3A_135] {strides = array<i32>} : memref<128x64xf32, #tpu.memory_space<vmem>>, vector<1x16xf32>,
        %swap3A_137 = vector.shape_cast %swap3A_136 : vector<1x16xf32> to vector<16xf32>
        %swap3A_138 = vector.shape_cast %mul3A_133 : vector<16xf32> to vector<1x16xf32>
        tpu.vector_store %arg12[%swap3A_134, %swap3A_135], %swap3A_138 {strides = array<i32>} : memref<128x64xf32, #tpu.memory_space<vmem>>, vector<1x16xf32>,
        %get3A_139 = arith.index_cast %add3A_106 : i32 to index
        %get3A_140 = arith.constant 48 : index
        %get3A_141 = tpu.vector_load %arg12[%get3A_139, %get3A_140] {strides = array<i32>} : memref<128x64xf32, #tpu.memory_space<vmem>>, vector<1x16xf32>,
        %get3A_142 = vector.shape_cast %get3A_141 : vector<1x16xf32> to vector<16xf32>
        %mul3A_143 = vector.broadcast %squeeze3A : f32 to vector<16xf32>
        %mul3A_144 = arith.mulf %get3A_142, %mul3A_143 : vector<16xf32>
        %swap3A_145 = arith.index_cast %add3A_106 : i32 to index
        %swap3A_146 = arith.constant 48 : index
        %swap3A_147 = tpu.vector_load %arg12[%swap3A_145, %swap3A_146] {strides = array<i32>} : memref<128x64xf32, #tpu.memory_space<vmem>>, vector<1x16xf32>,
        %swap3A_148 = vector.shape_cast %swap3A_147 : vector<1x16xf32> to vector<16xf32>
        %swap3A_149 = vector.shape_cast %mul3A_144 : vector<16xf32> to vector<1x16xf32>
        tpu.vector_store %arg12[%swap3A_145, %swap3A_146], %swap3A_149 {strides = array<i32>} : memref<128x64xf32, #tpu.memory_space<vmem>>, vector<1x16xf32>,
        %mul3A_150 = arith.constant 16 : i32
        %mul3A_151 = arith.muli %scan3A_97, %mul3A_150 : i32
        %add3A_152 = arith.constant 1 : i32
        %add3A_153 = arith.addi %mul3A_151, %add3A_152 : i32
        %slice3A_154 = vector.extract_strided_slice %get3A_102 {offsets = [1], sizes = [1], strides = [1]} : vector<16xf32> to vector<1xf32>
        %squeeze3A_155 = vector.extract %slice3A_154[0] : f32 from vector<1xf32>
        %get3A_156 = arith.index_cast %add3A_153 : i32 to index
        %get3A_157 = arith.constant 0 : index
        %get3A_158 = tpu.vector_load %arg12[%get3A_156, %get3A_157] {strides = array<i32>} : memref<128x64xf32, #tpu.memory_space<vmem>>, vector<1x16xf32>,
        %get3A_159 = vector.shape_cast %get3A_158 : vector<1x16xf32> to vector<16xf32>
        %mul3A_160 = vector.broadcast %squeeze3A_155 : f32 to vector<16xf32>
        %mul3A_161 = arith.mulf %get3A_159, %mul3A_160 : vector<16xf32>
        %swap3A_162 = arith.index_cast %add3A_153 : i32 to index
        %swap3A_163 = arith.constant 0 : index
        %swap3A_164 = tpu.vector_load %arg12[%swap3A_162, %swap3A_163] {strides = array<i32>} : memref<128x64xf32, #tpu.memory_space<vmem>>, vector<1x16xf32>,
        %swap3A_165 = vector.shape_cast %swap3A_164 : vector<1x16xf32> to vector<16xf32>
        %swap3A_166 = vector.shape_cast %mul3A_161 : vector<16xf32> to vector<1x16xf32>
        tpu.vector_store %arg12[%swap3A_162, %swap3A_163], %swap3A_166 {strides = array<i32>} : memref<128x64xf32, #tpu.memory_space<vmem>>, vector<1x16xf32>,
        %get3A_167 = arith.index_cast %add3A_153 : i32 to index
        %get3A_168 = arith.constant 16 : index
        %get3A_169 = tpu.vector_load %arg12[%get3A_167, %get3A_168] {strides = array<i32>} : memref<128x64xf32, #tpu.memory_space<vmem>>, vector<1x16xf32>,
        %get3A_170 = vector.shape_cast %get3A_169 : vector<1x16xf32> to vector<16xf32>
        %mul3A_171 = vector.broadcast %squeeze3A_155 : f32 to vector<16xf32>
        %mul3A_172 = arith.mulf %get3A_170, %mul3A_171 : vector<16xf32>
        %swap3A_173 = arith.index_cast %add3A_153 : i32 to index
        %swap3A_174 = arith.constant 16 : index
        %swap3A_175 = tpu.vector_load %arg12[%swap3A_173, %swap3A_174] {strides = array<i32>} : memref<128x64xf32, #tpu.memory_space<vmem>>, vector<1x16xf32>,
        %swap3A_176 = vector.shape_cast %swap3A_175 : vector<1x16xf32> to vector<16xf32>
        %swap3A_177 = vector.shape_cast %mul3A_172 : vector<16xf32> to vector<1x16xf32>
        tpu.vector_store %arg12[%swap3A_173, %swap3A_174], %swap3A_177 {strides = array<i32>} : memref<128x64xf32, #tpu.memory_space<vmem>>, vector<1x16xf32>,
        %get3A_178 = arith.index_cast %add3A_153 : i32 to index
        %get3A_179 = arith.constant 32 : index
        %get3A_180 = tpu.vector_load %arg12[%get3A_178, %get3A_179] {strides = array<i32>} : memref<128x64xf32, #tpu.memory_space<vmem>>, vector<1x16xf32>,
        %get3A_181 = vector.shape_cast %get3A_180 : vector<1x16xf32> to vector<16xf32>
        %mul3A_182 = vector.broadcast %squeeze3A_155 : f32 to vector<16xf32>
        %mul3A_183 = arith.mulf %get3A_181, %mul3A_182 : vector<16xf32>
        %swap3A_184 = arith.index_cast %add3A_153 : i32 to index
        %swap3A_185 = arith.constant 32 : index
        %swap3A_186 = tpu.vector_load %arg12[%swap3A_184, %swap3A_185] {strides = array<i32>} : memref<128x64xf32, #tpu.memory_space<vmem>>, vector<1x16xf32>,
        %swap3A_187 = vector.shape_cast %swap3A_186 : vector<1x16xf32> to vector<16xf32>
        %swap3A_188 = vector.shape_cast %mul3A_183 : vector<16xf32> to vector<1x16xf32>
        tpu.vector_store %arg12[%swap3A_184, %swap3A_185], %swap3A_188 {strides = array<i32>} : memref<128x64xf32, #tpu.memory_space<vmem>>, vector<1x16xf32>,
        %get3A_189 = arith.index_cast %add3A_153 : i32 to index
        %get3A_190 = arith.constant 48 : index
        %get3A_191 = tpu.vector_load %arg12[%get3A_189, %get3A_190] {strides = array<i32>} : memref<128x64xf32, #tpu.memory_space<vmem>>, vector<1x16xf32>,
        %get3A_192 = vector.shape_cast %get3A_191 : vector<1x16xf32> to vector<16xf32>
        %mul3A_193 = vector.broadcast %squeeze3A_155 : f32 to vector<16xf32>
        %mul3A_194 = arith.mulf %get3A_192, %mul3A_193 : vector<16xf32>
        %swap3A_195 = arith.index_cast %add3A_153 : i32 to index
        %swap3A_196 = arith.constant 48 : index
        %swap3A_197 = tpu.vector_load %arg12[%swap3A_195, %swap3A_196] {strides = array<i32>} : memref<128x64xf32, #tpu.memory_space<vmem>>, vector<1x16xf32>,
        %swap3A_198 = vector.shape_cast %swap3A_197 : vector<1x16xf32> to vector<16xf32>
        %swap3A_199 = vector.shape_cast %mul3A_194 : vector<16xf32> to vector<1x16xf32>
        tpu.vector_store %arg12[%swap3A_195, %swap3A_196], %swap3A_199 {strides = array<i32>} : memref<128x64xf32, #tpu.memory_space<vmem>>, vector<1x16xf32>,
        %mul3A_200 = arith.constant 16 : i32
        %mul3A_201 = arith.muli %scan3A_97, %mul3A_200 : i32
        %add3A_202 = arith.constant 2 : i32
        %add3A_203 = arith.addi %mul3A_201, %add3A_202 : i32
        %slice3A_204 = vector.extract_strided_slice %get3A_102 {offsets = [2], sizes = [1], strides = [1]} : vector<16xf32> to vector<1xf32>
        %squeeze3A_205 = vector.extract %slice3A_204[0] : f32 from vector<1xf32>
        %get3A_206 = arith.index_cast %add3A_203 : i32 to index
        %get3A_207 = arith.constant 0 : index
        %get3A_208 = tpu.vector_load %arg12[%get3A_206, %get3A_207] {strides = array<i32>} : memref<128x64xf32, #tpu.memory_space<vmem>>, vector<1x16xf32>,
        %get3A_209 = vector.shape_cast %get3A_208 : vector<1x16xf32> to vector<16xf32>
        %mul3A_210 = vector.broadcast %squeeze3A_205 : f32 to vector<16xf32>
        %mul3A_211 = arith.mulf %get3A_209, %mul3A_210 : vector<16xf32>
        %swap3A_212 = arith.index_cast %add3A_203 : i32 to index
        %swap3A_213 = arith.constant 0 : index
        %swap3A_214 = tpu.vector_load %arg12[%swap3A_212, %swap3A_213] {strides = array<i32>} : memref<128x64xf32, #tpu.memory_space<vmem>>, vector<1x16xf32>,
        %swap3A_215 = vector.shape_cast %swap3A_214 : vector<1x16xf32> to vector<16xf32>
        %swap3A_216 = vector.shape_cast %mul3A_211 : vector<16xf32> to vector<1x16xf32>
        tpu.vector_store %arg12[%swap3A_212, %swap3A_213], %swap3A_216 {strides = array<i32>} : memref<128x64xf32, #tpu.memory_space<vmem>>, vector<1x16xf32>,
        %get3A_217 = arith.index_cast %add3A_203 : i32 to index
        %get3A_218 = arith.constant 16 : index
        %get3A_219 = tpu.vector_load %arg12[%get3A_217, %get3A_218] {strides = array<i32>} : memref<128x64xf32, #tpu.memory_space<vmem>>, vector<1x16xf32>,
        %get3A_220 = vector.shape_cast %get3A_219 : vector<1x16xf32> to vector<16xf32>
        %mul3A_221 = vector.broadcast %squeeze3A_205 : f32 to vector<16xf32>
        %mul3A_222 = arith.mulf %get3A_220, %mul3A_221 : vector<16xf32>
        %swap3A_223 = arith.index_cast %add3A_203 : i32 to index
        %swap3A_224 = arith.constant 16 : index
        %swap3A_225 = tpu.vector_load %arg12[%swap3A_223, %swap3A_224] {strides = array<i32>} : memref<128x64xf32, #tpu.memory_space<vmem>>, vector<1x16xf32>,
        %swap3A_226 = vector.shape_cast %swap3A_225 : vector<1x16xf32> to vector<16xf32>
        %swap3A_227 = vector.shape_cast %mul3A_222 : vector<16xf32> to vector<1x16xf32>
        tpu.vector_store %arg12[%swap3A_223, %swap3A_224], %swap3A_227 {strides = array<i32>} : memref<128x64xf32, #tpu.memory_space<vmem>>, vector<1x16xf32>,
        %get3A_228 = arith.index_cast %add3A_203 : i32 to index
        %get3A_229 = arith.constant 32 : index
        %get3A_230 = tpu.vector_load %arg12[%get3A_228, %get3A_229] {strides = array<i32>} : memref<128x64xf32, #tpu.memory_space<vmem>>, vector<1x16xf32>,
        %get3A_231 = vector.shape_cast %get3A_230 : vector<1x16xf32> to vector<16xf32>
        %mul3A_232 = vector.broadcast %squeeze3A_205 : f32 to vector<16xf32>
        %mul3A_233 = arith.mulf %get3A_231, %mul3A_232 : vector<16xf32>
        %swap3A_234 = arith.index_cast %add3A_203 : i32 to index
        %swap3A_235 = arith.constant 32 : index
        %swap3A_236 = tpu.vector_load %arg12[%swap3A_234, %swap3A_235] {strides = array<i32>} : memref<128x64xf32, #tpu.memory_space<vmem>>, vector<1x16xf32>,
        %swap3A_237 = vector.shape_cast %swap3A_236 : vector<1x16xf32> to vector<16xf32>
        %swap3A_238 = vector.shape_cast %mul3A_233 : vector<16xf32> to vector<1x16xf32>
        tpu.vector_store %arg12[%swap3A_234, %swap3A_235], %swap3A_238 {strides = array<i32>} : memref<128x64xf32, #tpu.memory_space<vmem>>, vector<1x16xf32>,
        %get3A_239 = arith.index_cast %add3A_203 : i32 to index
        %get3A_240 = arith.constant 48 : index
        %get3A_241 = tpu.vector_load %arg12[%get3A_239, %get3A_240] {strides = array<i32>} : memref<128x64xf32, #tpu.memory_space<vmem>>, vector<1x16xf32>,
        %get3A_242 = vector.shape_cast %get3A_241 : vector<1x16xf32> to vector<16xf32>
        %mul3A_243 = vector.broadcast %squeeze3A_205 : f32 to vector<16xf32>
        %mul3A_244 = arith.mulf %get3A_242, %mul3A_243 : vector<16xf32>
        %swap3A_245 = arith.index_cast %add3A_203 : i32 to index
        %swap3A_246 = arith.constant 48 : index
        %swap3A_247 = tpu.vector_load %arg12[%swap3A_245, %swap3A_246] {strides = array<i32>} : memref<128x64xf32, #tpu.memory_space<vmem>>, vector<1x16xf32>,
        %swap3A_248 = vector.shape_cast %swap3A_247 : vector<1x16xf32> to vector<16xf32>
        %swap3A_249 = vector.shape_cast %mul3A_244 : vector<16xf32> to vector<1x16xf32>
        tpu.vector_store %arg12[%swap3A_245, %swap3A_246], %swap3A_249 {strides = array<i32>} : memref<128x64xf32, #tpu.memory_space<vmem>>, vector<1x16xf32>,
        %mul3A_250 = arith.constant 16 : i32
        %mul3A_251 = arith.muli %scan3A_97, %mul3A_250 : i32
        %add3A_252 = arith.constant 3 : i32
        %add3A_253 = arith.addi %mul3A_251, %add3A_252 : i32
        %slice3A_254 = vector.extract_strided_slice %get3A_102 {offsets = [3], sizes = [1], strides = [1]} : vector<16xf32> to vector<1xf32>
        %squeeze3A_255 = vector.extract %slice3A_254[0] : f32 from vector<1xf32>
        %get3A_256 = arith.index_cast %add3A_253 : i32 to index
        %get3A_257 = arith.constant 0 : index
        %get3A_258 = tpu.vector_load %arg12[%get3A_256, %get3A_257] {strides = array<i32>} : memref<128x64xf32, #tpu.memory_space<vmem>>, vector<1x16xf32>,
        %get3A_259 = vector.shape_cast %get3A_258 : vector<1x16xf32> to vector<16xf32>
        %mul3A_260 = vector.broadcast %squeeze3A_255 : f32 to vector<16xf32>
        %mul3A_261 = arith.mulf %get3A_259, %mul3A_260 : vector<16xf32>
        %swap3A_262 = arith.index_cast %add3A_253 : i32 to index
        %swap3A_263 = arith.constant 0 : index
        %swap3A_264 = tpu.vector_load %arg12[%swap3A_262, %swap3A_263] {strides = array<i32>} : memref<128x64xf32, #tpu.memory_space<vmem>>, vector<1x16xf32>,
        %swap3A_265 = vector.shape_cast %swap3A_264 : vector<1x16xf32> to vector<16xf32>
        %swap3A_266 = vector.shape_cast %mul3A_261 : vector<16xf32> to vector<1x16xf32>
        tpu.vector_store %arg12[%swap3A_262, %swap3A_263], %swap3A_266 {strides = array<i32>} : memref<128x64xf32, #tpu.memory_space<vmem>>, vector<1x16xf32>,
        %get3A_267 = arith.index_cast %add3A_253 : i32 to index
        %get3A_268 = arith.constant 16 : index
        %get3A_269 = tpu.vector_load %arg12[%get3A_267, %get3A_268] {strides = array<i32>} : memref<128x64xf32, #tpu.memory_space<vmem>>, vector<1x16xf32>,
        %get3A_270 = vector.shape_cast %get3A_269 : vector<1x16xf32> to vector<16xf32>
        %mul3A_271 = vector.broadcast %squeeze3A_255 : f32 to vector<16xf32>
        %mul3A_272 = arith.mulf %get3A_270, %mul3A_271 : vector<16xf32>
        %swap3A_273 = arith.index_cast %add3A_253 : i32 to index
        %swap3A_274 = arith.constant 16 : index
        %swap3A_275 = tpu.vector_load %arg12[%swap3A_273, %swap3A_274] {strides = array<i32>} : memref<128x64xf32, #tpu.memory_space<vmem>>, vector<1x16xf32>,
        %swap3A_276 = vector.shape_cast %swap3A_275 : vector<1x16xf32> to vector<16xf32>
        %swap3A_277 = vector.shape_cast %mul3A_272 : vector<16xf32> to vector<1x16xf32>
        tpu.vector_store %arg12[%swap3A_273, %swap3A_274], %swap3A_277 {strides = array<i32>} : memref<128x64xf32, #tpu.memory_space<vmem>>, vector<1x16xf32>,
        %get3A_278 = arith.index_cast %add3A_253 : i32 to index
        %get3A_279 = arith.constant 32 : index
        %get3A_280 = tpu.vector_load %arg12[%get3A_278, %get3A_279] {strides = array<i32>} : memref<128x64xf32, #tpu.memory_space<vmem>>, vector<1x16xf32>,
        %get3A_281 = vector.shape_cast %get3A_280 : vector<1x16xf32> to vector<16xf32>
        %mul3A_282 = vector.broadcast %squeeze3A_255 : f32 to vector<16xf32>
        %mul3A_283 = arith.mulf %get3A_281, %mul3A_282 : vector<16xf32>
        %swap3A_284 = arith.index_cast %add3A_253 : i32 to index
        %swap3A_285 = arith.constant 32 : index
        %swap3A_286 = tpu.vector_load %arg12[%swap3A_284, %swap3A_285] {strides = array<i32>} : memref<128x64xf32, #tpu.memory_space<vmem>>, vector<1x16xf32>,
        %swap3A_287 = vector.shape_cast %swap3A_286 : vector<1x16xf32> to vector<16xf32>
        %swap3A_288 = vector.shape_cast %mul3A_283 : vector<16xf32> to vector<1x16xf32>
        tpu.vector_store %arg12[%swap3A_284, %swap3A_285], %swap3A_288 {strides = array<i32>} : memref<128x64xf32, #tpu.memory_space<vmem>>, vector<1x16xf32>,
        %get3A_289 = arith.index_cast %add3A_253 : i32 to index
        %get3A_290 = arith.constant 48 : index
        %get3A_291 = tpu.vector_load %arg12[%get3A_289, %get3A_290] {strides = array<i32>} : memref<128x64xf32, #tpu.memory_space<vmem>>, vector<1x16xf32>,
        %get3A_292 = vector.shape_cast %get3A_291 : vector<1x16xf32> to vector<16xf32>
        %mul3A_293 = vector.broadcast %squeeze3A_255 : f32 to vector<16xf32>
        %mul3A_294 = arith.mulf %get3A_292, %mul3A_293 : vector<16xf32>
        %swap3A_295 = arith.index_cast %add3A_253 : i32 to index
        %swap3A_296 = arith.constant 48 : index
        %swap3A_297 = tpu.vector_load %arg12[%swap3A_295, %swap3A_296] {strides = array<i32>} : memref<128x64xf32, #tpu.memory_space<vmem>>, vector<1x16xf32>,
        %swap3A_298 = vector.shape_cast %swap3A_297 : vector<1x16xf32> to vector<16xf32>
        %swap3A_299 = vector.shape_cast %mul3A_294 : vector<16xf32> to vector<1x16xf32>
        tpu.vector_store %arg12[%swap3A_295, %swap3A_296], %swap3A_299 {strides = array<i32>} : memref<128x64xf32, #tpu.memory_space<vmem>>, vector<1x16xf32>,
        %mul3A_300 = arith.constant 16 : i32
        %mul3A_301 = arith.muli %scan3A_97, %mul3A_300 : i32
        %add3A_302 = arith.constant 4 : i32
        %add3A_303 = arith.addi %mul3A_301, %add3A_302 : i32
        %slice3A_304 = vector.extract_strided_slice %get3A_102 {offsets = [4], sizes = [1], strides = [1]} : vector<16xf32> to vector<1xf32>
        %squeeze3A_305 = vector.extract %slice3A_304[0] : f32 from vector<1xf32>
        %get3A_306 = arith.index_cast %add3A_303 : i32 to index
        %get3A_307 = arith.constant 0 : index
        %get3A_308 = tpu.vector_load %arg12[%get3A_306, %get3A_307] {strides = array<i32>} : memref<128x64xf32, #tpu.memory_space<vmem>>, vector<1x16xf32>,
        %get3A_309 = vector.shape_cast %get3A_308 : vector<1x16xf32> to vector<16xf32>
        %mul3A_310 = vector.broadcast %squeeze3A_305 : f32 to vector<16xf32>
        %mul3A_311 = arith.mulf %get3A_309, %mul3A_310 : vector<16xf32>
        %swap3A_312 = arith.index_cast %add3A_303 : i32 to index
        %swap3A_313 = arith.constant 0 : index
        %swap3A_314 = tpu.vector_load %arg12[%swap3A_312, %swap3A_313] {strides = array<i32>} : memref<128x64xf32, #tpu.memory_space<vmem>>, vector<1x16xf32>,
        %swap3A_315 = vector.shape_cast %swap3A_314 : vector<1x16xf32> to vector<16xf32>
        %swap3A_316 = vector.shape_cast %mul3A_311 : vector<16xf32> to vector<1x16xf32>
        tpu.vector_store %arg12[%swap3A_312, %swap3A_313], %swap3A_316 {strides = array<i32>} : memref<128x64xf32, #tpu.memory_space<vmem>>, vector<1x16xf32>,
        %get3A_317 = arith.index_cast %add3A_303 : i32 to index
        %get3A_318 = arith.constant 16 : index
        %get3A_319 = tpu.vector_load %arg12[%get3A_317, %get3A_318] {strides = array<i32>} : memref<128x64xf32, #tpu.memory_space<vmem>>, vector<1x16xf32>,
        %get3A_320 = vector.shape_cast %get3A_319 : vector<1x16xf32> to vector<16xf32>
        %mul3A_321 = vector.broadcast %squeeze3A_305 : f32 to vector<16xf32>
        %mul3A_322 = arith.mulf %get3A_320, %mul3A_321 : vector<16xf32>
        %swap3A_323 = arith.index_cast %add3A_303 : i32 to index
        %swap3A_324 = arith.constant 16 : index
        %swap3A_325 = tpu.vector_load %arg12[%swap3A_323, %swap3A_324] {strides = array<i32>} : memref<128x64xf32, #tpu.memory_space<vmem>>, vector<1x16xf32>,
        %swap3A_326 = vector.shape_cast %swap3A_325 : vector<1x16xf32> to vector<16xf32>
        %swap3A_327 = vector.shape_cast %mul3A_322 : vector<16xf32> to vector<1x16xf32>
        tpu.vector_store %arg12[%swap3A_323, %swap3A_324], %swap3A_327 {strides = array<i32>} : memref<128x64xf32, #tpu.memory_space<vmem>>, vector<1x16xf32>,
        %get3A_328 = arith.index_cast %add3A_303 : i32 to index
        %get3A_329 = arith.constant 32 : index
        %get3A_330 = tpu.vector_load %arg12[%get3A_328, %get3A_329] {strides = array<i32>} : memref<128x64xf32, #tpu.memory_space<vmem>>, vector<1x16xf32>,
        %get3A_331 = vector.shape_cast %get3A_330 : vector<1x16xf32> to vector<16xf32>
        %mul3A_332 = vector.broadcast %squeeze3A_305 : f32 to vector<16xf32>
        %mul3A_333 = arith.mulf %get3A_331, %mul3A_332 : vector<16xf32>
        %swap3A_334 = arith.index_cast %add3A_303 : i32 to index
        %swap3A_335 = arith.constant 32 : index
        %swap3A_336 = tpu.vector_load %arg12[%swap3A_334, %swap3A_335] {strides = array<i32>} : memref<128x64xf32, #tpu.memory_space<vmem>>, vector<1x16xf32>,
        %swap3A_337 = vector.shape_cast %swap3A_336 : vector<1x16xf32> to vector<16xf32>
        %swap3A_338 = vector.shape_cast %mul3A_333 : vector<16xf32> to vector<1x16xf32>
        tpu.vector_store %arg12[%swap3A_334, %swap3A_335], %swap3A_338 {strides = array<i32>} : memref<128x64xf32, #tpu.memory_space<vmem>>, vector<1x16xf32>,
        %get3A_339 = arith.index_cast %add3A_303 : i32 to index
        %get3A_340 = arith.constant 48 : index
        %get3A_341 = tpu.vector_load %arg12[%get3A_339, %get3A_340] {strides = array<i32>} : memref<128x64xf32, #tpu.memory_space<vmem>>, vector<1x16xf32>,
        %get3A_342 = vector.shape_cast %get3A_341 : vector<1x16xf32> to vector<16xf32>
        %mul3A_343 = vector.broadcast %squeeze3A_305 : f32 to vector<16xf32>
        %mul3A_344 = arith.mulf %get3A_342, %mul3A_343 : vector<16xf32>
        %swap3A_345 = arith.index_cast %add3A_303 : i32 to index
        %swap3A_346 = arith.constant 48 : index
        %swap3A_347 = tpu.vector_load %arg12[%swap3A_345, %swap3A_346] {strides = array<i32>} : memref<128x64xf32, #tpu.memory_space<vmem>>, vector<1x16xf32>,
        %swap3A_348 = vector.shape_cast %swap3A_347 : vector<1x16xf32> to vector<16xf32>
        %swap3A_349 = vector.shape_cast %mul3A_344 : vector<16xf32> to vector<1x16xf32>
        tpu.vector_store %arg12[%swap3A_345, %swap3A_346], %swap3A_349 {strides = array<i32>} : memref<128x64xf32, #tpu.memory_space<vmem>>, vector<1x16xf32>,
        %mul3A_350 = arith.constant 16 : i32
        %mul3A_351 = arith.muli %scan3A_97, %mul3A_350 : i32
        %add3A_352 = arith.constant 5 : i32
        %add3A_353 = arith.addi %mul3A_351, %add3A_352 : i32
        %slice3A_354 = vector.extract_strided_slice %get3A_102 {offsets = [5], sizes = [1], strides = [1]} : vector<16xf32> to vector<1xf32>
        %squeeze3A_355 = vector.extract %slice3A_354[0] : f32 from vector<1xf32>
        %get3A_356 = arith.index_cast %add3A_353 : i32 to index
        %get3A_357 = arith.constant 0 : index
        %get3A_358 = tpu.vector_load %arg12[%get3A_356, %get3A_357] {strides = array<i32>} : memref<128x64xf32, #tpu.memory_space<vmem>>, vector<1x16xf32>,
        %get3A_359 = vector.shape_cast %get3A_358 : vector<1x16xf32> to vector<16xf32>
        %mul3A_360 = vector.broadcast %squeeze3A_355 : f32 to vector<16xf32>
        %mul3A_361 = arith.mulf %get3A_359, %mul3A_360 : vector<16xf32>
        %swap3A_362 = arith.index_cast %add3A_353 : i32 to index
        %swap3A_363 = arith.constant 0 : index
        %swap3A_364 = tpu.vector_load %arg12[%swap3A_362, %swap3A_363] {strides = array<i32>} : memref<128x64xf32, #tpu.memory_space<vmem>>, vector<1x16xf32>,
        %swap3A_365 = vector.shape_cast %swap3A_364 : vector<1x16xf32> to vector<16xf32>
        %swap3A_366 = vector.shape_cast %mul3A_361 : vector<16xf32> to vector<1x16xf32>
        tpu.vector_store %arg12[%swap3A_362, %swap3A_363], %swap3A_366 {strides = array<i32>} : memref<128x64xf32, #tpu.memory_space<vmem>>, vector<1x16xf32>,
        %get3A_367 = arith.index_cast %add3A_353 : i32 to index
        %get3A_368 = arith.constant 16 : index
        %get3A_369 = tpu.vector_load %arg12[%get3A_367, %get3A_368] {strides = array<i32>} : memref<128x64xf32, #tpu.memory_space<vmem>>, vector<1x16xf32>,
        %get3A_370 = vector.shape_cast %get3A_369 : vector<1x16xf32> to vector<16xf32>
        %mul3A_371 = vector.broadcast %squeeze3A_355 : f32 to vector<16xf32>
        %mul3A_372 = arith.mulf %get3A_370, %mul3A_371 : vector<16xf32>
        %swap3A_373 = arith.index_cast %add3A_353 : i32 to index
        %swap3A_374 = arith.constant 16 : index
        %swap3A_375 = tpu.vector_load %arg12[%swap3A_373, %swap3A_374] {strides = array<i32>} : memref<128x64xf32, #tpu.memory_space<vmem>>, vector<1x16xf32>,
        %swap3A_376 = vector.shape_cast %swap3A_375 : vector<1x16xf32> to vector<16xf32>
        %swap3A_377 = vector.shape_cast %mul3A_372 : vector<16xf32> to vector<1x16xf32>
        tpu.vector_store %arg12[%swap3A_373, %swap3A_374], %swap3A_377 {strides = array<i32>} : memref<128x64xf32, #tpu.memory_space<vmem>>, vector<1x16xf32>,
        %get3A_378 = arith.index_cast %add3A_353 : i32 to index
        %get3A_379 = arith.constant 32 : index
        %get3A_380 = tpu.vector_load %arg12[%get3A_378, %get3A_379] {strides = array<i32>} : memref<128x64xf32, #tpu.memory_space<vmem>>, vector<1x16xf32>,
        %get3A_381 = vector.shape_cast %get3A_380 : vector<1x16xf32> to vector<16xf32>
        %mul3A_382 = vector.broadcast %squeeze3A_355 : f32 to vector<16xf32>
        %mul3A_383 = arith.mulf %get3A_381, %mul3A_382 : vector<16xf32>
        %swap3A_384 = arith.index_cast %add3A_353 : i32 to index
        %swap3A_385 = arith.constant 32 : index
        %swap3A_386 = tpu.vector_load %arg12[%swap3A_384, %swap3A_385] {strides = array<i32>} : memref<128x64xf32, #tpu.memory_space<vmem>>, vector<1x16xf32>,
        %swap3A_387 = vector.shape_cast %swap3A_386 : vector<1x16xf32> to vector<16xf32>
        %swap3A_388 = vector.shape_cast %mul3A_383 : vector<16xf32> to vector<1x16xf32>
        tpu.vector_store %arg12[%swap3A_384, %swap3A_385], %swap3A_388 {strides = array<i32>} : memref<128x64xf32, #tpu.memory_space<vmem>>, vector<1x16xf32>,
        %get3A_389 = arith.index_cast %add3A_353 : i32 to index
        %get3A_390 = arith.constant 48 : index
        %get3A_391 = tpu.vector_load %arg12[%get3A_389, %get3A_390] {strides = array<i32>} : memref<128x64xf32, #tpu.memory_space<vmem>>, vector<1x16xf32>,
        %get3A_392 = vector.shape_cast %get3A_391 : vector<1x16xf32> to vector<16xf32>
        %mul3A_393 = vector.broadcast %squeeze3A_355 : f32 to vector<16xf32>
        %mul3A_394 = arith.mulf %get3A_392, %mul3A_393 : vector<16xf32>
        %swap3A_395 = arith.index_cast %add3A_353 : i32 to index
        %swap3A_396 = arith.constant 48 : index
        %swap3A_397 = tpu.vector_load %arg12[%swap3A_395, %swap3A_396] {strides = array<i32>} : memref<128x64xf32, #tpu.memory_space<vmem>>, vector<1x16xf32>,
        %swap3A_398 = vector.shape_cast %swap3A_397 : vector<1x16xf32> to vector<16xf32>
        %swap3A_399 = vector.shape_cast %mul3A_394 : vector<16xf32> to vector<1x16xf32>
        tpu.vector_store %arg12[%swap3A_395, %swap3A_396], %swap3A_399 {strides = array<i32>} : memref<128x64xf32, #tpu.memory_space<vmem>>, vector<1x16xf32>,
        %mul3A_400 = arith.constant 16 : i32
        %mul3A_401 = arith.muli %scan3A_97, %mul3A_400 : i32
        %add3A_402 = arith.constant 6 : i32
        %add3A_403 = arith.addi %mul3A_401, %add3A_402 : i32
        %slice3A_404 = vector.extract_strided_slice %get3A_102 {offsets = [6], sizes = [1], strides = [1]} : vector<16xf32> to vector<1xf32>
        %squeeze3A_405 = vector.extract %slice3A_404[0] : f32 from vector<1xf32>
        %get3A_406 = arith.index_cast %add3A_403 : i32 to index
        %get3A_407 = arith.constant 0 : index
        %get3A_408 = tpu.vector_load %arg12[%get3A_406, %get3A_407] {strides = array<i32>} : memref<128x64xf32, #tpu.memory_space<vmem>>, vector<1x16xf32>,
        %get3A_409 = vector.shape_cast %get3A_408 : vector<1x16xf32> to vector<16xf32>
        %mul3A_410 = vector.broadcast %squeeze3A_405 : f32 to vector<16xf32>
        %mul3A_411 = arith.mulf %get3A_409, %mul3A_410 : vector<16xf32>
        %swap3A_412 = arith.index_cast %add3A_403 : i32 to index
        %swap3A_413 = arith.constant 0 : index
        %swap3A_414 = tpu.vector_load %arg12[%swap3A_412, %swap3A_413] {strides = array<i32>} : memref<128x64xf32, #tpu.memory_space<vmem>>, vector<1x16xf32>,
        %swap3A_415 = vector.shape_cast %swap3A_414 : vector<1x16xf32> to vector<16xf32>
        %swap3A_416 = vector.shape_cast %mul3A_411 : vector<16xf32> to vector<1x16xf32>
        tpu.vector_store %arg12[%swap3A_412, %swap3A_413], %swap3A_416 {strides = array<i32>} : memref<128x64xf32, #tpu.memory_space<vmem>>, vector<1x16xf32>,
        %get3A_417 = arith.index_cast %add3A_403 : i32 to index
        %get3A_418 = arith.constant 16 : index
        %get3A_419 = tpu.vector_load %arg12[%get3A_417, %get3A_418] {strides = array<i32>} : memref<128x64xf32, #tpu.memory_space<vmem>>, vector<1x16xf32>,
        %get3A_420 = vector.shape_cast %get3A_419 : vector<1x16xf32> to vector<16xf32>
        %mul3A_421 = vector.broadcast %squeeze3A_405 : f32 to vector<16xf32>
        %mul3A_422 = arith.mulf %get3A_420, %mul3A_421 : vector<16xf32>
        %swap3A_423 = arith.index_cast %add3A_403 : i32 to index
        %swap3A_424 = arith.constant 16 : index
        %swap3A_425 = tpu.vector_load %arg12[%swap3A_423, %swap3A_424] {strides = array<i32>} : memref<128x64xf32, #tpu.memory_space<vmem>>, vector<1x16xf32>,
        %swap3A_426 = vector.shape_cast %swap3A_425 : vector<1x16xf32> to vector<16xf32>
        %swap3A_427 = vector.shape_cast %mul3A_422 : vector<16xf32> to vector<1x16xf32>
        tpu.vector_store %arg12[%swap3A_423, %swap3A_424], %swap3A_427 {strides = array<i32>} : memref<128x64xf32, #tpu.memory_space<vmem>>, vector<1x16xf32>,
        %get3A_428 = arith.index_cast %add3A_403 : i32 to index
        %get3A_429 = arith.constant 32 : index
        %get3A_430 = tpu.vector_load %arg12[%get3A_428, %get3A_429] {strides = array<i32>} : memref<128x64xf32, #tpu.memory_space<vmem>>, vector<1x16xf32>,
        %get3A_431 = vector.shape_cast %get3A_430 : vector<1x16xf32> to vector<16xf32>
        %mul3A_432 = vector.broadcast %squeeze3A_405 : f32 to vector<16xf32>
        %mul3A_433 = arith.mulf %get3A_431, %mul3A_432 : vector<16xf32>
        %swap3A_434 = arith.index_cast %add3A_403 : i32 to index
        %swap3A_435 = arith.constant 32 : index
        %swap3A_436 = tpu.vector_load %arg12[%swap3A_434, %swap3A_435] {strides = array<i32>} : memref<128x64xf32, #tpu.memory_space<vmem>>, vector<1x16xf32>,
        %swap3A_437 = vector.shape_cast %swap3A_436 : vector<1x16xf32> to vector<16xf32>
        %swap3A_438 = vector.shape_cast %mul3A_433 : vector<16xf32> to vector<1x16xf32>
        tpu.vector_store %arg12[%swap3A_434, %swap3A_435], %swap3A_438 {strides = array<i32>} : memref<128x64xf32, #tpu.memory_space<vmem>>, vector<1x16xf32>,
        %get3A_439 = arith.index_cast %add3A_403 : i32 to index
        %get3A_440 = arith.constant 48 : index
        %get3A_441 = tpu.vector_load %arg12[%get3A_439, %get3A_440] {strides = array<i32>} : memref<128x64xf32, #tpu.memory_space<vmem>>, vector<1x16xf32>,
        %get3A_442 = vector.shape_cast %get3A_441 : vector<1x16xf32> to vector<16xf32>
        %mul3A_443 = vector.broadcast %squeeze3A_405 : f32 to vector<16xf32>
        %mul3A_444 = arith.mulf %get3A_442, %mul3A_443 : vector<16xf32>
        %swap3A_445 = arith.index_cast %add3A_403 : i32 to index
        %swap3A_446 = arith.constant 48 : index
        %swap3A_447 = tpu.vector_load %arg12[%swap3A_445, %swap3A_446] {strides = array<i32>} : memref<128x64xf32, #tpu.memory_space<vmem>>, vector<1x16xf32>,
        %swap3A_448 = vector.shape_cast %swap3A_447 : vector<1x16xf32> to vector<16xf32>
        %swap3A_449 = vector.shape_cast %mul3A_444 : vector<16xf32> to vector<1x16xf32>
        tpu.vector_store %arg12[%swap3A_445, %swap3A_446], %swap3A_449 {strides = array<i32>} : memref<128x64xf32, #tpu.memory_space<vmem>>, vector<1x16xf32>,
        %mul3A_450 = arith.constant 16 : i32
        %mul3A_451 = arith.muli %scan3A_97, %mul3A_450 : i32
        %add3A_452 = arith.constant 7 : i32
        %add3A_453 = arith.addi %mul3A_451, %add3A_452 : i32
        %slice3A_454 = vector.extract_strided_slice %get3A_102 {offsets = [7], sizes = [1], strides = [1]} : vector<16xf32> to vector<1xf32>
        %squeeze3A_455 = vector.extract %slice3A_454[0] : f32 from vector<1xf32>
        %get3A_456 = arith.index_cast %add3A_453 : i32 to index
        %get3A_457 = arith.constant 0 : index
        %get3A_458 = tpu.vector_load %arg12[%get3A_456, %get3A_457] {strides = array<i32>} : memref<128x64xf32, #tpu.memory_space<vmem>>, vector<1x16xf32>,
        %get3A_459 = vector.shape_cast %get3A_458 : vector<1x16xf32> to vector<16xf32>
        %mul3A_460 = vector.broadcast %squeeze3A_455 : f32 to vector<16xf32>
        %mul3A_461 = arith.mulf %get3A_459, %mul3A_460 : vector<16xf32>
        %swap3A_462 = arith.index_cast %add3A_453 : i32 to index
        %swap3A_463 = arith.constant 0 : index
        %swap3A_464 = tpu.vector_load %arg12[%swap3A_462, %swap3A_463] {strides = array<i32>} : memref<128x64xf32, #tpu.memory_space<vmem>>, vector<1x16xf32>,
        %swap3A_465 = vector.shape_cast %swap3A_464 : vector<1x16xf32> to vector<16xf32>
        %swap3A_466 = vector.shape_cast %mul3A_461 : vector<16xf32> to vector<1x16xf32>
        tpu.vector_store %arg12[%swap3A_462, %swap3A_463], %swap3A_466 {strides = array<i32>} : memref<128x64xf32, #tpu.memory_space<vmem>>, vector<1x16xf32>,
        %get3A_467 = arith.index_cast %add3A_453 : i32 to index
        %get3A_468 = arith.constant 16 : index
        %get3A_469 = tpu.vector_load %arg12[%get3A_467, %get3A_468] {strides = array<i32>} : memref<128x64xf32, #tpu.memory_space<vmem>>, vector<1x16xf32>,
        %get3A_470 = vector.shape_cast %get3A_469 : vector<1x16xf32> to vector<16xf32>
        %mul3A_471 = vector.broadcast %squeeze3A_455 : f32 to vector<16xf32>
        %mul3A_472 = arith.mulf %get3A_470, %mul3A_471 : vector<16xf32>
        %swap3A_473 = arith.index_cast %add3A_453 : i32 to index
        %swap3A_474 = arith.constant 16 : index
        %swap3A_475 = tpu.vector_load %arg12[%swap3A_473, %swap3A_474] {strides = array<i32>} : memref<128x64xf32, #tpu.memory_space<vmem>>, vector<1x16xf32>,
        %swap3A_476 = vector.shape_cast %swap3A_475 : vector<1x16xf32> to vector<16xf32>
        %swap3A_477 = vector.shape_cast %mul3A_472 : vector<16xf32> to vector<1x16xf32>
        tpu.vector_store %arg12[%swap3A_473, %swap3A_474], %swap3A_477 {strides = array<i32>} : memref<128x64xf32, #tpu.memory_space<vmem>>, vector<1x16xf32>,
        %get3A_478 = arith.index_cast %add3A_453 : i32 to index
        %get3A_479 = arith.constant 32 : index
        %get3A_480 = tpu.vector_load %arg12[%get3A_478, %get3A_479] {strides = array<i32>} : memref<128x64xf32, #tpu.memory_space<vmem>>, vector<1x16xf32>,
        %get3A_481 = vector.shape_cast %get3A_480 : vector<1x16xf32> to vector<16xf32>
        %mul3A_482 = vector.broadcast %squeeze3A_455 : f32 to vector<16xf32>
        %mul3A_483 = arith.mulf %get3A_481, %mul3A_482 : vector<16xf32>
        %swap3A_484 = arith.index_cast %add3A_453 : i32 to index
        %swap3A_485 = arith.constant 32 : index
        %swap3A_486 = tpu.vector_load %arg12[%swap3A_484, %swap3A_485] {strides = array<i32>} : memref<128x64xf32, #tpu.memory_space<vmem>>, vector<1x16xf32>,
        %swap3A_487 = vector.shape_cast %swap3A_486 : vector<1x16xf32> to vector<16xf32>
        %swap3A_488 = vector.shape_cast %mul3A_483 : vector<16xf32> to vector<1x16xf32>
        tpu.vector_store %arg12[%swap3A_484, %swap3A_485], %swap3A_488 {strides = array<i32>} : memref<128x64xf32, #tpu.memory_space<vmem>>, vector<1x16xf32>,
        %get3A_489 = arith.index_cast %add3A_453 : i32 to index
        %get3A_490 = arith.constant 48 : index
        %get3A_491 = tpu.vector_load %arg12[%get3A_489, %get3A_490] {strides = array<i32>} : memref<128x64xf32, #tpu.memory_space<vmem>>, vector<1x16xf32>,
        %get3A_492 = vector.shape_cast %get3A_491 : vector<1x16xf32> to vector<16xf32>
        %mul3A_493 = vector.broadcast %squeeze3A_455 : f32 to vector<16xf32>
        %mul3A_494 = arith.mulf %get3A_492, %mul3A_493 : vector<16xf32>
        %swap3A_495 = arith.index_cast %add3A_453 : i32 to index
        %swap3A_496 = arith.constant 48 : index
        %swap3A_497 = tpu.vector_load %arg12[%swap3A_495, %swap3A_496] {strides = array<i32>} : memref<128x64xf32, #tpu.memory_space<vmem>>, vector<1x16xf32>,
        %swap3A_498 = vector.shape_cast %swap3A_497 : vector<1x16xf32> to vector<16xf32>
        %swap3A_499 = vector.shape_cast %mul3A_494 : vector<16xf32> to vector<1x16xf32>
        tpu.vector_store %arg12[%swap3A_495, %swap3A_496], %swap3A_499 {strides = array<i32>} : memref<128x64xf32, #tpu.memory_space<vmem>>, vector<1x16xf32>,
        %mul3A_500 = arith.constant 16 : i32
        %mul3A_501 = arith.muli %scan3A_97, %mul3A_500 : i32
        %add3A_502 = arith.constant 8 : i32
        %add3A_503 = arith.addi %mul3A_501, %add3A_502 : i32
        %slice3A_504 = vector.extract_strided_slice %get3A_102 {offsets = [8], sizes = [1], strides = [1]} : vector<16xf32> to vector<1xf32>
        %squeeze3A_505 = vector.extract %slice3A_504[0] : f32 from vector<1xf32>
        %get3A_506 = arith.index_cast %add3A_503 : i32 to index
        %get3A_507 = arith.constant 0 : index
        %get3A_508 = tpu.vector_load %arg12[%get3A_506, %get3A_507] {strides = array<i32>} : memref<128x64xf32, #tpu.memory_space<vmem>>, vector<1x16xf32>,
        %get3A_509 = vector.shape_cast %get3A_508 : vector<1x16xf32> to vector<16xf32>
        %mul3A_510 = vector.broadcast %squeeze3A_505 : f32 to vector<16xf32>
        %mul3A_511 = arith.mulf %get3A_509, %mul3A_510 : vector<16xf32>
        %swap3A_512 = arith.index_cast %add3A_503 : i32 to index
        %swap3A_513 = arith.constant 0 : index
        %swap3A_514 = tpu.vector_load %arg12[%swap3A_512, %swap3A_513] {strides = array<i32>} : memref<128x64xf32, #tpu.memory_space<vmem>>, vector<1x16xf32>,
        %swap3A_515 = vector.shape_cast %swap3A_514 : vector<1x16xf32> to vector<16xf32>
        %swap3A_516 = vector.shape_cast %mul3A_511 : vector<16xf32> to vector<1x16xf32>
        tpu.vector_store %arg12[%swap3A_512, %swap3A_513], %swap3A_516 {strides = array<i32>} : memref<128x64xf32, #tpu.memory_space<vmem>>, vector<1x16xf32>,
        %get3A_517 = arith.index_cast %add3A_503 : i32 to index
        %get3A_518 = arith.constant 16 : index
        %get3A_519 = tpu.vector_load %arg12[%get3A_517, %get3A_518] {strides = array<i32>} : memref<128x64xf32, #tpu.memory_space<vmem>>, vector<1x16xf32>,
        %get3A_520 = vector.shape_cast %get3A_519 : vector<1x16xf32> to vector<16xf32>
        %mul3A_521 = vector.broadcast %squeeze3A_505 : f32 to vector<16xf32>
        %mul3A_522 = arith.mulf %get3A_520, %mul3A_521 : vector<16xf32>
        %swap3A_523 = arith.index_cast %add3A_503 : i32 to index
        %swap3A_524 = arith.constant 16 : index
        %swap3A_525 = tpu.vector_load %arg12[%swap3A_523, %swap3A_524] {strides = array<i32>} : memref<128x64xf32, #tpu.memory_space<vmem>>, vector<1x16xf32>,
        %swap3A_526 = vector.shape_cast %swap3A_525 : vector<1x16xf32> to vector<16xf32>
        %swap3A_527 = vector.shape_cast %mul3A_522 : vector<16xf32> to vector<1x16xf32>
        tpu.vector_store %arg12[%swap3A_523, %swap3A_524], %swap3A_527 {strides = array<i32>} : memref<128x64xf32, #tpu.memory_space<vmem>>, vector<1x16xf32>,
        %get3A_528 = arith.index_cast %add3A_503 : i32 to index
        %get3A_529 = arith.constant 32 : index
        %get3A_530 = tpu.vector_load %arg12[%get3A_528, %get3A_529] {strides = array<i32>} : memref<128x64xf32, #tpu.memory_space<vmem>>, vector<1x16xf32>,
        %get3A_531 = vector.shape_cast %get3A_530 : vector<1x16xf32> to vector<16xf32>
        %mul3A_532 = vector.broadcast %squeeze3A_505 : f32 to vector<16xf32>
        %mul3A_533 = arith.mulf %get3A_531, %mul3A_532 : vector<16xf32>
        %swap3A_534 = arith.index_cast %add3A_503 : i32 to index
        %swap3A_535 = arith.constant 32 : index
        %swap3A_536 = tpu.vector_load %arg12[%swap3A_534, %swap3A_535] {strides = array<i32>} : memref<128x64xf32, #tpu.memory_space<vmem>>, vector<1x16xf32>,
        %swap3A_537 = vector.shape_cast %swap3A_536 : vector<1x16xf32> to vector<16xf32>
        %swap3A_538 = vector.shape_cast %mul3A_533 : vector<16xf32> to vector<1x16xf32>
        tpu.vector_store %arg12[%swap3A_534, %swap3A_535], %swap3A_538 {strides = array<i32>} : memref<128x64xf32, #tpu.memory_space<vmem>>, vector<1x16xf32>,
        %get3A_539 = arith.index_cast %add3A_503 : i32 to index
        %get3A_540 = arith.constant 48 : index
        %get3A_541 = tpu.vector_load %arg12[%get3A_539, %get3A_540] {strides = array<i32>} : memref<128x64xf32, #tpu.memory_space<vmem>>, vector<1x16xf32>,
        %get3A_542 = vector.shape_cast %get3A_541 : vector<1x16xf32> to vector<16xf32>
        %mul3A_543 = vector.broadcast %squeeze3A_505 : f32 to vector<16xf32>
        %mul3A_544 = arith.mulf %get3A_542, %mul3A_543 : vector<16xf32>
        %swap3A_545 = arith.index_cast %add3A_503 : i32 to index
        %swap3A_546 = arith.constant 48 : index
        %swap3A_547 = tpu.vector_load %arg12[%swap3A_545, %swap3A_546] {strides = array<i32>} : memref<128x64xf32, #tpu.memory_space<vmem>>, vector<1x16xf32>,
        %swap3A_548 = vector.shape_cast %swap3A_547 : vector<1x16xf32> to vector<16xf32>
        %swap3A_549 = vector.shape_cast %mul3A_544 : vector<16xf32> to vector<1x16xf32>
        tpu.vector_store %arg12[%swap3A_545, %swap3A_546], %swap3A_549 {strides = array<i32>} : memref<128x64xf32, #tpu.memory_space<vmem>>, vector<1x16xf32>,
        %mul3A_550 = arith.constant 16 : i32
        %mul3A_551 = arith.muli %scan3A_97, %mul3A_550 : i32
        %add3A_552 = arith.constant 9 : i32
        %add3A_553 = arith.addi %mul3A_551, %add3A_552 : i32
        %slice3A_554 = vector.extract_strided_slice %get3A_102 {offsets = [9], sizes = [1], strides = [1]} : vector<16xf32> to vector<1xf32>
        %squeeze3A_555 = vector.extract %slice3A_554[0] : f32 from vector<1xf32>
        %get3A_556 = arith.index_cast %add3A_553 : i32 to index
        %get3A_557 = arith.constant 0 : index
        %get3A_558 = tpu.vector_load %arg12[%get3A_556, %get3A_557] {strides = array<i32>} : memref<128x64xf32, #tpu.memory_space<vmem>>, vector<1x16xf32>,
        %get3A_559 = vector.shape_cast %get3A_558 : vector<1x16xf32> to vector<16xf32>
        %mul3A_560 = vector.broadcast %squeeze3A_555 : f32 to vector<16xf32>
        %mul3A_561 = arith.mulf %get3A_559, %mul3A_560 : vector<16xf32>
        %swap3A_562 = arith.index_cast %add3A_553 : i32 to index
        %swap3A_563 = arith.constant 0 : index
        %swap3A_564 = tpu.vector_load %arg12[%swap3A_562, %swap3A_563] {strides = array<i32>} : memref<128x64xf32, #tpu.memory_space<vmem>>, vector<1x16xf32>,
        %swap3A_565 = vector.shape_cast %swap3A_564 : vector<1x16xf32> to vector<16xf32>
        %swap3A_566 = vector.shape_cast %mul3A_561 : vector<16xf32> to vector<1x16xf32>
        tpu.vector_store %arg12[%swap3A_562, %swap3A_563], %swap3A_566 {strides = array<i32>} : memref<128x64xf32, #tpu.memory_space<vmem>>, vector<1x16xf32>,
        %get3A_567 = arith.index_cast %add3A_553 : i32 to index
        %get3A_568 = arith.constant 16 : index
        %get3A_569 = tpu.vector_load %arg12[%get3A_567, %get3A_568] {strides = array<i32>} : memref<128x64xf32, #tpu.memory_space<vmem>>, vector<1x16xf32>,
        %get3A_570 = vector.shape_cast %get3A_569 : vector<1x16xf32> to vector<16xf32>
        %mul3A_571 = vector.broadcast %squeeze3A_555 : f32 to vector<16xf32>
        %mul3A_572 = arith.mulf %get3A_570, %mul3A_571 : vector<16xf32>
        %swap3A_573 = arith.index_cast %add3A_553 : i32 to index
        %swap3A_574 = arith.constant 16 : index
        %swap3A_575 = tpu.vector_load %arg12[%swap3A_573, %swap3A_574] {strides = array<i32>} : memref<128x64xf32, #tpu.memory_space<vmem>>, vector<1x16xf32>,
        %swap3A_576 = vector.shape_cast %swap3A_575 : vector<1x16xf32> to vector<16xf32>
        %swap3A_577 = vector.shape_cast %mul3A_572 : vector<16xf32> to vector<1x16xf32>
        tpu.vector_store %arg12[%swap3A_573, %swap3A_574], %swap3A_577 {strides = array<i32>} : memref<128x64xf32, #tpu.memory_space<vmem>>, vector<1x16xf32>,
        %get3A_578 = arith.index_cast %add3A_553 : i32 to index
        %get3A_579 = arith.constant 32 : index
        %get3A_580 = tpu.vector_load %arg12[%get3A_578, %get3A_579] {strides = array<i32>} : memref<128x64xf32, #tpu.memory_space<vmem>>, vector<1x16xf32>,
        %get3A_581 = vector.shape_cast %get3A_580 : vector<1x16xf32> to vector<16xf32>
        %mul3A_582 = vector.broadcast %squeeze3A_555 : f32 to vector<16xf32>
        %mul3A_583 = arith.mulf %get3A_581, %mul3A_582 : vector<16xf32>
        %swap3A_584 = arith.index_cast %add3A_553 : i32 to index
        %swap3A_585 = arith.constant 32 : index
        %swap3A_586 = tpu.vector_load %arg12[%swap3A_584, %swap3A_585] {strides = array<i32>} : memref<128x64xf32, #tpu.memory_space<vmem>>, vector<1x16xf32>,
        %swap3A_587 = vector.shape_cast %swap3A_586 : vector<1x16xf32> to vector<16xf32>
        %swap3A_588 = vector.shape_cast %mul3A_583 : vector<16xf32> to vector<1x16xf32>
        tpu.vector_store %arg12[%swap3A_584, %swap3A_585], %swap3A_588 {strides = array<i32>} : memref<128x64xf32, #tpu.memory_space<vmem>>, vector<1x16xf32>,
        %get3A_589 = arith.index_cast %add3A_553 : i32 to index
        %get3A_590 = arith.constant 48 : index
        %get3A_591 = tpu.vector_load %arg12[%get3A_589, %get3A_590] {strides = array<i32>} : memref<128x64xf32, #tpu.memory_space<vmem>>, vector<1x16xf32>,
        %get3A_592 = vector.shape_cast %get3A_591 : vector<1x16xf32> to vector<16xf32>
        %mul3A_593 = vector.broadcast %squeeze3A_555 : f32 to vector<16xf32>
        %mul3A_594 = arith.mulf %get3A_592, %mul3A_593 : vector<16xf32>
        %swap3A_595 = arith.index_cast %add3A_553 : i32 to index
        %swap3A_596 = arith.constant 48 : index
        %swap3A_597 = tpu.vector_load %arg12[%swap3A_595, %swap3A_596] {strides = array<i32>} : memref<128x64xf32, #tpu.memory_space<vmem>>, vector<1x16xf32>,
        %swap3A_598 = vector.shape_cast %swap3A_597 : vector<1x16xf32> to vector<16xf32>
        %swap3A_599 = vector.shape_cast %mul3A_594 : vector<16xf32> to vector<1x16xf32>
        tpu.vector_store %arg12[%swap3A_595, %swap3A_596], %swap3A_599 {strides = array<i32>} : memref<128x64xf32, #tpu.memory_space<vmem>>, vector<1x16xf32>,
        %mul3A_600 = arith.constant 16 : i32
        %mul3A_601 = arith.muli %scan3A_97, %mul3A_600 : i32
        %add3A_602 = arith.constant 10 : i32
        %add3A_603 = arith.addi %mul3A_601, %add3A_602 : i32
        %slice3A_604 = vector.extract_strided_slice %get3A_102 {offsets = [10], sizes = [1], strides = [1]} : vector<16xf32> to vector<1xf32>
        %squeeze3A_605 = vector.extract %slice3A_604[0] : f32 from vector<1xf32>
        %get3A_606 = arith.index_cast %add3A_603 : i32 to index
        %get3A_607 = arith.constant 0 : index
        %get3A_608 = tpu.vector_load %arg12[%get3A_606, %get3A_607] {strides = array<i32>} : memref<128x64xf32, #tpu.memory_space<vmem>>, vector<1x16xf32>,
        %get3A_609 = vector.shape_cast %get3A_608 : vector<1x16xf32> to vector<16xf32>
        %mul3A_610 = vector.broadcast %squeeze3A_605 : f32 to vector<16xf32>
        %mul3A_611 = arith.mulf %get3A_609, %mul3A_610 : vector<16xf32>
        %swap3A_612 = arith.index_cast %add3A_603 : i32 to index
        %swap3A_613 = arith.constant 0 : index
        %swap3A_614 = tpu.vector_load %arg12[%swap3A_612, %swap3A_613] {strides = array<i32>} : memref<128x64xf32, #tpu.memory_space<vmem>>, vector<1x16xf32>,
        %swap3A_615 = vector.shape_cast %swap3A_614 : vector<1x16xf32> to vector<16xf32>
        %swap3A_616 = vector.shape_cast %mul3A_611 : vector<16xf32> to vector<1x16xf32>
        tpu.vector_store %arg12[%swap3A_612, %swap3A_613], %swap3A_616 {strides = array<i32>} : memref<128x64xf32, #tpu.memory_space<vmem>>, vector<1x16xf32>,
        %get3A_617 = arith.index_cast %add3A_603 : i32 to index
        %get3A_618 = arith.constant 16 : index
        %get3A_619 = tpu.vector_load %arg12[%get3A_617, %get3A_618] {strides = array<i32>} : memref<128x64xf32, #tpu.memory_space<vmem>>, vector<1x16xf32>,
        %get3A_620 = vector.shape_cast %get3A_619 : vector<1x16xf32> to vector<16xf32>
        %mul3A_621 = vector.broadcast %squeeze3A_605 : f32 to vector<16xf32>
        %mul3A_622 = arith.mulf %get3A_620, %mul3A_621 : vector<16xf32>
        %swap3A_623 = arith.index_cast %add3A_603 : i32 to index
        %swap3A_624 = arith.constant 16 : index
        %swap3A_625 = tpu.vector_load %arg12[%swap3A_623, %swap3A_624] {strides = array<i32>} : memref<128x64xf32, #tpu.memory_space<vmem>>, vector<1x16xf32>,
        %swap3A_626 = vector.shape_cast %swap3A_625 : vector<1x16xf32> to vector<16xf32>
        %swap3A_627 = vector.shape_cast %mul3A_622 : vector<16xf32> to vector<1x16xf32>
        tpu.vector_store %arg12[%swap3A_623, %swap3A_624], %swap3A_627 {strides = array<i32>} : memref<128x64xf32, #tpu.memory_space<vmem>>, vector<1x16xf32>,
        %get3A_628 = arith.index_cast %add3A_603 : i32 to index
        %get3A_629 = arith.constant 32 : index
        %get3A_630 = tpu.vector_load %arg12[%get3A_628, %get3A_629] {strides = array<i32>} : memref<128x64xf32, #tpu.memory_space<vmem>>, vector<1x16xf32>,
        %get3A_631 = vector.shape_cast %get3A_630 : vector<1x16xf32> to vector<16xf32>
        %mul3A_632 = vector.broadcast %squeeze3A_605 : f32 to vector<16xf32>
        %mul3A_633 = arith.mulf %get3A_631, %mul3A_632 : vector<16xf32>
        %swap3A_634 = arith.index_cast %add3A_603 : i32 to index
        %swap3A_635 = arith.constant 32 : index
        %swap3A_636 = tpu.vector_load %arg12[%swap3A_634, %swap3A_635] {strides = array<i32>} : memref<128x64xf32, #tpu.memory_space<vmem>>, vector<1x16xf32>,
        %swap3A_637 = vector.shape_cast %swap3A_636 : vector<1x16xf32> to vector<16xf32>
        %swap3A_638 = vector.shape_cast %mul3A_633 : vector<16xf32> to vector<1x16xf32>
        tpu.vector_store %arg12[%swap3A_634, %swap3A_635], %swap3A_638 {strides = array<i32>} : memref<128x64xf32, #tpu.memory_space<vmem>>, vector<1x16xf32>,
        %get3A_639 = arith.index_cast %add3A_603 : i32 to index
        %get3A_640 = arith.constant 48 : index
        %get3A_641 = tpu.vector_load %arg12[%get3A_639, %get3A_640] {strides = array<i32>} : memref<128x64xf32, #tpu.memory_space<vmem>>, vector<1x16xf32>,
        %get3A_642 = vector.shape_cast %get3A_641 : vector<1x16xf32> to vector<16xf32>
        %mul3A_643 = vector.broadcast %squeeze3A_605 : f32 to vector<16xf32>
        %mul3A_644 = arith.mulf %get3A_642, %mul3A_643 : vector<16xf32>
        %swap3A_645 = arith.index_cast %add3A_603 : i32 to index
        %swap3A_646 = arith.constant 48 : index
        %swap3A_647 = tpu.vector_load %arg12[%swap3A_645, %swap3A_646] {strides = array<i32>} : memref<128x64xf32, #tpu.memory_space<vmem>>, vector<1x16xf32>,
        %swap3A_648 = vector.shape_cast %swap3A_647 : vector<1x16xf32> to vector<16xf32>
        %swap3A_649 = vector.shape_cast %mul3A_644 : vector<16xf32> to vector<1x16xf32>
        tpu.vector_store %arg12[%swap3A_645, %swap3A_646], %swap3A_649 {strides = array<i32>} : memref<128x64xf32, #tpu.memory_space<vmem>>, vector<1x16xf32>,
        %mul3A_650 = arith.constant 16 : i32
        %mul3A_651 = arith.muli %scan3A_97, %mul3A_650 : i32
        %add3A_652 = arith.constant 11 : i32
        %add3A_653 = arith.addi %mul3A_651, %add3A_652 : i32
        %slice3A_654 = vector.extract_strided_slice %get3A_102 {offsets = [11], sizes = [1], strides = [1]} : vector<16xf32> to vector<1xf32>
        %squeeze3A_655 = vector.extract %slice3A_654[0] : f32 from vector<1xf32>
        %get3A_656 = arith.index_cast %add3A_653 : i32 to index
        %get3A_657 = arith.constant 0 : index
        %get3A_658 = tpu.vector_load %arg12[%get3A_656, %get3A_657] {strides = array<i32>} : memref<128x64xf32, #tpu.memory_space<vmem>>, vector<1x16xf32>,
        %get3A_659 = vector.shape_cast %get3A_658 : vector<1x16xf32> to vector<16xf32>
        %mul3A_660 = vector.broadcast %squeeze3A_655 : f32 to vector<16xf32>
        %mul3A_661 = arith.mulf %get3A_659, %mul3A_660 : vector<16xf32>
        %swap3A_662 = arith.index_cast %add3A_653 : i32 to index
        %swap3A_663 = arith.constant 0 : index
        %swap3A_664 = tpu.vector_load %arg12[%swap3A_662, %swap3A_663] {strides = array<i32>} : memref<128x64xf32, #tpu.memory_space<vmem>>, vector<1x16xf32>,
        %swap3A_665 = vector.shape_cast %swap3A_664 : vector<1x16xf32> to vector<16xf32>
        %swap3A_666 = vector.shape_cast %mul3A_661 : vector<16xf32> to vector<1x16xf32>
        tpu.vector_store %arg12[%swap3A_662, %swap3A_663], %swap3A_666 {strides = array<i32>} : memref<128x64xf32, #tpu.memory_space<vmem>>, vector<1x16xf32>,
        %get3A_667 = arith.index_cast %add3A_653 : i32 to index
        %get3A_668 = arith.constant 16 : index
        %get3A_669 = tpu.vector_load %arg12[%get3A_667, %get3A_668] {strides = array<i32>} : memref<128x64xf32, #tpu.memory_space<vmem>>, vector<1x16xf32>,
        %get3A_670 = vector.shape_cast %get3A_669 : vector<1x16xf32> to vector<16xf32>
        %mul3A_671 = vector.broadcast %squeeze3A_655 : f32 to vector<16xf32>
        %mul3A_672 = arith.mulf %get3A_670, %mul3A_671 : vector<16xf32>
        %swap3A_673 = arith.index_cast %add3A_653 : i32 to index
        %swap3A_674 = arith.constant 16 : index
        %swap3A_675 = tpu.vector_load %arg12[%swap3A_673, %swap3A_674] {strides = array<i32>} : memref<128x64xf32, #tpu.memory_space<vmem>>, vector<1x16xf32>,
        %swap3A_676 = vector.shape_cast %swap3A_675 : vector<1x16xf32> to vector<16xf32>
        %swap3A_677 = vector.shape_cast %mul3A_672 : vector<16xf32> to vector<1x16xf32>
        tpu.vector_store %arg12[%swap3A_673, %swap3A_674], %swap3A_677 {strides = array<i32>} : memref<128x64xf32, #tpu.memory_space<vmem>>, vector<1x16xf32>,
        %get3A_678 = arith.index_cast %add3A_653 : i32 to index
        %get3A_679 = arith.constant 32 : index
        %get3A_680 = tpu.vector_load %arg12[%get3A_678, %get3A_679] {strides = array<i32>} : memref<128x64xf32, #tpu.memory_space<vmem>>, vector<1x16xf32>,
        %get3A_681 = vector.shape_cast %get3A_680 : vector<1x16xf32> to vector<16xf32>
        %mul3A_682 = vector.broadcast %squeeze3A_655 : f32 to vector<16xf32>
        %mul3A_683 = arith.mulf %get3A_681, %mul3A_682 : vector<16xf32>
        %swap3A_684 = arith.index_cast %add3A_653 : i32 to index
        %swap3A_685 = arith.constant 32 : index
        %swap3A_686 = tpu.vector_load %arg12[%swap3A_684, %swap3A_685] {strides = array<i32>} : memref<128x64xf32, #tpu.memory_space<vmem>>, vector<1x16xf32>,
        %swap3A_687 = vector.shape_cast %swap3A_686 : vector<1x16xf32> to vector<16xf32>
        %swap3A_688 = vector.shape_cast %mul3A_683 : vector<16xf32> to vector<1x16xf32>
        tpu.vector_store %arg12[%swap3A_684, %swap3A_685], %swap3A_688 {strides = array<i32>} : memref<128x64xf32, #tpu.memory_space<vmem>>, vector<1x16xf32>,
        %get3A_689 = arith.index_cast %add3A_653 : i32 to index
        %get3A_690 = arith.constant 48 : index
        %get3A_691 = tpu.vector_load %arg12[%get3A_689, %get3A_690] {strides = array<i32>} : memref<128x64xf32, #tpu.memory_space<vmem>>, vector<1x16xf32>,
        %get3A_692 = vector.shape_cast %get3A_691 : vector<1x16xf32> to vector<16xf32>
        %mul3A_693 = vector.broadcast %squeeze3A_655 : f32 to vector<16xf32>
        %mul3A_694 = arith.mulf %get3A_692, %mul3A_693 : vector<16xf32>
        %swap3A_695 = arith.index_cast %add3A_653 : i32 to index
        %swap3A_696 = arith.constant 48 : index
        %swap3A_697 = tpu.vector_load %arg12[%swap3A_695, %swap3A_696] {strides = array<i32>} : memref<128x64xf32, #tpu.memory_space<vmem>>, vector<1x16xf32>,
        %swap3A_698 = vector.shape_cast %swap3A_697 : vector<1x16xf32> to vector<16xf32>
        %swap3A_699 = vector.shape_cast %mul3A_694 : vector<16xf32> to vector<1x16xf32>
        tpu.vector_store %arg12[%swap3A_695, %swap3A_696], %swap3A_699 {strides = array<i32>} : memref<128x64xf32, #tpu.memory_space<vmem>>, vector<1x16xf32>,
        %mul3A_700 = arith.constant 16 : i32
        %mul3A_701 = arith.muli %scan3A_97, %mul3A_700 : i32
        %add3A_702 = arith.constant 12 : i32
        %add3A_703 = arith.addi %mul3A_701, %add3A_702 : i32
        %slice3A_704 = vector.extract_strided_slice %get3A_102 {offsets = [12], sizes = [1], strides = [1]} : vector<16xf32> to vector<1xf32>
        %squeeze3A_705 = vector.extract %slice3A_704[0] : f32 from vector<1xf32>
        %get3A_706 = arith.index_cast %add3A_703 : i32 to index
        %get3A_707 = arith.constant 0 : index
        %get3A_708 = tpu.vector_load %arg12[%get3A_706, %get3A_707] {strides = array<i32>} : memref<128x64xf32, #tpu.memory_space<vmem>>, vector<1x16xf32>,
        %get3A_709 = vector.shape_cast %get3A_708 : vector<1x16xf32> to vector<16xf32>
        %mul3A_710 = vector.broadcast %squeeze3A_705 : f32 to vector<16xf32>
        %mul3A_711 = arith.mulf %get3A_709, %mul3A_710 : vector<16xf32>
        %swap3A_712 = arith.index_cast %add3A_703 : i32 to index
        %swap3A_713 = arith.constant 0 : index
        %swap3A_714 = tpu.vector_load %arg12[%swap3A_712, %swap3A_713] {strides = array<i32>} : memref<128x64xf32, #tpu.memory_space<vmem>>, vector<1x16xf32>,
        %swap3A_715 = vector.shape_cast %swap3A_714 : vector<1x16xf32> to vector<16xf32>
        %swap3A_716 = vector.shape_cast %mul3A_711 : vector<16xf32> to vector<1x16xf32>
        tpu.vector_store %arg12[%swap3A_712, %swap3A_713], %swap3A_716 {strides = array<i32>} : memref<128x64xf32, #tpu.memory_space<vmem>>, vector<1x16xf32>,
        %get3A_717 = arith.index_cast %add3A_703 : i32 to index
        %get3A_718 = arith.constant 16 : index
        %get3A_719 = tpu.vector_load %arg12[%get3A_717, %get3A_718] {strides = array<i32>} : memref<128x64xf32, #tpu.memory_space<vmem>>, vector<1x16xf32>,
        %get3A_720 = vector.shape_cast %get3A_719 : vector<1x16xf32> to vector<16xf32>
        %mul3A_721 = vector.broadcast %squeeze3A_705 : f32 to vector<16xf32>
        %mul3A_722 = arith.mulf %get3A_720, %mul3A_721 : vector<16xf32>
        %swap3A_723 = arith.index_cast %add3A_703 : i32 to index
        %swap3A_724 = arith.constant 16 : index
        %swap3A_725 = tpu.vector_load %arg12[%swap3A_723, %swap3A_724] {strides = array<i32>} : memref<128x64xf32, #tpu.memory_space<vmem>>, vector<1x16xf32>,
        %swap3A_726 = vector.shape_cast %swap3A_725 : vector<1x16xf32> to vector<16xf32>
        %swap3A_727 = vector.shape_cast %mul3A_722 : vector<16xf32> to vector<1x16xf32>
        tpu.vector_store %arg12[%swap3A_723, %swap3A_724], %swap3A_727 {strides = array<i32>} : memref<128x64xf32, #tpu.memory_space<vmem>>, vector<1x16xf32>,
        %get3A_728 = arith.index_cast %add3A_703 : i32 to index
        %get3A_729 = arith.constant 32 : index
        %get3A_730 = tpu.vector_load %arg12[%get3A_728, %get3A_729] {strides = array<i32>} : memref<128x64xf32, #tpu.memory_space<vmem>>, vector<1x16xf32>,
        %get3A_731 = vector.shape_cast %get3A_730 : vector<1x16xf32> to vector<16xf32>
        %mul3A_732 = vector.broadcast %squeeze3A_705 : f32 to vector<16xf32>
        %mul3A_733 = arith.mulf %get3A_731, %mul3A_732 : vector<16xf32>
        %swap3A_734 = arith.index_cast %add3A_703 : i32 to index
        %swap3A_735 = arith.constant 32 : index
        %swap3A_736 = tpu.vector_load %arg12[%swap3A_734, %swap3A_735] {strides = array<i32>} : memref<128x64xf32, #tpu.memory_space<vmem>>, vector<1x16xf32>,
        %swap3A_737 = vector.shape_cast %swap3A_736 : vector<1x16xf32> to vector<16xf32>
        %swap3A_738 = vector.shape_cast %mul3A_733 : vector<16xf32> to vector<1x16xf32>
        tpu.vector_store %arg12[%swap3A_734, %swap3A_735], %swap3A_738 {strides = array<i32>} : memref<128x64xf32, #tpu.memory_space<vmem>>, vector<1x16xf32>,
        %get3A_739 = arith.index_cast %add3A_703 : i32 to index
        %get3A_740 = arith.constant 48 : index
        %get3A_741 = tpu.vector_load %arg12[%get3A_739, %get3A_740] {strides = array<i32>} : memref<128x64xf32, #tpu.memory_space<vmem>>, vector<1x16xf32>,
        %get3A_742 = vector.shape_cast %get3A_741 : vector<1x16xf32> to vector<16xf32>
        %mul3A_743 = vector.broadcast %squeeze3A_705 : f32 to vector<16xf32>
        %mul3A_744 = arith.mulf %get3A_742, %mul3A_743 : vector<16xf32>
        %swap3A_745 = arith.index_cast %add3A_703 : i32 to index
        %swap3A_746 = arith.constant 48 : index
        %swap3A_747 = tpu.vector_load %arg12[%swap3A_745, %swap3A_746] {strides = array<i32>} : memref<128x64xf32, #tpu.memory_space<vmem>>, vector<1x16xf32>,
        %swap3A_748 = vector.shape_cast %swap3A_747 : vector<1x16xf32> to vector<16xf32>
        %swap3A_749 = vector.shape_cast %mul3A_744 : vector<16xf32> to vector<1x16xf32>
        tpu.vector_store %arg12[%swap3A_745, %swap3A_746], %swap3A_749 {strides = array<i32>} : memref<128x64xf32, #tpu.memory_space<vmem>>, vector<1x16xf32>,
        %mul3A_750 = arith.constant 16 : i32
        %mul3A_751 = arith.muli %scan3A_97, %mul3A_750 : i32
        %add3A_752 = arith.constant 13 : i32
        %add3A_753 = arith.addi %mul3A_751, %add3A_752 : i32
        %slice3A_754 = vector.extract_strided_slice %get3A_102 {offsets = [13], sizes = [1], strides = [1]} : vector<16xf32> to vector<1xf32>
        %squeeze3A_755 = vector.extract %slice3A_754[0] : f32 from vector<1xf32>
        %get3A_756 = arith.index_cast %add3A_753 : i32 to index
        %get3A_757 = arith.constant 0 : index
        %get3A_758 = tpu.vector_load %arg12[%get3A_756, %get3A_757] {strides = array<i32>} : memref<128x64xf32, #tpu.memory_space<vmem>>, vector<1x16xf32>,
        %get3A_759 = vector.shape_cast %get3A_758 : vector<1x16xf32> to vector<16xf32>
        %mul3A_760 = vector.broadcast %squeeze3A_755 : f32 to vector<16xf32>
        %mul3A_761 = arith.mulf %get3A_759, %mul3A_760 : vector<16xf32>
        %swap3A_762 = arith.index_cast %add3A_753 : i32 to index
        %swap3A_763 = arith.constant 0 : index
        %swap3A_764 = tpu.vector_load %arg12[%swap3A_762, %swap3A_763] {strides = array<i32>} : memref<128x64xf32, #tpu.memory_space<vmem>>, vector<1x16xf32>,
        %swap3A_765 = vector.shape_cast %swap3A_764 : vector<1x16xf32> to vector<16xf32>
        %swap3A_766 = vector.shape_cast %mul3A_761 : vector<16xf32> to vector<1x16xf32>
        tpu.vector_store %arg12[%swap3A_762, %swap3A_763], %swap3A_766 {strides = array<i32>} : memref<128x64xf32, #tpu.memory_space<vmem>>, vector<1x16xf32>,
        %get3A_767 = arith.index_cast %add3A_753 : i32 to index
        %get3A_768 = arith.constant 16 : index
        %get3A_769 = tpu.vector_load %arg12[%get3A_767, %get3A_768] {strides = array<i32>} : memref<128x64xf32, #tpu.memory_space<vmem>>, vector<1x16xf32>,
        %get3A_770 = vector.shape_cast %get3A_769 : vector<1x16xf32> to vector<16xf32>
        %mul3A_771 = vector.broadcast %squeeze3A_755 : f32 to vector<16xf32>
        %mul3A_772 = arith.mulf %get3A_770, %mul3A_771 : vector<16xf32>
        %swap3A_773 = arith.index_cast %add3A_753 : i32 to index
        %swap3A_774 = arith.constant 16 : index
        %swap3A_775 = tpu.vector_load %arg12[%swap3A_773, %swap3A_774] {strides = array<i32>} : memref<128x64xf32, #tpu.memory_space<vmem>>, vector<1x16xf32>,
        %swap3A_776 = vector.shape_cast %swap3A_775 : vector<1x16xf32> to vector<16xf32>
        %swap3A_777 = vector.shape_cast %mul3A_772 : vector<16xf32> to vector<1x16xf32>
        tpu.vector_store %arg12[%swap3A_773, %swap3A_774], %swap3A_777 {strides = array<i32>} : memref<128x64xf32, #tpu.memory_space<vmem>>, vector<1x16xf32>,
        %get3A_778 = arith.index_cast %add3A_753 : i32 to index
        %get3A_779 = arith.constant 32 : index
        %get3A_780 = tpu.vector_load %arg12[%get3A_778, %get3A_779] {strides = array<i32>} : memref<128x64xf32, #tpu.memory_space<vmem>>, vector<1x16xf32>,
        %get3A_781 = vector.shape_cast %get3A_780 : vector<1x16xf32> to vector<16xf32>
        %mul3A_782 = vector.broadcast %squeeze3A_755 : f32 to vector<16xf32>
        %mul3A_783 = arith.mulf %get3A_781, %mul3A_782 : vector<16xf32>
        %swap3A_784 = arith.index_cast %add3A_753 : i32 to index
        %swap3A_785 = arith.constant 32 : index
        %swap3A_786 = tpu.vector_load %arg12[%swap3A_784, %swap3A_785] {strides = array<i32>} : memref<128x64xf32, #tpu.memory_space<vmem>>, vector<1x16xf32>,
        %swap3A_787 = vector.shape_cast %swap3A_786 : vector<1x16xf32> to vector<16xf32>
        %swap3A_788 = vector.shape_cast %mul3A_783 : vector<16xf32> to vector<1x16xf32>
        tpu.vector_store %arg12[%swap3A_784, %swap3A_785], %swap3A_788 {strides = array<i32>} : memref<128x64xf32, #tpu.memory_space<vmem>>, vector<1x16xf32>,
        %get3A_789 = arith.index_cast %add3A_753 : i32 to index
        %get3A_790 = arith.constant 48 : index
        %get3A_791 = tpu.vector_load %arg12[%get3A_789, %get3A_790] {strides = array<i32>} : memref<128x64xf32, #tpu.memory_space<vmem>>, vector<1x16xf32>,
        %get3A_792 = vector.shape_cast %get3A_791 : vector<1x16xf32> to vector<16xf32>
        %mul3A_793 = vector.broadcast %squeeze3A_755 : f32 to vector<16xf32>
        %mul3A_794 = arith.mulf %get3A_792, %mul3A_793 : vector<16xf32>
        %swap3A_795 = arith.index_cast %add3A_753 : i32 to index
        %swap3A_796 = arith.constant 48 : index
        %swap3A_797 = tpu.vector_load %arg12[%swap3A_795, %swap3A_796] {strides = array<i32>} : memref<128x64xf32, #tpu.memory_space<vmem>>, vector<1x16xf32>,
        %swap3A_798 = vector.shape_cast %swap3A_797 : vector<1x16xf32> to vector<16xf32>
        %swap3A_799 = vector.shape_cast %mul3A_794 : vector<16xf32> to vector<1x16xf32>
        tpu.vector_store %arg12[%swap3A_795, %swap3A_796], %swap3A_799 {strides = array<i32>} : memref<128x64xf32, #tpu.memory_space<vmem>>, vector<1x16xf32>,
        %mul3A_800 = arith.constant 16 : i32
        %mul3A_801 = arith.muli %scan3A_97, %mul3A_800 : i32
        %add3A_802 = arith.constant 14 : i32
        %add3A_803 = arith.addi %mul3A_801, %add3A_802 : i32
        %slice3A_804 = vector.extract_strided_slice %get3A_102 {offsets = [14], sizes = [1], strides = [1]} : vector<16xf32> to vector<1xf32>
        %squeeze3A_805 = vector.extract %slice3A_804[0] : f32 from vector<1xf32>
        %get3A_806 = arith.index_cast %add3A_803 : i32 to index
        %get3A_807 = arith.constant 0 : index
        %get3A_808 = tpu.vector_load %arg12[%get3A_806, %get3A_807] {strides = array<i32>} : memref<128x64xf32, #tpu.memory_space<vmem>>, vector<1x16xf32>,
        %get3A_809 = vector.shape_cast %get3A_808 : vector<1x16xf32> to vector<16xf32>
        %mul3A_810 = vector.broadcast %squeeze3A_805 : f32 to vector<16xf32>
        %mul3A_811 = arith.mulf %get3A_809, %mul3A_810 : vector<16xf32>
        %swap3A_812 = arith.index_cast %add3A_803 : i32 to index
        %swap3A_813 = arith.constant 0 : index
        %swap3A_814 = tpu.vector_load %arg12[%swap3A_812, %swap3A_813] {strides = array<i32>} : memref<128x64xf32, #tpu.memory_space<vmem>>, vector<1x16xf32>,
        %swap3A_815 = vector.shape_cast %swap3A_814 : vector<1x16xf32> to vector<16xf32>
        %swap3A_816 = vector.shape_cast %mul3A_811 : vector<16xf32> to vector<1x16xf32>
        tpu.vector_store %arg12[%swap3A_812, %swap3A_813], %swap3A_816 {strides = array<i32>} : memref<128x64xf32, #tpu.memory_space<vmem>>, vector<1x16xf32>,
        %get3A_817 = arith.index_cast %add3A_803 : i32 to index
        %get3A_818 = arith.constant 16 : index
        %get3A_819 = tpu.vector_load %arg12[%get3A_817, %get3A_818] {strides = array<i32>} : memref<128x64xf32, #tpu.memory_space<vmem>>, vector<1x16xf32>,
        %get3A_820 = vector.shape_cast %get3A_819 : vector<1x16xf32> to vector<16xf32>
        %mul3A_821 = vector.broadcast %squeeze3A_805 : f32 to vector<16xf32>
        %mul3A_822 = arith.mulf %get3A_820, %mul3A_821 : vector<16xf32>
        %swap3A_823 = arith.index_cast %add3A_803 : i32 to index
        %swap3A_824 = arith.constant 16 : index
        %swap3A_825 = tpu.vector_load %arg12[%swap3A_823, %swap3A_824] {strides = array<i32>} : memref<128x64xf32, #tpu.memory_space<vmem>>, vector<1x16xf32>,
        %swap3A_826 = vector.shape_cast %swap3A_825 : vector<1x16xf32> to vector<16xf32>
        %swap3A_827 = vector.shape_cast %mul3A_822 : vector<16xf32> to vector<1x16xf32>
        tpu.vector_store %arg12[%swap3A_823, %swap3A_824], %swap3A_827 {strides = array<i32>} : memref<128x64xf32, #tpu.memory_space<vmem>>, vector<1x16xf32>,
        %get3A_828 = arith.index_cast %add3A_803 : i32 to index
        %get3A_829 = arith.constant 32 : index
        %get3A_830 = tpu.vector_load %arg12[%get3A_828, %get3A_829] {strides = array<i32>} : memref<128x64xf32, #tpu.memory_space<vmem>>, vector<1x16xf32>,
        %get3A_831 = vector.shape_cast %get3A_830 : vector<1x16xf32> to vector<16xf32>
        %mul3A_832 = vector.broadcast %squeeze3A_805 : f32 to vector<16xf32>
        %mul3A_833 = arith.mulf %get3A_831, %mul3A_832 : vector<16xf32>
        %swap3A_834 = arith.index_cast %add3A_803 : i32 to index
        %swap3A_835 = arith.constant 32 : index
        %swap3A_836 = tpu.vector_load %arg12[%swap3A_834, %swap3A_835] {strides = array<i32>} : memref<128x64xf32, #tpu.memory_space<vmem>>, vector<1x16xf32>,
        %swap3A_837 = vector.shape_cast %swap3A_836 : vector<1x16xf32> to vector<16xf32>
        %swap3A_838 = vector.shape_cast %mul3A_833 : vector<16xf32> to vector<1x16xf32>
        tpu.vector_store %arg12[%swap3A_834, %swap3A_835], %swap3A_838 {strides = array<i32>} : memref<128x64xf32, #tpu.memory_space<vmem>>, vector<1x16xf32>,
        %get3A_839 = arith.index_cast %add3A_803 : i32 to index
        %get3A_840 = arith.constant 48 : index
        %get3A_841 = tpu.vector_load %arg12[%get3A_839, %get3A_840] {strides = array<i32>} : memref<128x64xf32, #tpu.memory_space<vmem>>, vector<1x16xf32>,
        %get3A_842 = vector.shape_cast %get3A_841 : vector<1x16xf32> to vector<16xf32>
        %mul3A_843 = vector.broadcast %squeeze3A_805 : f32 to vector<16xf32>
        %mul3A_844 = arith.mulf %get3A_842, %mul3A_843 : vector<16xf32>
        %swap3A_845 = arith.index_cast %add3A_803 : i32 to index
        %swap3A_846 = arith.constant 48 : index
        %swap3A_847 = tpu.vector_load %arg12[%swap3A_845, %swap3A_846] {strides = array<i32>} : memref<128x64xf32, #tpu.memory_space<vmem>>, vector<1x16xf32>,
        %swap3A_848 = vector.shape_cast %swap3A_847 : vector<1x16xf32> to vector<16xf32>
        %swap3A_849 = vector.shape_cast %mul3A_844 : vector<16xf32> to vector<1x16xf32>
        tpu.vector_store %arg12[%swap3A_845, %swap3A_846], %swap3A_849 {strides = array<i32>} : memref<128x64xf32, #tpu.memory_space<vmem>>, vector<1x16xf32>,
        %mul3A_850 = arith.constant 16 : i32
        %mul3A_851 = arith.muli %scan3A_97, %mul3A_850 : i32
        %add3A_852 = arith.constant 15 : i32
        %add3A_853 = arith.addi %mul3A_851, %add3A_852 : i32
        %slice3A_854 = vector.extract_strided_slice %get3A_102 {offsets = [15], sizes = [1], strides = [1]} : vector<16xf32> to vector<1xf32>
        %squeeze3A_855 = vector.extract %slice3A_854[0] : f32 from vector<1xf32>
        %get3A_856 = arith.index_cast %add3A_853 : i32 to index
        %get3A_857 = arith.constant 0 : index
        %get3A_858 = tpu.vector_load %arg12[%get3A_856, %get3A_857] {strides = array<i32>} : memref<128x64xf32, #tpu.memory_space<vmem>>, vector<1x16xf32>,
        %get3A_859 = vector.shape_cast %get3A_858 : vector<1x16xf32> to vector<16xf32>
        %mul3A_860 = vector.broadcast %squeeze3A_855 : f32 to vector<16xf32>
        %mul3A_861 = arith.mulf %get3A_859, %mul3A_860 : vector<16xf32>
        %swap3A_862 = arith.index_cast %add3A_853 : i32 to index
        %swap3A_863 = arith.constant 0 : index
        %swap3A_864 = tpu.vector_load %arg12[%swap3A_862, %swap3A_863] {strides = array<i32>} : memref<128x64xf32, #tpu.memory_space<vmem>>, vector<1x16xf32>,
        %swap3A_865 = vector.shape_cast %swap3A_864 : vector<1x16xf32> to vector<16xf32>
        %swap3A_866 = vector.shape_cast %mul3A_861 : vector<16xf32> to vector<1x16xf32>
        tpu.vector_store %arg12[%swap3A_862, %swap3A_863], %swap3A_866 {strides = array<i32>} : memref<128x64xf32, #tpu.memory_space<vmem>>, vector<1x16xf32>,
        %get3A_867 = arith.index_cast %add3A_853 : i32 to index
        %get3A_868 = arith.constant 16 : index
        %get3A_869 = tpu.vector_load %arg12[%get3A_867, %get3A_868] {strides = array<i32>} : memref<128x64xf32, #tpu.memory_space<vmem>>, vector<1x16xf32>,
        %get3A_870 = vector.shape_cast %get3A_869 : vector<1x16xf32> to vector<16xf32>
        %mul3A_871 = vector.broadcast %squeeze3A_855 : f32 to vector<16xf32>
        %mul3A_872 = arith.mulf %get3A_870, %mul3A_871 : vector<16xf32>
        %swap3A_873 = arith.index_cast %add3A_853 : i32 to index
        %swap3A_874 = arith.constant 16 : index
        %swap3A_875 = tpu.vector_load %arg12[%swap3A_873, %swap3A_874] {strides = array<i32>} : memref<128x64xf32, #tpu.memory_space<vmem>>, vector<1x16xf32>,
        %swap3A_876 = vector.shape_cast %swap3A_875 : vector<1x16xf32> to vector<16xf32>
        %swap3A_877 = vector.shape_cast %mul3A_872 : vector<16xf32> to vector<1x16xf32>
        tpu.vector_store %arg12[%swap3A_873, %swap3A_874], %swap3A_877 {strides = array<i32>} : memref<128x64xf32, #tpu.memory_space<vmem>>, vector<1x16xf32>,
        %get3A_878 = arith.index_cast %add3A_853 : i32 to index
        %get3A_879 = arith.constant 32 : index
        %get3A_880 = tpu.vector_load %arg12[%get3A_878, %get3A_879] {strides = array<i32>} : memref<128x64xf32, #tpu.memory_space<vmem>>, vector<1x16xf32>,
        %get3A_881 = vector.shape_cast %get3A_880 : vector<1x16xf32> to vector<16xf32>
        %mul3A_882 = vector.broadcast %squeeze3A_855 : f32 to vector<16xf32>
        %mul3A_883 = arith.mulf %get3A_881, %mul3A_882 : vector<16xf32>
        %swap3A_884 = arith.index_cast %add3A_853 : i32 to index
        %swap3A_885 = arith.constant 32 : index
        %swap3A_886 = tpu.vector_load %arg12[%swap3A_884, %swap3A_885] {strides = array<i32>} : memref<128x64xf32, #tpu.memory_space<vmem>>, vector<1x16xf32>,
        %swap3A_887 = vector.shape_cast %swap3A_886 : vector<1x16xf32> to vector<16xf32>
        %swap3A_888 = vector.shape_cast %mul3A_883 : vector<16xf32> to vector<1x16xf32>
        tpu.vector_store %arg12[%swap3A_884, %swap3A_885], %swap3A_888 {strides = array<i32>} : memref<128x64xf32, #tpu.memory_space<vmem>>, vector<1x16xf32>,
        %get3A_889 = arith.index_cast %add3A_853 : i32 to index
        %get3A_890 = arith.constant 48 : index
        %get3A_891 = tpu.vector_load %arg12[%get3A_889, %get3A_890] {strides = array<i32>} : memref<128x64xf32, #tpu.memory_space<vmem>>, vector<1x16xf32>,
        %get3A_892 = vector.shape_cast %get3A_891 : vector<1x16xf32> to vector<16xf32>
        %mul3A_893 = vector.broadcast %squeeze3A_855 : f32 to vector<16xf32>
        %mul3A_894 = arith.mulf %get3A_892, %mul3A_893 : vector<16xf32>
        %swap3A_895 = arith.index_cast %add3A_853 : i32 to index
        %swap3A_896 = arith.constant 48 : index
        %swap3A_897 = tpu.vector_load %arg12[%swap3A_895, %swap3A_896] {strides = array<i32>} : memref<128x64xf32, #tpu.memory_space<vmem>>, vector<1x16xf32>,
        %swap3A_898 = vector.shape_cast %swap3A_897 : vector<1x16xf32> to vector<16xf32>
        %swap3A_899 = vector.shape_cast %mul3A_894 : vector<16xf32> to vector<1x16xf32>
        tpu.vector_store %arg12[%swap3A_895, %swap3A_896], %swap3A_899 {strides = array<i32>} : memref<128x64xf32, #tpu.memory_space<vmem>>, vector<1x16xf32>,
      }
      %scan3A_96 = arith.constant 8 : i32
      "tpu.region"() ({
        %run_scoped3A_97 = tpu.sem_alloc : memref<!tpu.dma_semaphore, #tpu.memory_space<semaphore_mem>>
        %dma_start3A_98 = arith.constant 0 : i32
        %dma_start3A_99 = tpu.memref_slice %arg10[%scan3A_80, %dma_start3A_98] : memref<80x128xi32, #tpu.memory_space<vmem>> -> memref<1x128xi32, #tpu.memory_space<vmem>>
        %dma_start3A_100 = tpu.memref_squeeze %dma_start3A_99 : memref<1x128xi32, #tpu.memory_space<vmem>> -> memref<128xi32, #tpu.memory_space<vmem>>
        %dma_start3A_101 = arith.constant 0 : i32
        %dma_start3A_102 = arith.constant 0 : i32
        %dma_start3A_103 = tpu.memref_slice %arg14[%dma_start3A_101, %dma_start3A_102] : memref<10240x64xf32, #tpu.memory_space<vmem_shared>> -> memref<10240x64xf32, #tpu.memory_space<vmem_shared>>
        tpu.enqueue_indirect_dma source(%arg12 : memref<128x64xf32, #tpu.memory_space<vmem>>) target(%dma_start3A_103 : memref<10240x64xf32, #tpu.memory_space<vmem_shared>>) offsets(%dma_start3A_100 : memref<128xi32, #tpu.memory_space<vmem>>) semaphore(%run_scoped3A_97 : memref<!tpu.dma_semaphore, #tpu.memory_space<semaphore_mem>>) {add = true}
        %dma_wait3A_104 = arith.constant 0 : i32
        %dma_wait3A_105 = tpu.memref_slice %arg10[%scan3A_80, %dma_wait3A_104] : memref<80x128xi32, #tpu.memory_space<vmem>> -> memref<1x128xi32, #tpu.memory_space<vmem>>
        %dma_wait3A_106 = tpu.memref_squeeze %dma_wait3A_105 : memref<1x128xi32, #tpu.memory_space<vmem>> -> memref<128xi32, #tpu.memory_space<vmem>>
        %dma_wait3A_107 = arith.constant 0 : i32
        %dma_wait3A_108 = arith.constant 0 : i32
        %dma_wait3A_109 = tpu.memref_slice %arg14[%dma_wait3A_107, %dma_wait3A_108] : memref<10240x64xf32, #tpu.memory_space<vmem_shared>> -> memref<10240x64xf32, #tpu.memory_space<vmem_shared>>
        tpu.wait_indirect_dma semaphore(%run_scoped3A_97 : memref<!tpu.dma_semaphore, #tpu.memory_space<semaphore_mem>>) src(%arg12 : memref<128x64xf32, #tpu.memory_space<vmem>>) dst(%dma_wait3A_109 : memref<10240x64xf32, #tpu.memory_space<vmem_shared>>)
        tpu.yield
      }) : () -> ()
    }
    %scan3A_39 = arith.constant 80 : i32
    %barrier3A_40 = arith.constant 0 : index
    tpu.barrier barrier_id(%barrier3A_40)
    %mul3A_41 = arith.constant 640 : i32
    %mul3A_42 = arith.muli %arg1, %mul3A_41 : i32
    %mul3A_43 = arith.constant 640 : i32
    %mul3A_44 = arith.muli %arg1, %mul3A_43 : i32
    %run_scoped3A = arith.constant 0 : i32
    "tpu.region"() ({
      %run_scoped3A_80 = tpu.sem_alloc : memref<!tpu.dma_semaphore, #tpu.memory_space<semaphore_mem>>
      %dma_start3A = arith.constant 0 : i32
      %dma_start3A_81 = tpu.memref_slice %arg7[%arg0, %run_scoped3A, %mul3A_44, %dma_start3A] : memref<2x2x10240x64xf32, #tpu.memory_space<hbm>> -> memref<1x1x640x64xf32, #tpu.memory_space<hbm>>
      %dma_start3A_82 = tpu.memref_squeeze %dma_start3A_81 : memref<1x1x640x64xf32, #tpu.memory_space<hbm>> -> memref<640x64xf32, #tpu.memory_space<hbm>>
      %dma_start3A_83 = arith.constant 0 : i32
      %dma_start3A_84 = tpu.memref_slice %arg14[%mul3A_42, %dma_start3A_83] : memref<10240x64xf32, #tpu.memory_space<vmem_shared>> -> memref<640x64xf32, #tpu.memory_space<vmem_shared>>
      tpu.enqueue_dma source(%dma_start3A_84 : memref<640x64xf32, #tpu.memory_space<vmem_shared>>) target(%dma_start3A_82 : memref<640x64xf32, #tpu.memory_space<hbm>>) target_semaphore(%run_scoped3A_80 : memref<!tpu.dma_semaphore, #tpu.memory_space<semaphore_mem>>)
      %dma_wait3A = arith.constant 0 : i32
      %dma_wait3A_85 = tpu.memref_slice %arg7[%arg0, %run_scoped3A, %mul3A_44, %dma_wait3A] : memref<2x2x10240x64xf32, #tpu.memory_space<hbm>> -> memref<1x1x640x64xf32, #tpu.memory_space<hbm>>
      %dma_wait3A_86 = tpu.memref_squeeze %dma_wait3A_85 : memref<1x1x640x64xf32, #tpu.memory_space<hbm>> -> memref<640x64xf32, #tpu.memory_space<hbm>>
      %dma_wait3A_87 = arith.constant 0 : i32
      %dma_wait3A_88 = tpu.memref_slice %arg14[%mul3A_42, %dma_wait3A_87] : memref<10240x64xf32, #tpu.memory_space<vmem_shared>> -> memref<640x64xf32, #tpu.memory_space<vmem_shared>>
      tpu.wait_dma2 semaphore(%run_scoped3A_80 : memref<!tpu.dma_semaphore, #tpu.memory_space<semaphore_mem>>) src(%dma_wait3A_88 : memref<640x64xf32, #tpu.memory_space<vmem_shared>>) dst(%dma_wait3A_86 : memref<640x64xf32, #tpu.memory_space<hbm>>)
      tpu.yield
    }) : () -> ()
    %barrier3A_45 = arith.constant 0 : index
    tpu.barrier barrier_id(%barrier3A_45)
    %mul3A_46 = arith.constant 640 : i32
    %mul3A_47 = arith.muli %arg1, %mul3A_46 : i32
    %add3A_48 = arith.constant 0 : i32
    %add3A_49 = arith.addi %mul3A_47, %add3A_48 : i32
    "tpu.region"() ({
      %run_scoped3A_80 = tpu.sem_alloc : memref<!tpu.dma_semaphore, #tpu.memory_space<semaphore_mem>>
      %dma_start3A = arith.constant 0 : i32
      %dma_start3A_81 = tpu.memref_slice %arg14[%add3A_49, %dma_start3A] : memref<10240x64xf32, #tpu.memory_space<vmem_shared>> -> memref<128x64xf32, #tpu.memory_space<vmem_shared>>
      %dma_start3A_82 = arith.constant 0 : i32
      %dma_start3A_83 = tpu.memref_slice %arg14[%add3A_49, %dma_start3A_82] : memref<10240x64xf32, #tpu.memory_space<vmem_shared>> -> memref<128x64xf32, #tpu.memory_space<vmem_shared>>
      tpu.enqueue_dma source(%arg13 : memref<128x64xf32, #tpu.memory_space<vmem>>) target(%dma_start3A_83 : memref<128x64xf32, #tpu.memory_space<vmem_shared>>) target_semaphore(%run_scoped3A_80 : memref<!tpu.dma_semaphore, #tpu.memory_space<semaphore_mem>>)
      %dma_wait3A = arith.constant 0 : i32
      %dma_wait3A_84 = tpu.memref_slice %arg14[%add3A_49, %dma_wait3A] : memref<10240x64xf32, #tpu.memory_space<vmem_shared>> -> memref<128x64xf32, #tpu.memory_space<vmem_shared>>
      %dma_wait3A_85 = arith.constant 0 : i32
      %dma_wait3A_86 = tpu.memref_slice %arg14[%add3A_49, %dma_wait3A_85] : memref<10240x64xf32, #tpu.memory_space<vmem_shared>> -> memref<128x64xf32, #tpu.memory_space<vmem_shared>>
      tpu.wait_dma2 semaphore(%run_scoped3A_80 : memref<!tpu.dma_semaphore, #tpu.memory_space<semaphore_mem>>) src(%arg13 : memref<128x64xf32, #tpu.memory_space<vmem>>) dst(%dma_wait3A_86 : memref<128x64xf32, #tpu.memory_space<vmem_shared>>)
      tpu.yield
    }) : () -> ()
    %mul3A_50 = arith.constant 640 : i32
    %mul3A_51 = arith.muli %arg1, %mul3A_50 : i32
    %add3A_52 = arith.constant 128 : i32
    %add3A_53 = arith.addi %mul3A_51, %add3A_52 : i32
    "tpu.region"() ({
      %run_scoped3A_80 = tpu.sem_alloc : memref<!tpu.dma_semaphore, #tpu.memory_space<semaphore_mem>>
      %dma_start3A = arith.constant 0 : i32
      %dma_start3A_81 = tpu.memref_slice %arg14[%add3A_53, %dma_start3A] : memref<10240x64xf32, #tpu.memory_space<vmem_shared>> -> memref<128x64xf32, #tpu.memory_space<vmem_shared>>
      %dma_start3A_82 = arith.constant 0 : i32
      %dma_start3A_83 = tpu.memref_slice %arg14[%add3A_53, %dma_start3A_82] : memref<10240x64xf32, #tpu.memory_space<vmem_shared>> -> memref<128x64xf32, #tpu.memory_space<vmem_shared>>
      tpu.enqueue_dma source(%arg13 : memref<128x64xf32, #tpu.memory_space<vmem>>) target(%dma_start3A_83 : memref<128x64xf32, #tpu.memory_space<vmem_shared>>) target_semaphore(%run_scoped3A_80 : memref<!tpu.dma_semaphore, #tpu.memory_space<semaphore_mem>>)
      %dma_wait3A = arith.constant 0 : i32
      %dma_wait3A_84 = tpu.memref_slice %arg14[%add3A_53, %dma_wait3A] : memref<10240x64xf32, #tpu.memory_space<vmem_shared>> -> memref<128x64xf32, #tpu.memory_space<vmem_shared>>
      %dma_wait3A_85 = arith.constant 0 : i32
      %dma_wait3A_86 = tpu.memref_slice %arg14[%add3A_53, %dma_wait3A_85] : memref<10240x64xf32, #tpu.memory_space<vmem_shared>> -> memref<128x64xf32, #tpu.memory_space<vmem_shared>>
      tpu.wait_dma2 semaphore(%run_scoped3A_80 : memref<!tpu.dma_semaphore, #tpu.memory_space<semaphore_mem>>) src(%arg13 : memref<128x64xf32, #tpu.memory_space<vmem>>) dst(%dma_wait3A_86 : memref<128x64xf32, #tpu.memory_space<vmem_shared>>)
      tpu.yield
    }) : () -> ()
    %mul3A_54 = arith.constant 640 : i32
    %mul3A_55 = arith.muli %arg1, %mul3A_54 : i32
    %add3A_56 = arith.constant 256 : i32
    %add3A_57 = arith.addi %mul3A_55, %add3A_56 : i32
    "tpu.region"() ({
      %run_scoped3A_80 = tpu.sem_alloc : memref<!tpu.dma_semaphore, #tpu.memory_space<semaphore_mem>>
      %dma_start3A = arith.constant 0 : i32
      %dma_start3A_81 = tpu.memref_slice %arg14[%add3A_57, %dma_start3A] : memref<10240x64xf32, #tpu.memory_space<vmem_shared>> -> memref<128x64xf32, #tpu.memory_space<vmem_shared>>
      %dma_start3A_82 = arith.constant 0 : i32
      %dma_start3A_83 = tpu.memref_slice %arg14[%add3A_57, %dma_start3A_82] : memref<10240x64xf32, #tpu.memory_space<vmem_shared>> -> memref<128x64xf32, #tpu.memory_space<vmem_shared>>
      tpu.enqueue_dma source(%arg13 : memref<128x64xf32, #tpu.memory_space<vmem>>) target(%dma_start3A_83 : memref<128x64xf32, #tpu.memory_space<vmem_shared>>) target_semaphore(%run_scoped3A_80 : memref<!tpu.dma_semaphore, #tpu.memory_space<semaphore_mem>>)
      %dma_wait3A = arith.constant 0 : i32
      %dma_wait3A_84 = tpu.memref_slice %arg14[%add3A_57, %dma_wait3A] : memref<10240x64xf32, #tpu.memory_space<vmem_shared>> -> memref<128x64xf32, #tpu.memory_space<vmem_shared>>
      %dma_wait3A_85 = arith.constant 0 : i32
      %dma_wait3A_86 = tpu.memref_slice %arg14[%add3A_57, %dma_wait3A_85] : memref<10240x64xf32, #tpu.memory_space<vmem_shared>> -> memref<128x64xf32, #tpu.memory_space<vmem_shared>>
      tpu.wait_dma2 semaphore(%run_scoped3A_80 : memref<!tpu.dma_semaphore, #tpu.memory_space<semaphore_mem>>) src(%arg13 : memref<128x64xf32, #tpu.memory_space<vmem>>) dst(%dma_wait3A_86 : memref<128x64xf32, #tpu.memory_space<vmem_shared>>)
      tpu.yield
    }) : () -> ()
    %mul3A_58 = arith.constant 640 : i32
    %mul3A_59 = arith.muli %arg1, %mul3A_58 : i32
    %add3A_60 = arith.constant 384 : i32
    %add3A_61 = arith.addi %mul3A_59, %add3A_60 : i32
    "tpu.region"() ({
      %run_scoped3A_80 = tpu.sem_alloc : memref<!tpu.dma_semaphore, #tpu.memory_space<semaphore_mem>>
      %dma_start3A = arith.constant 0 : i32
      %dma_start3A_81 = tpu.memref_slice %arg14[%add3A_61, %dma_start3A] : memref<10240x64xf32, #tpu.memory_space<vmem_shared>> -> memref<128x64xf32, #tpu.memory_space<vmem_shared>>
      %dma_start3A_82 = arith.constant 0 : i32
      %dma_start3A_83 = tpu.memref_slice %arg14[%add3A_61, %dma_start3A_82] : memref<10240x64xf32, #tpu.memory_space<vmem_shared>> -> memref<128x64xf32, #tpu.memory_space<vmem_shared>>
      tpu.enqueue_dma source(%arg13 : memref<128x64xf32, #tpu.memory_space<vmem>>) target(%dma_start3A_83 : memref<128x64xf32, #tpu.memory_space<vmem_shared>>) target_semaphore(%run_scoped3A_80 : memref<!tpu.dma_semaphore, #tpu.memory_space<semaphore_mem>>)
      %dma_wait3A = arith.constant 0 : i32
      %dma_wait3A_84 = tpu.memref_slice %arg14[%add3A_61, %dma_wait3A] : memref<10240x64xf32, #tpu.memory_space<vmem_shared>> -> memref<128x64xf32, #tpu.memory_space<vmem_shared>>
      %dma_wait3A_85 = arith.constant 0 : i32
      %dma_wait3A_86 = tpu.memref_slice %arg14[%add3A_61, %dma_wait3A_85] : memref<10240x64xf32, #tpu.memory_space<vmem_shared>> -> memref<128x64xf32, #tpu.memory_space<vmem_shared>>
      tpu.wait_dma2 semaphore(%run_scoped3A_80 : memref<!tpu.dma_semaphore, #tpu.memory_space<semaphore_mem>>) src(%arg13 : memref<128x64xf32, #tpu.memory_space<vmem>>) dst(%dma_wait3A_86 : memref<128x64xf32, #tpu.memory_space<vmem_shared>>)
      tpu.yield
    }) : () -> ()
    %mul3A_62 = arith.constant 640 : i32
    %mul3A_63 = arith.muli %arg1, %mul3A_62 : i32
    %add3A_64 = arith.constant 512 : i32
    %add3A_65 = arith.addi %mul3A_63, %add3A_64 : i32
    "tpu.region"() ({
      %run_scoped3A_80 = tpu.sem_alloc : memref<!tpu.dma_semaphore, #tpu.memory_space<semaphore_mem>>
      %dma_start3A = arith.constant 0 : i32
      %dma_start3A_81 = tpu.memref_slice %arg14[%add3A_65, %dma_start3A] : memref<10240x64xf32, #tpu.memory_space<vmem_shared>> -> memref<128x64xf32, #tpu.memory_space<vmem_shared>>
      %dma_start3A_82 = arith.constant 0 : i32
      %dma_start3A_83 = tpu.memref_slice %arg14[%add3A_65, %dma_start3A_82] : memref<10240x64xf32, #tpu.memory_space<vmem_shared>> -> memref<128x64xf32, #tpu.memory_space<vmem_shared>>
      tpu.enqueue_dma source(%arg13 : memref<128x64xf32, #tpu.memory_space<vmem>>) target(%dma_start3A_83 : memref<128x64xf32, #tpu.memory_space<vmem_shared>>) target_semaphore(%run_scoped3A_80 : memref<!tpu.dma_semaphore, #tpu.memory_space<semaphore_mem>>)
      %dma_wait3A = arith.constant 0 : i32
      %dma_wait3A_84 = tpu.memref_slice %arg14[%add3A_65, %dma_wait3A] : memref<10240x64xf32, #tpu.memory_space<vmem_shared>> -> memref<128x64xf32, #tpu.memory_space<vmem_shared>>
      %dma_wait3A_85 = arith.constant 0 : i32
      %dma_wait3A_86 = tpu.memref_slice %arg14[%add3A_65, %dma_wait3A_85] : memref<10240x64xf32, #tpu.memory_space<vmem_shared>> -> memref<128x64xf32, #tpu.memory_space<vmem_shared>>
      tpu.wait_dma2 semaphore(%run_scoped3A_80 : memref<!tpu.dma_semaphore, #tpu.memory_space<semaphore_mem>>) src(%arg13 : memref<128x64xf32, #tpu.memory_space<vmem>>) dst(%dma_wait3A_86 : memref<128x64xf32, #tpu.memory_space<vmem_shared>>)
      tpu.yield
    }) : () -> ()
    %barrier3A_66 = arith.constant 0 : index
    tpu.barrier barrier_id(%barrier3A_66)
    %scan3A_67 = arith.constant 0 : i32
    %scan3A_68 = arith.constant 0 : i32
    %scan3A_69 = arith.constant 80 : i32
    %scan3A_70 = arith.addi %scan3A_68, %scan3A_69 : i32
    %scan3A_71 = arith.constant 1 : i32
    scf.for %scan3A_80 = %scan3A_68 to %scan3A_70 step %scan3A_71  : i32 {
      %dma_start3A = arith.constant 0 : i32
      %dma_start3A_81 = tpu.memref_slice %arg9[%scan3A_80, %dma_start3A] : memref<80x128xi32, #tpu.memory_space<vmem>> -> memref<1x128xi32, #tpu.memory_space<vmem>>
      %dma_start3A_82 = tpu.memref_squeeze %dma_start3A_81 : memref<1x128xi32, #tpu.memory_space<vmem>> -> memref<128xi32, #tpu.memory_space<vmem>>
      %dma_start3A_83 = arith.constant 0 : i32
      %dma_start3A_84 = arith.constant 0 : i32
      %dma_start3A_85 = tpu.memref_slice %arg2[%dma_start3A_83, %dma_start3A_84] : memref<20000x64xf32, #tpu.memory_space<hbm>> -> memref<20000x64xf32, #tpu.memory_space<hbm>>
      tpu.enqueue_indirect_dma source(%dma_start3A_85 : memref<20000x64xf32, #tpu.memory_space<hbm>>) target(%arg12 : memref<128x64xf32, #tpu.memory_space<vmem>>) offsets(%dma_start3A_82 : memref<128xi32, #tpu.memory_space<vmem>>) semaphore(%arg15 : memref<!tpu.dma_semaphore, #tpu.memory_space<semaphore_mem>>)
      %dma_wait3A = arith.constant 0 : i32
      %dma_wait3A_86 = tpu.memref_slice %arg9[%scan3A_80, %dma_wait3A] : memref<80x128xi32, #tpu.memory_space<vmem>> -> memref<1x128xi32, #tpu.memory_space<vmem>>
      %dma_wait3A_87 = tpu.memref_squeeze %dma_wait3A_86 : memref<1x128xi32, #tpu.memory_space<vmem>> -> memref<128xi32, #tpu.memory_space<vmem>>
      %dma_wait3A_88 = arith.constant 0 : i32
      %dma_wait3A_89 = arith.constant 0 : i32
      %dma_wait3A_90 = tpu.memref_slice %arg2[%dma_wait3A_88, %dma_wait3A_89] : memref<20000x64xf32, #tpu.memory_space<hbm>> -> memref<20000x64xf32, #tpu.memory_space<hbm>>
      tpu.wait_indirect_dma semaphore(%arg15 : memref<!tpu.dma_semaphore, #tpu.memory_space<semaphore_mem>>) src(%dma_wait3A_90 : memref<20000x64xf32, #tpu.memory_space<hbm>>) dst(%arg12 : memref<128x64xf32, #tpu.memory_space<vmem>>)
      %scan3A_91 = arith.constant 0 : i32
      %scan3A_92 = arith.constant 0 : i32
      %scan3A_93 = arith.constant 8 : i32
      %scan3A_94 = arith.addi %scan3A_92, %scan3A_93 : i32
      %scan3A_95 = arith.constant 1 : i32
      scf.for %scan3A_97 = %scan3A_92 to %scan3A_94 step %scan3A_95  : i32 {
        %mul3A_98 = arith.constant 16 : i32
        %mul3A_99 = arith.muli %scan3A_97, %mul3A_98 : i32
        %get3A = arith.index_cast %scan3A_80 : i32 to index
        %get3A_100 = arith.index_cast %mul3A_99 : i32 to index
        %get3A_101 = tpu.vector_load %arg11[%get3A, %get3A_100] {strides = array<i32>} : memref<80x128xf32, #tpu.memory_space<vmem>>, vector<1x16xf32>,
        %get3A_102 = vector.shape_cast %get3A_101 : vector<1x16xf32> to vector<16xf32>
        %mul3A_103 = arith.constant 16 : i32
        %mul3A_104 = arith.muli %scan3A_97, %mul3A_103 : i32
        %add3A_105 = arith.constant 0 : i32
        %add3A_106 = arith.addi %mul3A_104, %add3A_105 : i32
        %slice3A = vector.extract_strided_slice %get3A_102 {offsets = [0], sizes = [1], strides = [1]} : vector<16xf32> to vector<1xf32>
        %squeeze3A = vector.extract %slice3A[0] : f32 from vector<1xf32>
        %get3A_107 = arith.index_cast %add3A_106 : i32 to index
        %get3A_108 = arith.constant 0 : index
        %get3A_109 = tpu.vector_load %arg12[%get3A_107, %get3A_108] {strides = array<i32>} : memref<128x64xf32, #tpu.memory_space<vmem>>, vector<1x16xf32>,
        %get3A_110 = vector.shape_cast %get3A_109 : vector<1x16xf32> to vector<16xf32>
        %mul3A_111 = vector.broadcast %squeeze3A : f32 to vector<16xf32>
        %mul3A_112 = arith.mulf %get3A_110, %mul3A_111 : vector<16xf32>
        %swap3A = arith.index_cast %add3A_106 : i32 to index
        %swap3A_113 = arith.constant 0 : index
        %swap3A_114 = tpu.vector_load %arg12[%swap3A, %swap3A_113] {strides = array<i32>} : memref<128x64xf32, #tpu.memory_space<vmem>>, vector<1x16xf32>,
        %swap3A_115 = vector.shape_cast %swap3A_114 : vector<1x16xf32> to vector<16xf32>
        %swap3A_116 = vector.shape_cast %mul3A_112 : vector<16xf32> to vector<1x16xf32>
        tpu.vector_store %arg12[%swap3A, %swap3A_113], %swap3A_116 {strides = array<i32>} : memref<128x64xf32, #tpu.memory_space<vmem>>, vector<1x16xf32>,
        %get3A_117 = arith.index_cast %add3A_106 : i32 to index
        %get3A_118 = arith.constant 16 : index
        %get3A_119 = tpu.vector_load %arg12[%get3A_117, %get3A_118] {strides = array<i32>} : memref<128x64xf32, #tpu.memory_space<vmem>>, vector<1x16xf32>,
        %get3A_120 = vector.shape_cast %get3A_119 : vector<1x16xf32> to vector<16xf32>
        %mul3A_121 = vector.broadcast %squeeze3A : f32 to vector<16xf32>
        %mul3A_122 = arith.mulf %get3A_120, %mul3A_121 : vector<16xf32>
        %swap3A_123 = arith.index_cast %add3A_106 : i32 to index
        %swap3A_124 = arith.constant 16 : index
        %swap3A_125 = tpu.vector_load %arg12[%swap3A_123, %swap3A_124] {strides = array<i32>} : memref<128x64xf32, #tpu.memory_space<vmem>>, vector<1x16xf32>,
        %swap3A_126 = vector.shape_cast %swap3A_125 : vector<1x16xf32> to vector<16xf32>
        %swap3A_127 = vector.shape_cast %mul3A_122 : vector<16xf32> to vector<1x16xf32>
        tpu.vector_store %arg12[%swap3A_123, %swap3A_124], %swap3A_127 {strides = array<i32>} : memref<128x64xf32, #tpu.memory_space<vmem>>, vector<1x16xf32>,
        %get3A_128 = arith.index_cast %add3A_106 : i32 to index
        %get3A_129 = arith.constant 32 : index
        %get3A_130 = tpu.vector_load %arg12[%get3A_128, %get3A_129] {strides = array<i32>} : memref<128x64xf32, #tpu.memory_space<vmem>>, vector<1x16xf32>,
        %get3A_131 = vector.shape_cast %get3A_130 : vector<1x16xf32> to vector<16xf32>
        %mul3A_132 = vector.broadcast %squeeze3A : f32 to vector<16xf32>
        %mul3A_133 = arith.mulf %get3A_131, %mul3A_132 : vector<16xf32>
        %swap3A_134 = arith.index_cast %add3A_106 : i32 to index
        %swap3A_135 = arith.constant 32 : index
        %swap3A_136 = tpu.vector_load %arg12[%swap3A_134, %swap3A_135] {strides = array<i32>} : memref<128x64xf32, #tpu.memory_space<vmem>>, vector<1x16xf32>,
        %swap3A_137 = vector.shape_cast %swap3A_136 : vector<1x16xf32> to vector<16xf32>
        %swap3A_138 = vector.shape_cast %mul3A_133 : vector<16xf32> to vector<1x16xf32>
        tpu.vector_store %arg12[%swap3A_134, %swap3A_135], %swap3A_138 {strides = array<i32>} : memref<128x64xf32, #tpu.memory_space<vmem>>, vector<1x16xf32>,
        %get3A_139 = arith.index_cast %add3A_106 : i32 to index
        %get3A_140 = arith.constant 48 : index
        %get3A_141 = tpu.vector_load %arg12[%get3A_139, %get3A_140] {strides = array<i32>} : memref<128x64xf32, #tpu.memory_space<vmem>>, vector<1x16xf32>,
        %get3A_142 = vector.shape_cast %get3A_141 : vector<1x16xf32> to vector<16xf32>
        %mul3A_143 = vector.broadcast %squeeze3A : f32 to vector<16xf32>
        %mul3A_144 = arith.mulf %get3A_142, %mul3A_143 : vector<16xf32>
        %swap3A_145 = arith.index_cast %add3A_106 : i32 to index
        %swap3A_146 = arith.constant 48 : index
        %swap3A_147 = tpu.vector_load %arg12[%swap3A_145, %swap3A_146] {strides = array<i32>} : memref<128x64xf32, #tpu.memory_space<vmem>>, vector<1x16xf32>,
        %swap3A_148 = vector.shape_cast %swap3A_147 : vector<1x16xf32> to vector<16xf32>
        %swap3A_149 = vector.shape_cast %mul3A_144 : vector<16xf32> to vector<1x16xf32>
        tpu.vector_store %arg12[%swap3A_145, %swap3A_146], %swap3A_149 {strides = array<i32>} : memref<128x64xf32, #tpu.memory_space<vmem>>, vector<1x16xf32>,
        %mul3A_150 = arith.constant 16 : i32
        %mul3A_151 = arith.muli %scan3A_97, %mul3A_150 : i32
        %add3A_152 = arith.constant 1 : i32
        %add3A_153 = arith.addi %mul3A_151, %add3A_152 : i32
        %slice3A_154 = vector.extract_strided_slice %get3A_102 {offsets = [1], sizes = [1], strides = [1]} : vector<16xf32> to vector<1xf32>
        %squeeze3A_155 = vector.extract %slice3A_154[0] : f32 from vector<1xf32>
        %get3A_156 = arith.index_cast %add3A_153 : i32 to index
        %get3A_157 = arith.constant 0 : index
        %get3A_158 = tpu.vector_load %arg12[%get3A_156, %get3A_157] {strides = array<i32>} : memref<128x64xf32, #tpu.memory_space<vmem>>, vector<1x16xf32>,
        %get3A_159 = vector.shape_cast %get3A_158 : vector<1x16xf32> to vector<16xf32>
        %mul3A_160 = vector.broadcast %squeeze3A_155 : f32 to vector<16xf32>
        %mul3A_161 = arith.mulf %get3A_159, %mul3A_160 : vector<16xf32>
        %swap3A_162 = arith.index_cast %add3A_153 : i32 to index
        %swap3A_163 = arith.constant 0 : index
        %swap3A_164 = tpu.vector_load %arg12[%swap3A_162, %swap3A_163] {strides = array<i32>} : memref<128x64xf32, #tpu.memory_space<vmem>>, vector<1x16xf32>,
        %swap3A_165 = vector.shape_cast %swap3A_164 : vector<1x16xf32> to vector<16xf32>
        %swap3A_166 = vector.shape_cast %mul3A_161 : vector<16xf32> to vector<1x16xf32>
        tpu.vector_store %arg12[%swap3A_162, %swap3A_163], %swap3A_166 {strides = array<i32>} : memref<128x64xf32, #tpu.memory_space<vmem>>, vector<1x16xf32>,
        %get3A_167 = arith.index_cast %add3A_153 : i32 to index
        %get3A_168 = arith.constant 16 : index
        %get3A_169 = tpu.vector_load %arg12[%get3A_167, %get3A_168] {strides = array<i32>} : memref<128x64xf32, #tpu.memory_space<vmem>>, vector<1x16xf32>,
        %get3A_170 = vector.shape_cast %get3A_169 : vector<1x16xf32> to vector<16xf32>
        %mul3A_171 = vector.broadcast %squeeze3A_155 : f32 to vector<16xf32>
        %mul3A_172 = arith.mulf %get3A_170, %mul3A_171 : vector<16xf32>
        %swap3A_173 = arith.index_cast %add3A_153 : i32 to index
        %swap3A_174 = arith.constant 16 : index
        %swap3A_175 = tpu.vector_load %arg12[%swap3A_173, %swap3A_174] {strides = array<i32>} : memref<128x64xf32, #tpu.memory_space<vmem>>, vector<1x16xf32>,
        %swap3A_176 = vector.shape_cast %swap3A_175 : vector<1x16xf32> to vector<16xf32>
        %swap3A_177 = vector.shape_cast %mul3A_172 : vector<16xf32> to vector<1x16xf32>
        tpu.vector_store %arg12[%swap3A_173, %swap3A_174], %swap3A_177 {strides = array<i32>} : memref<128x64xf32, #tpu.memory_space<vmem>>, vector<1x16xf32>,
        %get3A_178 = arith.index_cast %add3A_153 : i32 to index
        %get3A_179 = arith.constant 32 : index
        %get3A_180 = tpu.vector_load %arg12[%get3A_178, %get3A_179] {strides = array<i32>} : memref<128x64xf32, #tpu.memory_space<vmem>>, vector<1x16xf32>,
        %get3A_181 = vector.shape_cast %get3A_180 : vector<1x16xf32> to vector<16xf32>
        %mul3A_182 = vector.broadcast %squeeze3A_155 : f32 to vector<16xf32>
        %mul3A_183 = arith.mulf %get3A_181, %mul3A_182 : vector<16xf32>
        %swap3A_184 = arith.index_cast %add3A_153 : i32 to index
        %swap3A_185 = arith.constant 32 : index
        %swap3A_186 = tpu.vector_load %arg12[%swap3A_184, %swap3A_185] {strides = array<i32>} : memref<128x64xf32, #tpu.memory_space<vmem>>, vector<1x16xf32>,
        %swap3A_187 = vector.shape_cast %swap3A_186 : vector<1x16xf32> to vector<16xf32>
        %swap3A_188 = vector.shape_cast %mul3A_183 : vector<16xf32> to vector<1x16xf32>
        tpu.vector_store %arg12[%swap3A_184, %swap3A_185], %swap3A_188 {strides = array<i32>} : memref<128x64xf32, #tpu.memory_space<vmem>>, vector<1x16xf32>,
        %get3A_189 = arith.index_cast %add3A_153 : i32 to index
        %get3A_190 = arith.constant 48 : index
        %get3A_191 = tpu.vector_load %arg12[%get3A_189, %get3A_190] {strides = array<i32>} : memref<128x64xf32, #tpu.memory_space<vmem>>, vector<1x16xf32>,
        %get3A_192 = vector.shape_cast %get3A_191 : vector<1x16xf32> to vector<16xf32>
        %mul3A_193 = vector.broadcast %squeeze3A_155 : f32 to vector<16xf32>
        %mul3A_194 = arith.mulf %get3A_192, %mul3A_193 : vector<16xf32>
        %swap3A_195 = arith.index_cast %add3A_153 : i32 to index
        %swap3A_196 = arith.constant 48 : index
        %swap3A_197 = tpu.vector_load %arg12[%swap3A_195, %swap3A_196] {strides = array<i32>} : memref<128x64xf32, #tpu.memory_space<vmem>>, vector<1x16xf32>,
        %swap3A_198 = vector.shape_cast %swap3A_197 : vector<1x16xf32> to vector<16xf32>
        %swap3A_199 = vector.shape_cast %mul3A_194 : vector<16xf32> to vector<1x16xf32>
        tpu.vector_store %arg12[%swap3A_195, %swap3A_196], %swap3A_199 {strides = array<i32>} : memref<128x64xf32, #tpu.memory_space<vmem>>, vector<1x16xf32>,
        %mul3A_200 = arith.constant 16 : i32
        %mul3A_201 = arith.muli %scan3A_97, %mul3A_200 : i32
        %add3A_202 = arith.constant 2 : i32
        %add3A_203 = arith.addi %mul3A_201, %add3A_202 : i32
        %slice3A_204 = vector.extract_strided_slice %get3A_102 {offsets = [2], sizes = [1], strides = [1]} : vector<16xf32> to vector<1xf32>
        %squeeze3A_205 = vector.extract %slice3A_204[0] : f32 from vector<1xf32>
        %get3A_206 = arith.index_cast %add3A_203 : i32 to index
        %get3A_207 = arith.constant 0 : index
        %get3A_208 = tpu.vector_load %arg12[%get3A_206, %get3A_207] {strides = array<i32>} : memref<128x64xf32, #tpu.memory_space<vmem>>, vector<1x16xf32>,
        %get3A_209 = vector.shape_cast %get3A_208 : vector<1x16xf32> to vector<16xf32>
        %mul3A_210 = vector.broadcast %squeeze3A_205 : f32 to vector<16xf32>
        %mul3A_211 = arith.mulf %get3A_209, %mul3A_210 : vector<16xf32>
        %swap3A_212 = arith.index_cast %add3A_203 : i32 to index
        %swap3A_213 = arith.constant 0 : index
        %swap3A_214 = tpu.vector_load %arg12[%swap3A_212, %swap3A_213] {strides = array<i32>} : memref<128x64xf32, #tpu.memory_space<vmem>>, vector<1x16xf32>,
        %swap3A_215 = vector.shape_cast %swap3A_214 : vector<1x16xf32> to vector<16xf32>
        %swap3A_216 = vector.shape_cast %mul3A_211 : vector<16xf32> to vector<1x16xf32>
        tpu.vector_store %arg12[%swap3A_212, %swap3A_213], %swap3A_216 {strides = array<i32>} : memref<128x64xf32, #tpu.memory_space<vmem>>, vector<1x16xf32>,
        %get3A_217 = arith.index_cast %add3A_203 : i32 to index
        %get3A_218 = arith.constant 16 : index
        %get3A_219 = tpu.vector_load %arg12[%get3A_217, %get3A_218] {strides = array<i32>} : memref<128x64xf32, #tpu.memory_space<vmem>>, vector<1x16xf32>,
        %get3A_220 = vector.shape_cast %get3A_219 : vector<1x16xf32> to vector<16xf32>
        %mul3A_221 = vector.broadcast %squeeze3A_205 : f32 to vector<16xf32>
        %mul3A_222 = arith.mulf %get3A_220, %mul3A_221 : vector<16xf32>
        %swap3A_223 = arith.index_cast %add3A_203 : i32 to index
        %swap3A_224 = arith.constant 16 : index
        %swap3A_225 = tpu.vector_load %arg12[%swap3A_223, %swap3A_224] {strides = array<i32>} : memref<128x64xf32, #tpu.memory_space<vmem>>, vector<1x16xf32>,
        %swap3A_226 = vector.shape_cast %swap3A_225 : vector<1x16xf32> to vector<16xf32>
        %swap3A_227 = vector.shape_cast %mul3A_222 : vector<16xf32> to vector<1x16xf32>
        tpu.vector_store %arg12[%swap3A_223, %swap3A_224], %swap3A_227 {strides = array<i32>} : memref<128x64xf32, #tpu.memory_space<vmem>>, vector<1x16xf32>,
        %get3A_228 = arith.index_cast %add3A_203 : i32 to index
        %get3A_229 = arith.constant 32 : index
        %get3A_230 = tpu.vector_load %arg12[%get3A_228, %get3A_229] {strides = array<i32>} : memref<128x64xf32, #tpu.memory_space<vmem>>, vector<1x16xf32>,
        %get3A_231 = vector.shape_cast %get3A_230 : vector<1x16xf32> to vector<16xf32>
        %mul3A_232 = vector.broadcast %squeeze3A_205 : f32 to vector<16xf32>
        %mul3A_233 = arith.mulf %get3A_231, %mul3A_232 : vector<16xf32>
        %swap3A_234 = arith.index_cast %add3A_203 : i32 to index
        %swap3A_235 = arith.constant 32 : index
        %swap3A_236 = tpu.vector_load %arg12[%swap3A_234, %swap3A_235] {strides = array<i32>} : memref<128x64xf32, #tpu.memory_space<vmem>>, vector<1x16xf32>,
        %swap3A_237 = vector.shape_cast %swap3A_236 : vector<1x16xf32> to vector<16xf32>
        %swap3A_238 = vector.shape_cast %mul3A_233 : vector<16xf32> to vector<1x16xf32>
        tpu.vector_store %arg12[%swap3A_234, %swap3A_235], %swap3A_238 {strides = array<i32>} : memref<128x64xf32, #tpu.memory_space<vmem>>, vector<1x16xf32>,
        %get3A_239 = arith.index_cast %add3A_203 : i32 to index
        %get3A_240 = arith.constant 48 : index
        %get3A_241 = tpu.vector_load %arg12[%get3A_239, %get3A_240] {strides = array<i32>} : memref<128x64xf32, #tpu.memory_space<vmem>>, vector<1x16xf32>,
        %get3A_242 = vector.shape_cast %get3A_241 : vector<1x16xf32> to vector<16xf32>
        %mul3A_243 = vector.broadcast %squeeze3A_205 : f32 to vector<16xf32>
        %mul3A_244 = arith.mulf %get3A_242, %mul3A_243 : vector<16xf32>
        %swap3A_245 = arith.index_cast %add3A_203 : i32 to index
        %swap3A_246 = arith.constant 48 : index
        %swap3A_247 = tpu.vector_load %arg12[%swap3A_245, %swap3A_246] {strides = array<i32>} : memref<128x64xf32, #tpu.memory_space<vmem>>, vector<1x16xf32>,
        %swap3A_248 = vector.shape_cast %swap3A_247 : vector<1x16xf32> to vector<16xf32>
        %swap3A_249 = vector.shape_cast %mul3A_244 : vector<16xf32> to vector<1x16xf32>
        tpu.vector_store %arg12[%swap3A_245, %swap3A_246], %swap3A_249 {strides = array<i32>} : memref<128x64xf32, #tpu.memory_space<vmem>>, vector<1x16xf32>,
        %mul3A_250 = arith.constant 16 : i32
        %mul3A_251 = arith.muli %scan3A_97, %mul3A_250 : i32
        %add3A_252 = arith.constant 3 : i32
        %add3A_253 = arith.addi %mul3A_251, %add3A_252 : i32
        %slice3A_254 = vector.extract_strided_slice %get3A_102 {offsets = [3], sizes = [1], strides = [1]} : vector<16xf32> to vector<1xf32>
        %squeeze3A_255 = vector.extract %slice3A_254[0] : f32 from vector<1xf32>
        %get3A_256 = arith.index_cast %add3A_253 : i32 to index
        %get3A_257 = arith.constant 0 : index
        %get3A_258 = tpu.vector_load %arg12[%get3A_256, %get3A_257] {strides = array<i32>} : memref<128x64xf32, #tpu.memory_space<vmem>>, vector<1x16xf32>,
        %get3A_259 = vector.shape_cast %get3A_258 : vector<1x16xf32> to vector<16xf32>
        %mul3A_260 = vector.broadcast %squeeze3A_255 : f32 to vector<16xf32>
        %mul3A_261 = arith.mulf %get3A_259, %mul3A_260 : vector<16xf32>
        %swap3A_262 = arith.index_cast %add3A_253 : i32 to index
        %swap3A_263 = arith.constant 0 : index
        %swap3A_264 = tpu.vector_load %arg12[%swap3A_262, %swap3A_263] {strides = array<i32>} : memref<128x64xf32, #tpu.memory_space<vmem>>, vector<1x16xf32>,
        %swap3A_265 = vector.shape_cast %swap3A_264 : vector<1x16xf32> to vector<16xf32>
        %swap3A_266 = vector.shape_cast %mul3A_261 : vector<16xf32> to vector<1x16xf32>
        tpu.vector_store %arg12[%swap3A_262, %swap3A_263], %swap3A_266 {strides = array<i32>} : memref<128x64xf32, #tpu.memory_space<vmem>>, vector<1x16xf32>,
        %get3A_267 = arith.index_cast %add3A_253 : i32 to index
        %get3A_268 = arith.constant 16 : index
        %get3A_269 = tpu.vector_load %arg12[%get3A_267, %get3A_268] {strides = array<i32>} : memref<128x64xf32, #tpu.memory_space<vmem>>, vector<1x16xf32>,
        %get3A_270 = vector.shape_cast %get3A_269 : vector<1x16xf32> to vector<16xf32>
        %mul3A_271 = vector.broadcast %squeeze3A_255 : f32 to vector<16xf32>
        %mul3A_272 = arith.mulf %get3A_270, %mul3A_271 : vector<16xf32>
        %swap3A_273 = arith.index_cast %add3A_253 : i32 to index
        %swap3A_274 = arith.constant 16 : index
        %swap3A_275 = tpu.vector_load %arg12[%swap3A_273, %swap3A_274] {strides = array<i32>} : memref<128x64xf32, #tpu.memory_space<vmem>>, vector<1x16xf32>,
        %swap3A_276 = vector.shape_cast %swap3A_275 : vector<1x16xf32> to vector<16xf32>
        %swap3A_277 = vector.shape_cast %mul3A_272 : vector<16xf32> to vector<1x16xf32>
        tpu.vector_store %arg12[%swap3A_273, %swap3A_274], %swap3A_277 {strides = array<i32>} : memref<128x64xf32, #tpu.memory_space<vmem>>, vector<1x16xf32>,
        %get3A_278 = arith.index_cast %add3A_253 : i32 to index
        %get3A_279 = arith.constant 32 : index
        %get3A_280 = tpu.vector_load %arg12[%get3A_278, %get3A_279] {strides = array<i32>} : memref<128x64xf32, #tpu.memory_space<vmem>>, vector<1x16xf32>,
        %get3A_281 = vector.shape_cast %get3A_280 : vector<1x16xf32> to vector<16xf32>
        %mul3A_282 = vector.broadcast %squeeze3A_255 : f32 to vector<16xf32>
        %mul3A_283 = arith.mulf %get3A_281, %mul3A_282 : vector<16xf32>
        %swap3A_284 = arith.index_cast %add3A_253 : i32 to index
        %swap3A_285 = arith.constant 32 : index
        %swap3A_286 = tpu.vector_load %arg12[%swap3A_284, %swap3A_285] {strides = array<i32>} : memref<128x64xf32, #tpu.memory_space<vmem>>, vector<1x16xf32>,
        %swap3A_287 = vector.shape_cast %swap3A_286 : vector<1x16xf32> to vector<16xf32>
        %swap3A_288 = vector.shape_cast %mul3A_283 : vector<16xf32> to vector<1x16xf32>
        tpu.vector_store %arg12[%swap3A_284, %swap3A_285], %swap3A_288 {strides = array<i32>} : memref<128x64xf32, #tpu.memory_space<vmem>>, vector<1x16xf32>,
        %get3A_289 = arith.index_cast %add3A_253 : i32 to index
        %get3A_290 = arith.constant 48 : index
        %get3A_291 = tpu.vector_load %arg12[%get3A_289, %get3A_290] {strides = array<i32>} : memref<128x64xf32, #tpu.memory_space<vmem>>, vector<1x16xf32>,
        %get3A_292 = vector.shape_cast %get3A_291 : vector<1x16xf32> to vector<16xf32>
        %mul3A_293 = vector.broadcast %squeeze3A_255 : f32 to vector<16xf32>
        %mul3A_294 = arith.mulf %get3A_292, %mul3A_293 : vector<16xf32>
        %swap3A_295 = arith.index_cast %add3A_253 : i32 to index
        %swap3A_296 = arith.constant 48 : index
        %swap3A_297 = tpu.vector_load %arg12[%swap3A_295, %swap3A_296] {strides = array<i32>} : memref<128x64xf32, #tpu.memory_space<vmem>>, vector<1x16xf32>,
        %swap3A_298 = vector.shape_cast %swap3A_297 : vector<1x16xf32> to vector<16xf32>
        %swap3A_299 = vector.shape_cast %mul3A_294 : vector<16xf32> to vector<1x16xf32>
        tpu.vector_store %arg12[%swap3A_295, %swap3A_296], %swap3A_299 {strides = array<i32>} : memref<128x64xf32, #tpu.memory_space<vmem>>, vector<1x16xf32>,
        %mul3A_300 = arith.constant 16 : i32
        %mul3A_301 = arith.muli %scan3A_97, %mul3A_300 : i32
        %add3A_302 = arith.constant 4 : i32
        %add3A_303 = arith.addi %mul3A_301, %add3A_302 : i32
        %slice3A_304 = vector.extract_strided_slice %get3A_102 {offsets = [4], sizes = [1], strides = [1]} : vector<16xf32> to vector<1xf32>
        %squeeze3A_305 = vector.extract %slice3A_304[0] : f32 from vector<1xf32>
        %get3A_306 = arith.index_cast %add3A_303 : i32 to index
        %get3A_307 = arith.constant 0 : index
        %get3A_308 = tpu.vector_load %arg12[%get3A_306, %get3A_307] {strides = array<i32>} : memref<128x64xf32, #tpu.memory_space<vmem>>, vector<1x16xf32>,
        %get3A_309 = vector.shape_cast %get3A_308 : vector<1x16xf32> to vector<16xf32>
        %mul3A_310 = vector.broadcast %squeeze3A_305 : f32 to vector<16xf32>
        %mul3A_311 = arith.mulf %get3A_309, %mul3A_310 : vector<16xf32>
        %swap3A_312 = arith.index_cast %add3A_303 : i32 to index
        %swap3A_313 = arith.constant 0 : index
        %swap3A_314 = tpu.vector_load %arg12[%swap3A_312, %swap3A_313] {strides = array<i32>} : memref<128x64xf32, #tpu.memory_space<vmem>>, vector<1x16xf32>,
        %swap3A_315 = vector.shape_cast %swap3A_314 : vector<1x16xf32> to vector<16xf32>
        %swap3A_316 = vector.shape_cast %mul3A_311 : vector<16xf32> to vector<1x16xf32>
        tpu.vector_store %arg12[%swap3A_312, %swap3A_313], %swap3A_316 {strides = array<i32>} : memref<128x64xf32, #tpu.memory_space<vmem>>, vector<1x16xf32>,
        %get3A_317 = arith.index_cast %add3A_303 : i32 to index
        %get3A_318 = arith.constant 16 : index
        %get3A_319 = tpu.vector_load %arg12[%get3A_317, %get3A_318] {strides = array<i32>} : memref<128x64xf32, #tpu.memory_space<vmem>>, vector<1x16xf32>,
        %get3A_320 = vector.shape_cast %get3A_319 : vector<1x16xf32> to vector<16xf32>
        %mul3A_321 = vector.broadcast %squeeze3A_305 : f32 to vector<16xf32>
        %mul3A_322 = arith.mulf %get3A_320, %mul3A_321 : vector<16xf32>
        %swap3A_323 = arith.index_cast %add3A_303 : i32 to index
        %swap3A_324 = arith.constant 16 : index
        %swap3A_325 = tpu.vector_load %arg12[%swap3A_323, %swap3A_324] {strides = array<i32>} : memref<128x64xf32, #tpu.memory_space<vmem>>, vector<1x16xf32>,
        %swap3A_326 = vector.shape_cast %swap3A_325 : vector<1x16xf32> to vector<16xf32>
        %swap3A_327 = vector.shape_cast %mul3A_322 : vector<16xf32> to vector<1x16xf32>
        tpu.vector_store %arg12[%swap3A_323, %swap3A_324], %swap3A_327 {strides = array<i32>} : memref<128x64xf32, #tpu.memory_space<vmem>>, vector<1x16xf32>,
        %get3A_328 = arith.index_cast %add3A_303 : i32 to index
        %get3A_329 = arith.constant 32 : index
        %get3A_330 = tpu.vector_load %arg12[%get3A_328, %get3A_329] {strides = array<i32>} : memref<128x64xf32, #tpu.memory_space<vmem>>, vector<1x16xf32>,
        %get3A_331 = vector.shape_cast %get3A_330 : vector<1x16xf32> to vector<16xf32>
        %mul3A_332 = vector.broadcast %squeeze3A_305 : f32 to vector<16xf32>
        %mul3A_333 = arith.mulf %get3A_331, %mul3A_332 : vector<16xf32>
        %swap3A_334 = arith.index_cast %add3A_303 : i32 to index
        %swap3A_335 = arith.constant 32 : index
        %swap3A_336 = tpu.vector_load %arg12[%swap3A_334, %swap3A_335] {strides = array<i32>} : memref<128x64xf32, #tpu.memory_space<vmem>>, vector<1x16xf32>,
        %swap3A_337 = vector.shape_cast %swap3A_336 : vector<1x16xf32> to vector<16xf32>
        %swap3A_338 = vector.shape_cast %mul3A_333 : vector<16xf32> to vector<1x16xf32>
        tpu.vector_store %arg12[%swap3A_334, %swap3A_335], %swap3A_338 {strides = array<i32>} : memref<128x64xf32, #tpu.memory_space<vmem>>, vector<1x16xf32>,
        %get3A_339 = arith.index_cast %add3A_303 : i32 to index
        %get3A_340 = arith.constant 48 : index
        %get3A_341 = tpu.vector_load %arg12[%get3A_339, %get3A_340] {strides = array<i32>} : memref<128x64xf32, #tpu.memory_space<vmem>>, vector<1x16xf32>,
        %get3A_342 = vector.shape_cast %get3A_341 : vector<1x16xf32> to vector<16xf32>
        %mul3A_343 = vector.broadcast %squeeze3A_305 : f32 to vector<16xf32>
        %mul3A_344 = arith.mulf %get3A_342, %mul3A_343 : vector<16xf32>
        %swap3A_345 = arith.index_cast %add3A_303 : i32 to index
        %swap3A_346 = arith.constant 48 : index
        %swap3A_347 = tpu.vector_load %arg12[%swap3A_345, %swap3A_346] {strides = array<i32>} : memref<128x64xf32, #tpu.memory_space<vmem>>, vector<1x16xf32>,
        %swap3A_348 = vector.shape_cast %swap3A_347 : vector<1x16xf32> to vector<16xf32>
        %swap3A_349 = vector.shape_cast %mul3A_344 : vector<16xf32> to vector<1x16xf32>
        tpu.vector_store %arg12[%swap3A_345, %swap3A_346], %swap3A_349 {strides = array<i32>} : memref<128x64xf32, #tpu.memory_space<vmem>>, vector<1x16xf32>,
        %mul3A_350 = arith.constant 16 : i32
        %mul3A_351 = arith.muli %scan3A_97, %mul3A_350 : i32
        %add3A_352 = arith.constant 5 : i32
        %add3A_353 = arith.addi %mul3A_351, %add3A_352 : i32
        %slice3A_354 = vector.extract_strided_slice %get3A_102 {offsets = [5], sizes = [1], strides = [1]} : vector<16xf32> to vector<1xf32>
        %squeeze3A_355 = vector.extract %slice3A_354[0] : f32 from vector<1xf32>
        %get3A_356 = arith.index_cast %add3A_353 : i32 to index
        %get3A_357 = arith.constant 0 : index
        %get3A_358 = tpu.vector_load %arg12[%get3A_356, %get3A_357] {strides = array<i32>} : memref<128x64xf32, #tpu.memory_space<vmem>>, vector<1x16xf32>,
        %get3A_359 = vector.shape_cast %get3A_358 : vector<1x16xf32> to vector<16xf32>
        %mul3A_360 = vector.broadcast %squeeze3A_355 : f32 to vector<16xf32>
        %mul3A_361 = arith.mulf %get3A_359, %mul3A_360 : vector<16xf32>
        %swap3A_362 = arith.index_cast %add3A_353 : i32 to index
        %swap3A_363 = arith.constant 0 : index
        %swap3A_364 = tpu.vector_load %arg12[%swap3A_362, %swap3A_363] {strides = array<i32>} : memref<128x64xf32, #tpu.memory_space<vmem>>, vector<1x16xf32>,
        %swap3A_365 = vector.shape_cast %swap3A_364 : vector<1x16xf32> to vector<16xf32>
        %swap3A_366 = vector.shape_cast %mul3A_361 : vector<16xf32> to vector<1x16xf32>
        tpu.vector_store %arg12[%swap3A_362, %swap3A_363], %swap3A_366 {strides = array<i32>} : memref<128x64xf32, #tpu.memory_space<vmem>>, vector<1x16xf32>,
        %get3A_367 = arith.index_cast %add3A_353 : i32 to index
        %get3A_368 = arith.constant 16 : index
        %get3A_369 = tpu.vector_load %arg12[%get3A_367, %get3A_368] {strides = array<i32>} : memref<128x64xf32, #tpu.memory_space<vmem>>, vector<1x16xf32>,
        %get3A_370 = vector.shape_cast %get3A_369 : vector<1x16xf32> to vector<16xf32>
        %mul3A_371 = vector.broadcast %squeeze3A_355 : f32 to vector<16xf32>
        %mul3A_372 = arith.mulf %get3A_370, %mul3A_371 : vector<16xf32>
        %swap3A_373 = arith.index_cast %add3A_353 : i32 to index
        %swap3A_374 = arith.constant 16 : index
        %swap3A_375 = tpu.vector_load %arg12[%swap3A_373, %swap3A_374] {strides = array<i32>} : memref<128x64xf32, #tpu.memory_space<vmem>>, vector<1x16xf32>,
        %swap3A_376 = vector.shape_cast %swap3A_375 : vector<1x16xf32> to vector<16xf32>
        %swap3A_377 = vector.shape_cast %mul3A_372 : vector<16xf32> to vector<1x16xf32>
        tpu.vector_store %arg12[%swap3A_373, %swap3A_374], %swap3A_377 {strides = array<i32>} : memref<128x64xf32, #tpu.memory_space<vmem>>, vector<1x16xf32>,
        %get3A_378 = arith.index_cast %add3A_353 : i32 to index
        %get3A_379 = arith.constant 32 : index
        %get3A_380 = tpu.vector_load %arg12[%get3A_378, %get3A_379] {strides = array<i32>} : memref<128x64xf32, #tpu.memory_space<vmem>>, vector<1x16xf32>,
        %get3A_381 = vector.shape_cast %get3A_380 : vector<1x16xf32> to vector<16xf32>
        %mul3A_382 = vector.broadcast %squeeze3A_355 : f32 to vector<16xf32>
        %mul3A_383 = arith.mulf %get3A_381, %mul3A_382 : vector<16xf32>
        %swap3A_384 = arith.index_cast %add3A_353 : i32 to index
        %swap3A_385 = arith.constant 32 : index
        %swap3A_386 = tpu.vector_load %arg12[%swap3A_384, %swap3A_385] {strides = array<i32>} : memref<128x64xf32, #tpu.memory_space<vmem>>, vector<1x16xf32>,
        %swap3A_387 = vector.shape_cast %swap3A_386 : vector<1x16xf32> to vector<16xf32>
        %swap3A_388 = vector.shape_cast %mul3A_383 : vector<16xf32> to vector<1x16xf32>
        tpu.vector_store %arg12[%swap3A_384, %swap3A_385], %swap3A_388 {strides = array<i32>} : memref<128x64xf32, #tpu.memory_space<vmem>>, vector<1x16xf32>,
        %get3A_389 = arith.index_cast %add3A_353 : i32 to index
        %get3A_390 = arith.constant 48 : index
        %get3A_391 = tpu.vector_load %arg12[%get3A_389, %get3A_390] {strides = array<i32>} : memref<128x64xf32, #tpu.memory_space<vmem>>, vector<1x16xf32>,
        %get3A_392 = vector.shape_cast %get3A_391 : vector<1x16xf32> to vector<16xf32>
        %mul3A_393 = vector.broadcast %squeeze3A_355 : f32 to vector<16xf32>
        %mul3A_394 = arith.mulf %get3A_392, %mul3A_393 : vector<16xf32>
        %swap3A_395 = arith.index_cast %add3A_353 : i32 to index
        %swap3A_396 = arith.constant 48 : index
        %swap3A_397 = tpu.vector_load %arg12[%swap3A_395, %swap3A_396] {strides = array<i32>} : memref<128x64xf32, #tpu.memory_space<vmem>>, vector<1x16xf32>,
        %swap3A_398 = vector.shape_cast %swap3A_397 : vector<1x16xf32> to vector<16xf32>
        %swap3A_399 = vector.shape_cast %mul3A_394 : vector<16xf32> to vector<1x16xf32>
        tpu.vector_store %arg12[%swap3A_395, %swap3A_396], %swap3A_399 {strides = array<i32>} : memref<128x64xf32, #tpu.memory_space<vmem>>, vector<1x16xf32>,
        %mul3A_400 = arith.constant 16 : i32
        %mul3A_401 = arith.muli %scan3A_97, %mul3A_400 : i32
        %add3A_402 = arith.constant 6 : i32
        %add3A_403 = arith.addi %mul3A_401, %add3A_402 : i32
        %slice3A_404 = vector.extract_strided_slice %get3A_102 {offsets = [6], sizes = [1], strides = [1]} : vector<16xf32> to vector<1xf32>
        %squeeze3A_405 = vector.extract %slice3A_404[0] : f32 from vector<1xf32>
        %get3A_406 = arith.index_cast %add3A_403 : i32 to index
        %get3A_407 = arith.constant 0 : index
        %get3A_408 = tpu.vector_load %arg12[%get3A_406, %get3A_407] {strides = array<i32>} : memref<128x64xf32, #tpu.memory_space<vmem>>, vector<1x16xf32>,
        %get3A_409 = vector.shape_cast %get3A_408 : vector<1x16xf32> to vector<16xf32>
        %mul3A_410 = vector.broadcast %squeeze3A_405 : f32 to vector<16xf32>
        %mul3A_411 = arith.mulf %get3A_409, %mul3A_410 : vector<16xf32>
        %swap3A_412 = arith.index_cast %add3A_403 : i32 to index
        %swap3A_413 = arith.constant 0 : index
        %swap3A_414 = tpu.vector_load %arg12[%swap3A_412, %swap3A_413] {strides = array<i32>} : memref<128x64xf32, #tpu.memory_space<vmem>>, vector<1x16xf32>,
        %swap3A_415 = vector.shape_cast %swap3A_414 : vector<1x16xf32> to vector<16xf32>
        %swap3A_416 = vector.shape_cast %mul3A_411 : vector<16xf32> to vector<1x16xf32>
        tpu.vector_store %arg12[%swap3A_412, %swap3A_413], %swap3A_416 {strides = array<i32>} : memref<128x64xf32, #tpu.memory_space<vmem>>, vector<1x16xf32>,
        %get3A_417 = arith.index_cast %add3A_403 : i32 to index
        %get3A_418 = arith.constant 16 : index
        %get3A_419 = tpu.vector_load %arg12[%get3A_417, %get3A_418] {strides = array<i32>} : memref<128x64xf32, #tpu.memory_space<vmem>>, vector<1x16xf32>,
        %get3A_420 = vector.shape_cast %get3A_419 : vector<1x16xf32> to vector<16xf32>
        %mul3A_421 = vector.broadcast %squeeze3A_405 : f32 to vector<16xf32>
        %mul3A_422 = arith.mulf %get3A_420, %mul3A_421 : vector<16xf32>
        %swap3A_423 = arith.index_cast %add3A_403 : i32 to index
        %swap3A_424 = arith.constant 16 : index
        %swap3A_425 = tpu.vector_load %arg12[%swap3A_423, %swap3A_424] {strides = array<i32>} : memref<128x64xf32, #tpu.memory_space<vmem>>, vector<1x16xf32>,
        %swap3A_426 = vector.shape_cast %swap3A_425 : vector<1x16xf32> to vector<16xf32>
        %swap3A_427 = vector.shape_cast %mul3A_422 : vector<16xf32> to vector<1x16xf32>
        tpu.vector_store %arg12[%swap3A_423, %swap3A_424], %swap3A_427 {strides = array<i32>} : memref<128x64xf32, #tpu.memory_space<vmem>>, vector<1x16xf32>,
        %get3A_428 = arith.index_cast %add3A_403 : i32 to index
        %get3A_429 = arith.constant 32 : index
        %get3A_430 = tpu.vector_load %arg12[%get3A_428, %get3A_429] {strides = array<i32>} : memref<128x64xf32, #tpu.memory_space<vmem>>, vector<1x16xf32>,
        %get3A_431 = vector.shape_cast %get3A_430 : vector<1x16xf32> to vector<16xf32>
        %mul3A_432 = vector.broadcast %squeeze3A_405 : f32 to vector<16xf32>
        %mul3A_433 = arith.mulf %get3A_431, %mul3A_432 : vector<16xf32>
        %swap3A_434 = arith.index_cast %add3A_403 : i32 to index
        %swap3A_435 = arith.constant 32 : index
        %swap3A_436 = tpu.vector_load %arg12[%swap3A_434, %swap3A_435] {strides = array<i32>} : memref<128x64xf32, #tpu.memory_space<vmem>>, vector<1x16xf32>,
        %swap3A_437 = vector.shape_cast %swap3A_436 : vector<1x16xf32> to vector<16xf32>
        %swap3A_438 = vector.shape_cast %mul3A_433 : vector<16xf32> to vector<1x16xf32>
        tpu.vector_store %arg12[%swap3A_434, %swap3A_435], %swap3A_438 {strides = array<i32>} : memref<128x64xf32, #tpu.memory_space<vmem>>, vector<1x16xf32>,
        %get3A_439 = arith.index_cast %add3A_403 : i32 to index
        %get3A_440 = arith.constant 48 : index
        %get3A_441 = tpu.vector_load %arg12[%get3A_439, %get3A_440] {strides = array<i32>} : memref<128x64xf32, #tpu.memory_space<vmem>>, vector<1x16xf32>,
        %get3A_442 = vector.shape_cast %get3A_441 : vector<1x16xf32> to vector<16xf32>
        %mul3A_443 = vector.broadcast %squeeze3A_405 : f32 to vector<16xf32>
        %mul3A_444 = arith.mulf %get3A_442, %mul3A_443 : vector<16xf32>
        %swap3A_445 = arith.index_cast %add3A_403 : i32 to index
        %swap3A_446 = arith.constant 48 : index
        %swap3A_447 = tpu.vector_load %arg12[%swap3A_445, %swap3A_446] {strides = array<i32>} : memref<128x64xf32, #tpu.memory_space<vmem>>, vector<1x16xf32>,
        %swap3A_448 = vector.shape_cast %swap3A_447 : vector<1x16xf32> to vector<16xf32>
        %swap3A_449 = vector.shape_cast %mul3A_444 : vector<16xf32> to vector<1x16xf32>
        tpu.vector_store %arg12[%swap3A_445, %swap3A_446], %swap3A_449 {strides = array<i32>} : memref<128x64xf32, #tpu.memory_space<vmem>>, vector<1x16xf32>,
        %mul3A_450 = arith.constant 16 : i32
        %mul3A_451 = arith.muli %scan3A_97, %mul3A_450 : i32
        %add3A_452 = arith.constant 7 : i32
        %add3A_453 = arith.addi %mul3A_451, %add3A_452 : i32
        %slice3A_454 = vector.extract_strided_slice %get3A_102 {offsets = [7], sizes = [1], strides = [1]} : vector<16xf32> to vector<1xf32>
        %squeeze3A_455 = vector.extract %slice3A_454[0] : f32 from vector<1xf32>
        %get3A_456 = arith.index_cast %add3A_453 : i32 to index
        %get3A_457 = arith.constant 0 : index
        %get3A_458 = tpu.vector_load %arg12[%get3A_456, %get3A_457] {strides = array<i32>} : memref<128x64xf32, #tpu.memory_space<vmem>>, vector<1x16xf32>,
        %get3A_459 = vector.shape_cast %get3A_458 : vector<1x16xf32> to vector<16xf32>
        %mul3A_460 = vector.broadcast %squeeze3A_455 : f32 to vector<16xf32>
        %mul3A_461 = arith.mulf %get3A_459, %mul3A_460 : vector<16xf32>
        %swap3A_462 = arith.index_cast %add3A_453 : i32 to index
        %swap3A_463 = arith.constant 0 : index
        %swap3A_464 = tpu.vector_load %arg12[%swap3A_462, %swap3A_463] {strides = array<i32>} : memref<128x64xf32, #tpu.memory_space<vmem>>, vector<1x16xf32>,
        %swap3A_465 = vector.shape_cast %swap3A_464 : vector<1x16xf32> to vector<16xf32>
        %swap3A_466 = vector.shape_cast %mul3A_461 : vector<16xf32> to vector<1x16xf32>
        tpu.vector_store %arg12[%swap3A_462, %swap3A_463], %swap3A_466 {strides = array<i32>} : memref<128x64xf32, #tpu.memory_space<vmem>>, vector<1x16xf32>,
        %get3A_467 = arith.index_cast %add3A_453 : i32 to index
        %get3A_468 = arith.constant 16 : index
        %get3A_469 = tpu.vector_load %arg12[%get3A_467, %get3A_468] {strides = array<i32>} : memref<128x64xf32, #tpu.memory_space<vmem>>, vector<1x16xf32>,
        %get3A_470 = vector.shape_cast %get3A_469 : vector<1x16xf32> to vector<16xf32>
        %mul3A_471 = vector.broadcast %squeeze3A_455 : f32 to vector<16xf32>
        %mul3A_472 = arith.mulf %get3A_470, %mul3A_471 : vector<16xf32>
        %swap3A_473 = arith.index_cast %add3A_453 : i32 to index
        %swap3A_474 = arith.constant 16 : index
        %swap3A_475 = tpu.vector_load %arg12[%swap3A_473, %swap3A_474] {strides = array<i32>} : memref<128x64xf32, #tpu.memory_space<vmem>>, vector<1x16xf32>,
        %swap3A_476 = vector.shape_cast %swap3A_475 : vector<1x16xf32> to vector<16xf32>
        %swap3A_477 = vector.shape_cast %mul3A_472 : vector<16xf32> to vector<1x16xf32>
        tpu.vector_store %arg12[%swap3A_473, %swap3A_474], %swap3A_477 {strides = array<i32>} : memref<128x64xf32, #tpu.memory_space<vmem>>, vector<1x16xf32>,
        %get3A_478 = arith.index_cast %add3A_453 : i32 to index
        %get3A_479 = arith.constant 32 : index
        %get3A_480 = tpu.vector_load %arg12[%get3A_478, %get3A_479] {strides = array<i32>} : memref<128x64xf32, #tpu.memory_space<vmem>>, vector<1x16xf32>,
        %get3A_481 = vector.shape_cast %get3A_480 : vector<1x16xf32> to vector<16xf32>
        %mul3A_482 = vector.broadcast %squeeze3A_455 : f32 to vector<16xf32>
        %mul3A_483 = arith.mulf %get3A_481, %mul3A_482 : vector<16xf32>
        %swap3A_484 = arith.index_cast %add3A_453 : i32 to index
        %swap3A_485 = arith.constant 32 : index
        %swap3A_486 = tpu.vector_load %arg12[%swap3A_484, %swap3A_485] {strides = array<i32>} : memref<128x64xf32, #tpu.memory_space<vmem>>, vector<1x16xf32>,
        %swap3A_487 = vector.shape_cast %swap3A_486 : vector<1x16xf32> to vector<16xf32>
        %swap3A_488 = vector.shape_cast %mul3A_483 : vector<16xf32> to vector<1x16xf32>
        tpu.vector_store %arg12[%swap3A_484, %swap3A_485], %swap3A_488 {strides = array<i32>} : memref<128x64xf32, #tpu.memory_space<vmem>>, vector<1x16xf32>,
        %get3A_489 = arith.index_cast %add3A_453 : i32 to index
        %get3A_490 = arith.constant 48 : index
        %get3A_491 = tpu.vector_load %arg12[%get3A_489, %get3A_490] {strides = array<i32>} : memref<128x64xf32, #tpu.memory_space<vmem>>, vector<1x16xf32>,
        %get3A_492 = vector.shape_cast %get3A_491 : vector<1x16xf32> to vector<16xf32>
        %mul3A_493 = vector.broadcast %squeeze3A_455 : f32 to vector<16xf32>
        %mul3A_494 = arith.mulf %get3A_492, %mul3A_493 : vector<16xf32>
        %swap3A_495 = arith.index_cast %add3A_453 : i32 to index
        %swap3A_496 = arith.constant 48 : index
        %swap3A_497 = tpu.vector_load %arg12[%swap3A_495, %swap3A_496] {strides = array<i32>} : memref<128x64xf32, #tpu.memory_space<vmem>>, vector<1x16xf32>,
        %swap3A_498 = vector.shape_cast %swap3A_497 : vector<1x16xf32> to vector<16xf32>
        %swap3A_499 = vector.shape_cast %mul3A_494 : vector<16xf32> to vector<1x16xf32>
        tpu.vector_store %arg12[%swap3A_495, %swap3A_496], %swap3A_499 {strides = array<i32>} : memref<128x64xf32, #tpu.memory_space<vmem>>, vector<1x16xf32>,
        %mul3A_500 = arith.constant 16 : i32
        %mul3A_501 = arith.muli %scan3A_97, %mul3A_500 : i32
        %add3A_502 = arith.constant 8 : i32
        %add3A_503 = arith.addi %mul3A_501, %add3A_502 : i32
        %slice3A_504 = vector.extract_strided_slice %get3A_102 {offsets = [8], sizes = [1], strides = [1]} : vector<16xf32> to vector<1xf32>
        %squeeze3A_505 = vector.extract %slice3A_504[0] : f32 from vector<1xf32>
        %get3A_506 = arith.index_cast %add3A_503 : i32 to index
        %get3A_507 = arith.constant 0 : index
        %get3A_508 = tpu.vector_load %arg12[%get3A_506, %get3A_507] {strides = array<i32>} : memref<128x64xf32, #tpu.memory_space<vmem>>, vector<1x16xf32>,
        %get3A_509 = vector.shape_cast %get3A_508 : vector<1x16xf32> to vector<16xf32>
        %mul3A_510 = vector.broadcast %squeeze3A_505 : f32 to vector<16xf32>
        %mul3A_511 = arith.mulf %get3A_509, %mul3A_510 : vector<16xf32>
        %swap3A_512 = arith.index_cast %add3A_503 : i32 to index
        %swap3A_513 = arith.constant 0 : index
        %swap3A_514 = tpu.vector_load %arg12[%swap3A_512, %swap3A_513] {strides = array<i32>} : memref<128x64xf32, #tpu.memory_space<vmem>>, vector<1x16xf32>,
        %swap3A_515 = vector.shape_cast %swap3A_514 : vector<1x16xf32> to vector<16xf32>
        %swap3A_516 = vector.shape_cast %mul3A_511 : vector<16xf32> to vector<1x16xf32>
        tpu.vector_store %arg12[%swap3A_512, %swap3A_513], %swap3A_516 {strides = array<i32>} : memref<128x64xf32, #tpu.memory_space<vmem>>, vector<1x16xf32>,
        %get3A_517 = arith.index_cast %add3A_503 : i32 to index
        %get3A_518 = arith.constant 16 : index
        %get3A_519 = tpu.vector_load %arg12[%get3A_517, %get3A_518] {strides = array<i32>} : memref<128x64xf32, #tpu.memory_space<vmem>>, vector<1x16xf32>,
        %get3A_520 = vector.shape_cast %get3A_519 : vector<1x16xf32> to vector<16xf32>
        %mul3A_521 = vector.broadcast %squeeze3A_505 : f32 to vector<16xf32>
        %mul3A_522 = arith.mulf %get3A_520, %mul3A_521 : vector<16xf32>
        %swap3A_523 = arith.index_cast %add3A_503 : i32 to index
        %swap3A_524 = arith.constant 16 : index
        %swap3A_525 = tpu.vector_load %arg12[%swap3A_523, %swap3A_524] {strides = array<i32>} : memref<128x64xf32, #tpu.memory_space<vmem>>, vector<1x16xf32>,
        %swap3A_526 = vector.shape_cast %swap3A_525 : vector<1x16xf32> to vector<16xf32>
        %swap3A_527 = vector.shape_cast %mul3A_522 : vector<16xf32> to vector<1x16xf32>
        tpu.vector_store %arg12[%swap3A_523, %swap3A_524], %swap3A_527 {strides = array<i32>} : memref<128x64xf32, #tpu.memory_space<vmem>>, vector<1x16xf32>,
        %get3A_528 = arith.index_cast %add3A_503 : i32 to index
        %get3A_529 = arith.constant 32 : index
        %get3A_530 = tpu.vector_load %arg12[%get3A_528, %get3A_529] {strides = array<i32>} : memref<128x64xf32, #tpu.memory_space<vmem>>, vector<1x16xf32>,
        %get3A_531 = vector.shape_cast %get3A_530 : vector<1x16xf32> to vector<16xf32>
        %mul3A_532 = vector.broadcast %squeeze3A_505 : f32 to vector<16xf32>
        %mul3A_533 = arith.mulf %get3A_531, %mul3A_532 : vector<16xf32>
        %swap3A_534 = arith.index_cast %add3A_503 : i32 to index
        %swap3A_535 = arith.constant 32 : index
        %swap3A_536 = tpu.vector_load %arg12[%swap3A_534, %swap3A_535] {strides = array<i32>} : memref<128x64xf32, #tpu.memory_space<vmem>>, vector<1x16xf32>,
        %swap3A_537 = vector.shape_cast %swap3A_536 : vector<1x16xf32> to vector<16xf32>
        %swap3A_538 = vector.shape_cast %mul3A_533 : vector<16xf32> to vector<1x16xf32>
        tpu.vector_store %arg12[%swap3A_534, %swap3A_535], %swap3A_538 {strides = array<i32>} : memref<128x64xf32, #tpu.memory_space<vmem>>, vector<1x16xf32>,
        %get3A_539 = arith.index_cast %add3A_503 : i32 to index
        %get3A_540 = arith.constant 48 : index
        %get3A_541 = tpu.vector_load %arg12[%get3A_539, %get3A_540] {strides = array<i32>} : memref<128x64xf32, #tpu.memory_space<vmem>>, vector<1x16xf32>,
        %get3A_542 = vector.shape_cast %get3A_541 : vector<1x16xf32> to vector<16xf32>
        %mul3A_543 = vector.broadcast %squeeze3A_505 : f32 to vector<16xf32>
        %mul3A_544 = arith.mulf %get3A_542, %mul3A_543 : vector<16xf32>
        %swap3A_545 = arith.index_cast %add3A_503 : i32 to index
        %swap3A_546 = arith.constant 48 : index
        %swap3A_547 = tpu.vector_load %arg12[%swap3A_545, %swap3A_546] {strides = array<i32>} : memref<128x64xf32, #tpu.memory_space<vmem>>, vector<1x16xf32>,
        %swap3A_548 = vector.shape_cast %swap3A_547 : vector<1x16xf32> to vector<16xf32>
        %swap3A_549 = vector.shape_cast %mul3A_544 : vector<16xf32> to vector<1x16xf32>
        tpu.vector_store %arg12[%swap3A_545, %swap3A_546], %swap3A_549 {strides = array<i32>} : memref<128x64xf32, #tpu.memory_space<vmem>>, vector<1x16xf32>,
        %mul3A_550 = arith.constant 16 : i32
        %mul3A_551 = arith.muli %scan3A_97, %mul3A_550 : i32
        %add3A_552 = arith.constant 9 : i32
        %add3A_553 = arith.addi %mul3A_551, %add3A_552 : i32
        %slice3A_554 = vector.extract_strided_slice %get3A_102 {offsets = [9], sizes = [1], strides = [1]} : vector<16xf32> to vector<1xf32>
        %squeeze3A_555 = vector.extract %slice3A_554[0] : f32 from vector<1xf32>
        %get3A_556 = arith.index_cast %add3A_553 : i32 to index
        %get3A_557 = arith.constant 0 : index
        %get3A_558 = tpu.vector_load %arg12[%get3A_556, %get3A_557] {strides = array<i32>} : memref<128x64xf32, #tpu.memory_space<vmem>>, vector<1x16xf32>,
        %get3A_559 = vector.shape_cast %get3A_558 : vector<1x16xf32> to vector<16xf32>
        %mul3A_560 = vector.broadcast %squeeze3A_555 : f32 to vector<16xf32>
        %mul3A_561 = arith.mulf %get3A_559, %mul3A_560 : vector<16xf32>
        %swap3A_562 = arith.index_cast %add3A_553 : i32 to index
        %swap3A_563 = arith.constant 0 : index
        %swap3A_564 = tpu.vector_load %arg12[%swap3A_562, %swap3A_563] {strides = array<i32>} : memref<128x64xf32, #tpu.memory_space<vmem>>, vector<1x16xf32>,
        %swap3A_565 = vector.shape_cast %swap3A_564 : vector<1x16xf32> to vector<16xf32>
        %swap3A_566 = vector.shape_cast %mul3A_561 : vector<16xf32> to vector<1x16xf32>
        tpu.vector_store %arg12[%swap3A_562, %swap3A_563], %swap3A_566 {strides = array<i32>} : memref<128x64xf32, #tpu.memory_space<vmem>>, vector<1x16xf32>,
        %get3A_567 = arith.index_cast %add3A_553 : i32 to index
        %get3A_568 = arith.constant 16 : index
        %get3A_569 = tpu.vector_load %arg12[%get3A_567, %get3A_568] {strides = array<i32>} : memref<128x64xf32, #tpu.memory_space<vmem>>, vector<1x16xf32>,
        %get3A_570 = vector.shape_cast %get3A_569 : vector<1x16xf32> to vector<16xf32>
        %mul3A_571 = vector.broadcast %squeeze3A_555 : f32 to vector<16xf32>
        %mul3A_572 = arith.mulf %get3A_570, %mul3A_571 : vector<16xf32>
        %swap3A_573 = arith.index_cast %add3A_553 : i32 to index
        %swap3A_574 = arith.constant 16 : index
        %swap3A_575 = tpu.vector_load %arg12[%swap3A_573, %swap3A_574] {strides = array<i32>} : memref<128x64xf32, #tpu.memory_space<vmem>>, vector<1x16xf32>,
        %swap3A_576 = vector.shape_cast %swap3A_575 : vector<1x16xf32> to vector<16xf32>
        %swap3A_577 = vector.shape_cast %mul3A_572 : vector<16xf32> to vector<1x16xf32>
        tpu.vector_store %arg12[%swap3A_573, %swap3A_574], %swap3A_577 {strides = array<i32>} : memref<128x64xf32, #tpu.memory_space<vmem>>, vector<1x16xf32>,
        %get3A_578 = arith.index_cast %add3A_553 : i32 to index
        %get3A_579 = arith.constant 32 : index
        %get3A_580 = tpu.vector_load %arg12[%get3A_578, %get3A_579] {strides = array<i32>} : memref<128x64xf32, #tpu.memory_space<vmem>>, vector<1x16xf32>,
        %get3A_581 = vector.shape_cast %get3A_580 : vector<1x16xf32> to vector<16xf32>
        %mul3A_582 = vector.broadcast %squeeze3A_555 : f32 to vector<16xf32>
        %mul3A_583 = arith.mulf %get3A_581, %mul3A_582 : vector<16xf32>
        %swap3A_584 = arith.index_cast %add3A_553 : i32 to index
        %swap3A_585 = arith.constant 32 : index
        %swap3A_586 = tpu.vector_load %arg12[%swap3A_584, %swap3A_585] {strides = array<i32>} : memref<128x64xf32, #tpu.memory_space<vmem>>, vector<1x16xf32>,
        %swap3A_587 = vector.shape_cast %swap3A_586 : vector<1x16xf32> to vector<16xf32>
        %swap3A_588 = vector.shape_cast %mul3A_583 : vector<16xf32> to vector<1x16xf32>
        tpu.vector_store %arg12[%swap3A_584, %swap3A_585], %swap3A_588 {strides = array<i32>} : memref<128x64xf32, #tpu.memory_space<vmem>>, vector<1x16xf32>,
        %get3A_589 = arith.index_cast %add3A_553 : i32 to index
        %get3A_590 = arith.constant 48 : index
        %get3A_591 = tpu.vector_load %arg12[%get3A_589, %get3A_590] {strides = array<i32>} : memref<128x64xf32, #tpu.memory_space<vmem>>, vector<1x16xf32>,
        %get3A_592 = vector.shape_cast %get3A_591 : vector<1x16xf32> to vector<16xf32>
        %mul3A_593 = vector.broadcast %squeeze3A_555 : f32 to vector<16xf32>
        %mul3A_594 = arith.mulf %get3A_592, %mul3A_593 : vector<16xf32>
        %swap3A_595 = arith.index_cast %add3A_553 : i32 to index
        %swap3A_596 = arith.constant 48 : index
        %swap3A_597 = tpu.vector_load %arg12[%swap3A_595, %swap3A_596] {strides = array<i32>} : memref<128x64xf32, #tpu.memory_space<vmem>>, vector<1x16xf32>,
        %swap3A_598 = vector.shape_cast %swap3A_597 : vector<1x16xf32> to vector<16xf32>
        %swap3A_599 = vector.shape_cast %mul3A_594 : vector<16xf32> to vector<1x16xf32>
        tpu.vector_store %arg12[%swap3A_595, %swap3A_596], %swap3A_599 {strides = array<i32>} : memref<128x64xf32, #tpu.memory_space<vmem>>, vector<1x16xf32>,
        %mul3A_600 = arith.constant 16 : i32
        %mul3A_601 = arith.muli %scan3A_97, %mul3A_600 : i32
        %add3A_602 = arith.constant 10 : i32
        %add3A_603 = arith.addi %mul3A_601, %add3A_602 : i32
        %slice3A_604 = vector.extract_strided_slice %get3A_102 {offsets = [10], sizes = [1], strides = [1]} : vector<16xf32> to vector<1xf32>
        %squeeze3A_605 = vector.extract %slice3A_604[0] : f32 from vector<1xf32>
        %get3A_606 = arith.index_cast %add3A_603 : i32 to index
        %get3A_607 = arith.constant 0 : index
        %get3A_608 = tpu.vector_load %arg12[%get3A_606, %get3A_607] {strides = array<i32>} : memref<128x64xf32, #tpu.memory_space<vmem>>, vector<1x16xf32>,
        %get3A_609 = vector.shape_cast %get3A_608 : vector<1x16xf32> to vector<16xf32>
        %mul3A_610 = vector.broadcast %squeeze3A_605 : f32 to vector<16xf32>
        %mul3A_611 = arith.mulf %get3A_609, %mul3A_610 : vector<16xf32>
        %swap3A_612 = arith.index_cast %add3A_603 : i32 to index
        %swap3A_613 = arith.constant 0 : index
        %swap3A_614 = tpu.vector_load %arg12[%swap3A_612, %swap3A_613] {strides = array<i32>} : memref<128x64xf32, #tpu.memory_space<vmem>>, vector<1x16xf32>,
        %swap3A_615 = vector.shape_cast %swap3A_614 : vector<1x16xf32> to vector<16xf32>
        %swap3A_616 = vector.shape_cast %mul3A_611 : vector<16xf32> to vector<1x16xf32>
        tpu.vector_store %arg12[%swap3A_612, %swap3A_613], %swap3A_616 {strides = array<i32>} : memref<128x64xf32, #tpu.memory_space<vmem>>, vector<1x16xf32>,
        %get3A_617 = arith.index_cast %add3A_603 : i32 to index
        %get3A_618 = arith.constant 16 : index
        %get3A_619 = tpu.vector_load %arg12[%get3A_617, %get3A_618] {strides = array<i32>} : memref<128x64xf32, #tpu.memory_space<vmem>>, vector<1x16xf32>,
        %get3A_620 = vector.shape_cast %get3A_619 : vector<1x16xf32> to vector<16xf32>
        %mul3A_621 = vector.broadcast %squeeze3A_605 : f32 to vector<16xf32>
        %mul3A_622 = arith.mulf %get3A_620, %mul3A_621 : vector<16xf32>
        %swap3A_623 = arith.index_cast %add3A_603 : i32 to index
        %swap3A_624 = arith.constant 16 : index
        %swap3A_625 = tpu.vector_load %arg12[%swap3A_623, %swap3A_624] {strides = array<i32>} : memref<128x64xf32, #tpu.memory_space<vmem>>, vector<1x16xf32>,
        %swap3A_626 = vector.shape_cast %swap3A_625 : vector<1x16xf32> to vector<16xf32>
        %swap3A_627 = vector.shape_cast %mul3A_622 : vector<16xf32> to vector<1x16xf32>
        tpu.vector_store %arg12[%swap3A_623, %swap3A_624], %swap3A_627 {strides = array<i32>} : memref<128x64xf32, #tpu.memory_space<vmem>>, vector<1x16xf32>,
        %get3A_628 = arith.index_cast %add3A_603 : i32 to index
        %get3A_629 = arith.constant 32 : index
        %get3A_630 = tpu.vector_load %arg12[%get3A_628, %get3A_629] {strides = array<i32>} : memref<128x64xf32, #tpu.memory_space<vmem>>, vector<1x16xf32>,
        %get3A_631 = vector.shape_cast %get3A_630 : vector<1x16xf32> to vector<16xf32>
        %mul3A_632 = vector.broadcast %squeeze3A_605 : f32 to vector<16xf32>
        %mul3A_633 = arith.mulf %get3A_631, %mul3A_632 : vector<16xf32>
        %swap3A_634 = arith.index_cast %add3A_603 : i32 to index
        %swap3A_635 = arith.constant 32 : index
        %swap3A_636 = tpu.vector_load %arg12[%swap3A_634, %swap3A_635] {strides = array<i32>} : memref<128x64xf32, #tpu.memory_space<vmem>>, vector<1x16xf32>,
        %swap3A_637 = vector.shape_cast %swap3A_636 : vector<1x16xf32> to vector<16xf32>
        %swap3A_638 = vector.shape_cast %mul3A_633 : vector<16xf32> to vector<1x16xf32>
        tpu.vector_store %arg12[%swap3A_634, %swap3A_635], %swap3A_638 {strides = array<i32>} : memref<128x64xf32, #tpu.memory_space<vmem>>, vector<1x16xf32>,
        %get3A_639 = arith.index_cast %add3A_603 : i32 to index
        %get3A_640 = arith.constant 48 : index
        %get3A_641 = tpu.vector_load %arg12[%get3A_639, %get3A_640] {strides = array<i32>} : memref<128x64xf32, #tpu.memory_space<vmem>>, vector<1x16xf32>,
        %get3A_642 = vector.shape_cast %get3A_641 : vector<1x16xf32> to vector<16xf32>
        %mul3A_643 = vector.broadcast %squeeze3A_605 : f32 to vector<16xf32>
        %mul3A_644 = arith.mulf %get3A_642, %mul3A_643 : vector<16xf32>
        %swap3A_645 = arith.index_cast %add3A_603 : i32 to index
        %swap3A_646 = arith.constant 48 : index
        %swap3A_647 = tpu.vector_load %arg12[%swap3A_645, %swap3A_646] {strides = array<i32>} : memref<128x64xf32, #tpu.memory_space<vmem>>, vector<1x16xf32>,
        %swap3A_648 = vector.shape_cast %swap3A_647 : vector<1x16xf32> to vector<16xf32>
        %swap3A_649 = vector.shape_cast %mul3A_644 : vector<16xf32> to vector<1x16xf32>
        tpu.vector_store %arg12[%swap3A_645, %swap3A_646], %swap3A_649 {strides = array<i32>} : memref<128x64xf32, #tpu.memory_space<vmem>>, vector<1x16xf32>,
        %mul3A_650 = arith.constant 16 : i32
        %mul3A_651 = arith.muli %scan3A_97, %mul3A_650 : i32
        %add3A_652 = arith.constant 11 : i32
        %add3A_653 = arith.addi %mul3A_651, %add3A_652 : i32
        %slice3A_654 = vector.extract_strided_slice %get3A_102 {offsets = [11], sizes = [1], strides = [1]} : vector<16xf32> to vector<1xf32>
        %squeeze3A_655 = vector.extract %slice3A_654[0] : f32 from vector<1xf32>
        %get3A_656 = arith.index_cast %add3A_653 : i32 to index
        %get3A_657 = arith.constant 0 : index
        %get3A_658 = tpu.vector_load %arg12[%get3A_656, %get3A_657] {strides = array<i32>} : memref<128x64xf32, #tpu.memory_space<vmem>>, vector<1x16xf32>,
        %get3A_659 = vector.shape_cast %get3A_658 : vector<1x16xf32> to vector<16xf32>
        %mul3A_660 = vector.broadcast %squeeze3A_655 : f32 to vector<16xf32>
        %mul3A_661 = arith.mulf %get3A_659, %mul3A_660 : vector<16xf32>
        %swap3A_662 = arith.index_cast %add3A_653 : i32 to index
        %swap3A_663 = arith.constant 0 : index
        %swap3A_664 = tpu.vector_load %arg12[%swap3A_662, %swap3A_663] {strides = array<i32>} : memref<128x64xf32, #tpu.memory_space<vmem>>, vector<1x16xf32>,
        %swap3A_665 = vector.shape_cast %swap3A_664 : vector<1x16xf32> to vector<16xf32>
        %swap3A_666 = vector.shape_cast %mul3A_661 : vector<16xf32> to vector<1x16xf32>
        tpu.vector_store %arg12[%swap3A_662, %swap3A_663], %swap3A_666 {strides = array<i32>} : memref<128x64xf32, #tpu.memory_space<vmem>>, vector<1x16xf32>,
        %get3A_667 = arith.index_cast %add3A_653 : i32 to index
        %get3A_668 = arith.constant 16 : index
        %get3A_669 = tpu.vector_load %arg12[%get3A_667, %get3A_668] {strides = array<i32>} : memref<128x64xf32, #tpu.memory_space<vmem>>, vector<1x16xf32>,
        %get3A_670 = vector.shape_cast %get3A_669 : vector<1x16xf32> to vector<16xf32>
        %mul3A_671 = vector.broadcast %squeeze3A_655 : f32 to vector<16xf32>
        %mul3A_672 = arith.mulf %get3A_670, %mul3A_671 : vector<16xf32>
        %swap3A_673 = arith.index_cast %add3A_653 : i32 to index
        %swap3A_674 = arith.constant 16 : index
        %swap3A_675 = tpu.vector_load %arg12[%swap3A_673, %swap3A_674] {strides = array<i32>} : memref<128x64xf32, #tpu.memory_space<vmem>>, vector<1x16xf32>,
        %swap3A_676 = vector.shape_cast %swap3A_675 : vector<1x16xf32> to vector<16xf32>
        %swap3A_677 = vector.shape_cast %mul3A_672 : vector<16xf32> to vector<1x16xf32>
        tpu.vector_store %arg12[%swap3A_673, %swap3A_674], %swap3A_677 {strides = array<i32>} : memref<128x64xf32, #tpu.memory_space<vmem>>, vector<1x16xf32>,
        %get3A_678 = arith.index_cast %add3A_653 : i32 to index
        %get3A_679 = arith.constant 32 : index
        %get3A_680 = tpu.vector_load %arg12[%get3A_678, %get3A_679] {strides = array<i32>} : memref<128x64xf32, #tpu.memory_space<vmem>>, vector<1x16xf32>,
        %get3A_681 = vector.shape_cast %get3A_680 : vector<1x16xf32> to vector<16xf32>
        %mul3A_682 = vector.broadcast %squeeze3A_655 : f32 to vector<16xf32>
        %mul3A_683 = arith.mulf %get3A_681, %mul3A_682 : vector<16xf32>
        %swap3A_684 = arith.index_cast %add3A_653 : i32 to index
        %swap3A_685 = arith.constant 32 : index
        %swap3A_686 = tpu.vector_load %arg12[%swap3A_684, %swap3A_685] {strides = array<i32>} : memref<128x64xf32, #tpu.memory_space<vmem>>, vector<1x16xf32>,
        %swap3A_687 = vector.shape_cast %swap3A_686 : vector<1x16xf32> to vector<16xf32>
        %swap3A_688 = vector.shape_cast %mul3A_683 : vector<16xf32> to vector<1x16xf32>
        tpu.vector_store %arg12[%swap3A_684, %swap3A_685], %swap3A_688 {strides = array<i32>} : memref<128x64xf32, #tpu.memory_space<vmem>>, vector<1x16xf32>,
        %get3A_689 = arith.index_cast %add3A_653 : i32 to index
        %get3A_690 = arith.constant 48 : index
        %get3A_691 = tpu.vector_load %arg12[%get3A_689, %get3A_690] {strides = array<i32>} : memref<128x64xf32, #tpu.memory_space<vmem>>, vector<1x16xf32>,
        %get3A_692 = vector.shape_cast %get3A_691 : vector<1x16xf32> to vector<16xf32>
        %mul3A_693 = vector.broadcast %squeeze3A_655 : f32 to vector<16xf32>
        %mul3A_694 = arith.mulf %get3A_692, %mul3A_693 : vector<16xf32>
        %swap3A_695 = arith.index_cast %add3A_653 : i32 to index
        %swap3A_696 = arith.constant 48 : index
        %swap3A_697 = tpu.vector_load %arg12[%swap3A_695, %swap3A_696] {strides = array<i32>} : memref<128x64xf32, #tpu.memory_space<vmem>>, vector<1x16xf32>,
        %swap3A_698 = vector.shape_cast %swap3A_697 : vector<1x16xf32> to vector<16xf32>
        %swap3A_699 = vector.shape_cast %mul3A_694 : vector<16xf32> to vector<1x16xf32>
        tpu.vector_store %arg12[%swap3A_695, %swap3A_696], %swap3A_699 {strides = array<i32>} : memref<128x64xf32, #tpu.memory_space<vmem>>, vector<1x16xf32>,
        %mul3A_700 = arith.constant 16 : i32
        %mul3A_701 = arith.muli %scan3A_97, %mul3A_700 : i32
        %add3A_702 = arith.constant 12 : i32
        %add3A_703 = arith.addi %mul3A_701, %add3A_702 : i32
        %slice3A_704 = vector.extract_strided_slice %get3A_102 {offsets = [12], sizes = [1], strides = [1]} : vector<16xf32> to vector<1xf32>
        %squeeze3A_705 = vector.extract %slice3A_704[0] : f32 from vector<1xf32>
        %get3A_706 = arith.index_cast %add3A_703 : i32 to index
        %get3A_707 = arith.constant 0 : index
        %get3A_708 = tpu.vector_load %arg12[%get3A_706, %get3A_707] {strides = array<i32>} : memref<128x64xf32, #tpu.memory_space<vmem>>, vector<1x16xf32>,
        %get3A_709 = vector.shape_cast %get3A_708 : vector<1x16xf32> to vector<16xf32>
        %mul3A_710 = vector.broadcast %squeeze3A_705 : f32 to vector<16xf32>
        %mul3A_711 = arith.mulf %get3A_709, %mul3A_710 : vector<16xf32>
        %swap3A_712 = arith.index_cast %add3A_703 : i32 to index
        %swap3A_713 = arith.constant 0 : index
        %swap3A_714 = tpu.vector_load %arg12[%swap3A_712, %swap3A_713] {strides = array<i32>} : memref<128x64xf32, #tpu.memory_space<vmem>>, vector<1x16xf32>,
        %swap3A_715 = vector.shape_cast %swap3A_714 : vector<1x16xf32> to vector<16xf32>
        %swap3A_716 = vector.shape_cast %mul3A_711 : vector<16xf32> to vector<1x16xf32>
        tpu.vector_store %arg12[%swap3A_712, %swap3A_713], %swap3A_716 {strides = array<i32>} : memref<128x64xf32, #tpu.memory_space<vmem>>, vector<1x16xf32>,
        %get3A_717 = arith.index_cast %add3A_703 : i32 to index
        %get3A_718 = arith.constant 16 : index
        %get3A_719 = tpu.vector_load %arg12[%get3A_717, %get3A_718] {strides = array<i32>} : memref<128x64xf32, #tpu.memory_space<vmem>>, vector<1x16xf32>,
        %get3A_720 = vector.shape_cast %get3A_719 : vector<1x16xf32> to vector<16xf32>
        %mul3A_721 = vector.broadcast %squeeze3A_705 : f32 to vector<16xf32>
        %mul3A_722 = arith.mulf %get3A_720, %mul3A_721 : vector<16xf32>
        %swap3A_723 = arith.index_cast %add3A_703 : i32 to index
        %swap3A_724 = arith.constant 16 : index
        %swap3A_725 = tpu.vector_load %arg12[%swap3A_723, %swap3A_724] {strides = array<i32>} : memref<128x64xf32, #tpu.memory_space<vmem>>, vector<1x16xf32>,
        %swap3A_726 = vector.shape_cast %swap3A_725 : vector<1x16xf32> to vector<16xf32>
        %swap3A_727 = vector.shape_cast %mul3A_722 : vector<16xf32> to vector<1x16xf32>
        tpu.vector_store %arg12[%swap3A_723, %swap3A_724], %swap3A_727 {strides = array<i32>} : memref<128x64xf32, #tpu.memory_space<vmem>>, vector<1x16xf32>,
        %get3A_728 = arith.index_cast %add3A_703 : i32 to index
        %get3A_729 = arith.constant 32 : index
        %get3A_730 = tpu.vector_load %arg12[%get3A_728, %get3A_729] {strides = array<i32>} : memref<128x64xf32, #tpu.memory_space<vmem>>, vector<1x16xf32>,
        %get3A_731 = vector.shape_cast %get3A_730 : vector<1x16xf32> to vector<16xf32>
        %mul3A_732 = vector.broadcast %squeeze3A_705 : f32 to vector<16xf32>
        %mul3A_733 = arith.mulf %get3A_731, %mul3A_732 : vector<16xf32>
        %swap3A_734 = arith.index_cast %add3A_703 : i32 to index
        %swap3A_735 = arith.constant 32 : index
        %swap3A_736 = tpu.vector_load %arg12[%swap3A_734, %swap3A_735] {strides = array<i32>} : memref<128x64xf32, #tpu.memory_space<vmem>>, vector<1x16xf32>,
        %swap3A_737 = vector.shape_cast %swap3A_736 : vector<1x16xf32> to vector<16xf32>
        %swap3A_738 = vector.shape_cast %mul3A_733 : vector<16xf32> to vector<1x16xf32>
        tpu.vector_store %arg12[%swap3A_734, %swap3A_735], %swap3A_738 {strides = array<i32>} : memref<128x64xf32, #tpu.memory_space<vmem>>, vector<1x16xf32>,
        %get3A_739 = arith.index_cast %add3A_703 : i32 to index
        %get3A_740 = arith.constant 48 : index
        %get3A_741 = tpu.vector_load %arg12[%get3A_739, %get3A_740] {strides = array<i32>} : memref<128x64xf32, #tpu.memory_space<vmem>>, vector<1x16xf32>,
        %get3A_742 = vector.shape_cast %get3A_741 : vector<1x16xf32> to vector<16xf32>
        %mul3A_743 = vector.broadcast %squeeze3A_705 : f32 to vector<16xf32>
        %mul3A_744 = arith.mulf %get3A_742, %mul3A_743 : vector<16xf32>
        %swap3A_745 = arith.index_cast %add3A_703 : i32 to index
        %swap3A_746 = arith.constant 48 : index
        %swap3A_747 = tpu.vector_load %arg12[%swap3A_745, %swap3A_746] {strides = array<i32>} : memref<128x64xf32, #tpu.memory_space<vmem>>, vector<1x16xf32>,
        %swap3A_748 = vector.shape_cast %swap3A_747 : vector<1x16xf32> to vector<16xf32>
        %swap3A_749 = vector.shape_cast %mul3A_744 : vector<16xf32> to vector<1x16xf32>
        tpu.vector_store %arg12[%swap3A_745, %swap3A_746], %swap3A_749 {strides = array<i32>} : memref<128x64xf32, #tpu.memory_space<vmem>>, vector<1x16xf32>,
        %mul3A_750 = arith.constant 16 : i32
        %mul3A_751 = arith.muli %scan3A_97, %mul3A_750 : i32
        %add3A_752 = arith.constant 13 : i32
        %add3A_753 = arith.addi %mul3A_751, %add3A_752 : i32
        %slice3A_754 = vector.extract_strided_slice %get3A_102 {offsets = [13], sizes = [1], strides = [1]} : vector<16xf32> to vector<1xf32>
        %squeeze3A_755 = vector.extract %slice3A_754[0] : f32 from vector<1xf32>
        %get3A_756 = arith.index_cast %add3A_753 : i32 to index
        %get3A_757 = arith.constant 0 : index
        %get3A_758 = tpu.vector_load %arg12[%get3A_756, %get3A_757] {strides = array<i32>} : memref<128x64xf32, #tpu.memory_space<vmem>>, vector<1x16xf32>,
        %get3A_759 = vector.shape_cast %get3A_758 : vector<1x16xf32> to vector<16xf32>
        %mul3A_760 = vector.broadcast %squeeze3A_755 : f32 to vector<16xf32>
        %mul3A_761 = arith.mulf %get3A_759, %mul3A_760 : vector<16xf32>
        %swap3A_762 = arith.index_cast %add3A_753 : i32 to index
        %swap3A_763 = arith.constant 0 : index
        %swap3A_764 = tpu.vector_load %arg12[%swap3A_762, %swap3A_763] {strides = array<i32>} : memref<128x64xf32, #tpu.memory_space<vmem>>, vector<1x16xf32>,
        %swap3A_765 = vector.shape_cast %swap3A_764 : vector<1x16xf32> to vector<16xf32>
        %swap3A_766 = vector.shape_cast %mul3A_761 : vector<16xf32> to vector<1x16xf32>
        tpu.vector_store %arg12[%swap3A_762, %swap3A_763], %swap3A_766 {strides = array<i32>} : memref<128x64xf32, #tpu.memory_space<vmem>>, vector<1x16xf32>,
        %get3A_767 = arith.index_cast %add3A_753 : i32 to index
        %get3A_768 = arith.constant 16 : index
        %get3A_769 = tpu.vector_load %arg12[%get3A_767, %get3A_768] {strides = array<i32>} : memref<128x64xf32, #tpu.memory_space<vmem>>, vector<1x16xf32>,
        %get3A_770 = vector.shape_cast %get3A_769 : vector<1x16xf32> to vector<16xf32>
        %mul3A_771 = vector.broadcast %squeeze3A_755 : f32 to vector<16xf32>
        %mul3A_772 = arith.mulf %get3A_770, %mul3A_771 : vector<16xf32>
        %swap3A_773 = arith.index_cast %add3A_753 : i32 to index
        %swap3A_774 = arith.constant 16 : index
        %swap3A_775 = tpu.vector_load %arg12[%swap3A_773, %swap3A_774] {strides = array<i32>} : memref<128x64xf32, #tpu.memory_space<vmem>>, vector<1x16xf32>,
        %swap3A_776 = vector.shape_cast %swap3A_775 : vector<1x16xf32> to vector<16xf32>
        %swap3A_777 = vector.shape_cast %mul3A_772 : vector<16xf32> to vector<1x16xf32>
        tpu.vector_store %arg12[%swap3A_773, %swap3A_774], %swap3A_777 {strides = array<i32>} : memref<128x64xf32, #tpu.memory_space<vmem>>, vector<1x16xf32>,
        %get3A_778 = arith.index_cast %add3A_753 : i32 to index
        %get3A_779 = arith.constant 32 : index
        %get3A_780 = tpu.vector_load %arg12[%get3A_778, %get3A_779] {strides = array<i32>} : memref<128x64xf32, #tpu.memory_space<vmem>>, vector<1x16xf32>,
        %get3A_781 = vector.shape_cast %get3A_780 : vector<1x16xf32> to vector<16xf32>
        %mul3A_782 = vector.broadcast %squeeze3A_755 : f32 to vector<16xf32>
        %mul3A_783 = arith.mulf %get3A_781, %mul3A_782 : vector<16xf32>
        %swap3A_784 = arith.index_cast %add3A_753 : i32 to index
        %swap3A_785 = arith.constant 32 : index
        %swap3A_786 = tpu.vector_load %arg12[%swap3A_784, %swap3A_785] {strides = array<i32>} : memref<128x64xf32, #tpu.memory_space<vmem>>, vector<1x16xf32>,
        %swap3A_787 = vector.shape_cast %swap3A_786 : vector<1x16xf32> to vector<16xf32>
        %swap3A_788 = vector.shape_cast %mul3A_783 : vector<16xf32> to vector<1x16xf32>
        tpu.vector_store %arg12[%swap3A_784, %swap3A_785], %swap3A_788 {strides = array<i32>} : memref<128x64xf32, #tpu.memory_space<vmem>>, vector<1x16xf32>,
        %get3A_789 = arith.index_cast %add3A_753 : i32 to index
        %get3A_790 = arith.constant 48 : index
        %get3A_791 = tpu.vector_load %arg12[%get3A_789, %get3A_790] {strides = array<i32>} : memref<128x64xf32, #tpu.memory_space<vmem>>, vector<1x16xf32>,
        %get3A_792 = vector.shape_cast %get3A_791 : vector<1x16xf32> to vector<16xf32>
        %mul3A_793 = vector.broadcast %squeeze3A_755 : f32 to vector<16xf32>
        %mul3A_794 = arith.mulf %get3A_792, %mul3A_793 : vector<16xf32>
        %swap3A_795 = arith.index_cast %add3A_753 : i32 to index
        %swap3A_796 = arith.constant 48 : index
        %swap3A_797 = tpu.vector_load %arg12[%swap3A_795, %swap3A_796] {strides = array<i32>} : memref<128x64xf32, #tpu.memory_space<vmem>>, vector<1x16xf32>,
        %swap3A_798 = vector.shape_cast %swap3A_797 : vector<1x16xf32> to vector<16xf32>
        %swap3A_799 = vector.shape_cast %mul3A_794 : vector<16xf32> to vector<1x16xf32>
        tpu.vector_store %arg12[%swap3A_795, %swap3A_796], %swap3A_799 {strides = array<i32>} : memref<128x64xf32, #tpu.memory_space<vmem>>, vector<1x16xf32>,
        %mul3A_800 = arith.constant 16 : i32
        %mul3A_801 = arith.muli %scan3A_97, %mul3A_800 : i32
        %add3A_802 = arith.constant 14 : i32
        %add3A_803 = arith.addi %mul3A_801, %add3A_802 : i32
        %slice3A_804 = vector.extract_strided_slice %get3A_102 {offsets = [14], sizes = [1], strides = [1]} : vector<16xf32> to vector<1xf32>
        %squeeze3A_805 = vector.extract %slice3A_804[0] : f32 from vector<1xf32>
        %get3A_806 = arith.index_cast %add3A_803 : i32 to index
        %get3A_807 = arith.constant 0 : index
        %get3A_808 = tpu.vector_load %arg12[%get3A_806, %get3A_807] {strides = array<i32>} : memref<128x64xf32, #tpu.memory_space<vmem>>, vector<1x16xf32>,
        %get3A_809 = vector.shape_cast %get3A_808 : vector<1x16xf32> to vector<16xf32>
        %mul3A_810 = vector.broadcast %squeeze3A_805 : f32 to vector<16xf32>
        %mul3A_811 = arith.mulf %get3A_809, %mul3A_810 : vector<16xf32>
        %swap3A_812 = arith.index_cast %add3A_803 : i32 to index
        %swap3A_813 = arith.constant 0 : index
        %swap3A_814 = tpu.vector_load %arg12[%swap3A_812, %swap3A_813] {strides = array<i32>} : memref<128x64xf32, #tpu.memory_space<vmem>>, vector<1x16xf32>,
        %swap3A_815 = vector.shape_cast %swap3A_814 : vector<1x16xf32> to vector<16xf32>
        %swap3A_816 = vector.shape_cast %mul3A_811 : vector<16xf32> to vector<1x16xf32>
        tpu.vector_store %arg12[%swap3A_812, %swap3A_813], %swap3A_816 {strides = array<i32>} : memref<128x64xf32, #tpu.memory_space<vmem>>, vector<1x16xf32>,
        %get3A_817 = arith.index_cast %add3A_803 : i32 to index
        %get3A_818 = arith.constant 16 : index
        %get3A_819 = tpu.vector_load %arg12[%get3A_817, %get3A_818] {strides = array<i32>} : memref<128x64xf32, #tpu.memory_space<vmem>>, vector<1x16xf32>,
        %get3A_820 = vector.shape_cast %get3A_819 : vector<1x16xf32> to vector<16xf32>
        %mul3A_821 = vector.broadcast %squeeze3A_805 : f32 to vector<16xf32>
        %mul3A_822 = arith.mulf %get3A_820, %mul3A_821 : vector<16xf32>
        %swap3A_823 = arith.index_cast %add3A_803 : i32 to index
        %swap3A_824 = arith.constant 16 : index
        %swap3A_825 = tpu.vector_load %arg12[%swap3A_823, %swap3A_824] {strides = array<i32>} : memref<128x64xf32, #tpu.memory_space<vmem>>, vector<1x16xf32>,
        %swap3A_826 = vector.shape_cast %swap3A_825 : vector<1x16xf32> to vector<16xf32>
        %swap3A_827 = vector.shape_cast %mul3A_822 : vector<16xf32> to vector<1x16xf32>
        tpu.vector_store %arg12[%swap3A_823, %swap3A_824], %swap3A_827 {strides = array<i32>} : memref<128x64xf32, #tpu.memory_space<vmem>>, vector<1x16xf32>,
        %get3A_828 = arith.index_cast %add3A_803 : i32 to index
        %get3A_829 = arith.constant 32 : index
        %get3A_830 = tpu.vector_load %arg12[%get3A_828, %get3A_829] {strides = array<i32>} : memref<128x64xf32, #tpu.memory_space<vmem>>, vector<1x16xf32>,
        %get3A_831 = vector.shape_cast %get3A_830 : vector<1x16xf32> to vector<16xf32>
        %mul3A_832 = vector.broadcast %squeeze3A_805 : f32 to vector<16xf32>
        %mul3A_833 = arith.mulf %get3A_831, %mul3A_832 : vector<16xf32>
        %swap3A_834 = arith.index_cast %add3A_803 : i32 to index
        %swap3A_835 = arith.constant 32 : index
        %swap3A_836 = tpu.vector_load %arg12[%swap3A_834, %swap3A_835] {strides = array<i32>} : memref<128x64xf32, #tpu.memory_space<vmem>>, vector<1x16xf32>,
        %swap3A_837 = vector.shape_cast %swap3A_836 : vector<1x16xf32> to vector<16xf32>
        %swap3A_838 = vector.shape_cast %mul3A_833 : vector<16xf32> to vector<1x16xf32>
        tpu.vector_store %arg12[%swap3A_834, %swap3A_835], %swap3A_838 {strides = array<i32>} : memref<128x64xf32, #tpu.memory_space<vmem>>, vector<1x16xf32>,
        %get3A_839 = arith.index_cast %add3A_803 : i32 to index
        %get3A_840 = arith.constant 48 : index
        %get3A_841 = tpu.vector_load %arg12[%get3A_839, %get3A_840] {strides = array<i32>} : memref<128x64xf32, #tpu.memory_space<vmem>>, vector<1x16xf32>,
        %get3A_842 = vector.shape_cast %get3A_841 : vector<1x16xf32> to vector<16xf32>
        %mul3A_843 = vector.broadcast %squeeze3A_805 : f32 to vector<16xf32>
        %mul3A_844 = arith.mulf %get3A_842, %mul3A_843 : vector<16xf32>
        %swap3A_845 = arith.index_cast %add3A_803 : i32 to index
        %swap3A_846 = arith.constant 48 : index
        %swap3A_847 = tpu.vector_load %arg12[%swap3A_845, %swap3A_846] {strides = array<i32>} : memref<128x64xf32, #tpu.memory_space<vmem>>, vector<1x16xf32>,
        %swap3A_848 = vector.shape_cast %swap3A_847 : vector<1x16xf32> to vector<16xf32>
        %swap3A_849 = vector.shape_cast %mul3A_844 : vector<16xf32> to vector<1x16xf32>
        tpu.vector_store %arg12[%swap3A_845, %swap3A_846], %swap3A_849 {strides = array<i32>} : memref<128x64xf32, #tpu.memory_space<vmem>>, vector<1x16xf32>,
        %mul3A_850 = arith.constant 16 : i32
        %mul3A_851 = arith.muli %scan3A_97, %mul3A_850 : i32
        %add3A_852 = arith.constant 15 : i32
        %add3A_853 = arith.addi %mul3A_851, %add3A_852 : i32
        %slice3A_854 = vector.extract_strided_slice %get3A_102 {offsets = [15], sizes = [1], strides = [1]} : vector<16xf32> to vector<1xf32>
        %squeeze3A_855 = vector.extract %slice3A_854[0] : f32 from vector<1xf32>
        %get3A_856 = arith.index_cast %add3A_853 : i32 to index
        %get3A_857 = arith.constant 0 : index
        %get3A_858 = tpu.vector_load %arg12[%get3A_856, %get3A_857] {strides = array<i32>} : memref<128x64xf32, #tpu.memory_space<vmem>>, vector<1x16xf32>,
        %get3A_859 = vector.shape_cast %get3A_858 : vector<1x16xf32> to vector<16xf32>
        %mul3A_860 = vector.broadcast %squeeze3A_855 : f32 to vector<16xf32>
        %mul3A_861 = arith.mulf %get3A_859, %mul3A_860 : vector<16xf32>
        %swap3A_862 = arith.index_cast %add3A_853 : i32 to index
        %swap3A_863 = arith.constant 0 : index
        %swap3A_864 = tpu.vector_load %arg12[%swap3A_862, %swap3A_863] {strides = array<i32>} : memref<128x64xf32, #tpu.memory_space<vmem>>, vector<1x16xf32>,
        %swap3A_865 = vector.shape_cast %swap3A_864 : vector<1x16xf32> to vector<16xf32>
        %swap3A_866 = vector.shape_cast %mul3A_861 : vector<16xf32> to vector<1x16xf32>
        tpu.vector_store %arg12[%swap3A_862, %swap3A_863], %swap3A_866 {strides = array<i32>} : memref<128x64xf32, #tpu.memory_space<vmem>>, vector<1x16xf32>,
        %get3A_867 = arith.index_cast %add3A_853 : i32 to index
        %get3A_868 = arith.constant 16 : index
        %get3A_869 = tpu.vector_load %arg12[%get3A_867, %get3A_868] {strides = array<i32>} : memref<128x64xf32, #tpu.memory_space<vmem>>, vector<1x16xf32>,
        %get3A_870 = vector.shape_cast %get3A_869 : vector<1x16xf32> to vector<16xf32>
        %mul3A_871 = vector.broadcast %squeeze3A_855 : f32 to vector<16xf32>
        %mul3A_872 = arith.mulf %get3A_870, %mul3A_871 : vector<16xf32>
        %swap3A_873 = arith.index_cast %add3A_853 : i32 to index
        %swap3A_874 = arith.constant 16 : index
        %swap3A_875 = tpu.vector_load %arg12[%swap3A_873, %swap3A_874] {strides = array<i32>} : memref<128x64xf32, #tpu.memory_space<vmem>>, vector<1x16xf32>,
        %swap3A_876 = vector.shape_cast %swap3A_875 : vector<1x16xf32> to vector<16xf32>
        %swap3A_877 = vector.shape_cast %mul3A_872 : vector<16xf32> to vector<1x16xf32>
        tpu.vector_store %arg12[%swap3A_873, %swap3A_874], %swap3A_877 {strides = array<i32>} : memref<128x64xf32, #tpu.memory_space<vmem>>, vector<1x16xf32>,
        %get3A_878 = arith.index_cast %add3A_853 : i32 to index
        %get3A_879 = arith.constant 32 : index
        %get3A_880 = tpu.vector_load %arg12[%get3A_878, %get3A_879] {strides = array<i32>} : memref<128x64xf32, #tpu.memory_space<vmem>>, vector<1x16xf32>,
        %get3A_881 = vector.shape_cast %get3A_880 : vector<1x16xf32> to vector<16xf32>
        %mul3A_882 = vector.broadcast %squeeze3A_855 : f32 to vector<16xf32>
        %mul3A_883 = arith.mulf %get3A_881, %mul3A_882 : vector<16xf32>
        %swap3A_884 = arith.index_cast %add3A_853 : i32 to index
        %swap3A_885 = arith.constant 32 : index
        %swap3A_886 = tpu.vector_load %arg12[%swap3A_884, %swap3A_885] {strides = array<i32>} : memref<128x64xf32, #tpu.memory_space<vmem>>, vector<1x16xf32>,
        %swap3A_887 = vector.shape_cast %swap3A_886 : vector<1x16xf32> to vector<16xf32>
        %swap3A_888 = vector.shape_cast %mul3A_883 : vector<16xf32> to vector<1x16xf32>
        tpu.vector_store %arg12[%swap3A_884, %swap3A_885], %swap3A_888 {strides = array<i32>} : memref<128x64xf32, #tpu.memory_space<vmem>>, vector<1x16xf32>,
        %get3A_889 = arith.index_cast %add3A_853 : i32 to index
        %get3A_890 = arith.constant 48 : index
        %get3A_891 = tpu.vector_load %arg12[%get3A_889, %get3A_890] {strides = array<i32>} : memref<128x64xf32, #tpu.memory_space<vmem>>, vector<1x16xf32>,
        %get3A_892 = vector.shape_cast %get3A_891 : vector<1x16xf32> to vector<16xf32>
        %mul3A_893 = vector.broadcast %squeeze3A_855 : f32 to vector<16xf32>
        %mul3A_894 = arith.mulf %get3A_892, %mul3A_893 : vector<16xf32>
        %swap3A_895 = arith.index_cast %add3A_853 : i32 to index
        %swap3A_896 = arith.constant 48 : index
        %swap3A_897 = tpu.vector_load %arg12[%swap3A_895, %swap3A_896] {strides = array<i32>} : memref<128x64xf32, #tpu.memory_space<vmem>>, vector<1x16xf32>,
        %swap3A_898 = vector.shape_cast %swap3A_897 : vector<1x16xf32> to vector<16xf32>
        %swap3A_899 = vector.shape_cast %mul3A_894 : vector<16xf32> to vector<1x16xf32>
        tpu.vector_store %arg12[%swap3A_895, %swap3A_896], %swap3A_899 {strides = array<i32>} : memref<128x64xf32, #tpu.memory_space<vmem>>, vector<1x16xf32>,
      }
      %scan3A_96 = arith.constant 8 : i32
      "tpu.region"() ({
        %run_scoped3A_97 = tpu.sem_alloc : memref<!tpu.dma_semaphore, #tpu.memory_space<semaphore_mem>>
        %dma_start3A_98 = arith.constant 0 : i32
        %dma_start3A_99 = tpu.memref_slice %arg10[%scan3A_80, %dma_start3A_98] : memref<80x128xi32, #tpu.memory_space<vmem>> -> memref<1x128xi32, #tpu.memory_space<vmem>>
        %dma_start3A_100 = tpu.memref_squeeze %dma_start3A_99 : memref<1x128xi32, #tpu.memory_space<vmem>> -> memref<128xi32, #tpu.memory_space<vmem>>
        %dma_start3A_101 = arith.constant 0 : i32
        %dma_start3A_102 = arith.constant 0 : i32
        %dma_start3A_103 = tpu.memref_slice %arg14[%dma_start3A_101, %dma_start3A_102] : memref<10240x64xf32, #tpu.memory_space<vmem_shared>> -> memref<10240x64xf32, #tpu.memory_space<vmem_shared>>
        tpu.enqueue_indirect_dma source(%arg12 : memref<128x64xf32, #tpu.memory_space<vmem>>) target(%dma_start3A_103 : memref<10240x64xf32, #tpu.memory_space<vmem_shared>>) offsets(%dma_start3A_100 : memref<128xi32, #tpu.memory_space<vmem>>) semaphore(%run_scoped3A_97 : memref<!tpu.dma_semaphore, #tpu.memory_space<semaphore_mem>>) {add = true}
        %dma_wait3A_104 = arith.constant 0 : i32
        %dma_wait3A_105 = tpu.memref_slice %arg10[%scan3A_80, %dma_wait3A_104] : memref<80x128xi32, #tpu.memory_space<vmem>> -> memref<1x128xi32, #tpu.memory_space<vmem>>
        %dma_wait3A_106 = tpu.memref_squeeze %dma_wait3A_105 : memref<1x128xi32, #tpu.memory_space<vmem>> -> memref<128xi32, #tpu.memory_space<vmem>>
        %dma_wait3A_107 = arith.constant 0 : i32
        %dma_wait3A_108 = arith.constant 0 : i32
        %dma_wait3A_109 = tpu.memref_slice %arg14[%dma_wait3A_107, %dma_wait3A_108] : memref<10240x64xf32, #tpu.memory_space<vmem_shared>> -> memref<10240x64xf32, #tpu.memory_space<vmem_shared>>
        tpu.wait_indirect_dma semaphore(%run_scoped3A_97 : memref<!tpu.dma_semaphore, #tpu.memory_space<semaphore_mem>>) src(%arg12 : memref<128x64xf32, #tpu.memory_space<vmem>>) dst(%dma_wait3A_109 : memref<10240x64xf32, #tpu.memory_space<vmem_shared>>)
        tpu.yield
      }) : () -> ()
    }
    %scan3A_72 = arith.constant 80 : i32
    %barrier3A_73 = arith.constant 0 : index
    tpu.barrier barrier_id(%barrier3A_73)
    %mul3A_74 = arith.constant 640 : i32
    %mul3A_75 = arith.muli %arg1, %mul3A_74 : i32
    %mul3A_76 = arith.constant 640 : i32
    %mul3A_77 = arith.muli %arg1, %mul3A_76 : i32
    %run_scoped3A_78 = arith.constant 1 : i32
    "tpu.region"() ({
      %run_scoped3A_80 = tpu.sem_alloc : memref<!tpu.dma_semaphore, #tpu.memory_space<semaphore_mem>>
      %dma_start3A = arith.constant 0 : i32
      %dma_start3A_81 = tpu.memref_slice %arg7[%arg0, %run_scoped3A_78, %mul3A_77, %dma_start3A] : memref<2x2x10240x64xf32, #tpu.memory_space<hbm>> -> memref<1x1x640x64xf32, #tpu.memory_space<hbm>>
      %dma_start3A_82 = tpu.memref_squeeze %dma_start3A_81 : memref<1x1x640x64xf32, #tpu.memory_space<hbm>> -> memref<640x64xf32, #tpu.memory_space<hbm>>
      %dma_start3A_83 = arith.constant 0 : i32
      %dma_start3A_84 = tpu.memref_slice %arg14[%mul3A_75, %dma_start3A_83] : memref<10240x64xf32, #tpu.memory_space<vmem_shared>> -> memref<640x64xf32, #tpu.memory_space<vmem_shared>>
      tpu.enqueue_dma source(%dma_start3A_84 : memref<640x64xf32, #tpu.memory_space<vmem_shared>>) target(%dma_start3A_82 : memref<640x64xf32, #tpu.memory_space<hbm>>) target_semaphore(%run_scoped3A_80 : memref<!tpu.dma_semaphore, #tpu.memory_space<semaphore_mem>>)
      %dma_wait3A = arith.constant 0 : i32
      %dma_wait3A_85 = tpu.memref_slice %arg7[%arg0, %run_scoped3A_78, %mul3A_77, %dma_wait3A] : memref<2x2x10240x64xf32, #tpu.memory_space<hbm>> -> memref<1x1x640x64xf32, #tpu.memory_space<hbm>>
      %dma_wait3A_86 = tpu.memref_squeeze %dma_wait3A_85 : memref<1x1x640x64xf32, #tpu.memory_space<hbm>> -> memref<640x64xf32, #tpu.memory_space<hbm>>
      %dma_wait3A_87 = arith.constant 0 : i32
      %dma_wait3A_88 = tpu.memref_slice %arg14[%mul3A_75, %dma_wait3A_87] : memref<10240x64xf32, #tpu.memory_space<vmem_shared>> -> memref<640x64xf32, #tpu.memory_space<vmem_shared>>
      tpu.wait_dma2 semaphore(%run_scoped3A_80 : memref<!tpu.dma_semaphore, #tpu.memory_space<semaphore_mem>>) src(%dma_wait3A_88 : memref<640x64xf32, #tpu.memory_space<vmem_shared>>) dst(%dma_wait3A_86 : memref<640x64xf32, #tpu.memory_space<hbm>>)
      tpu.yield
    }) : () -> ()
    %barrier3A_79 = arith.constant 0 : index
    tpu.barrier barrier_id(%barrier3A_79)
    return
  }
}

#map = affine_map<(d0, d1) -> (0, 0)>
#map1 = affine_map<(d0, d1) -> (0, 0, 0, 0)>
module attributes {stable_mosaic.version = 14 : i64} {
  func.func @_spmm_sc(%arg0: i32, %arg1: i32, %arg2: memref<20000x64xf32, #tpu.memory_space<hbm>>, %arg3: memref<2560x128xi32, #tpu.memory_space<hbm>>, %arg4: memref<2560x128xi32, #tpu.memory_space<hbm>>, %arg5: memref<2560x128xi32, #tpu.memory_space<hbm>>, %arg6: memref<2560x128xf32, #tpu.memory_space<hbm>>, %arg7: memref<2x2x10240x64xf32, #tpu.memory_space<hbm>>, %arg8: memref<80x128xi32, #tpu.memory_space<vmem>>, %arg9: memref<80x128xi32, #tpu.memory_space<vmem>>, %arg10: memref<80x128xi32, #tpu.memory_space<vmem>>, %arg11: memref<80x128xf32, #tpu.memory_space<vmem>>, %arg12: memref<128x64xf32, #tpu.memory_space<vmem>>, %arg13: memref<128x64xf32, #tpu.memory_space<vmem>>, %arg14: memref<10240x64xf32, #tpu.memory_space<vmem_shared>>, %arg15: memref<!tpu.dma_semaphore, #tpu.memory_space<semaphore_mem>>) attributes {dimension_semantics = [#tpu.dimension_semantics<core_parallel>, #tpu.dimension_semantics<subcore_parallel>], iteration_bounds = array<i64: 2, 16>, scalar_prefetch = 0 : i64, scratch_operands = 8 : i64, tpu.core_type = #tpu.core_type<sc_vector_subcore>, window_params = [{transform_indices = #map}, {transform_indices = #map}, {transform_indices = #map}, {transform_indices = #map}, {transform_indices = #map}, {transform_indices = #map1}]} {
    %mul3A = arith.constant 16 : i32
    %mul3A_0 = arith.muli %arg0, %mul3A : i32
    %add3A = arith.addi %mul3A_0, %arg1 : i32
    %scan3A = arith.constant 0 : i32
    %scan3A_1 = arith.constant 0 : i32
    %scan3A_2 = arith.constant 128 : i32
    %scan3A_3 = arith.addi %scan3A_1, %scan3A_2 : i32
    %scan3A_4 = arith.constant 1 : i32
    scf.for %scan3A_80 = %scan3A_1 to %scan3A_3 step %scan3A_4  : i32 {
      %broadcast_in_dim3A = arith.constant 0.000000e+00 : f32
      %broadcast_in_dim3A_81 = vector.broadcast %broadcast_in_dim3A : f32 to vector<16xf32>
      %swap3A = arith.index_cast %scan3A_80 : i32 to index
      %swap3A_82 = arith.constant 0 : index
      %swap3A_83 = tpu.vector_load %arg13[%swap3A, %swap3A_82] {strides = array<i32>} : memref<128x64xf32, #tpu.memory_space<vmem>>, vector<1x16xf32>,
      %swap3A_84 = vector.shape_cast %swap3A_83 : vector<1x16xf32> to vector<16xf32>
      %swap3A_85 = vector.shape_cast %broadcast_in_dim3A_81 : vector<16xf32> to vector<1x16xf32>
      tpu.vector_store %arg13[%swap3A, %swap3A_82], %swap3A_85 {strides = array<i32>} : memref<128x64xf32, #tpu.memory_space<vmem>>, vector<1x16xf32>,
      %broadcast_in_dim3A_86 = arith.constant 0.000000e+00 : f32
      %broadcast_in_dim3A_87 = vector.broadcast %broadcast_in_dim3A_86 : f32 to vector<16xf32>
      %swap3A_88 = arith.index_cast %scan3A_80 : i32 to index
      %swap3A_89 = arith.constant 16 : index
      %swap3A_90 = tpu.vector_load %arg13[%swap3A_88, %swap3A_89] {strides = array<i32>} : memref<128x64xf32, #tpu.memory_space<vmem>>, vector<1x16xf32>,
      %swap3A_91 = vector.shape_cast %swap3A_90 : vector<1x16xf32> to vector<16xf32>
      %swap3A_92 = vector.shape_cast %broadcast_in_dim3A_87 : vector<16xf32> to vector<1x16xf32>
      tpu.vector_store %arg13[%swap3A_88, %swap3A_89], %swap3A_92 {strides = array<i32>} : memref<128x64xf32, #tpu.memory_space<vmem>>, vector<1x16xf32>,
      %broadcast_in_dim3A_93 = arith.constant 0.000000e+00 : f32
      %broadcast_in_dim3A_94 = vector.broadcast %broadcast_in_dim3A_93 : f32 to vector<16xf32>
      %swap3A_95 = arith.index_cast %scan3A_80 : i32 to index
      %swap3A_96 = arith.constant 32 : index
      %swap3A_97 = tpu.vector_load %arg13[%swap3A_95, %swap3A_96] {strides = array<i32>} : memref<128x64xf32, #tpu.memory_space<vmem>>, vector<1x16xf32>,
      %swap3A_98 = vector.shape_cast %swap3A_97 : vector<1x16xf32> to vector<16xf32>
      %swap3A_99 = vector.shape_cast %broadcast_in_dim3A_94 : vector<16xf32> to vector<1x16xf32>
      tpu.vector_store %arg13[%swap3A_95, %swap3A_96], %swap3A_99 {strides = array<i32>} : memref<128x64xf32, #tpu.memory_space<vmem>>, vector<1x16xf32>,
      %broadcast_in_dim3A_100 = arith.constant 0.000000e+00 : f32
      %broadcast_in_dim3A_101 = vector.broadcast %broadcast_in_dim3A_100 : f32 to vector<16xf32>
      %swap3A_102 = arith.index_cast %scan3A_80 : i32 to index
      %swap3A_103 = arith.constant 48 : index
      %swap3A_104 = tpu.vector_load %arg13[%swap3A_102, %swap3A_103] {strides = array<i32>} : memref<128x64xf32, #tpu.memory_space<vmem>>, vector<1x16xf32>,
      %swap3A_105 = vector.shape_cast %swap3A_104 : vector<1x16xf32> to vector<16xf32>
      %swap3A_106 = vector.shape_cast %broadcast_in_dim3A_101 : vector<16xf32> to vector<1x16xf32>
      tpu.vector_store %arg13[%swap3A_102, %swap3A_103], %swap3A_106 {strides = array<i32>} : memref<128x64xf32, #tpu.memory_space<vmem>>, vector<1x16xf32>,
    }
    %scan3A_5 = arith.constant 128 : i32
    %mul3A_6 = arith.constant 80 : i32
    %mul3A_7 = arith.muli %add3A, %mul3A_6 : i32
    "tpu.region"() ({
      %run_scoped3A_80 = tpu.sem_alloc : memref<!tpu.dma_semaphore, #tpu.memory_space<semaphore_mem>>
      %dma_start3A = arith.constant 0 : i32
      %dma_start3A_81 = tpu.memref_slice %arg3[%mul3A_7, %dma_start3A] : memref<2560x128xi32, #tpu.memory_space<hbm>> -> memref<80x128xi32, #tpu.memory_space<hbm>>
      %dma_start3A_82 = arith.constant 0 : i32
      %dma_start3A_83 = tpu.memref_slice %arg3[%mul3A_7, %dma_start3A_82] : memref<2560x128xi32, #tpu.memory_space<hbm>> -> memref<80x128xi32, #tpu.memory_space<hbm>>
      tpu.enqueue_dma source(%dma_start3A_83 : memref<80x128xi32, #tpu.memory_space<hbm>>) target(%arg8 : memref<80x128xi32, #tpu.memory_space<vmem>>) target_semaphore(%run_scoped3A_80 : memref<!tpu.dma_semaphore, #tpu.memory_space<semaphore_mem>>)
      %dma_wait3A = arith.constant 0 : i32
      %dma_wait3A_84 = tpu.memref_slice %arg3[%mul3A_7, %dma_wait3A] : memref<2560x128xi32, #tpu.memory_space<hbm>> -> memref<80x128xi32, #tpu.memory_space<hbm>>
      %dma_wait3A_85 = arith.constant 0 : i32
      %dma_wait3A_86 = tpu.memref_slice %arg3[%mul3A_7, %dma_wait3A_85] : memref<2560x128xi32, #tpu.memory_space<hbm>> -> memref<80x128xi32, #tpu.memory_space<hbm>>
      tpu.wait_dma2 semaphore(%run_scoped3A_80 : memref<!tpu.dma_semaphore, #tpu.memory_space<semaphore_mem>>) src(%dma_wait3A_86 : memref<80x128xi32, #tpu.memory_space<hbm>>) dst(%arg8 : memref<80x128xi32, #tpu.memory_space<vmem>>)
      tpu.yield
    }) : () -> ()
    %mul3A_8 = arith.constant 80 : i32
    %mul3A_9 = arith.muli %add3A, %mul3A_8 : i32
    "tpu.region"() ({
      %run_scoped3A_80 = tpu.sem_alloc : memref<!tpu.dma_semaphore, #tpu.memory_space<semaphore_mem>>
      %dma_start3A = arith.constant 0 : i32
      %dma_start3A_81 = tpu.memref_slice %arg4[%mul3A_9, %dma_start3A] : memref<2560x128xi32, #tpu.memory_space<hbm>> -> memref<80x128xi32, #tpu.memory_space<hbm>>
      %dma_start3A_82 = arith.constant 0 : i32
      %dma_start3A_83 = tpu.memref_slice %arg4[%mul3A_9, %dma_start3A_82] : memref<2560x128xi32, #tpu.memory_space<hbm>> -> memref<80x128xi32, #tpu.memory_space<hbm>>
      tpu.enqueue_dma source(%dma_start3A_83 : memref<80x128xi32, #tpu.memory_space<hbm>>) target(%arg9 : memref<80x128xi32, #tpu.memory_space<vmem>>) target_semaphore(%run_scoped3A_80 : memref<!tpu.dma_semaphore, #tpu.memory_space<semaphore_mem>>)
      %dma_wait3A = arith.constant 0 : i32
      %dma_wait3A_84 = tpu.memref_slice %arg4[%mul3A_9, %dma_wait3A] : memref<2560x128xi32, #tpu.memory_space<hbm>> -> memref<80x128xi32, #tpu.memory_space<hbm>>
      %dma_wait3A_85 = arith.constant 0 : i32
      %dma_wait3A_86 = tpu.memref_slice %arg4[%mul3A_9, %dma_wait3A_85] : memref<2560x128xi32, #tpu.memory_space<hbm>> -> memref<80x128xi32, #tpu.memory_space<hbm>>
      tpu.wait_dma2 semaphore(%run_scoped3A_80 : memref<!tpu.dma_semaphore, #tpu.memory_space<semaphore_mem>>) src(%dma_wait3A_86 : memref<80x128xi32, #tpu.memory_space<hbm>>) dst(%arg9 : memref<80x128xi32, #tpu.memory_space<vmem>>)
      tpu.yield
    }) : () -> ()
    %mul3A_10 = arith.constant 80 : i32
    %mul3A_11 = arith.muli %add3A, %mul3A_10 : i32
    "tpu.region"() ({
      %run_scoped3A_80 = tpu.sem_alloc : memref<!tpu.dma_semaphore, #tpu.memory_space<semaphore_mem>>
      %dma_start3A = arith.constant 0 : i32
      %dma_start3A_81 = tpu.memref_slice %arg5[%mul3A_11, %dma_start3A] : memref<2560x128xi32, #tpu.memory_space<hbm>> -> memref<80x128xi32, #tpu.memory_space<hbm>>
      %dma_start3A_82 = arith.constant 0 : i32
      %dma_start3A_83 = tpu.memref_slice %arg5[%mul3A_11, %dma_start3A_82] : memref<2560x128xi32, #tpu.memory_space<hbm>> -> memref<80x128xi32, #tpu.memory_space<hbm>>
      tpu.enqueue_dma source(%dma_start3A_83 : memref<80x128xi32, #tpu.memory_space<hbm>>) target(%arg10 : memref<80x128xi32, #tpu.memory_space<vmem>>) target_semaphore(%run_scoped3A_80 : memref<!tpu.dma_semaphore, #tpu.memory_space<semaphore_mem>>)
      %dma_wait3A = arith.constant 0 : i32
      %dma_wait3A_84 = tpu.memref_slice %arg5[%mul3A_11, %dma_wait3A] : memref<2560x128xi32, #tpu.memory_space<hbm>> -> memref<80x128xi32, #tpu.memory_space<hbm>>
      %dma_wait3A_85 = arith.constant 0 : i32
      %dma_wait3A_86 = tpu.memref_slice %arg5[%mul3A_11, %dma_wait3A_85] : memref<2560x128xi32, #tpu.memory_space<hbm>> -> memref<80x128xi32, #tpu.memory_space<hbm>>
      tpu.wait_dma2 semaphore(%run_scoped3A_80 : memref<!tpu.dma_semaphore, #tpu.memory_space<semaphore_mem>>) src(%dma_wait3A_86 : memref<80x128xi32, #tpu.memory_space<hbm>>) dst(%arg10 : memref<80x128xi32, #tpu.memory_space<vmem>>)
      tpu.yield
    }) : () -> ()
    %mul3A_12 = arith.constant 80 : i32
    %mul3A_13 = arith.muli %add3A, %mul3A_12 : i32
    "tpu.region"() ({
      %run_scoped3A_80 = tpu.sem_alloc : memref<!tpu.dma_semaphore, #tpu.memory_space<semaphore_mem>>
      %dma_start3A = arith.constant 0 : i32
      %dma_start3A_81 = tpu.memref_slice %arg6[%mul3A_13, %dma_start3A] : memref<2560x128xf32, #tpu.memory_space<hbm>> -> memref<80x128xf32, #tpu.memory_space<hbm>>
      %dma_start3A_82 = arith.constant 0 : i32
      %dma_start3A_83 = tpu.memref_slice %arg6[%mul3A_13, %dma_start3A_82] : memref<2560x128xf32, #tpu.memory_space<hbm>> -> memref<80x128xf32, #tpu.memory_space<hbm>>
      tpu.enqueue_dma source(%dma_start3A_83 : memref<80x128xf32, #tpu.memory_space<hbm>>) target(%arg11 : memref<80x128xf32, #tpu.memory_space<vmem>>) target_semaphore(%run_scoped3A_80 : memref<!tpu.dma_semaphore, #tpu.memory_space<semaphore_mem>>)
      %dma_wait3A = arith.constant 0 : i32
      %dma_wait3A_84 = tpu.memref_slice %arg6[%mul3A_13, %dma_wait3A] : memref<2560x128xf32, #tpu.memory_space<hbm>> -> memref<80x128xf32, #tpu.memory_space<hbm>>
      %dma_wait3A_85 = arith.constant 0 : i32
      %dma_wait3A_86 = tpu.memref_slice %arg6[%mul3A_13, %dma_wait3A_85] : memref<2560x128xf32, #tpu.memory_space<hbm>> -> memref<80x128xf32, #tpu.memory_space<hbm>>
      tpu.wait_dma2 semaphore(%run_scoped3A_80 : memref<!tpu.dma_semaphore, #tpu.memory_space<semaphore_mem>>) src(%dma_wait3A_86 : memref<80x128xf32, #tpu.memory_space<hbm>>) dst(%arg11 : memref<80x128xf32, #tpu.memory_space<vmem>>)
      tpu.yield
    }) : () -> ()
    %mul3A_14 = arith.constant 640 : i32
    %mul3A_15 = arith.muli %arg1, %mul3A_14 : i32
    %add3A_16 = arith.constant 0 : i32
    %add3A_17 = arith.addi %mul3A_15, %add3A_16 : i32
    "tpu.region"() ({
      %run_scoped3A_80 = tpu.sem_alloc : memref<!tpu.dma_semaphore, #tpu.memory_space<semaphore_mem>>
      %dma_start3A = arith.constant 0 : i32
      %dma_start3A_81 = tpu.memref_slice %arg14[%add3A_17, %dma_start3A] : memref<10240x64xf32, #tpu.memory_space<vmem_shared>> -> memref<128x64xf32, #tpu.memory_space<vmem_shared>>
      %dma_start3A_82 = arith.constant 0 : i32
      %dma_start3A_83 = tpu.memref_slice %arg14[%add3A_17, %dma_start3A_82] : memref<10240x64xf32, #tpu.memory_space<vmem_shared>> -> memref<128x64xf32, #tpu.memory_space<vmem_shared>>
      tpu.enqueue_dma source(%arg13 : memref<128x64xf32, #tpu.memory_space<vmem>>) target(%dma_start3A_83 : memref<128x64xf32, #tpu.memory_space<vmem_shared>>) target_semaphore(%run_scoped3A_80 : memref<!tpu.dma_semaphore, #tpu.memory_space<semaphore_mem>>)
      %dma_wait3A = arith.constant 0 : i32
      %dma_wait3A_84 = tpu.memref_slice %arg14[%add3A_17, %dma_wait3A] : memref<10240x64xf32, #tpu.memory_space<vmem_shared>> -> memref<128x64xf32, #tpu.memory_space<vmem_shared>>
      %dma_wait3A_85 = arith.constant 0 : i32
      %dma_wait3A_86 = tpu.memref_slice %arg14[%add3A_17, %dma_wait3A_85] : memref<10240x64xf32, #tpu.memory_space<vmem_shared>> -> memref<128x64xf32, #tpu.memory_space<vmem_shared>>
      tpu.wait_dma2 semaphore(%run_scoped3A_80 : memref<!tpu.dma_semaphore, #tpu.memory_space<semaphore_mem>>) src(%arg13 : memref<128x64xf32, #tpu.memory_space<vmem>>) dst(%dma_wait3A_86 : memref<128x64xf32, #tpu.memory_space<vmem_shared>>)
      tpu.yield
    }) : () -> ()
    %mul3A_18 = arith.constant 640 : i32
    %mul3A_19 = arith.muli %arg1, %mul3A_18 : i32
    %add3A_20 = arith.constant 128 : i32
    %add3A_21 = arith.addi %mul3A_19, %add3A_20 : i32
    "tpu.region"() ({
      %run_scoped3A_80 = tpu.sem_alloc : memref<!tpu.dma_semaphore, #tpu.memory_space<semaphore_mem>>
      %dma_start3A = arith.constant 0 : i32
      %dma_start3A_81 = tpu.memref_slice %arg14[%add3A_21, %dma_start3A] : memref<10240x64xf32, #tpu.memory_space<vmem_shared>> -> memref<128x64xf32, #tpu.memory_space<vmem_shared>>
      %dma_start3A_82 = arith.constant 0 : i32
      %dma_start3A_83 = tpu.memref_slice %arg14[%add3A_21, %dma_start3A_82] : memref<10240x64xf32, #tpu.memory_space<vmem_shared>> -> memref<128x64xf32, #tpu.memory_space<vmem_shared>>
      tpu.enqueue_dma source(%arg13 : memref<128x64xf32, #tpu.memory_space<vmem>>) target(%dma_start3A_83 : memref<128x64xf32, #tpu.memory_space<vmem_shared>>) target_semaphore(%run_scoped3A_80 : memref<!tpu.dma_semaphore, #tpu.memory_space<semaphore_mem>>)
      %dma_wait3A = arith.constant 0 : i32
      %dma_wait3A_84 = tpu.memref_slice %arg14[%add3A_21, %dma_wait3A] : memref<10240x64xf32, #tpu.memory_space<vmem_shared>> -> memref<128x64xf32, #tpu.memory_space<vmem_shared>>
      %dma_wait3A_85 = arith.constant 0 : i32
      %dma_wait3A_86 = tpu.memref_slice %arg14[%add3A_21, %dma_wait3A_85] : memref<10240x64xf32, #tpu.memory_space<vmem_shared>> -> memref<128x64xf32, #tpu.memory_space<vmem_shared>>
      tpu.wait_dma2 semaphore(%run_scoped3A_80 : memref<!tpu.dma_semaphore, #tpu.memory_space<semaphore_mem>>) src(%arg13 : memref<128x64xf32, #tpu.memory_space<vmem>>) dst(%dma_wait3A_86 : memref<128x64xf32, #tpu.memory_space<vmem_shared>>)
      tpu.yield
    }) : () -> ()
    %mul3A_22 = arith.constant 640 : i32
    %mul3A_23 = arith.muli %arg1, %mul3A_22 : i32
    %add3A_24 = arith.constant 256 : i32
    %add3A_25 = arith.addi %mul3A_23, %add3A_24 : i32
    "tpu.region"() ({
      %run_scoped3A_80 = tpu.sem_alloc : memref<!tpu.dma_semaphore, #tpu.memory_space<semaphore_mem>>
      %dma_start3A = arith.constant 0 : i32
      %dma_start3A_81 = tpu.memref_slice %arg14[%add3A_25, %dma_start3A] : memref<10240x64xf32, #tpu.memory_space<vmem_shared>> -> memref<128x64xf32, #tpu.memory_space<vmem_shared>>
      %dma_start3A_82 = arith.constant 0 : i32
      %dma_start3A_83 = tpu.memref_slice %arg14[%add3A_25, %dma_start3A_82] : memref<10240x64xf32, #tpu.memory_space<vmem_shared>> -> memref<128x64xf32, #tpu.memory_space<vmem_shared>>
      tpu.enqueue_dma source(%arg13 : memref<128x64xf32, #tpu.memory_space<vmem>>) target(%dma_start3A_83 : memref<128x64xf32, #tpu.memory_space<vmem_shared>>) target_semaphore(%run_scoped3A_80 : memref<!tpu.dma_semaphore, #tpu.memory_space<semaphore_mem>>)
      %dma_wait3A = arith.constant 0 : i32
      %dma_wait3A_84 = tpu.memref_slice %arg14[%add3A_25, %dma_wait3A] : memref<10240x64xf32, #tpu.memory_space<vmem_shared>> -> memref<128x64xf32, #tpu.memory_space<vmem_shared>>
      %dma_wait3A_85 = arith.constant 0 : i32
      %dma_wait3A_86 = tpu.memref_slice %arg14[%add3A_25, %dma_wait3A_85] : memref<10240x64xf32, #tpu.memory_space<vmem_shared>> -> memref<128x64xf32, #tpu.memory_space<vmem_shared>>
      tpu.wait_dma2 semaphore(%run_scoped3A_80 : memref<!tpu.dma_semaphore, #tpu.memory_space<semaphore_mem>>) src(%arg13 : memref<128x64xf32, #tpu.memory_space<vmem>>) dst(%dma_wait3A_86 : memref<128x64xf32, #tpu.memory_space<vmem_shared>>)
      tpu.yield
    }) : () -> ()
    %mul3A_26 = arith.constant 640 : i32
    %mul3A_27 = arith.muli %arg1, %mul3A_26 : i32
    %add3A_28 = arith.constant 384 : i32
    %add3A_29 = arith.addi %mul3A_27, %add3A_28 : i32
    "tpu.region"() ({
      %run_scoped3A_80 = tpu.sem_alloc : memref<!tpu.dma_semaphore, #tpu.memory_space<semaphore_mem>>
      %dma_start3A = arith.constant 0 : i32
      %dma_start3A_81 = tpu.memref_slice %arg14[%add3A_29, %dma_start3A] : memref<10240x64xf32, #tpu.memory_space<vmem_shared>> -> memref<128x64xf32, #tpu.memory_space<vmem_shared>>
      %dma_start3A_82 = arith.constant 0 : i32
      %dma_start3A_83 = tpu.memref_slice %arg14[%add3A_29, %dma_start3A_82] : memref<10240x64xf32, #tpu.memory_space<vmem_shared>> -> memref<128x64xf32, #tpu.memory_space<vmem_shared>>
      tpu.enqueue_dma source(%arg13 : memref<128x64xf32, #tpu.memory_space<vmem>>) target(%dma_start3A_83 : memref<128x64xf32, #tpu.memory_space<vmem_shared>>) target_semaphore(%run_scoped3A_80 : memref<!tpu.dma_semaphore, #tpu.memory_space<semaphore_mem>>)
      %dma_wait3A = arith.constant 0 : i32
      %dma_wait3A_84 = tpu.memref_slice %arg14[%add3A_29, %dma_wait3A] : memref<10240x64xf32, #tpu.memory_space<vmem_shared>> -> memref<128x64xf32, #tpu.memory_space<vmem_shared>>
      %dma_wait3A_85 = arith.constant 0 : i32
      %dma_wait3A_86 = tpu.memref_slice %arg14[%add3A_29, %dma_wait3A_85] : memref<10240x64xf32, #tpu.memory_space<vmem_shared>> -> memref<128x64xf32, #tpu.memory_space<vmem_shared>>
      tpu.wait_dma2 semaphore(%run_scoped3A_80 : memref<!tpu.dma_semaphore, #tpu.memory_space<semaphore_mem>>) src(%arg13 : memref<128x64xf32, #tpu.memory_space<vmem>>) dst(%dma_wait3A_86 : memref<128x64xf32, #tpu.memory_space<vmem_shared>>)
      tpu.yield
    }) : () -> ()
    %mul3A_30 = arith.constant 640 : i32
    %mul3A_31 = arith.muli %arg1, %mul3A_30 : i32
    %add3A_32 = arith.constant 512 : i32
    %add3A_33 = arith.addi %mul3A_31, %add3A_32 : i32
    "tpu.region"() ({
      %run_scoped3A_80 = tpu.sem_alloc : memref<!tpu.dma_semaphore, #tpu.memory_space<semaphore_mem>>
      %dma_start3A = arith.constant 0 : i32
      %dma_start3A_81 = tpu.memref_slice %arg14[%add3A_33, %dma_start3A] : memref<10240x64xf32, #tpu.memory_space<vmem_shared>> -> memref<128x64xf32, #tpu.memory_space<vmem_shared>>
      %dma_start3A_82 = arith.constant 0 : i32
      %dma_start3A_83 = tpu.memref_slice %arg14[%add3A_33, %dma_start3A_82] : memref<10240x64xf32, #tpu.memory_space<vmem_shared>> -> memref<128x64xf32, #tpu.memory_space<vmem_shared>>
      tpu.enqueue_dma source(%arg13 : memref<128x64xf32, #tpu.memory_space<vmem>>) target(%dma_start3A_83 : memref<128x64xf32, #tpu.memory_space<vmem_shared>>) target_semaphore(%run_scoped3A_80 : memref<!tpu.dma_semaphore, #tpu.memory_space<semaphore_mem>>)
      %dma_wait3A = arith.constant 0 : i32
      %dma_wait3A_84 = tpu.memref_slice %arg14[%add3A_33, %dma_wait3A] : memref<10240x64xf32, #tpu.memory_space<vmem_shared>> -> memref<128x64xf32, #tpu.memory_space<vmem_shared>>
      %dma_wait3A_85 = arith.constant 0 : i32
      %dma_wait3A_86 = tpu.memref_slice %arg14[%add3A_33, %dma_wait3A_85] : memref<10240x64xf32, #tpu.memory_space<vmem_shared>> -> memref<128x64xf32, #tpu.memory_space<vmem_shared>>
      tpu.wait_dma2 semaphore(%run_scoped3A_80 : memref<!tpu.dma_semaphore, #tpu.memory_space<semaphore_mem>>) src(%arg13 : memref<128x64xf32, #tpu.memory_space<vmem>>) dst(%dma_wait3A_86 : memref<128x64xf32, #tpu.memory_space<vmem_shared>>)
      tpu.yield
    }) : () -> ()
    %barrier3A = arith.constant 0 : index
    tpu.barrier barrier_id(%barrier3A)
    %scan3A_34 = arith.constant 0 : i32
    %scan3A_35 = arith.constant 0 : i32
    %scan3A_36 = arith.constant 80 : i32
    %scan3A_37 = arith.addi %scan3A_35, %scan3A_36 : i32
    %scan3A_38 = arith.constant 1 : i32
    scf.for %scan3A_80 = %scan3A_35 to %scan3A_37 step %scan3A_38  : i32 {
      %dma_start3A = arith.constant 0 : i32
      %dma_start3A_81 = tpu.memref_slice %arg8[%scan3A_80, %dma_start3A] : memref<80x128xi32, #tpu.memory_space<vmem>> -> memref<1x128xi32, #tpu.memory_space<vmem>>
      %dma_start3A_82 = tpu.memref_squeeze %dma_start3A_81 : memref<1x128xi32, #tpu.memory_space<vmem>> -> memref<128xi32, #tpu.memory_space<vmem>>
      %dma_start3A_83 = arith.constant 0 : i32
      %dma_start3A_84 = arith.constant 0 : i32
      %dma_start3A_85 = tpu.memref_slice %arg2[%dma_start3A_83, %dma_start3A_84] : memref<20000x64xf32, #tpu.memory_space<hbm>> -> memref<20000x64xf32, #tpu.memory_space<hbm>>
      tpu.enqueue_indirect_dma source(%dma_start3A_85 : memref<20000x64xf32, #tpu.memory_space<hbm>>) target(%arg12 : memref<128x64xf32, #tpu.memory_space<vmem>>) offsets(%dma_start3A_82 : memref<128xi32, #tpu.memory_space<vmem>>) semaphore(%arg15 : memref<!tpu.dma_semaphore, #tpu.memory_space<semaphore_mem>>)
      %dma_wait3A = arith.constant 0 : i32
      %dma_wait3A_86 = tpu.memref_slice %arg8[%scan3A_80, %dma_wait3A] : memref<80x128xi32, #tpu.memory_space<vmem>> -> memref<1x128xi32, #tpu.memory_space<vmem>>
      %dma_wait3A_87 = tpu.memref_squeeze %dma_wait3A_86 : memref<1x128xi32, #tpu.memory_space<vmem>> -> memref<128xi32, #tpu.memory_space<vmem>>
      %dma_wait3A_88 = arith.constant 0 : i32
      %dma_wait3A_89 = arith.constant 0 : i32
      %dma_wait3A_90 = tpu.memref_slice %arg2[%dma_wait3A_88, %dma_wait3A_89] : memref<20000x64xf32, #tpu.memory_space<hbm>> -> memref<20000x64xf32, #tpu.memory_space<hbm>>
      tpu.wait_indirect_dma semaphore(%arg15 : memref<!tpu.dma_semaphore, #tpu.memory_space<semaphore_mem>>) src(%dma_wait3A_90 : memref<20000x64xf32, #tpu.memory_space<hbm>>) dst(%arg12 : memref<128x64xf32, #tpu.memory_space<vmem>>)
      %scan3A_91 = arith.constant 0 : i32
      %scan3A_92 = arith.constant 0 : i32
      %scan3A_93 = arith.constant 8 : i32
      %scan3A_94 = arith.addi %scan3A_92, %scan3A_93 : i32
      %scan3A_95 = arith.constant 1 : i32
      scf.for %scan3A_97 = %scan3A_92 to %scan3A_94 step %scan3A_95  : i32 {
        %mul3A_98 = arith.constant 16 : i32
        %mul3A_99 = arith.muli %scan3A_97, %mul3A_98 : i32
        %get3A = arith.index_cast %scan3A_80 : i32 to index
        %get3A_100 = arith.index_cast %mul3A_99 : i32 to index
        %get3A_101 = tpu.vector_load %arg11[%get3A, %get3A_100] {strides = array<i32>} : memref<80x128xf32, #tpu.memory_space<vmem>>, vector<1x16xf32>,
        %get3A_102 = vector.shape_cast %get3A_101 : vector<1x16xf32> to vector<16xf32>
        %mul3A_103 = arith.constant 16 : i32
        %mul3A_104 = arith.muli %scan3A_97, %mul3A_103 : i32
        %add3A_105 = arith.constant 0 : i32
        %add3A_106 = arith.addi %mul3A_104, %add3A_105 : i32
        %slice3A = vector.extract_strided_slice %get3A_102 {offsets = [0], sizes = [1], strides = [1]} : vector<16xf32> to vector<1xf32>
        %squeeze3A = vector.extract %slice3A[0] : f32 from vector<1xf32>
        %get3A_107 = arith.index_cast %add3A_106 : i32 to index
        %get3A_108 = arith.constant 0 : index
        %get3A_109 = tpu.vector_load %arg12[%get3A_107, %get3A_108] {strides = array<i32>} : memref<128x64xf32, #tpu.memory_space<vmem>>, vector<1x16xf32>,
        %get3A_110 = vector.shape_cast %get3A_109 : vector<1x16xf32> to vector<16xf32>
        %mul3A_111 = vector.broadcast %squeeze3A : f32 to vector<16xf32>
        %mul3A_112 = arith.mulf %get3A_110, %mul3A_111 : vector<16xf32>
        %swap3A = arith.index_cast %add3A_106 : i32 to index
        %swap3A_113 = arith.constant 0 : index
        %swap3A_114 = tpu.vector_load %arg12[%swap3A, %swap3A_113] {strides = array<i32>} : memref<128x64xf32, #tpu.memory_space<vmem>>, vector<1x16xf32>,
        %swap3A_115 = vector.shape_cast %swap3A_114 : vector<1x16xf32> to vector<16xf32>
        %swap3A_116 = vector.shape_cast %mul3A_112 : vector<16xf32> to vector<1x16xf32>
        tpu.vector_store %arg12[%swap3A, %swap3A_113], %swap3A_116 {strides = array<i32>} : memref<128x64xf32, #tpu.memory_space<vmem>>, vector<1x16xf32>,
        %get3A_117 = arith.index_cast %add3A_106 : i32 to index
        %get3A_118 = arith.constant 16 : index
        %get3A_119 = tpu.vector_load %arg12[%get3A_117, %get3A_118] {strides = array<i32>} : memref<128x64xf32, #tpu.memory_space<vmem>>, vector<1x16xf32>,
        %get3A_120 = vector.shape_cast %get3A_119 : vector<1x16xf32> to vector<16xf32>
        %mul3A_121 = vector.broadcast %squeeze3A : f32 to vector<16xf32>
        %mul3A_122 = arith.mulf %get3A_120, %mul3A_121 : vector<16xf32>
        %swap3A_123 = arith.index_cast %add3A_106 : i32 to index
        %swap3A_124 = arith.constant 16 : index
        %swap3A_125 = tpu.vector_load %arg12[%swap3A_123, %swap3A_124] {strides = array<i32>} : memref<128x64xf32, #tpu.memory_space<vmem>>, vector<1x16xf32>,
        %swap3A_126 = vector.shape_cast %swap3A_125 : vector<1x16xf32> to vector<16xf32>
        %swap3A_127 = vector.shape_cast %mul3A_122 : vector<16xf32> to vector<1x16xf32>
        tpu.vector_store %arg12[%swap3A_123, %swap3A_124], %swap3A_127 {strides = array<i32>} : memref<128x64xf32, #tpu.memory_space<vmem>>, vector<1x16xf32>,
        %get3A_128 = arith.index_cast %add3A_106 : i32 to index
        %get3A_129 = arith.constant 32 : index
        %get3A_130 = tpu.vector_load %arg12[%get3A_128, %get3A_129] {strides = array<i32>} : memref<128x64xf32, #tpu.memory_space<vmem>>, vector<1x16xf32>,
        %get3A_131 = vector.shape_cast %get3A_130 : vector<1x16xf32> to vector<16xf32>
        %mul3A_132 = vector.broadcast %squeeze3A : f32 to vector<16xf32>
        %mul3A_133 = arith.mulf %get3A_131, %mul3A_132 : vector<16xf32>
        %swap3A_134 = arith.index_cast %add3A_106 : i32 to index
        %swap3A_135 = arith.constant 32 : index
        %swap3A_136 = tpu.vector_load %arg12[%swap3A_134, %swap3A_135] {strides = array<i32>} : memref<128x64xf32, #tpu.memory_space<vmem>>, vector<1x16xf32>,
        %swap3A_137 = vector.shape_cast %swap3A_136 : vector<1x16xf32> to vector<16xf32>
        %swap3A_138 = vector.shape_cast %mul3A_133 : vector<16xf32> to vector<1x16xf32>
        tpu.vector_store %arg12[%swap3A_134, %swap3A_135], %swap3A_138 {strides = array<i32>} : memref<128x64xf32, #tpu.memory_space<vmem>>, vector<1x16xf32>,
        %get3A_139 = arith.index_cast %add3A_106 : i32 to index
        %get3A_140 = arith.constant 48 : index
        %get3A_141 = tpu.vector_load %arg12[%get3A_139, %get3A_140] {strides = array<i32>} : memref<128x64xf32, #tpu.memory_space<vmem>>, vector<1x16xf32>,
        %get3A_142 = vector.shape_cast %get3A_141 : vector<1x16xf32> to vector<16xf32>
        %mul3A_143 = vector.broadcast %squeeze3A : f32 to vector<16xf32>
        %mul3A_144 = arith.mulf %get3A_142, %mul3A_143 : vector<16xf32>
        %swap3A_145 = arith.index_cast %add3A_106 : i32 to index
        %swap3A_146 = arith.constant 48 : index
        %swap3A_147 = tpu.vector_load %arg12[%swap3A_145, %swap3A_146] {strides = array<i32>} : memref<128x64xf32, #tpu.memory_space<vmem>>, vector<1x16xf32>,
        %swap3A_148 = vector.shape_cast %swap3A_147 : vector<1x16xf32> to vector<16xf32>
        %swap3A_149 = vector.shape_cast %mul3A_144 : vector<16xf32> to vector<1x16xf32>
        tpu.vector_store %arg12[%swap3A_145, %swap3A_146], %swap3A_149 {strides = array<i32>} : memref<128x64xf32, #tpu.memory_space<vmem>>, vector<1x16xf32>,
        %mul3A_150 = arith.constant 16 : i32
        %mul3A_151 = arith.muli %scan3A_97, %mul3A_150 : i32
        %add3A_152 = arith.constant 1 : i32
        %add3A_153 = arith.addi %mul3A_151, %add3A_152 : i32
        %slice3A_154 = vector.extract_strided_slice %get3A_102 {offsets = [1], sizes = [1], strides = [1]} : vector<16xf32> to vector<1xf32>
        %squeeze3A_155 = vector.extract %slice3A_154[0] : f32 from vector<1xf32>
        %get3A_156 = arith.index_cast %add3A_153 : i32 to index
        %get3A_157 = arith.constant 0 : index
        %get3A_158 = tpu.vector_load %arg12[%get3A_156, %get3A_157] {strides = array<i32>} : memref<128x64xf32, #tpu.memory_space<vmem>>, vector<1x16xf32>,
        %get3A_159 = vector.shape_cast %get3A_158 : vector<1x16xf32> to vector<16xf32>
        %mul3A_160 = vector.broadcast %squeeze3A_155 : f32 to vector<16xf32>
        %mul3A_161 = arith.mulf %get3A_159, %mul3A_160 : vector<16xf32>
        %swap3A_162 = arith.index_cast %add3A_153 : i32 to index
        %swap3A_163 = arith.constant 0 : index
        %swap3A_164 = tpu.vector_load %arg12[%swap3A_162, %swap3A_163] {strides = array<i32>} : memref<128x64xf32, #tpu.memory_space<vmem>>, vector<1x16xf32>,
        %swap3A_165 = vector.shape_cast %swap3A_164 : vector<1x16xf32> to vector<16xf32>
        %swap3A_166 = vector.shape_cast %mul3A_161 : vector<16xf32> to vector<1x16xf32>
        tpu.vector_store %arg12[%swap3A_162, %swap3A_163], %swap3A_166 {strides = array<i32>} : memref<128x64xf32, #tpu.memory_space<vmem>>, vector<1x16xf32>,
        %get3A_167 = arith.index_cast %add3A_153 : i32 to index
        %get3A_168 = arith.constant 16 : index
        %get3A_169 = tpu.vector_load %arg12[%get3A_167, %get3A_168] {strides = array<i32>} : memref<128x64xf32, #tpu.memory_space<vmem>>, vector<1x16xf32>,
        %get3A_170 = vector.shape_cast %get3A_169 : vector<1x16xf32> to vector<16xf32>
        %mul3A_171 = vector.broadcast %squeeze3A_155 : f32 to vector<16xf32>
        %mul3A_172 = arith.mulf %get3A_170, %mul3A_171 : vector<16xf32>
        %swap3A_173 = arith.index_cast %add3A_153 : i32 to index
        %swap3A_174 = arith.constant 16 : index
        %swap3A_175 = tpu.vector_load %arg12[%swap3A_173, %swap3A_174] {strides = array<i32>} : memref<128x64xf32, #tpu.memory_space<vmem>>, vector<1x16xf32>,
        %swap3A_176 = vector.shape_cast %swap3A_175 : vector<1x16xf32> to vector<16xf32>
        %swap3A_177 = vector.shape_cast %mul3A_172 : vector<16xf32> to vector<1x16xf32>
        tpu.vector_store %arg12[%swap3A_173, %swap3A_174], %swap3A_177 {strides = array<i32>} : memref<128x64xf32, #tpu.memory_space<vmem>>, vector<1x16xf32>,
        %get3A_178 = arith.index_cast %add3A_153 : i32 to index
        %get3A_179 = arith.constant 32 : index
        %get3A_180 = tpu.vector_load %arg12[%get3A_178, %get3A_179] {strides = array<i32>} : memref<128x64xf32, #tpu.memory_space<vmem>>, vector<1x16xf32>,
        %get3A_181 = vector.shape_cast %get3A_180 : vector<1x16xf32> to vector<16xf32>
        %mul3A_182 = vector.broadcast %squeeze3A_155 : f32 to vector<16xf32>
        %mul3A_183 = arith.mulf %get3A_181, %mul3A_182 : vector<16xf32>
        %swap3A_184 = arith.index_cast %add3A_153 : i32 to index
        %swap3A_185 = arith.constant 32 : index
        %swap3A_186 = tpu.vector_load %arg12[%swap3A_184, %swap3A_185] {strides = array<i32>} : memref<128x64xf32, #tpu.memory_space<vmem>>, vector<1x16xf32>,
        %swap3A_187 = vector.shape_cast %swap3A_186 : vector<1x16xf32> to vector<16xf32>
        %swap3A_188 = vector.shape_cast %mul3A_183 : vector<16xf32> to vector<1x16xf32>
        tpu.vector_store %arg12[%swap3A_184, %swap3A_185], %swap3A_188 {strides = array<i32>} : memref<128x64xf32, #tpu.memory_space<vmem>>, vector<1x16xf32>,
        %get3A_189 = arith.index_cast %add3A_153 : i32 to index
        %get3A_190 = arith.constant 48 : index
        %get3A_191 = tpu.vector_load %arg12[%get3A_189, %get3A_190] {strides = array<i32>} : memref<128x64xf32, #tpu.memory_space<vmem>>, vector<1x16xf32>,
        %get3A_192 = vector.shape_cast %get3A_191 : vector<1x16xf32> to vector<16xf32>
        %mul3A_193 = vector.broadcast %squeeze3A_155 : f32 to vector<16xf32>
        %mul3A_194 = arith.mulf %get3A_192, %mul3A_193 : vector<16xf32>
        %swap3A_195 = arith.index_cast %add3A_153 : i32 to index
        %swap3A_196 = arith.constant 48 : index
        %swap3A_197 = tpu.vector_load %arg12[%swap3A_195, %swap3A_196] {strides = array<i32>} : memref<128x64xf32, #tpu.memory_space<vmem>>, vector<1x16xf32>,
        %swap3A_198 = vector.shape_cast %swap3A_197 : vector<1x16xf32> to vector<16xf32>
        %swap3A_199 = vector.shape_cast %mul3A_194 : vector<16xf32> to vector<1x16xf32>
        tpu.vector_store %arg12[%swap3A_195, %swap3A_196], %swap3A_199 {strides = array<i32>} : memref<128x64xf32, #tpu.memory_space<vmem>>, vector<1x16xf32>,
        %mul3A_200 = arith.constant 16 : i32
        %mul3A_201 = arith.muli %scan3A_97, %mul3A_200 : i32
        %add3A_202 = arith.constant 2 : i32
        %add3A_203 = arith.addi %mul3A_201, %add3A_202 : i32
        %slice3A_204 = vector.extract_strided_slice %get3A_102 {offsets = [2], sizes = [1], strides = [1]} : vector<16xf32> to vector<1xf32>
        %squeeze3A_205 = vector.extract %slice3A_204[0] : f32 from vector<1xf32>
        %get3A_206 = arith.index_cast %add3A_203 : i32 to index
        %get3A_207 = arith.constant 0 : index
        %get3A_208 = tpu.vector_load %arg12[%get3A_206, %get3A_207] {strides = array<i32>} : memref<128x64xf32, #tpu.memory_space<vmem>>, vector<1x16xf32>,
        %get3A_209 = vector.shape_cast %get3A_208 : vector<1x16xf32> to vector<16xf32>
        %mul3A_210 = vector.broadcast %squeeze3A_205 : f32 to vector<16xf32>
        %mul3A_211 = arith.mulf %get3A_209, %mul3A_210 : vector<16xf32>
        %swap3A_212 = arith.index_cast %add3A_203 : i32 to index
        %swap3A_213 = arith.constant 0 : index
        %swap3A_214 = tpu.vector_load %arg12[%swap3A_212, %swap3A_213] {strides = array<i32>} : memref<128x64xf32, #tpu.memory_space<vmem>>, vector<1x16xf32>,
        %swap3A_215 = vector.shape_cast %swap3A_214 : vector<1x16xf32> to vector<16xf32>
        %swap3A_216 = vector.shape_cast %mul3A_211 : vector<16xf32> to vector<1x16xf32>
        tpu.vector_store %arg12[%swap3A_212, %swap3A_213], %swap3A_216 {strides = array<i32>} : memref<128x64xf32, #tpu.memory_space<vmem>>, vector<1x16xf32>,
        %get3A_217 = arith.index_cast %add3A_203 : i32 to index
        %get3A_218 = arith.constant 16 : index
        %get3A_219 = tpu.vector_load %arg12[%get3A_217, %get3A_218] {strides = array<i32>} : memref<128x64xf32, #tpu.memory_space<vmem>>, vector<1x16xf32>,
        %get3A_220 = vector.shape_cast %get3A_219 : vector<1x16xf32> to vector<16xf32>
        %mul3A_221 = vector.broadcast %squeeze3A_205 : f32 to vector<16xf32>
        %mul3A_222 = arith.mulf %get3A_220, %mul3A_221 : vector<16xf32>
        %swap3A_223 = arith.index_cast %add3A_203 : i32 to index
        %swap3A_224 = arith.constant 16 : index
        %swap3A_225 = tpu.vector_load %arg12[%swap3A_223, %swap3A_224] {strides = array<i32>} : memref<128x64xf32, #tpu.memory_space<vmem>>, vector<1x16xf32>,
        %swap3A_226 = vector.shape_cast %swap3A_225 : vector<1x16xf32> to vector<16xf32>
        %swap3A_227 = vector.shape_cast %mul3A_222 : vector<16xf32> to vector<1x16xf32>
        tpu.vector_store %arg12[%swap3A_223, %swap3A_224], %swap3A_227 {strides = array<i32>} : memref<128x64xf32, #tpu.memory_space<vmem>>, vector<1x16xf32>,
        %get3A_228 = arith.index_cast %add3A_203 : i32 to index
        %get3A_229 = arith.constant 32 : index
        %get3A_230 = tpu.vector_load %arg12[%get3A_228, %get3A_229] {strides = array<i32>} : memref<128x64xf32, #tpu.memory_space<vmem>>, vector<1x16xf32>,
        %get3A_231 = vector.shape_cast %get3A_230 : vector<1x16xf32> to vector<16xf32>
        %mul3A_232 = vector.broadcast %squeeze3A_205 : f32 to vector<16xf32>
        %mul3A_233 = arith.mulf %get3A_231, %mul3A_232 : vector<16xf32>
        %swap3A_234 = arith.index_cast %add3A_203 : i32 to index
        %swap3A_235 = arith.constant 32 : index
        %swap3A_236 = tpu.vector_load %arg12[%swap3A_234, %swap3A_235] {strides = array<i32>} : memref<128x64xf32, #tpu.memory_space<vmem>>, vector<1x16xf32>,
        %swap3A_237 = vector.shape_cast %swap3A_236 : vector<1x16xf32> to vector<16xf32>
        %swap3A_238 = vector.shape_cast %mul3A_233 : vector<16xf32> to vector<1x16xf32>
        tpu.vector_store %arg12[%swap3A_234, %swap3A_235], %swap3A_238 {strides = array<i32>} : memref<128x64xf32, #tpu.memory_space<vmem>>, vector<1x16xf32>,
        %get3A_239 = arith.index_cast %add3A_203 : i32 to index
        %get3A_240 = arith.constant 48 : index
        %get3A_241 = tpu.vector_load %arg12[%get3A_239, %get3A_240] {strides = array<i32>} : memref<128x64xf32, #tpu.memory_space<vmem>>, vector<1x16xf32>,
        %get3A_242 = vector.shape_cast %get3A_241 : vector<1x16xf32> to vector<16xf32>
        %mul3A_243 = vector.broadcast %squeeze3A_205 : f32 to vector<16xf32>
        %mul3A_244 = arith.mulf %get3A_242, %mul3A_243 : vector<16xf32>
        %swap3A_245 = arith.index_cast %add3A_203 : i32 to index
        %swap3A_246 = arith.constant 48 : index
        %swap3A_247 = tpu.vector_load %arg12[%swap3A_245, %swap3A_246] {strides = array<i32>} : memref<128x64xf32, #tpu.memory_space<vmem>>, vector<1x16xf32>,
        %swap3A_248 = vector.shape_cast %swap3A_247 : vector<1x16xf32> to vector<16xf32>
        %swap3A_249 = vector.shape_cast %mul3A_244 : vector<16xf32> to vector<1x16xf32>
        tpu.vector_store %arg12[%swap3A_245, %swap3A_246], %swap3A_249 {strides = array<i32>} : memref<128x64xf32, #tpu.memory_space<vmem>>, vector<1x16xf32>,
        %mul3A_250 = arith.constant 16 : i32
        %mul3A_251 = arith.muli %scan3A_97, %mul3A_250 : i32
        %add3A_252 = arith.constant 3 : i32
        %add3A_253 = arith.addi %mul3A_251, %add3A_252 : i32
        %slice3A_254 = vector.extract_strided_slice %get3A_102 {offsets = [3], sizes = [1], strides = [1]} : vector<16xf32> to vector<1xf32>
        %squeeze3A_255 = vector.extract %slice3A_254[0] : f32 from vector<1xf32>
        %get3A_256 = arith.index_cast %add3A_253 : i32 to index
        %get3A_257 = arith.constant 0 : index
        %get3A_258 = tpu.vector_load %arg12[%get3A_256, %get3A_257] {strides = array<i32>} : memref<128x64xf32, #tpu.memory_space<vmem>>, vector<1x16xf32>,
        %get3A_259 = vector.shape_cast %get3A_258 : vector<1x16xf32> to vector<16xf32>
        %mul3A_260 = vector.broadcast %squeeze3A_255 : f32 to vector<16xf32>
        %mul3A_261 = arith.mulf %get3A_259, %mul3A_260 : vector<16xf32>
        %swap3A_262 = arith.index_cast %add3A_253 : i32 to index
        %swap3A_263 = arith.constant 0 : index
        %swap3A_264 = tpu.vector_load %arg12[%swap3A_262, %swap3A_263] {strides = array<i32>} : memref<128x64xf32, #tpu.memory_space<vmem>>, vector<1x16xf32>,
        %swap3A_265 = vector.shape_cast %swap3A_264 : vector<1x16xf32> to vector<16xf32>
        %swap3A_266 = vector.shape_cast %mul3A_261 : vector<16xf32> to vector<1x16xf32>
        tpu.vector_store %arg12[%swap3A_262, %swap3A_263], %swap3A_266 {strides = array<i32>} : memref<128x64xf32, #tpu.memory_space<vmem>>, vector<1x16xf32>,
        %get3A_267 = arith.index_cast %add3A_253 : i32 to index
        %get3A_268 = arith.constant 16 : index
        %get3A_269 = tpu.vector_load %arg12[%get3A_267, %get3A_268] {strides = array<i32>} : memref<128x64xf32, #tpu.memory_space<vmem>>, vector<1x16xf32>,
        %get3A_270 = vector.shape_cast %get3A_269 : vector<1x16xf32> to vector<16xf32>
        %mul3A_271 = vector.broadcast %squeeze3A_255 : f32 to vector<16xf32>
        %mul3A_272 = arith.mulf %get3A_270, %mul3A_271 : vector<16xf32>
        %swap3A_273 = arith.index_cast %add3A_253 : i32 to index
        %swap3A_274 = arith.constant 16 : index
        %swap3A_275 = tpu.vector_load %arg12[%swap3A_273, %swap3A_274] {strides = array<i32>} : memref<128x64xf32, #tpu.memory_space<vmem>>, vector<1x16xf32>,
        %swap3A_276 = vector.shape_cast %swap3A_275 : vector<1x16xf32> to vector<16xf32>
        %swap3A_277 = vector.shape_cast %mul3A_272 : vector<16xf32> to vector<1x16xf32>
        tpu.vector_store %arg12[%swap3A_273, %swap3A_274], %swap3A_277 {strides = array<i32>} : memref<128x64xf32, #tpu.memory_space<vmem>>, vector<1x16xf32>,
        %get3A_278 = arith.index_cast %add3A_253 : i32 to index
        %get3A_279 = arith.constant 32 : index
        %get3A_280 = tpu.vector_load %arg12[%get3A_278, %get3A_279] {strides = array<i32>} : memref<128x64xf32, #tpu.memory_space<vmem>>, vector<1x16xf32>,
        %get3A_281 = vector.shape_cast %get3A_280 : vector<1x16xf32> to vector<16xf32>
        %mul3A_282 = vector.broadcast %squeeze3A_255 : f32 to vector<16xf32>
        %mul3A_283 = arith.mulf %get3A_281, %mul3A_282 : vector<16xf32>
        %swap3A_284 = arith.index_cast %add3A_253 : i32 to index
        %swap3A_285 = arith.constant 32 : index
        %swap3A_286 = tpu.vector_load %arg12[%swap3A_284, %swap3A_285] {strides = array<i32>} : memref<128x64xf32, #tpu.memory_space<vmem>>, vector<1x16xf32>,
        %swap3A_287 = vector.shape_cast %swap3A_286 : vector<1x16xf32> to vector<16xf32>
        %swap3A_288 = vector.shape_cast %mul3A_283 : vector<16xf32> to vector<1x16xf32>
        tpu.vector_store %arg12[%swap3A_284, %swap3A_285], %swap3A_288 {strides = array<i32>} : memref<128x64xf32, #tpu.memory_space<vmem>>, vector<1x16xf32>,
        %get3A_289 = arith.index_cast %add3A_253 : i32 to index
        %get3A_290 = arith.constant 48 : index
        %get3A_291 = tpu.vector_load %arg12[%get3A_289, %get3A_290] {strides = array<i32>} : memref<128x64xf32, #tpu.memory_space<vmem>>, vector<1x16xf32>,
        %get3A_292 = vector.shape_cast %get3A_291 : vector<1x16xf32> to vector<16xf32>
        %mul3A_293 = vector.broadcast %squeeze3A_255 : f32 to vector<16xf32>
        %mul3A_294 = arith.mulf %get3A_292, %mul3A_293 : vector<16xf32>
        %swap3A_295 = arith.index_cast %add3A_253 : i32 to index
        %swap3A_296 = arith.constant 48 : index
        %swap3A_297 = tpu.vector_load %arg12[%swap3A_295, %swap3A_296] {strides = array<i32>} : memref<128x64xf32, #tpu.memory_space<vmem>>, vector<1x16xf32>,
        %swap3A_298 = vector.shape_cast %swap3A_297 : vector<1x16xf32> to vector<16xf32>
        %swap3A_299 = vector.shape_cast %mul3A_294 : vector<16xf32> to vector<1x16xf32>
        tpu.vector_store %arg12[%swap3A_295, %swap3A_296], %swap3A_299 {strides = array<i32>} : memref<128x64xf32, #tpu.memory_space<vmem>>, vector<1x16xf32>,
        %mul3A_300 = arith.constant 16 : i32
        %mul3A_301 = arith.muli %scan3A_97, %mul3A_300 : i32
        %add3A_302 = arith.constant 4 : i32
        %add3A_303 = arith.addi %mul3A_301, %add3A_302 : i32
        %slice3A_304 = vector.extract_strided_slice %get3A_102 {offsets = [4], sizes = [1], strides = [1]} : vector<16xf32> to vector<1xf32>
        %squeeze3A_305 = vector.extract %slice3A_304[0] : f32 from vector<1xf32>
        %get3A_306 = arith.index_cast %add3A_303 : i32 to index
        %get3A_307 = arith.constant 0 : index
        %get3A_308 = tpu.vector_load %arg12[%get3A_306, %get3A_307] {strides = array<i32>} : memref<128x64xf32, #tpu.memory_space<vmem>>, vector<1x16xf32>,
        %get3A_309 = vector.shape_cast %get3A_308 : vector<1x16xf32> to vector<16xf32>
        %mul3A_310 = vector.broadcast %squeeze3A_305 : f32 to vector<16xf32>
        %mul3A_311 = arith.mulf %get3A_309, %mul3A_310 : vector<16xf32>
        %swap3A_312 = arith.index_cast %add3A_303 : i32 to index
        %swap3A_313 = arith.constant 0 : index
        %swap3A_314 = tpu.vector_load %arg12[%swap3A_312, %swap3A_313] {strides = array<i32>} : memref<128x64xf32, #tpu.memory_space<vmem>>, vector<1x16xf32>,
        %swap3A_315 = vector.shape_cast %swap3A_314 : vector<1x16xf32> to vector<16xf32>
        %swap3A_316 = vector.shape_cast %mul3A_311 : vector<16xf32> to vector<1x16xf32>
        tpu.vector_store %arg12[%swap3A_312, %swap3A_313], %swap3A_316 {strides = array<i32>} : memref<128x64xf32, #tpu.memory_space<vmem>>, vector<1x16xf32>,
        %get3A_317 = arith.index_cast %add3A_303 : i32 to index
        %get3A_318 = arith.constant 16 : index
        %get3A_319 = tpu.vector_load %arg12[%get3A_317, %get3A_318] {strides = array<i32>} : memref<128x64xf32, #tpu.memory_space<vmem>>, vector<1x16xf32>,
        %get3A_320 = vector.shape_cast %get3A_319 : vector<1x16xf32> to vector<16xf32>
        %mul3A_321 = vector.broadcast %squeeze3A_305 : f32 to vector<16xf32>
        %mul3A_322 = arith.mulf %get3A_320, %mul3A_321 : vector<16xf32>
        %swap3A_323 = arith.index_cast %add3A_303 : i32 to index
        %swap3A_324 = arith.constant 16 : index
        %swap3A_325 = tpu.vector_load %arg12[%swap3A_323, %swap3A_324] {strides = array<i32>} : memref<128x64xf32, #tpu.memory_space<vmem>>, vector<1x16xf32>,
        %swap3A_326 = vector.shape_cast %swap3A_325 : vector<1x16xf32> to vector<16xf32>
        %swap3A_327 = vector.shape_cast %mul3A_322 : vector<16xf32> to vector<1x16xf32>
        tpu.vector_store %arg12[%swap3A_323, %swap3A_324], %swap3A_327 {strides = array<i32>} : memref<128x64xf32, #tpu.memory_space<vmem>>, vector<1x16xf32>,
        %get3A_328 = arith.index_cast %add3A_303 : i32 to index
        %get3A_329 = arith.constant 32 : index
        %get3A_330 = tpu.vector_load %arg12[%get3A_328, %get3A_329] {strides = array<i32>} : memref<128x64xf32, #tpu.memory_space<vmem>>, vector<1x16xf32>,
        %get3A_331 = vector.shape_cast %get3A_330 : vector<1x16xf32> to vector<16xf32>
        %mul3A_332 = vector.broadcast %squeeze3A_305 : f32 to vector<16xf32>
        %mul3A_333 = arith.mulf %get3A_331, %mul3A_332 : vector<16xf32>
        %swap3A_334 = arith.index_cast %add3A_303 : i32 to index
        %swap3A_335 = arith.constant 32 : index
        %swap3A_336 = tpu.vector_load %arg12[%swap3A_334, %swap3A_335] {strides = array<i32>} : memref<128x64xf32, #tpu.memory_space<vmem>>, vector<1x16xf32>,
        %swap3A_337 = vector.shape_cast %swap3A_336 : vector<1x16xf32> to vector<16xf32>
        %swap3A_338 = vector.shape_cast %mul3A_333 : vector<16xf32> to vector<1x16xf32>
        tpu.vector_store %arg12[%swap3A_334, %swap3A_335], %swap3A_338 {strides = array<i32>} : memref<128x64xf32, #tpu.memory_space<vmem>>, vector<1x16xf32>,
        %get3A_339 = arith.index_cast %add3A_303 : i32 to index
        %get3A_340 = arith.constant 48 : index
        %get3A_341 = tpu.vector_load %arg12[%get3A_339, %get3A_340] {strides = array<i32>} : memref<128x64xf32, #tpu.memory_space<vmem>>, vector<1x16xf32>,
        %get3A_342 = vector.shape_cast %get3A_341 : vector<1x16xf32> to vector<16xf32>
        %mul3A_343 = vector.broadcast %squeeze3A_305 : f32 to vector<16xf32>
        %mul3A_344 = arith.mulf %get3A_342, %mul3A_343 : vector<16xf32>
        %swap3A_345 = arith.index_cast %add3A_303 : i32 to index
        %swap3A_346 = arith.constant 48 : index
        %swap3A_347 = tpu.vector_load %arg12[%swap3A_345, %swap3A_346] {strides = array<i32>} : memref<128x64xf32, #tpu.memory_space<vmem>>, vector<1x16xf32>,
        %swap3A_348 = vector.shape_cast %swap3A_347 : vector<1x16xf32> to vector<16xf32>
        %swap3A_349 = vector.shape_cast %mul3A_344 : vector<16xf32> to vector<1x16xf32>
        tpu.vector_store %arg12[%swap3A_345, %swap3A_346], %swap3A_349 {strides = array<i32>} : memref<128x64xf32, #tpu.memory_space<vmem>>, vector<1x16xf32>,
        %mul3A_350 = arith.constant 16 : i32
        %mul3A_351 = arith.muli %scan3A_97, %mul3A_350 : i32
        %add3A_352 = arith.constant 5 : i32
        %add3A_353 = arith.addi %mul3A_351, %add3A_352 : i32
        %slice3A_354 = vector.extract_strided_slice %get3A_102 {offsets = [5], sizes = [1], strides = [1]} : vector<16xf32> to vector<1xf32>
        %squeeze3A_355 = vector.extract %slice3A_354[0] : f32 from vector<1xf32>
        %get3A_356 = arith.index_cast %add3A_353 : i32 to index
        %get3A_357 = arith.constant 0 : index
        %get3A_358 = tpu.vector_load %arg12[%get3A_356, %get3A_357] {strides = array<i32>} : memref<128x64xf32, #tpu.memory_space<vmem>>, vector<1x16xf32>,
        %get3A_359 = vector.shape_cast %get3A_358 : vector<1x16xf32> to vector<16xf32>
        %mul3A_360 = vector.broadcast %squeeze3A_355 : f32 to vector<16xf32>
        %mul3A_361 = arith.mulf %get3A_359, %mul3A_360 : vector<16xf32>
        %swap3A_362 = arith.index_cast %add3A_353 : i32 to index
        %swap3A_363 = arith.constant 0 : index
        %swap3A_364 = tpu.vector_load %arg12[%swap3A_362, %swap3A_363] {strides = array<i32>} : memref<128x64xf32, #tpu.memory_space<vmem>>, vector<1x16xf32>,
        %swap3A_365 = vector.shape_cast %swap3A_364 : vector<1x16xf32> to vector<16xf32>
        %swap3A_366 = vector.shape_cast %mul3A_361 : vector<16xf32> to vector<1x16xf32>
        tpu.vector_store %arg12[%swap3A_362, %swap3A_363], %swap3A_366 {strides = array<i32>} : memref<128x64xf32, #tpu.memory_space<vmem>>, vector<1x16xf32>,
        %get3A_367 = arith.index_cast %add3A_353 : i32 to index
        %get3A_368 = arith.constant 16 : index
        %get3A_369 = tpu.vector_load %arg12[%get3A_367, %get3A_368] {strides = array<i32>} : memref<128x64xf32, #tpu.memory_space<vmem>>, vector<1x16xf32>,
        %get3A_370 = vector.shape_cast %get3A_369 : vector<1x16xf32> to vector<16xf32>
        %mul3A_371 = vector.broadcast %squeeze3A_355 : f32 to vector<16xf32>
        %mul3A_372 = arith.mulf %get3A_370, %mul3A_371 : vector<16xf32>
        %swap3A_373 = arith.index_cast %add3A_353 : i32 to index
        %swap3A_374 = arith.constant 16 : index
        %swap3A_375 = tpu.vector_load %arg12[%swap3A_373, %swap3A_374] {strides = array<i32>} : memref<128x64xf32, #tpu.memory_space<vmem>>, vector<1x16xf32>,
        %swap3A_376 = vector.shape_cast %swap3A_375 : vector<1x16xf32> to vector<16xf32>
        %swap3A_377 = vector.shape_cast %mul3A_372 : vector<16xf32> to vector<1x16xf32>
        tpu.vector_store %arg12[%swap3A_373, %swap3A_374], %swap3A_377 {strides = array<i32>} : memref<128x64xf32, #tpu.memory_space<vmem>>, vector<1x16xf32>,
        %get3A_378 = arith.index_cast %add3A_353 : i32 to index
        %get3A_379 = arith.constant 32 : index
        %get3A_380 = tpu.vector_load %arg12[%get3A_378, %get3A_379] {strides = array<i32>} : memref<128x64xf32, #tpu.memory_space<vmem>>, vector<1x16xf32>,
        %get3A_381 = vector.shape_cast %get3A_380 : vector<1x16xf32> to vector<16xf32>
        %mul3A_382 = vector.broadcast %squeeze3A_355 : f32 to vector<16xf32>
        %mul3A_383 = arith.mulf %get3A_381, %mul3A_382 : vector<16xf32>
        %swap3A_384 = arith.index_cast %add3A_353 : i32 to index
        %swap3A_385 = arith.constant 32 : index
        %swap3A_386 = tpu.vector_load %arg12[%swap3A_384, %swap3A_385] {strides = array<i32>} : memref<128x64xf32, #tpu.memory_space<vmem>>, vector<1x16xf32>,
        %swap3A_387 = vector.shape_cast %swap3A_386 : vector<1x16xf32> to vector<16xf32>
        %swap3A_388 = vector.shape_cast %mul3A_383 : vector<16xf32> to vector<1x16xf32>
        tpu.vector_store %arg12[%swap3A_384, %swap3A_385], %swap3A_388 {strides = array<i32>} : memref<128x64xf32, #tpu.memory_space<vmem>>, vector<1x16xf32>,
        %get3A_389 = arith.index_cast %add3A_353 : i32 to index
        %get3A_390 = arith.constant 48 : index
        %get3A_391 = tpu.vector_load %arg12[%get3A_389, %get3A_390] {strides = array<i32>} : memref<128x64xf32, #tpu.memory_space<vmem>>, vector<1x16xf32>,
        %get3A_392 = vector.shape_cast %get3A_391 : vector<1x16xf32> to vector<16xf32>
        %mul3A_393 = vector.broadcast %squeeze3A_355 : f32 to vector<16xf32>
        %mul3A_394 = arith.mulf %get3A_392, %mul3A_393 : vector<16xf32>
        %swap3A_395 = arith.index_cast %add3A_353 : i32 to index
        %swap3A_396 = arith.constant 48 : index
        %swap3A_397 = tpu.vector_load %arg12[%swap3A_395, %swap3A_396] {strides = array<i32>} : memref<128x64xf32, #tpu.memory_space<vmem>>, vector<1x16xf32>,
        %swap3A_398 = vector.shape_cast %swap3A_397 : vector<1x16xf32> to vector<16xf32>
        %swap3A_399 = vector.shape_cast %mul3A_394 : vector<16xf32> to vector<1x16xf32>
        tpu.vector_store %arg12[%swap3A_395, %swap3A_396], %swap3A_399 {strides = array<i32>} : memref<128x64xf32, #tpu.memory_space<vmem>>, vector<1x16xf32>,
        %mul3A_400 = arith.constant 16 : i32
        %mul3A_401 = arith.muli %scan3A_97, %mul3A_400 : i32
        %add3A_402 = arith.constant 6 : i32
        %add3A_403 = arith.addi %mul3A_401, %add3A_402 : i32
        %slice3A_404 = vector.extract_strided_slice %get3A_102 {offsets = [6], sizes = [1], strides = [1]} : vector<16xf32> to vector<1xf32>
        %squeeze3A_405 = vector.extract %slice3A_404[0] : f32 from vector<1xf32>
        %get3A_406 = arith.index_cast %add3A_403 : i32 to index
        %get3A_407 = arith.constant 0 : index
        %get3A_408 = tpu.vector_load %arg12[%get3A_406, %get3A_407] {strides = array<i32>} : memref<128x64xf32, #tpu.memory_space<vmem>>, vector<1x16xf32>,
        %get3A_409 = vector.shape_cast %get3A_408 : vector<1x16xf32> to vector<16xf32>
        %mul3A_410 = vector.broadcast %squeeze3A_405 : f32 to vector<16xf32>
        %mul3A_411 = arith.mulf %get3A_409, %mul3A_410 : vector<16xf32>
        %swap3A_412 = arith.index_cast %add3A_403 : i32 to index
        %swap3A_413 = arith.constant 0 : index
        %swap3A_414 = tpu.vector_load %arg12[%swap3A_412, %swap3A_413] {strides = array<i32>} : memref<128x64xf32, #tpu.memory_space<vmem>>, vector<1x16xf32>,
        %swap3A_415 = vector.shape_cast %swap3A_414 : vector<1x16xf32> to vector<16xf32>
        %swap3A_416 = vector.shape_cast %mul3A_411 : vector<16xf32> to vector<1x16xf32>
        tpu.vector_store %arg12[%swap3A_412, %swap3A_413], %swap3A_416 {strides = array<i32>} : memref<128x64xf32, #tpu.memory_space<vmem>>, vector<1x16xf32>,
        %get3A_417 = arith.index_cast %add3A_403 : i32 to index
        %get3A_418 = arith.constant 16 : index
        %get3A_419 = tpu.vector_load %arg12[%get3A_417, %get3A_418] {strides = array<i32>} : memref<128x64xf32, #tpu.memory_space<vmem>>, vector<1x16xf32>,
        %get3A_420 = vector.shape_cast %get3A_419 : vector<1x16xf32> to vector<16xf32>
        %mul3A_421 = vector.broadcast %squeeze3A_405 : f32 to vector<16xf32>
        %mul3A_422 = arith.mulf %get3A_420, %mul3A_421 : vector<16xf32>
        %swap3A_423 = arith.index_cast %add3A_403 : i32 to index
        %swap3A_424 = arith.constant 16 : index
        %swap3A_425 = tpu.vector_load %arg12[%swap3A_423, %swap3A_424] {strides = array<i32>} : memref<128x64xf32, #tpu.memory_space<vmem>>, vector<1x16xf32>,
        %swap3A_426 = vector.shape_cast %swap3A_425 : vector<1x16xf32> to vector<16xf32>
        %swap3A_427 = vector.shape_cast %mul3A_422 : vector<16xf32> to vector<1x16xf32>
        tpu.vector_store %arg12[%swap3A_423, %swap3A_424], %swap3A_427 {strides = array<i32>} : memref<128x64xf32, #tpu.memory_space<vmem>>, vector<1x16xf32>,
        %get3A_428 = arith.index_cast %add3A_403 : i32 to index
        %get3A_429 = arith.constant 32 : index
        %get3A_430 = tpu.vector_load %arg12[%get3A_428, %get3A_429] {strides = array<i32>} : memref<128x64xf32, #tpu.memory_space<vmem>>, vector<1x16xf32>,
        %get3A_431 = vector.shape_cast %get3A_430 : vector<1x16xf32> to vector<16xf32>
        %mul3A_432 = vector.broadcast %squeeze3A_405 : f32 to vector<16xf32>
        %mul3A_433 = arith.mulf %get3A_431, %mul3A_432 : vector<16xf32>
        %swap3A_434 = arith.index_cast %add3A_403 : i32 to index
        %swap3A_435 = arith.constant 32 : index
        %swap3A_436 = tpu.vector_load %arg12[%swap3A_434, %swap3A_435] {strides = array<i32>} : memref<128x64xf32, #tpu.memory_space<vmem>>, vector<1x16xf32>,
        %swap3A_437 = vector.shape_cast %swap3A_436 : vector<1x16xf32> to vector<16xf32>
        %swap3A_438 = vector.shape_cast %mul3A_433 : vector<16xf32> to vector<1x16xf32>
        tpu.vector_store %arg12[%swap3A_434, %swap3A_435], %swap3A_438 {strides = array<i32>} : memref<128x64xf32, #tpu.memory_space<vmem>>, vector<1x16xf32>,
        %get3A_439 = arith.index_cast %add3A_403 : i32 to index
        %get3A_440 = arith.constant 48 : index
        %get3A_441 = tpu.vector_load %arg12[%get3A_439, %get3A_440] {strides = array<i32>} : memref<128x64xf32, #tpu.memory_space<vmem>>, vector<1x16xf32>,
        %get3A_442 = vector.shape_cast %get3A_441 : vector<1x16xf32> to vector<16xf32>
        %mul3A_443 = vector.broadcast %squeeze3A_405 : f32 to vector<16xf32>
        %mul3A_444 = arith.mulf %get3A_442, %mul3A_443 : vector<16xf32>
        %swap3A_445 = arith.index_cast %add3A_403 : i32 to index
        %swap3A_446 = arith.constant 48 : index
        %swap3A_447 = tpu.vector_load %arg12[%swap3A_445, %swap3A_446] {strides = array<i32>} : memref<128x64xf32, #tpu.memory_space<vmem>>, vector<1x16xf32>,
        %swap3A_448 = vector.shape_cast %swap3A_447 : vector<1x16xf32> to vector<16xf32>
        %swap3A_449 = vector.shape_cast %mul3A_444 : vector<16xf32> to vector<1x16xf32>
        tpu.vector_store %arg12[%swap3A_445, %swap3A_446], %swap3A_449 {strides = array<i32>} : memref<128x64xf32, #tpu.memory_space<vmem>>, vector<1x16xf32>,
        %mul3A_450 = arith.constant 16 : i32
        %mul3A_451 = arith.muli %scan3A_97, %mul3A_450 : i32
        %add3A_452 = arith.constant 7 : i32
        %add3A_453 = arith.addi %mul3A_451, %add3A_452 : i32
        %slice3A_454 = vector.extract_strided_slice %get3A_102 {offsets = [7], sizes = [1], strides = [1]} : vector<16xf32> to vector<1xf32>
        %squeeze3A_455 = vector.extract %slice3A_454[0] : f32 from vector<1xf32>
        %get3A_456 = arith.index_cast %add3A_453 : i32 to index
        %get3A_457 = arith.constant 0 : index
        %get3A_458 = tpu.vector_load %arg12[%get3A_456, %get3A_457] {strides = array<i32>} : memref<128x64xf32, #tpu.memory_space<vmem>>, vector<1x16xf32>,
        %get3A_459 = vector.shape_cast %get3A_458 : vector<1x16xf32> to vector<16xf32>
        %mul3A_460 = vector.broadcast %squeeze3A_455 : f32 to vector<16xf32>
        %mul3A_461 = arith.mulf %get3A_459, %mul3A_460 : vector<16xf32>
        %swap3A_462 = arith.index_cast %add3A_453 : i32 to index
        %swap3A_463 = arith.constant 0 : index
        %swap3A_464 = tpu.vector_load %arg12[%swap3A_462, %swap3A_463] {strides = array<i32>} : memref<128x64xf32, #tpu.memory_space<vmem>>, vector<1x16xf32>,
        %swap3A_465 = vector.shape_cast %swap3A_464 : vector<1x16xf32> to vector<16xf32>
        %swap3A_466 = vector.shape_cast %mul3A_461 : vector<16xf32> to vector<1x16xf32>
        tpu.vector_store %arg12[%swap3A_462, %swap3A_463], %swap3A_466 {strides = array<i32>} : memref<128x64xf32, #tpu.memory_space<vmem>>, vector<1x16xf32>,
        %get3A_467 = arith.index_cast %add3A_453 : i32 to index
        %get3A_468 = arith.constant 16 : index
        %get3A_469 = tpu.vector_load %arg12[%get3A_467, %get3A_468] {strides = array<i32>} : memref<128x64xf32, #tpu.memory_space<vmem>>, vector<1x16xf32>,
        %get3A_470 = vector.shape_cast %get3A_469 : vector<1x16xf32> to vector<16xf32>
        %mul3A_471 = vector.broadcast %squeeze3A_455 : f32 to vector<16xf32>
        %mul3A_472 = arith.mulf %get3A_470, %mul3A_471 : vector<16xf32>
        %swap3A_473 = arith.index_cast %add3A_453 : i32 to index
        %swap3A_474 = arith.constant 16 : index
        %swap3A_475 = tpu.vector_load %arg12[%swap3A_473, %swap3A_474] {strides = array<i32>} : memref<128x64xf32, #tpu.memory_space<vmem>>, vector<1x16xf32>,
        %swap3A_476 = vector.shape_cast %swap3A_475 : vector<1x16xf32> to vector<16xf32>
        %swap3A_477 = vector.shape_cast %mul3A_472 : vector<16xf32> to vector<1x16xf32>
        tpu.vector_store %arg12[%swap3A_473, %swap3A_474], %swap3A_477 {strides = array<i32>} : memref<128x64xf32, #tpu.memory_space<vmem>>, vector<1x16xf32>,
        %get3A_478 = arith.index_cast %add3A_453 : i32 to index
        %get3A_479 = arith.constant 32 : index
        %get3A_480 = tpu.vector_load %arg12[%get3A_478, %get3A_479] {strides = array<i32>} : memref<128x64xf32, #tpu.memory_space<vmem>>, vector<1x16xf32>,
        %get3A_481 = vector.shape_cast %get3A_480 : vector<1x16xf32> to vector<16xf32>
        %mul3A_482 = vector.broadcast %squeeze3A_455 : f32 to vector<16xf32>
        %mul3A_483 = arith.mulf %get3A_481, %mul3A_482 : vector<16xf32>
        %swap3A_484 = arith.index_cast %add3A_453 : i32 to index
        %swap3A_485 = arith.constant 32 : index
        %swap3A_486 = tpu.vector_load %arg12[%swap3A_484, %swap3A_485] {strides = array<i32>} : memref<128x64xf32, #tpu.memory_space<vmem>>, vector<1x16xf32>,
        %swap3A_487 = vector.shape_cast %swap3A_486 : vector<1x16xf32> to vector<16xf32>
        %swap3A_488 = vector.shape_cast %mul3A_483 : vector<16xf32> to vector<1x16xf32>
        tpu.vector_store %arg12[%swap3A_484, %swap3A_485], %swap3A_488 {strides = array<i32>} : memref<128x64xf32, #tpu.memory_space<vmem>>, vector<1x16xf32>,
        %get3A_489 = arith.index_cast %add3A_453 : i32 to index
        %get3A_490 = arith.constant 48 : index
        %get3A_491 = tpu.vector_load %arg12[%get3A_489, %get3A_490] {strides = array<i32>} : memref<128x64xf32, #tpu.memory_space<vmem>>, vector<1x16xf32>,
        %get3A_492 = vector.shape_cast %get3A_491 : vector<1x16xf32> to vector<16xf32>
        %mul3A_493 = vector.broadcast %squeeze3A_455 : f32 to vector<16xf32>
        %mul3A_494 = arith.mulf %get3A_492, %mul3A_493 : vector<16xf32>
        %swap3A_495 = arith.index_cast %add3A_453 : i32 to index
        %swap3A_496 = arith.constant 48 : index
        %swap3A_497 = tpu.vector_load %arg12[%swap3A_495, %swap3A_496] {strides = array<i32>} : memref<128x64xf32, #tpu.memory_space<vmem>>, vector<1x16xf32>,
        %swap3A_498 = vector.shape_cast %swap3A_497 : vector<1x16xf32> to vector<16xf32>
        %swap3A_499 = vector.shape_cast %mul3A_494 : vector<16xf32> to vector<1x16xf32>
        tpu.vector_store %arg12[%swap3A_495, %swap3A_496], %swap3A_499 {strides = array<i32>} : memref<128x64xf32, #tpu.memory_space<vmem>>, vector<1x16xf32>,
        %mul3A_500 = arith.constant 16 : i32
        %mul3A_501 = arith.muli %scan3A_97, %mul3A_500 : i32
        %add3A_502 = arith.constant 8 : i32
        %add3A_503 = arith.addi %mul3A_501, %add3A_502 : i32
        %slice3A_504 = vector.extract_strided_slice %get3A_102 {offsets = [8], sizes = [1], strides = [1]} : vector<16xf32> to vector<1xf32>
        %squeeze3A_505 = vector.extract %slice3A_504[0] : f32 from vector<1xf32>
        %get3A_506 = arith.index_cast %add3A_503 : i32 to index
        %get3A_507 = arith.constant 0 : index
        %get3A_508 = tpu.vector_load %arg12[%get3A_506, %get3A_507] {strides = array<i32>} : memref<128x64xf32, #tpu.memory_space<vmem>>, vector<1x16xf32>,
        %get3A_509 = vector.shape_cast %get3A_508 : vector<1x16xf32> to vector<16xf32>
        %mul3A_510 = vector.broadcast %squeeze3A_505 : f32 to vector<16xf32>
        %mul3A_511 = arith.mulf %get3A_509, %mul3A_510 : vector<16xf32>
        %swap3A_512 = arith.index_cast %add3A_503 : i32 to index
        %swap3A_513 = arith.constant 0 : index
        %swap3A_514 = tpu.vector_load %arg12[%swap3A_512, %swap3A_513] {strides = array<i32>} : memref<128x64xf32, #tpu.memory_space<vmem>>, vector<1x16xf32>,
        %swap3A_515 = vector.shape_cast %swap3A_514 : vector<1x16xf32> to vector<16xf32>
        %swap3A_516 = vector.shape_cast %mul3A_511 : vector<16xf32> to vector<1x16xf32>
        tpu.vector_store %arg12[%swap3A_512, %swap3A_513], %swap3A_516 {strides = array<i32>} : memref<128x64xf32, #tpu.memory_space<vmem>>, vector<1x16xf32>,
        %get3A_517 = arith.index_cast %add3A_503 : i32 to index
        %get3A_518 = arith.constant 16 : index
        %get3A_519 = tpu.vector_load %arg12[%get3A_517, %get3A_518] {strides = array<i32>} : memref<128x64xf32, #tpu.memory_space<vmem>>, vector<1x16xf32>,
        %get3A_520 = vector.shape_cast %get3A_519 : vector<1x16xf32> to vector<16xf32>
        %mul3A_521 = vector.broadcast %squeeze3A_505 : f32 to vector<16xf32>
        %mul3A_522 = arith.mulf %get3A_520, %mul3A_521 : vector<16xf32>
        %swap3A_523 = arith.index_cast %add3A_503 : i32 to index
        %swap3A_524 = arith.constant 16 : index
        %swap3A_525 = tpu.vector_load %arg12[%swap3A_523, %swap3A_524] {strides = array<i32>} : memref<128x64xf32, #tpu.memory_space<vmem>>, vector<1x16xf32>,
        %swap3A_526 = vector.shape_cast %swap3A_525 : vector<1x16xf32> to vector<16xf32>
        %swap3A_527 = vector.shape_cast %mul3A_522 : vector<16xf32> to vector<1x16xf32>
        tpu.vector_store %arg12[%swap3A_523, %swap3A_524], %swap3A_527 {strides = array<i32>} : memref<128x64xf32, #tpu.memory_space<vmem>>, vector<1x16xf32>,
        %get3A_528 = arith.index_cast %add3A_503 : i32 to index
        %get3A_529 = arith.constant 32 : index
        %get3A_530 = tpu.vector_load %arg12[%get3A_528, %get3A_529] {strides = array<i32>} : memref<128x64xf32, #tpu.memory_space<vmem>>, vector<1x16xf32>,
        %get3A_531 = vector.shape_cast %get3A_530 : vector<1x16xf32> to vector<16xf32>
        %mul3A_532 = vector.broadcast %squeeze3A_505 : f32 to vector<16xf32>
        %mul3A_533 = arith.mulf %get3A_531, %mul3A_532 : vector<16xf32>
        %swap3A_534 = arith.index_cast %add3A_503 : i32 to index
        %swap3A_535 = arith.constant 32 : index
        %swap3A_536 = tpu.vector_load %arg12[%swap3A_534, %swap3A_535] {strides = array<i32>} : memref<128x64xf32, #tpu.memory_space<vmem>>, vector<1x16xf32>,
        %swap3A_537 = vector.shape_cast %swap3A_536 : vector<1x16xf32> to vector<16xf32>
        %swap3A_538 = vector.shape_cast %mul3A_533 : vector<16xf32> to vector<1x16xf32>
        tpu.vector_store %arg12[%swap3A_534, %swap3A_535], %swap3A_538 {strides = array<i32>} : memref<128x64xf32, #tpu.memory_space<vmem>>, vector<1x16xf32>,
        %get3A_539 = arith.index_cast %add3A_503 : i32 to index
        %get3A_540 = arith.constant 48 : index
        %get3A_541 = tpu.vector_load %arg12[%get3A_539, %get3A_540] {strides = array<i32>} : memref<128x64xf32, #tpu.memory_space<vmem>>, vector<1x16xf32>,
        %get3A_542 = vector.shape_cast %get3A_541 : vector<1x16xf32> to vector<16xf32>
        %mul3A_543 = vector.broadcast %squeeze3A_505 : f32 to vector<16xf32>
        %mul3A_544 = arith.mulf %get3A_542, %mul3A_543 : vector<16xf32>
        %swap3A_545 = arith.index_cast %add3A_503 : i32 to index
        %swap3A_546 = arith.constant 48 : index
        %swap3A_547 = tpu.vector_load %arg12[%swap3A_545, %swap3A_546] {strides = array<i32>} : memref<128x64xf32, #tpu.memory_space<vmem>>, vector<1x16xf32>,
        %swap3A_548 = vector.shape_cast %swap3A_547 : vector<1x16xf32> to vector<16xf32>
        %swap3A_549 = vector.shape_cast %mul3A_544 : vector<16xf32> to vector<1x16xf32>
        tpu.vector_store %arg12[%swap3A_545, %swap3A_546], %swap3A_549 {strides = array<i32>} : memref<128x64xf32, #tpu.memory_space<vmem>>, vector<1x16xf32>,
        %mul3A_550 = arith.constant 16 : i32
        %mul3A_551 = arith.muli %scan3A_97, %mul3A_550 : i32
        %add3A_552 = arith.constant 9 : i32
        %add3A_553 = arith.addi %mul3A_551, %add3A_552 : i32
        %slice3A_554 = vector.extract_strided_slice %get3A_102 {offsets = [9], sizes = [1], strides = [1]} : vector<16xf32> to vector<1xf32>
        %squeeze3A_555 = vector.extract %slice3A_554[0] : f32 from vector<1xf32>
        %get3A_556 = arith.index_cast %add3A_553 : i32 to index
        %get3A_557 = arith.constant 0 : index
        %get3A_558 = tpu.vector_load %arg12[%get3A_556, %get3A_557] {strides = array<i32>} : memref<128x64xf32, #tpu.memory_space<vmem>>, vector<1x16xf32>,
        %get3A_559 = vector.shape_cast %get3A_558 : vector<1x16xf32> to vector<16xf32>
        %mul3A_560 = vector.broadcast %squeeze3A_555 : f32 to vector<16xf32>
        %mul3A_561 = arith.mulf %get3A_559, %mul3A_560 : vector<16xf32>
        %swap3A_562 = arith.index_cast %add3A_553 : i32 to index
        %swap3A_563 = arith.constant 0 : index
        %swap3A_564 = tpu.vector_load %arg12[%swap3A_562, %swap3A_563] {strides = array<i32>} : memref<128x64xf32, #tpu.memory_space<vmem>>, vector<1x16xf32>,
        %swap3A_565 = vector.shape_cast %swap3A_564 : vector<1x16xf32> to vector<16xf32>
        %swap3A_566 = vector.shape_cast %mul3A_561 : vector<16xf32> to vector<1x16xf32>
        tpu.vector_store %arg12[%swap3A_562, %swap3A_563], %swap3A_566 {strides = array<i32>} : memref<128x64xf32, #tpu.memory_space<vmem>>, vector<1x16xf32>,
        %get3A_567 = arith.index_cast %add3A_553 : i32 to index
        %get3A_568 = arith.constant 16 : index
        %get3A_569 = tpu.vector_load %arg12[%get3A_567, %get3A_568] {strides = array<i32>} : memref<128x64xf32, #tpu.memory_space<vmem>>, vector<1x16xf32>,
        %get3A_570 = vector.shape_cast %get3A_569 : vector<1x16xf32> to vector<16xf32>
        %mul3A_571 = vector.broadcast %squeeze3A_555 : f32 to vector<16xf32>
        %mul3A_572 = arith.mulf %get3A_570, %mul3A_571 : vector<16xf32>
        %swap3A_573 = arith.index_cast %add3A_553 : i32 to index
        %swap3A_574 = arith.constant 16 : index
        %swap3A_575 = tpu.vector_load %arg12[%swap3A_573, %swap3A_574] {strides = array<i32>} : memref<128x64xf32, #tpu.memory_space<vmem>>, vector<1x16xf32>,
        %swap3A_576 = vector.shape_cast %swap3A_575 : vector<1x16xf32> to vector<16xf32>
        %swap3A_577 = vector.shape_cast %mul3A_572 : vector<16xf32> to vector<1x16xf32>
        tpu.vector_store %arg12[%swap3A_573, %swap3A_574], %swap3A_577 {strides = array<i32>} : memref<128x64xf32, #tpu.memory_space<vmem>>, vector<1x16xf32>,
        %get3A_578 = arith.index_cast %add3A_553 : i32 to index
        %get3A_579 = arith.constant 32 : index
        %get3A_580 = tpu.vector_load %arg12[%get3A_578, %get3A_579] {strides = array<i32>} : memref<128x64xf32, #tpu.memory_space<vmem>>, vector<1x16xf32>,
        %get3A_581 = vector.shape_cast %get3A_580 : vector<1x16xf32> to vector<16xf32>
        %mul3A_582 = vector.broadcast %squeeze3A_555 : f32 to vector<16xf32>
        %mul3A_583 = arith.mulf %get3A_581, %mul3A_582 : vector<16xf32>
        %swap3A_584 = arith.index_cast %add3A_553 : i32 to index
        %swap3A_585 = arith.constant 32 : index
        %swap3A_586 = tpu.vector_load %arg12[%swap3A_584, %swap3A_585] {strides = array<i32>} : memref<128x64xf32, #tpu.memory_space<vmem>>, vector<1x16xf32>,
        %swap3A_587 = vector.shape_cast %swap3A_586 : vector<1x16xf32> to vector<16xf32>
        %swap3A_588 = vector.shape_cast %mul3A_583 : vector<16xf32> to vector<1x16xf32>
        tpu.vector_store %arg12[%swap3A_584, %swap3A_585], %swap3A_588 {strides = array<i32>} : memref<128x64xf32, #tpu.memory_space<vmem>>, vector<1x16xf32>,
        %get3A_589 = arith.index_cast %add3A_553 : i32 to index
        %get3A_590 = arith.constant 48 : index
        %get3A_591 = tpu.vector_load %arg12[%get3A_589, %get3A_590] {strides = array<i32>} : memref<128x64xf32, #tpu.memory_space<vmem>>, vector<1x16xf32>,
        %get3A_592 = vector.shape_cast %get3A_591 : vector<1x16xf32> to vector<16xf32>
        %mul3A_593 = vector.broadcast %squeeze3A_555 : f32 to vector<16xf32>
        %mul3A_594 = arith.mulf %get3A_592, %mul3A_593 : vector<16xf32>
        %swap3A_595 = arith.index_cast %add3A_553 : i32 to index
        %swap3A_596 = arith.constant 48 : index
        %swap3A_597 = tpu.vector_load %arg12[%swap3A_595, %swap3A_596] {strides = array<i32>} : memref<128x64xf32, #tpu.memory_space<vmem>>, vector<1x16xf32>,
        %swap3A_598 = vector.shape_cast %swap3A_597 : vector<1x16xf32> to vector<16xf32>
        %swap3A_599 = vector.shape_cast %mul3A_594 : vector<16xf32> to vector<1x16xf32>
        tpu.vector_store %arg12[%swap3A_595, %swap3A_596], %swap3A_599 {strides = array<i32>} : memref<128x64xf32, #tpu.memory_space<vmem>>, vector<1x16xf32>,
        %mul3A_600 = arith.constant 16 : i32
        %mul3A_601 = arith.muli %scan3A_97, %mul3A_600 : i32
        %add3A_602 = arith.constant 10 : i32
        %add3A_603 = arith.addi %mul3A_601, %add3A_602 : i32
        %slice3A_604 = vector.extract_strided_slice %get3A_102 {offsets = [10], sizes = [1], strides = [1]} : vector<16xf32> to vector<1xf32>
        %squeeze3A_605 = vector.extract %slice3A_604[0] : f32 from vector<1xf32>
        %get3A_606 = arith.index_cast %add3A_603 : i32 to index
        %get3A_607 = arith.constant 0 : index
        %get3A_608 = tpu.vector_load %arg12[%get3A_606, %get3A_607] {strides = array<i32>} : memref<128x64xf32, #tpu.memory_space<vmem>>, vector<1x16xf32>,
        %get3A_609 = vector.shape_cast %get3A_608 : vector<1x16xf32> to vector<16xf32>
        %mul3A_610 = vector.broadcast %squeeze3A_605 : f32 to vector<16xf32>
        %mul3A_611 = arith.mulf %get3A_609, %mul3A_610 : vector<16xf32>
        %swap3A_612 = arith.index_cast %add3A_603 : i32 to index
        %swap3A_613 = arith.constant 0 : index
        %swap3A_614 = tpu.vector_load %arg12[%swap3A_612, %swap3A_613] {strides = array<i32>} : memref<128x64xf32, #tpu.memory_space<vmem>>, vector<1x16xf32>,
        %swap3A_615 = vector.shape_cast %swap3A_614 : vector<1x16xf32> to vector<16xf32>
        %swap3A_616 = vector.shape_cast %mul3A_611 : vector<16xf32> to vector<1x16xf32>
        tpu.vector_store %arg12[%swap3A_612, %swap3A_613], %swap3A_616 {strides = array<i32>} : memref<128x64xf32, #tpu.memory_space<vmem>>, vector<1x16xf32>,
        %get3A_617 = arith.index_cast %add3A_603 : i32 to index
        %get3A_618 = arith.constant 16 : index
        %get3A_619 = tpu.vector_load %arg12[%get3A_617, %get3A_618] {strides = array<i32>} : memref<128x64xf32, #tpu.memory_space<vmem>>, vector<1x16xf32>,
        %get3A_620 = vector.shape_cast %get3A_619 : vector<1x16xf32> to vector<16xf32>
        %mul3A_621 = vector.broadcast %squeeze3A_605 : f32 to vector<16xf32>
        %mul3A_622 = arith.mulf %get3A_620, %mul3A_621 : vector<16xf32>
        %swap3A_623 = arith.index_cast %add3A_603 : i32 to index
        %swap3A_624 = arith.constant 16 : index
        %swap3A_625 = tpu.vector_load %arg12[%swap3A_623, %swap3A_624] {strides = array<i32>} : memref<128x64xf32, #tpu.memory_space<vmem>>, vector<1x16xf32>,
        %swap3A_626 = vector.shape_cast %swap3A_625 : vector<1x16xf32> to vector<16xf32>
        %swap3A_627 = vector.shape_cast %mul3A_622 : vector<16xf32> to vector<1x16xf32>
        tpu.vector_store %arg12[%swap3A_623, %swap3A_624], %swap3A_627 {strides = array<i32>} : memref<128x64xf32, #tpu.memory_space<vmem>>, vector<1x16xf32>,
        %get3A_628 = arith.index_cast %add3A_603 : i32 to index
        %get3A_629 = arith.constant 32 : index
        %get3A_630 = tpu.vector_load %arg12[%get3A_628, %get3A_629] {strides = array<i32>} : memref<128x64xf32, #tpu.memory_space<vmem>>, vector<1x16xf32>,
        %get3A_631 = vector.shape_cast %get3A_630 : vector<1x16xf32> to vector<16xf32>
        %mul3A_632 = vector.broadcast %squeeze3A_605 : f32 to vector<16xf32>
        %mul3A_633 = arith.mulf %get3A_631, %mul3A_632 : vector<16xf32>
        %swap3A_634 = arith.index_cast %add3A_603 : i32 to index
        %swap3A_635 = arith.constant 32 : index
        %swap3A_636 = tpu.vector_load %arg12[%swap3A_634, %swap3A_635] {strides = array<i32>} : memref<128x64xf32, #tpu.memory_space<vmem>>, vector<1x16xf32>,
        %swap3A_637 = vector.shape_cast %swap3A_636 : vector<1x16xf32> to vector<16xf32>
        %swap3A_638 = vector.shape_cast %mul3A_633 : vector<16xf32> to vector<1x16xf32>
        tpu.vector_store %arg12[%swap3A_634, %swap3A_635], %swap3A_638 {strides = array<i32>} : memref<128x64xf32, #tpu.memory_space<vmem>>, vector<1x16xf32>,
        %get3A_639 = arith.index_cast %add3A_603 : i32 to index
        %get3A_640 = arith.constant 48 : index
        %get3A_641 = tpu.vector_load %arg12[%get3A_639, %get3A_640] {strides = array<i32>} : memref<128x64xf32, #tpu.memory_space<vmem>>, vector<1x16xf32>,
        %get3A_642 = vector.shape_cast %get3A_641 : vector<1x16xf32> to vector<16xf32>
        %mul3A_643 = vector.broadcast %squeeze3A_605 : f32 to vector<16xf32>
        %mul3A_644 = arith.mulf %get3A_642, %mul3A_643 : vector<16xf32>
        %swap3A_645 = arith.index_cast %add3A_603 : i32 to index
        %swap3A_646 = arith.constant 48 : index
        %swap3A_647 = tpu.vector_load %arg12[%swap3A_645, %swap3A_646] {strides = array<i32>} : memref<128x64xf32, #tpu.memory_space<vmem>>, vector<1x16xf32>,
        %swap3A_648 = vector.shape_cast %swap3A_647 : vector<1x16xf32> to vector<16xf32>
        %swap3A_649 = vector.shape_cast %mul3A_644 : vector<16xf32> to vector<1x16xf32>
        tpu.vector_store %arg12[%swap3A_645, %swap3A_646], %swap3A_649 {strides = array<i32>} : memref<128x64xf32, #tpu.memory_space<vmem>>, vector<1x16xf32>,
        %mul3A_650 = arith.constant 16 : i32
        %mul3A_651 = arith.muli %scan3A_97, %mul3A_650 : i32
        %add3A_652 = arith.constant 11 : i32
        %add3A_653 = arith.addi %mul3A_651, %add3A_652 : i32
        %slice3A_654 = vector.extract_strided_slice %get3A_102 {offsets = [11], sizes = [1], strides = [1]} : vector<16xf32> to vector<1xf32>
        %squeeze3A_655 = vector.extract %slice3A_654[0] : f32 from vector<1xf32>
        %get3A_656 = arith.index_cast %add3A_653 : i32 to index
        %get3A_657 = arith.constant 0 : index
        %get3A_658 = tpu.vector_load %arg12[%get3A_656, %get3A_657] {strides = array<i32>} : memref<128x64xf32, #tpu.memory_space<vmem>>, vector<1x16xf32>,
        %get3A_659 = vector.shape_cast %get3A_658 : vector<1x16xf32> to vector<16xf32>
        %mul3A_660 = vector.broadcast %squeeze3A_655 : f32 to vector<16xf32>
        %mul3A_661 = arith.mulf %get3A_659, %mul3A_660 : vector<16xf32>
        %swap3A_662 = arith.index_cast %add3A_653 : i32 to index
        %swap3A_663 = arith.constant 0 : index
        %swap3A_664 = tpu.vector_load %arg12[%swap3A_662, %swap3A_663] {strides = array<i32>} : memref<128x64xf32, #tpu.memory_space<vmem>>, vector<1x16xf32>,
        %swap3A_665 = vector.shape_cast %swap3A_664 : vector<1x16xf32> to vector<16xf32>
        %swap3A_666 = vector.shape_cast %mul3A_661 : vector<16xf32> to vector<1x16xf32>
        tpu.vector_store %arg12[%swap3A_662, %swap3A_663], %swap3A_666 {strides = array<i32>} : memref<128x64xf32, #tpu.memory_space<vmem>>, vector<1x16xf32>,
        %get3A_667 = arith.index_cast %add3A_653 : i32 to index
        %get3A_668 = arith.constant 16 : index
        %get3A_669 = tpu.vector_load %arg12[%get3A_667, %get3A_668] {strides = array<i32>} : memref<128x64xf32, #tpu.memory_space<vmem>>, vector<1x16xf32>,
        %get3A_670 = vector.shape_cast %get3A_669 : vector<1x16xf32> to vector<16xf32>
        %mul3A_671 = vector.broadcast %squeeze3A_655 : f32 to vector<16xf32>
        %mul3A_672 = arith.mulf %get3A_670, %mul3A_671 : vector<16xf32>
        %swap3A_673 = arith.index_cast %add3A_653 : i32 to index
        %swap3A_674 = arith.constant 16 : index
        %swap3A_675 = tpu.vector_load %arg12[%swap3A_673, %swap3A_674] {strides = array<i32>} : memref<128x64xf32, #tpu.memory_space<vmem>>, vector<1x16xf32>,
        %swap3A_676 = vector.shape_cast %swap3A_675 : vector<1x16xf32> to vector<16xf32>
        %swap3A_677 = vector.shape_cast %mul3A_672 : vector<16xf32> to vector<1x16xf32>
        tpu.vector_store %arg12[%swap3A_673, %swap3A_674], %swap3A_677 {strides = array<i32>} : memref<128x64xf32, #tpu.memory_space<vmem>>, vector<1x16xf32>,
        %get3A_678 = arith.index_cast %add3A_653 : i32 to index
        %get3A_679 = arith.constant 32 : index
        %get3A_680 = tpu.vector_load %arg12[%get3A_678, %get3A_679] {strides = array<i32>} : memref<128x64xf32, #tpu.memory_space<vmem>>, vector<1x16xf32>,
        %get3A_681 = vector.shape_cast %get3A_680 : vector<1x16xf32> to vector<16xf32>
        %mul3A_682 = vector.broadcast %squeeze3A_655 : f32 to vector<16xf32>
        %mul3A_683 = arith.mulf %get3A_681, %mul3A_682 : vector<16xf32>
        %swap3A_684 = arith.index_cast %add3A_653 : i32 to index
        %swap3A_685 = arith.constant 32 : index
        %swap3A_686 = tpu.vector_load %arg12[%swap3A_684, %swap3A_685] {strides = array<i32>} : memref<128x64xf32, #tpu.memory_space<vmem>>, vector<1x16xf32>,
        %swap3A_687 = vector.shape_cast %swap3A_686 : vector<1x16xf32> to vector<16xf32>
        %swap3A_688 = vector.shape_cast %mul3A_683 : vector<16xf32> to vector<1x16xf32>
        tpu.vector_store %arg12[%swap3A_684, %swap3A_685], %swap3A_688 {strides = array<i32>} : memref<128x64xf32, #tpu.memory_space<vmem>>, vector<1x16xf32>,
        %get3A_689 = arith.index_cast %add3A_653 : i32 to index
        %get3A_690 = arith.constant 48 : index
        %get3A_691 = tpu.vector_load %arg12[%get3A_689, %get3A_690] {strides = array<i32>} : memref<128x64xf32, #tpu.memory_space<vmem>>, vector<1x16xf32>,
        %get3A_692 = vector.shape_cast %get3A_691 : vector<1x16xf32> to vector<16xf32>
        %mul3A_693 = vector.broadcast %squeeze3A_655 : f32 to vector<16xf32>
        %mul3A_694 = arith.mulf %get3A_692, %mul3A_693 : vector<16xf32>
        %swap3A_695 = arith.index_cast %add3A_653 : i32 to index
        %swap3A_696 = arith.constant 48 : index
        %swap3A_697 = tpu.vector_load %arg12[%swap3A_695, %swap3A_696] {strides = array<i32>} : memref<128x64xf32, #tpu.memory_space<vmem>>, vector<1x16xf32>,
        %swap3A_698 = vector.shape_cast %swap3A_697 : vector<1x16xf32> to vector<16xf32>
        %swap3A_699 = vector.shape_cast %mul3A_694 : vector<16xf32> to vector<1x16xf32>
        tpu.vector_store %arg12[%swap3A_695, %swap3A_696], %swap3A_699 {strides = array<i32>} : memref<128x64xf32, #tpu.memory_space<vmem>>, vector<1x16xf32>,
        %mul3A_700 = arith.constant 16 : i32
        %mul3A_701 = arith.muli %scan3A_97, %mul3A_700 : i32
        %add3A_702 = arith.constant 12 : i32
        %add3A_703 = arith.addi %mul3A_701, %add3A_702 : i32
        %slice3A_704 = vector.extract_strided_slice %get3A_102 {offsets = [12], sizes = [1], strides = [1]} : vector<16xf32> to vector<1xf32>
        %squeeze3A_705 = vector.extract %slice3A_704[0] : f32 from vector<1xf32>
        %get3A_706 = arith.index_cast %add3A_703 : i32 to index
        %get3A_707 = arith.constant 0 : index
        %get3A_708 = tpu.vector_load %arg12[%get3A_706, %get3A_707] {strides = array<i32>} : memref<128x64xf32, #tpu.memory_space<vmem>>, vector<1x16xf32>,
        %get3A_709 = vector.shape_cast %get3A_708 : vector<1x16xf32> to vector<16xf32>
        %mul3A_710 = vector.broadcast %squeeze3A_705 : f32 to vector<16xf32>
        %mul3A_711 = arith.mulf %get3A_709, %mul3A_710 : vector<16xf32>
        %swap3A_712 = arith.index_cast %add3A_703 : i32 to index
        %swap3A_713 = arith.constant 0 : index
        %swap3A_714 = tpu.vector_load %arg12[%swap3A_712, %swap3A_713] {strides = array<i32>} : memref<128x64xf32, #tpu.memory_space<vmem>>, vector<1x16xf32>,
        %swap3A_715 = vector.shape_cast %swap3A_714 : vector<1x16xf32> to vector<16xf32>
        %swap3A_716 = vector.shape_cast %mul3A_711 : vector<16xf32> to vector<1x16xf32>
        tpu.vector_store %arg12[%swap3A_712, %swap3A_713], %swap3A_716 {strides = array<i32>} : memref<128x64xf32, #tpu.memory_space<vmem>>, vector<1x16xf32>,
        %get3A_717 = arith.index_cast %add3A_703 : i32 to index
        %get3A_718 = arith.constant 16 : index
        %get3A_719 = tpu.vector_load %arg12[%get3A_717, %get3A_718] {strides = array<i32>} : memref<128x64xf32, #tpu.memory_space<vmem>>, vector<1x16xf32>,
        %get3A_720 = vector.shape_cast %get3A_719 : vector<1x16xf32> to vector<16xf32>
        %mul3A_721 = vector.broadcast %squeeze3A_705 : f32 to vector<16xf32>
        %mul3A_722 = arith.mulf %get3A_720, %mul3A_721 : vector<16xf32>
        %swap3A_723 = arith.index_cast %add3A_703 : i32 to index
        %swap3A_724 = arith.constant 16 : index
        %swap3A_725 = tpu.vector_load %arg12[%swap3A_723, %swap3A_724] {strides = array<i32>} : memref<128x64xf32, #tpu.memory_space<vmem>>, vector<1x16xf32>,
        %swap3A_726 = vector.shape_cast %swap3A_725 : vector<1x16xf32> to vector<16xf32>
        %swap3A_727 = vector.shape_cast %mul3A_722 : vector<16xf32> to vector<1x16xf32>
        tpu.vector_store %arg12[%swap3A_723, %swap3A_724], %swap3A_727 {strides = array<i32>} : memref<128x64xf32, #tpu.memory_space<vmem>>, vector<1x16xf32>,
        %get3A_728 = arith.index_cast %add3A_703 : i32 to index
        %get3A_729 = arith.constant 32 : index
        %get3A_730 = tpu.vector_load %arg12[%get3A_728, %get3A_729] {strides = array<i32>} : memref<128x64xf32, #tpu.memory_space<vmem>>, vector<1x16xf32>,
        %get3A_731 = vector.shape_cast %get3A_730 : vector<1x16xf32> to vector<16xf32>
        %mul3A_732 = vector.broadcast %squeeze3A_705 : f32 to vector<16xf32>
        %mul3A_733 = arith.mulf %get3A_731, %mul3A_732 : vector<16xf32>
        %swap3A_734 = arith.index_cast %add3A_703 : i32 to index
        %swap3A_735 = arith.constant 32 : index
        %swap3A_736 = tpu.vector_load %arg12[%swap3A_734, %swap3A_735] {strides = array<i32>} : memref<128x64xf32, #tpu.memory_space<vmem>>, vector<1x16xf32>,
        %swap3A_737 = vector.shape_cast %swap3A_736 : vector<1x16xf32> to vector<16xf32>
        %swap3A_738 = vector.shape_cast %mul3A_733 : vector<16xf32> to vector<1x16xf32>
        tpu.vector_store %arg12[%swap3A_734, %swap3A_735], %swap3A_738 {strides = array<i32>} : memref<128x64xf32, #tpu.memory_space<vmem>>, vector<1x16xf32>,
        %get3A_739 = arith.index_cast %add3A_703 : i32 to index
        %get3A_740 = arith.constant 48 : index
        %get3A_741 = tpu.vector_load %arg12[%get3A_739, %get3A_740] {strides = array<i32>} : memref<128x64xf32, #tpu.memory_space<vmem>>, vector<1x16xf32>,
        %get3A_742 = vector.shape_cast %get3A_741 : vector<1x16xf32> to vector<16xf32>
        %mul3A_743 = vector.broadcast %squeeze3A_705 : f32 to vector<16xf32>
        %mul3A_744 = arith.mulf %get3A_742, %mul3A_743 : vector<16xf32>
        %swap3A_745 = arith.index_cast %add3A_703 : i32 to index
        %swap3A_746 = arith.constant 48 : index
        %swap3A_747 = tpu.vector_load %arg12[%swap3A_745, %swap3A_746] {strides = array<i32>} : memref<128x64xf32, #tpu.memory_space<vmem>>, vector<1x16xf32>,
        %swap3A_748 = vector.shape_cast %swap3A_747 : vector<1x16xf32> to vector<16xf32>
        %swap3A_749 = vector.shape_cast %mul3A_744 : vector<16xf32> to vector<1x16xf32>
        tpu.vector_store %arg12[%swap3A_745, %swap3A_746], %swap3A_749 {strides = array<i32>} : memref<128x64xf32, #tpu.memory_space<vmem>>, vector<1x16xf32>,
        %mul3A_750 = arith.constant 16 : i32
        %mul3A_751 = arith.muli %scan3A_97, %mul3A_750 : i32
        %add3A_752 = arith.constant 13 : i32
        %add3A_753 = arith.addi %mul3A_751, %add3A_752 : i32
        %slice3A_754 = vector.extract_strided_slice %get3A_102 {offsets = [13], sizes = [1], strides = [1]} : vector<16xf32> to vector<1xf32>
        %squeeze3A_755 = vector.extract %slice3A_754[0] : f32 from vector<1xf32>
        %get3A_756 = arith.index_cast %add3A_753 : i32 to index
        %get3A_757 = arith.constant 0 : index
        %get3A_758 = tpu.vector_load %arg12[%get3A_756, %get3A_757] {strides = array<i32>} : memref<128x64xf32, #tpu.memory_space<vmem>>, vector<1x16xf32>,
        %get3A_759 = vector.shape_cast %get3A_758 : vector<1x16xf32> to vector<16xf32>
        %mul3A_760 = vector.broadcast %squeeze3A_755 : f32 to vector<16xf32>
        %mul3A_761 = arith.mulf %get3A_759, %mul3A_760 : vector<16xf32>
        %swap3A_762 = arith.index_cast %add3A_753 : i32 to index
        %swap3A_763 = arith.constant 0 : index
        %swap3A_764 = tpu.vector_load %arg12[%swap3A_762, %swap3A_763] {strides = array<i32>} : memref<128x64xf32, #tpu.memory_space<vmem>>, vector<1x16xf32>,
        %swap3A_765 = vector.shape_cast %swap3A_764 : vector<1x16xf32> to vector<16xf32>
        %swap3A_766 = vector.shape_cast %mul3A_761 : vector<16xf32> to vector<1x16xf32>
        tpu.vector_store %arg12[%swap3A_762, %swap3A_763], %swap3A_766 {strides = array<i32>} : memref<128x64xf32, #tpu.memory_space<vmem>>, vector<1x16xf32>,
        %get3A_767 = arith.index_cast %add3A_753 : i32 to index
        %get3A_768 = arith.constant 16 : index
        %get3A_769 = tpu.vector_load %arg12[%get3A_767, %get3A_768] {strides = array<i32>} : memref<128x64xf32, #tpu.memory_space<vmem>>, vector<1x16xf32>,
        %get3A_770 = vector.shape_cast %get3A_769 : vector<1x16xf32> to vector<16xf32>
        %mul3A_771 = vector.broadcast %squeeze3A_755 : f32 to vector<16xf32>
        %mul3A_772 = arith.mulf %get3A_770, %mul3A_771 : vector<16xf32>
        %swap3A_773 = arith.index_cast %add3A_753 : i32 to index
        %swap3A_774 = arith.constant 16 : index
        %swap3A_775 = tpu.vector_load %arg12[%swap3A_773, %swap3A_774] {strides = array<i32>} : memref<128x64xf32, #tpu.memory_space<vmem>>, vector<1x16xf32>,
        %swap3A_776 = vector.shape_cast %swap3A_775 : vector<1x16xf32> to vector<16xf32>
        %swap3A_777 = vector.shape_cast %mul3A_772 : vector<16xf32> to vector<1x16xf32>
        tpu.vector_store %arg12[%swap3A_773, %swap3A_774], %swap3A_777 {strides = array<i32>} : memref<128x64xf32, #tpu.memory_space<vmem>>, vector<1x16xf32>,
        %get3A_778 = arith.index_cast %add3A_753 : i32 to index
        %get3A_779 = arith.constant 32 : index
        %get3A_780 = tpu.vector_load %arg12[%get3A_778, %get3A_779] {strides = array<i32>} : memref<128x64xf32, #tpu.memory_space<vmem>>, vector<1x16xf32>,
        %get3A_781 = vector.shape_cast %get3A_780 : vector<1x16xf32> to vector<16xf32>
        %mul3A_782 = vector.broadcast %squeeze3A_755 : f32 to vector<16xf32>
        %mul3A_783 = arith.mulf %get3A_781, %mul3A_782 : vector<16xf32>
        %swap3A_784 = arith.index_cast %add3A_753 : i32 to index
        %swap3A_785 = arith.constant 32 : index
        %swap3A_786 = tpu.vector_load %arg12[%swap3A_784, %swap3A_785] {strides = array<i32>} : memref<128x64xf32, #tpu.memory_space<vmem>>, vector<1x16xf32>,
        %swap3A_787 = vector.shape_cast %swap3A_786 : vector<1x16xf32> to vector<16xf32>
        %swap3A_788 = vector.shape_cast %mul3A_783 : vector<16xf32> to vector<1x16xf32>
        tpu.vector_store %arg12[%swap3A_784, %swap3A_785], %swap3A_788 {strides = array<i32>} : memref<128x64xf32, #tpu.memory_space<vmem>>, vector<1x16xf32>,
        %get3A_789 = arith.index_cast %add3A_753 : i32 to index
        %get3A_790 = arith.constant 48 : index
        %get3A_791 = tpu.vector_load %arg12[%get3A_789, %get3A_790] {strides = array<i32>} : memref<128x64xf32, #tpu.memory_space<vmem>>, vector<1x16xf32>,
        %get3A_792 = vector.shape_cast %get3A_791 : vector<1x16xf32> to vector<16xf32>
        %mul3A_793 = vector.broadcast %squeeze3A_755 : f32 to vector<16xf32>
        %mul3A_794 = arith.mulf %get3A_792, %mul3A_793 : vector<16xf32>
        %swap3A_795 = arith.index_cast %add3A_753 : i32 to index
        %swap3A_796 = arith.constant 48 : index
        %swap3A_797 = tpu.vector_load %arg12[%swap3A_795, %swap3A_796] {strides = array<i32>} : memref<128x64xf32, #tpu.memory_space<vmem>>, vector<1x16xf32>,
        %swap3A_798 = vector.shape_cast %swap3A_797 : vector<1x16xf32> to vector<16xf32>
        %swap3A_799 = vector.shape_cast %mul3A_794 : vector<16xf32> to vector<1x16xf32>
        tpu.vector_store %arg12[%swap3A_795, %swap3A_796], %swap3A_799 {strides = array<i32>} : memref<128x64xf32, #tpu.memory_space<vmem>>, vector<1x16xf32>,
        %mul3A_800 = arith.constant 16 : i32
        %mul3A_801 = arith.muli %scan3A_97, %mul3A_800 : i32
        %add3A_802 = arith.constant 14 : i32
        %add3A_803 = arith.addi %mul3A_801, %add3A_802 : i32
        %slice3A_804 = vector.extract_strided_slice %get3A_102 {offsets = [14], sizes = [1], strides = [1]} : vector<16xf32> to vector<1xf32>
        %squeeze3A_805 = vector.extract %slice3A_804[0] : f32 from vector<1xf32>
        %get3A_806 = arith.index_cast %add3A_803 : i32 to index
        %get3A_807 = arith.constant 0 : index
        %get3A_808 = tpu.vector_load %arg12[%get3A_806, %get3A_807] {strides = array<i32>} : memref<128x64xf32, #tpu.memory_space<vmem>>, vector<1x16xf32>,
        %get3A_809 = vector.shape_cast %get3A_808 : vector<1x16xf32> to vector<16xf32>
        %mul3A_810 = vector.broadcast %squeeze3A_805 : f32 to vector<16xf32>
        %mul3A_811 = arith.mulf %get3A_809, %mul3A_810 : vector<16xf32>
        %swap3A_812 = arith.index_cast %add3A_803 : i32 to index
        %swap3A_813 = arith.constant 0 : index
        %swap3A_814 = tpu.vector_load %arg12[%swap3A_812, %swap3A_813] {strides = array<i32>} : memref<128x64xf32, #tpu.memory_space<vmem>>, vector<1x16xf32>,
        %swap3A_815 = vector.shape_cast %swap3A_814 : vector<1x16xf32> to vector<16xf32>
        %swap3A_816 = vector.shape_cast %mul3A_811 : vector<16xf32> to vector<1x16xf32>
        tpu.vector_store %arg12[%swap3A_812, %swap3A_813], %swap3A_816 {strides = array<i32>} : memref<128x64xf32, #tpu.memory_space<vmem>>, vector<1x16xf32>,
        %get3A_817 = arith.index_cast %add3A_803 : i32 to index
        %get3A_818 = arith.constant 16 : index
        %get3A_819 = tpu.vector_load %arg12[%get3A_817, %get3A_818] {strides = array<i32>} : memref<128x64xf32, #tpu.memory_space<vmem>>, vector<1x16xf32>,
        %get3A_820 = vector.shape_cast %get3A_819 : vector<1x16xf32> to vector<16xf32>
        %mul3A_821 = vector.broadcast %squeeze3A_805 : f32 to vector<16xf32>
        %mul3A_822 = arith.mulf %get3A_820, %mul3A_821 : vector<16xf32>
        %swap3A_823 = arith.index_cast %add3A_803 : i32 to index
        %swap3A_824 = arith.constant 16 : index
        %swap3A_825 = tpu.vector_load %arg12[%swap3A_823, %swap3A_824] {strides = array<i32>} : memref<128x64xf32, #tpu.memory_space<vmem>>, vector<1x16xf32>,
        %swap3A_826 = vector.shape_cast %swap3A_825 : vector<1x16xf32> to vector<16xf32>
        %swap3A_827 = vector.shape_cast %mul3A_822 : vector<16xf32> to vector<1x16xf32>
        tpu.vector_store %arg12[%swap3A_823, %swap3A_824], %swap3A_827 {strides = array<i32>} : memref<128x64xf32, #tpu.memory_space<vmem>>, vector<1x16xf32>,
        %get3A_828 = arith.index_cast %add3A_803 : i32 to index
        %get3A_829 = arith.constant 32 : index
        %get3A_830 = tpu.vector_load %arg12[%get3A_828, %get3A_829] {strides = array<i32>} : memref<128x64xf32, #tpu.memory_space<vmem>>, vector<1x16xf32>,
        %get3A_831 = vector.shape_cast %get3A_830 : vector<1x16xf32> to vector<16xf32>
        %mul3A_832 = vector.broadcast %squeeze3A_805 : f32 to vector<16xf32>
        %mul3A_833 = arith.mulf %get3A_831, %mul3A_832 : vector<16xf32>
        %swap3A_834 = arith.index_cast %add3A_803 : i32 to index
        %swap3A_835 = arith.constant 32 : index
        %swap3A_836 = tpu.vector_load %arg12[%swap3A_834, %swap3A_835] {strides = array<i32>} : memref<128x64xf32, #tpu.memory_space<vmem>>, vector<1x16xf32>,
        %swap3A_837 = vector.shape_cast %swap3A_836 : vector<1x16xf32> to vector<16xf32>
        %swap3A_838 = vector.shape_cast %mul3A_833 : vector<16xf32> to vector<1x16xf32>
        tpu.vector_store %arg12[%swap3A_834, %swap3A_835], %swap3A_838 {strides = array<i32>} : memref<128x64xf32, #tpu.memory_space<vmem>>, vector<1x16xf32>,
        %get3A_839 = arith.index_cast %add3A_803 : i32 to index
        %get3A_840 = arith.constant 48 : index
        %get3A_841 = tpu.vector_load %arg12[%get3A_839, %get3A_840] {strides = array<i32>} : memref<128x64xf32, #tpu.memory_space<vmem>>, vector<1x16xf32>,
        %get3A_842 = vector.shape_cast %get3A_841 : vector<1x16xf32> to vector<16xf32>
        %mul3A_843 = vector.broadcast %squeeze3A_805 : f32 to vector<16xf32>
        %mul3A_844 = arith.mulf %get3A_842, %mul3A_843 : vector<16xf32>
        %swap3A_845 = arith.index_cast %add3A_803 : i32 to index
        %swap3A_846 = arith.constant 48 : index
        %swap3A_847 = tpu.vector_load %arg12[%swap3A_845, %swap3A_846] {strides = array<i32>} : memref<128x64xf32, #tpu.memory_space<vmem>>, vector<1x16xf32>,
        %swap3A_848 = vector.shape_cast %swap3A_847 : vector<1x16xf32> to vector<16xf32>
        %swap3A_849 = vector.shape_cast %mul3A_844 : vector<16xf32> to vector<1x16xf32>
        tpu.vector_store %arg12[%swap3A_845, %swap3A_846], %swap3A_849 {strides = array<i32>} : memref<128x64xf32, #tpu.memory_space<vmem>>, vector<1x16xf32>,
        %mul3A_850 = arith.constant 16 : i32
        %mul3A_851 = arith.muli %scan3A_97, %mul3A_850 : i32
        %add3A_852 = arith.constant 15 : i32
        %add3A_853 = arith.addi %mul3A_851, %add3A_852 : i32
        %slice3A_854 = vector.extract_strided_slice %get3A_102 {offsets = [15], sizes = [1], strides = [1]} : vector<16xf32> to vector<1xf32>
        %squeeze3A_855 = vector.extract %slice3A_854[0] : f32 from vector<1xf32>
        %get3A_856 = arith.index_cast %add3A_853 : i32 to index
        %get3A_857 = arith.constant 0 : index
        %get3A_858 = tpu.vector_load %arg12[%get3A_856, %get3A_857] {strides = array<i32>} : memref<128x64xf32, #tpu.memory_space<vmem>>, vector<1x16xf32>,
        %get3A_859 = vector.shape_cast %get3A_858 : vector<1x16xf32> to vector<16xf32>
        %mul3A_860 = vector.broadcast %squeeze3A_855 : f32 to vector<16xf32>
        %mul3A_861 = arith.mulf %get3A_859, %mul3A_860 : vector<16xf32>
        %swap3A_862 = arith.index_cast %add3A_853 : i32 to index
        %swap3A_863 = arith.constant 0 : index
        %swap3A_864 = tpu.vector_load %arg12[%swap3A_862, %swap3A_863] {strides = array<i32>} : memref<128x64xf32, #tpu.memory_space<vmem>>, vector<1x16xf32>,
        %swap3A_865 = vector.shape_cast %swap3A_864 : vector<1x16xf32> to vector<16xf32>
        %swap3A_866 = vector.shape_cast %mul3A_861 : vector<16xf32> to vector<1x16xf32>
        tpu.vector_store %arg12[%swap3A_862, %swap3A_863], %swap3A_866 {strides = array<i32>} : memref<128x64xf32, #tpu.memory_space<vmem>>, vector<1x16xf32>,
        %get3A_867 = arith.index_cast %add3A_853 : i32 to index
        %get3A_868 = arith.constant 16 : index
        %get3A_869 = tpu.vector_load %arg12[%get3A_867, %get3A_868] {strides = array<i32>} : memref<128x64xf32, #tpu.memory_space<vmem>>, vector<1x16xf32>,
        %get3A_870 = vector.shape_cast %get3A_869 : vector<1x16xf32> to vector<16xf32>
        %mul3A_871 = vector.broadcast %squeeze3A_855 : f32 to vector<16xf32>
        %mul3A_872 = arith.mulf %get3A_870, %mul3A_871 : vector<16xf32>
        %swap3A_873 = arith.index_cast %add3A_853 : i32 to index
        %swap3A_874 = arith.constant 16 : index
        %swap3A_875 = tpu.vector_load %arg12[%swap3A_873, %swap3A_874] {strides = array<i32>} : memref<128x64xf32, #tpu.memory_space<vmem>>, vector<1x16xf32>,
        %swap3A_876 = vector.shape_cast %swap3A_875 : vector<1x16xf32> to vector<16xf32>
        %swap3A_877 = vector.shape_cast %mul3A_872 : vector<16xf32> to vector<1x16xf32>
        tpu.vector_store %arg12[%swap3A_873, %swap3A_874], %swap3A_877 {strides = array<i32>} : memref<128x64xf32, #tpu.memory_space<vmem>>, vector<1x16xf32>,
        %get3A_878 = arith.index_cast %add3A_853 : i32 to index
        %get3A_879 = arith.constant 32 : index
        %get3A_880 = tpu.vector_load %arg12[%get3A_878, %get3A_879] {strides = array<i32>} : memref<128x64xf32, #tpu.memory_space<vmem>>, vector<1x16xf32>,
        %get3A_881 = vector.shape_cast %get3A_880 : vector<1x16xf32> to vector<16xf32>
        %mul3A_882 = vector.broadcast %squeeze3A_855 : f32 to vector<16xf32>
        %mul3A_883 = arith.mulf %get3A_881, %mul3A_882 : vector<16xf32>
        %swap3A_884 = arith.index_cast %add3A_853 : i32 to index
        %swap3A_885 = arith.constant 32 : index
        %swap3A_886 = tpu.vector_load %arg12[%swap3A_884, %swap3A_885] {strides = array<i32>} : memref<128x64xf32, #tpu.memory_space<vmem>>, vector<1x16xf32>,
        %swap3A_887 = vector.shape_cast %swap3A_886 : vector<1x16xf32> to vector<16xf32>
        %swap3A_888 = vector.shape_cast %mul3A_883 : vector<16xf32> to vector<1x16xf32>
        tpu.vector_store %arg12[%swap3A_884, %swap3A_885], %swap3A_888 {strides = array<i32>} : memref<128x64xf32, #tpu.memory_space<vmem>>, vector<1x16xf32>,
        %get3A_889 = arith.index_cast %add3A_853 : i32 to index
        %get3A_890 = arith.constant 48 : index
        %get3A_891 = tpu.vector_load %arg12[%get3A_889, %get3A_890] {strides = array<i32>} : memref<128x64xf32, #tpu.memory_space<vmem>>, vector<1x16xf32>,
        %get3A_892 = vector.shape_cast %get3A_891 : vector<1x16xf32> to vector<16xf32>
        %mul3A_893 = vector.broadcast %squeeze3A_855 : f32 to vector<16xf32>
        %mul3A_894 = arith.mulf %get3A_892, %mul3A_893 : vector<16xf32>
        %swap3A_895 = arith.index_cast %add3A_853 : i32 to index
        %swap3A_896 = arith.constant 48 : index
        %swap3A_897 = tpu.vector_load %arg12[%swap3A_895, %swap3A_896] {strides = array<i32>} : memref<128x64xf32, #tpu.memory_space<vmem>>, vector<1x16xf32>,
        %swap3A_898 = vector.shape_cast %swap3A_897 : vector<1x16xf32> to vector<16xf32>
        %swap3A_899 = vector.shape_cast %mul3A_894 : vector<16xf32> to vector<1x16xf32>
        tpu.vector_store %arg12[%swap3A_895, %swap3A_896], %swap3A_899 {strides = array<i32>} : memref<128x64xf32, #tpu.memory_space<vmem>>, vector<1x16xf32>,
      }
      %scan3A_96 = arith.constant 8 : i32
      "tpu.region"() ({
        %run_scoped3A_97 = tpu.sem_alloc : memref<!tpu.dma_semaphore, #tpu.memory_space<semaphore_mem>>
        %dma_start3A_98 = arith.constant 0 : i32
        %dma_start3A_99 = tpu.memref_slice %arg10[%scan3A_80, %dma_start3A_98] : memref<80x128xi32, #tpu.memory_space<vmem>> -> memref<1x128xi32, #tpu.memory_space<vmem>>
        %dma_start3A_100 = tpu.memref_squeeze %dma_start3A_99 : memref<1x128xi32, #tpu.memory_space<vmem>> -> memref<128xi32, #tpu.memory_space<vmem>>
        %dma_start3A_101 = arith.constant 0 : i32
        %dma_start3A_102 = arith.constant 0 : i32
        %dma_start3A_103 = tpu.memref_slice %arg14[%dma_start3A_101, %dma_start3A_102] : memref<10240x64xf32, #tpu.memory_space<vmem_shared>> -> memref<10240x64xf32, #tpu.memory_space<vmem_shared>>
        tpu.enqueue_indirect_dma source(%arg12 : memref<128x64xf32, #tpu.memory_space<vmem>>) target(%dma_start3A_103 : memref<10240x64xf32, #tpu.memory_space<vmem_shared>>) offsets(%dma_start3A_100 : memref<128xi32, #tpu.memory_space<vmem>>) semaphore(%run_scoped3A_97 : memref<!tpu.dma_semaphore, #tpu.memory_space<semaphore_mem>>) {add = true}
        %dma_wait3A_104 = arith.constant 0 : i32
        %dma_wait3A_105 = tpu.memref_slice %arg10[%scan3A_80, %dma_wait3A_104] : memref<80x128xi32, #tpu.memory_space<vmem>> -> memref<1x128xi32, #tpu.memory_space<vmem>>
        %dma_wait3A_106 = tpu.memref_squeeze %dma_wait3A_105 : memref<1x128xi32, #tpu.memory_space<vmem>> -> memref<128xi32, #tpu.memory_space<vmem>>
        %dma_wait3A_107 = arith.constant 0 : i32
        %dma_wait3A_108 = arith.constant 0 : i32
        %dma_wait3A_109 = tpu.memref_slice %arg14[%dma_wait3A_107, %dma_wait3A_108] : memref<10240x64xf32, #tpu.memory_space<vmem_shared>> -> memref<10240x64xf32, #tpu.memory_space<vmem_shared>>
        tpu.wait_indirect_dma semaphore(%run_scoped3A_97 : memref<!tpu.dma_semaphore, #tpu.memory_space<semaphore_mem>>) src(%arg12 : memref<128x64xf32, #tpu.memory_space<vmem>>) dst(%dma_wait3A_109 : memref<10240x64xf32, #tpu.memory_space<vmem_shared>>)
        tpu.yield
      }) : () -> ()
    }
    %scan3A_39 = arith.constant 80 : i32
    %barrier3A_40 = arith.constant 0 : index
    tpu.barrier barrier_id(%barrier3A_40)
    %mul3A_41 = arith.constant 640 : i32
    %mul3A_42 = arith.muli %arg1, %mul3A_41 : i32
    %mul3A_43 = arith.constant 640 : i32
    %mul3A_44 = arith.muli %arg1, %mul3A_43 : i32
    %run_scoped3A = arith.constant 0 : i32
    "tpu.region"() ({
      %run_scoped3A_80 = tpu.sem_alloc : memref<!tpu.dma_semaphore, #tpu.memory_space<semaphore_mem>>
      %dma_start3A = arith.constant 0 : i32
      %dma_start3A_81 = tpu.memref_slice %arg7[%arg0, %run_scoped3A, %mul3A_44, %dma_start3A] : memref<2x2x10240x64xf32, #tpu.memory_space<hbm>> -> memref<1x1x640x64xf32, #tpu.memory_space<hbm>>
      %dma_start3A_82 = tpu.memref_squeeze %dma_start3A_81 : memref<1x1x640x64xf32, #tpu.memory_space<hbm>> -> memref<640x64xf32, #tpu.memory_space<hbm>>
      %dma_start3A_83 = arith.constant 0 : i32
      %dma_start3A_84 = tpu.memref_slice %arg14[%mul3A_42, %dma_start3A_83] : memref<10240x64xf32, #tpu.memory_space<vmem_shared>> -> memref<640x64xf32, #tpu.memory_space<vmem_shared>>
      tpu.enqueue_dma source(%dma_start3A_84 : memref<640x64xf32, #tpu.memory_space<vmem_shared>>) target(%dma_start3A_82 : memref<640x64xf32, #tpu.memory_space<hbm>>) target_semaphore(%run_scoped3A_80 : memref<!tpu.dma_semaphore, #tpu.memory_space<semaphore_mem>>)
      %dma_wait3A = arith.constant 0 : i32
      %dma_wait3A_85 = tpu.memref_slice %arg7[%arg0, %run_scoped3A, %mul3A_44, %dma_wait3A] : memref<2x2x10240x64xf32, #tpu.memory_space<hbm>> -> memref<1x1x640x64xf32, #tpu.memory_space<hbm>>
      %dma_wait3A_86 = tpu.memref_squeeze %dma_wait3A_85 : memref<1x1x640x64xf32, #tpu.memory_space<hbm>> -> memref<640x64xf32, #tpu.memory_space<hbm>>
      %dma_wait3A_87 = arith.constant 0 : i32
      %dma_wait3A_88 = tpu.memref_slice %arg14[%mul3A_42, %dma_wait3A_87] : memref<10240x64xf32, #tpu.memory_space<vmem_shared>> -> memref<640x64xf32, #tpu.memory_space<vmem_shared>>
      tpu.wait_dma2 semaphore(%run_scoped3A_80 : memref<!tpu.dma_semaphore, #tpu.memory_space<semaphore_mem>>) src(%dma_wait3A_88 : memref<640x64xf32, #tpu.memory_space<vmem_shared>>) dst(%dma_wait3A_86 : memref<640x64xf32, #tpu.memory_space<hbm>>)
      tpu.yield
    }) : () -> ()
    %barrier3A_45 = arith.constant 0 : index
    tpu.barrier barrier_id(%barrier3A_45)
    %mul3A_46 = arith.constant 640 : i32
    %mul3A_47 = arith.muli %arg1, %mul3A_46 : i32
    %add3A_48 = arith.constant 0 : i32
    %add3A_49 = arith.addi %mul3A_47, %add3A_48 : i32
    "tpu.region"() ({
      %run_scoped3A_80 = tpu.sem_alloc : memref<!tpu.dma_semaphore, #tpu.memory_space<semaphore_mem>>
      %dma_start3A = arith.constant 0 : i32
      %dma_start3A_81 = tpu.memref_slice %arg14[%add3A_49, %dma_start3A] : memref<10240x64xf32, #tpu.memory_space<vmem_shared>> -> memref<128x64xf32, #tpu.memory_space<vmem_shared>>
      %dma_start3A_82 = arith.constant 0 : i32
      %dma_start3A_83 = tpu.memref_slice %arg14[%add3A_49, %dma_start3A_82] : memref<10240x64xf32, #tpu.memory_space<vmem_shared>> -> memref<128x64xf32, #tpu.memory_space<vmem_shared>>
      tpu.enqueue_dma source(%arg13 : memref<128x64xf32, #tpu.memory_space<vmem>>) target(%dma_start3A_83 : memref<128x64xf32, #tpu.memory_space<vmem_shared>>) target_semaphore(%run_scoped3A_80 : memref<!tpu.dma_semaphore, #tpu.memory_space<semaphore_mem>>)
      %dma_wait3A = arith.constant 0 : i32
      %dma_wait3A_84 = tpu.memref_slice %arg14[%add3A_49, %dma_wait3A] : memref<10240x64xf32, #tpu.memory_space<vmem_shared>> -> memref<128x64xf32, #tpu.memory_space<vmem_shared>>
      %dma_wait3A_85 = arith.constant 0 : i32
      %dma_wait3A_86 = tpu.memref_slice %arg14[%add3A_49, %dma_wait3A_85] : memref<10240x64xf32, #tpu.memory_space<vmem_shared>> -> memref<128x64xf32, #tpu.memory_space<vmem_shared>>
      tpu.wait_dma2 semaphore(%run_scoped3A_80 : memref<!tpu.dma_semaphore, #tpu.memory_space<semaphore_mem>>) src(%arg13 : memref<128x64xf32, #tpu.memory_space<vmem>>) dst(%dma_wait3A_86 : memref<128x64xf32, #tpu.memory_space<vmem_shared>>)
      tpu.yield
    }) : () -> ()
    %mul3A_50 = arith.constant 640 : i32
    %mul3A_51 = arith.muli %arg1, %mul3A_50 : i32
    %add3A_52 = arith.constant 128 : i32
    %add3A_53 = arith.addi %mul3A_51, %add3A_52 : i32
    "tpu.region"() ({
      %run_scoped3A_80 = tpu.sem_alloc : memref<!tpu.dma_semaphore, #tpu.memory_space<semaphore_mem>>
      %dma_start3A = arith.constant 0 : i32
      %dma_start3A_81 = tpu.memref_slice %arg14[%add3A_53, %dma_start3A] : memref<10240x64xf32, #tpu.memory_space<vmem_shared>> -> memref<128x64xf32, #tpu.memory_space<vmem_shared>>
      %dma_start3A_82 = arith.constant 0 : i32
      %dma_start3A_83 = tpu.memref_slice %arg14[%add3A_53, %dma_start3A_82] : memref<10240x64xf32, #tpu.memory_space<vmem_shared>> -> memref<128x64xf32, #tpu.memory_space<vmem_shared>>
      tpu.enqueue_dma source(%arg13 : memref<128x64xf32, #tpu.memory_space<vmem>>) target(%dma_start3A_83 : memref<128x64xf32, #tpu.memory_space<vmem_shared>>) target_semaphore(%run_scoped3A_80 : memref<!tpu.dma_semaphore, #tpu.memory_space<semaphore_mem>>)
      %dma_wait3A = arith.constant 0 : i32
      %dma_wait3A_84 = tpu.memref_slice %arg14[%add3A_53, %dma_wait3A] : memref<10240x64xf32, #tpu.memory_space<vmem_shared>> -> memref<128x64xf32, #tpu.memory_space<vmem_shared>>
      %dma_wait3A_85 = arith.constant 0 : i32
      %dma_wait3A_86 = tpu.memref_slice %arg14[%add3A_53, %dma_wait3A_85] : memref<10240x64xf32, #tpu.memory_space<vmem_shared>> -> memref<128x64xf32, #tpu.memory_space<vmem_shared>>
      tpu.wait_dma2 semaphore(%run_scoped3A_80 : memref<!tpu.dma_semaphore, #tpu.memory_space<semaphore_mem>>) src(%arg13 : memref<128x64xf32, #tpu.memory_space<vmem>>) dst(%dma_wait3A_86 : memref<128x64xf32, #tpu.memory_space<vmem_shared>>)
      tpu.yield
    }) : () -> ()
    %mul3A_54 = arith.constant 640 : i32
    %mul3A_55 = arith.muli %arg1, %mul3A_54 : i32
    %add3A_56 = arith.constant 256 : i32
    %add3A_57 = arith.addi %mul3A_55, %add3A_56 : i32
    "tpu.region"() ({
      %run_scoped3A_80 = tpu.sem_alloc : memref<!tpu.dma_semaphore, #tpu.memory_space<semaphore_mem>>
      %dma_start3A = arith.constant 0 : i32
      %dma_start3A_81 = tpu.memref_slice %arg14[%add3A_57, %dma_start3A] : memref<10240x64xf32, #tpu.memory_space<vmem_shared>> -> memref<128x64xf32, #tpu.memory_space<vmem_shared>>
      %dma_start3A_82 = arith.constant 0 : i32
      %dma_start3A_83 = tpu.memref_slice %arg14[%add3A_57, %dma_start3A_82] : memref<10240x64xf32, #tpu.memory_space<vmem_shared>> -> memref<128x64xf32, #tpu.memory_space<vmem_shared>>
      tpu.enqueue_dma source(%arg13 : memref<128x64xf32, #tpu.memory_space<vmem>>) target(%dma_start3A_83 : memref<128x64xf32, #tpu.memory_space<vmem_shared>>) target_semaphore(%run_scoped3A_80 : memref<!tpu.dma_semaphore, #tpu.memory_space<semaphore_mem>>)
      %dma_wait3A = arith.constant 0 : i32
      %dma_wait3A_84 = tpu.memref_slice %arg14[%add3A_57, %dma_wait3A] : memref<10240x64xf32, #tpu.memory_space<vmem_shared>> -> memref<128x64xf32, #tpu.memory_space<vmem_shared>>
      %dma_wait3A_85 = arith.constant 0 : i32
      %dma_wait3A_86 = tpu.memref_slice %arg14[%add3A_57, %dma_wait3A_85] : memref<10240x64xf32, #tpu.memory_space<vmem_shared>> -> memref<128x64xf32, #tpu.memory_space<vmem_shared>>
      tpu.wait_dma2 semaphore(%run_scoped3A_80 : memref<!tpu.dma_semaphore, #tpu.memory_space<semaphore_mem>>) src(%arg13 : memref<128x64xf32, #tpu.memory_space<vmem>>) dst(%dma_wait3A_86 : memref<128x64xf32, #tpu.memory_space<vmem_shared>>)
      tpu.yield
    }) : () -> ()
    %mul3A_58 = arith.constant 640 : i32
    %mul3A_59 = arith.muli %arg1, %mul3A_58 : i32
    %add3A_60 = arith.constant 384 : i32
    %add3A_61 = arith.addi %mul3A_59, %add3A_60 : i32
    "tpu.region"() ({
      %run_scoped3A_80 = tpu.sem_alloc : memref<!tpu.dma_semaphore, #tpu.memory_space<semaphore_mem>>
      %dma_start3A = arith.constant 0 : i32
      %dma_start3A_81 = tpu.memref_slice %arg14[%add3A_61, %dma_start3A] : memref<10240x64xf32, #tpu.memory_space<vmem_shared>> -> memref<128x64xf32, #tpu.memory_space<vmem_shared>>
      %dma_start3A_82 = arith.constant 0 : i32
      %dma_start3A_83 = tpu.memref_slice %arg14[%add3A_61, %dma_start3A_82] : memref<10240x64xf32, #tpu.memory_space<vmem_shared>> -> memref<128x64xf32, #tpu.memory_space<vmem_shared>>
      tpu.enqueue_dma source(%arg13 : memref<128x64xf32, #tpu.memory_space<vmem>>) target(%dma_start3A_83 : memref<128x64xf32, #tpu.memory_space<vmem_shared>>) target_semaphore(%run_scoped3A_80 : memref<!tpu.dma_semaphore, #tpu.memory_space<semaphore_mem>>)
      %dma_wait3A = arith.constant 0 : i32
      %dma_wait3A_84 = tpu.memref_slice %arg14[%add3A_61, %dma_wait3A] : memref<10240x64xf32, #tpu.memory_space<vmem_shared>> -> memref<128x64xf32, #tpu.memory_space<vmem_shared>>
      %dma_wait3A_85 = arith.constant 0 : i32
      %dma_wait3A_86 = tpu.memref_slice %arg14[%add3A_61, %dma_wait3A_85] : memref<10240x64xf32, #tpu.memory_space<vmem_shared>> -> memref<128x64xf32, #tpu.memory_space<vmem_shared>>
      tpu.wait_dma2 semaphore(%run_scoped3A_80 : memref<!tpu.dma_semaphore, #tpu.memory_space<semaphore_mem>>) src(%arg13 : memref<128x64xf32, #tpu.memory_space<vmem>>) dst(%dma_wait3A_86 : memref<128x64xf32, #tpu.memory_space<vmem_shared>>)
      tpu.yield
    }) : () -> ()
    %mul3A_62 = arith.constant 640 : i32
    %mul3A_63 = arith.muli %arg1, %mul3A_62 : i32
    %add3A_64 = arith.constant 512 : i32
    %add3A_65 = arith.addi %mul3A_63, %add3A_64 : i32
    "tpu.region"() ({
      %run_scoped3A_80 = tpu.sem_alloc : memref<!tpu.dma_semaphore, #tpu.memory_space<semaphore_mem>>
      %dma_start3A = arith.constant 0 : i32
      %dma_start3A_81 = tpu.memref_slice %arg14[%add3A_65, %dma_start3A] : memref<10240x64xf32, #tpu.memory_space<vmem_shared>> -> memref<128x64xf32, #tpu.memory_space<vmem_shared>>
      %dma_start3A_82 = arith.constant 0 : i32
      %dma_start3A_83 = tpu.memref_slice %arg14[%add3A_65, %dma_start3A_82] : memref<10240x64xf32, #tpu.memory_space<vmem_shared>> -> memref<128x64xf32, #tpu.memory_space<vmem_shared>>
      tpu.enqueue_dma source(%arg13 : memref<128x64xf32, #tpu.memory_space<vmem>>) target(%dma_start3A_83 : memref<128x64xf32, #tpu.memory_space<vmem_shared>>) target_semaphore(%run_scoped3A_80 : memref<!tpu.dma_semaphore, #tpu.memory_space<semaphore_mem>>)
      %dma_wait3A = arith.constant 0 : i32
      %dma_wait3A_84 = tpu.memref_slice %arg14[%add3A_65, %dma_wait3A] : memref<10240x64xf32, #tpu.memory_space<vmem_shared>> -> memref<128x64xf32, #tpu.memory_space<vmem_shared>>
      %dma_wait3A_85 = arith.constant 0 : i32
      %dma_wait3A_86 = tpu.memref_slice %arg14[%add3A_65, %dma_wait3A_85] : memref<10240x64xf32, #tpu.memory_space<vmem_shared>> -> memref<128x64xf32, #tpu.memory_space<vmem_shared>>
      tpu.wait_dma2 semaphore(%run_scoped3A_80 : memref<!tpu.dma_semaphore, #tpu.memory_space<semaphore_mem>>) src(%arg13 : memref<128x64xf32, #tpu.memory_space<vmem>>) dst(%dma_wait3A_86 : memref<128x64xf32, #tpu.memory_space<vmem_shared>>)
      tpu.yield
    }) : () -> ()
    %barrier3A_66 = arith.constant 0 : index
    tpu.barrier barrier_id(%barrier3A_66)
    %scan3A_67 = arith.constant 0 : i32
    %scan3A_68 = arith.constant 0 : i32
    %scan3A_69 = arith.constant 80 : i32
    %scan3A_70 = arith.addi %scan3A_68, %scan3A_69 : i32
    %scan3A_71 = arith.constant 1 : i32
    scf.for %scan3A_80 = %scan3A_68 to %scan3A_70 step %scan3A_71  : i32 {
      %dma_start3A = arith.constant 0 : i32
      %dma_start3A_81 = tpu.memref_slice %arg9[%scan3A_80, %dma_start3A] : memref<80x128xi32, #tpu.memory_space<vmem>> -> memref<1x128xi32, #tpu.memory_space<vmem>>
      %dma_start3A_82 = tpu.memref_squeeze %dma_start3A_81 : memref<1x128xi32, #tpu.memory_space<vmem>> -> memref<128xi32, #tpu.memory_space<vmem>>
      %dma_start3A_83 = arith.constant 0 : i32
      %dma_start3A_84 = arith.constant 0 : i32
      %dma_start3A_85 = tpu.memref_slice %arg2[%dma_start3A_83, %dma_start3A_84] : memref<20000x64xf32, #tpu.memory_space<hbm>> -> memref<20000x64xf32, #tpu.memory_space<hbm>>
      tpu.enqueue_indirect_dma source(%dma_start3A_85 : memref<20000x64xf32, #tpu.memory_space<hbm>>) target(%arg12 : memref<128x64xf32, #tpu.memory_space<vmem>>) offsets(%dma_start3A_82 : memref<128xi32, #tpu.memory_space<vmem>>) semaphore(%arg15 : memref<!tpu.dma_semaphore, #tpu.memory_space<semaphore_mem>>)
      %dma_wait3A = arith.constant 0 : i32
      %dma_wait3A_86 = tpu.memref_slice %arg9[%scan3A_80, %dma_wait3A] : memref<80x128xi32, #tpu.memory_space<vmem>> -> memref<1x128xi32, #tpu.memory_space<vmem>>
      %dma_wait3A_87 = tpu.memref_squeeze %dma_wait3A_86 : memref<1x128xi32, #tpu.memory_space<vmem>> -> memref<128xi32, #tpu.memory_space<vmem>>
      %dma_wait3A_88 = arith.constant 0 : i32
      %dma_wait3A_89 = arith.constant 0 : i32
      %dma_wait3A_90 = tpu.memref_slice %arg2[%dma_wait3A_88, %dma_wait3A_89] : memref<20000x64xf32, #tpu.memory_space<hbm>> -> memref<20000x64xf32, #tpu.memory_space<hbm>>
      tpu.wait_indirect_dma semaphore(%arg15 : memref<!tpu.dma_semaphore, #tpu.memory_space<semaphore_mem>>) src(%dma_wait3A_90 : memref<20000x64xf32, #tpu.memory_space<hbm>>) dst(%arg12 : memref<128x64xf32, #tpu.memory_space<vmem>>)
      %scan3A_91 = arith.constant 0 : i32
      %scan3A_92 = arith.constant 0 : i32
      %scan3A_93 = arith.constant 8 : i32
      %scan3A_94 = arith.addi %scan3A_92, %scan3A_93 : i32
      %scan3A_95 = arith.constant 1 : i32
      scf.for %scan3A_97 = %scan3A_92 to %scan3A_94 step %scan3A_95  : i32 {
        %mul3A_98 = arith.constant 16 : i32
        %mul3A_99 = arith.muli %scan3A_97, %mul3A_98 : i32
        %get3A = arith.index_cast %scan3A_80 : i32 to index
        %get3A_100 = arith.index_cast %mul3A_99 : i32 to index
        %get3A_101 = tpu.vector_load %arg11[%get3A, %get3A_100] {strides = array<i32>} : memref<80x128xf32, #tpu.memory_space<vmem>>, vector<1x16xf32>,
        %get3A_102 = vector.shape_cast %get3A_101 : vector<1x16xf32> to vector<16xf32>
        %mul3A_103 = arith.constant 16 : i32
        %mul3A_104 = arith.muli %scan3A_97, %mul3A_103 : i32
        %add3A_105 = arith.constant 0 : i32
        %add3A_106 = arith.addi %mul3A_104, %add3A_105 : i32
        %slice3A = vector.extract_strided_slice %get3A_102 {offsets = [0], sizes = [1], strides = [1]} : vector<16xf32> to vector<1xf32>
        %squeeze3A = vector.extract %slice3A[0] : f32 from vector<1xf32>
        %get3A_107 = arith.index_cast %add3A_106 : i32 to index
        %get3A_108 = arith.constant 0 : index
        %get3A_109 = tpu.vector_load %arg12[%get3A_107, %get3A_108] {strides = array<i32>} : memref<128x64xf32, #tpu.memory_space<vmem>>, vector<1x16xf32>,
        %get3A_110 = vector.shape_cast %get3A_109 : vector<1x16xf32> to vector<16xf32>
        %mul3A_111 = vector.broadcast %squeeze3A : f32 to vector<16xf32>
        %mul3A_112 = arith.mulf %get3A_110, %mul3A_111 : vector<16xf32>
        %swap3A = arith.index_cast %add3A_106 : i32 to index
        %swap3A_113 = arith.constant 0 : index
        %swap3A_114 = tpu.vector_load %arg12[%swap3A, %swap3A_113] {strides = array<i32>} : memref<128x64xf32, #tpu.memory_space<vmem>>, vector<1x16xf32>,
        %swap3A_115 = vector.shape_cast %swap3A_114 : vector<1x16xf32> to vector<16xf32>
        %swap3A_116 = vector.shape_cast %mul3A_112 : vector<16xf32> to vector<1x16xf32>
        tpu.vector_store %arg12[%swap3A, %swap3A_113], %swap3A_116 {strides = array<i32>} : memref<128x64xf32, #tpu.memory_space<vmem>>, vector<1x16xf32>,
        %get3A_117 = arith.index_cast %add3A_106 : i32 to index
        %get3A_118 = arith.constant 16 : index
        %get3A_119 = tpu.vector_load %arg12[%get3A_117, %get3A_118] {strides = array<i32>} : memref<128x64xf32, #tpu.memory_space<vmem>>, vector<1x16xf32>,
        %get3A_120 = vector.shape_cast %get3A_119 : vector<1x16xf32> to vector<16xf32>
        %mul3A_121 = vector.broadcast %squeeze3A : f32 to vector<16xf32>
        %mul3A_122 = arith.mulf %get3A_120, %mul3A_121 : vector<16xf32>
        %swap3A_123 = arith.index_cast %add3A_106 : i32 to index
        %swap3A_124 = arith.constant 16 : index
        %swap3A_125 = tpu.vector_load %arg12[%swap3A_123, %swap3A_124] {strides = array<i32>} : memref<128x64xf32, #tpu.memory_space<vmem>>, vector<1x16xf32>,
        %swap3A_126 = vector.shape_cast %swap3A_125 : vector<1x16xf32> to vector<16xf32>
        %swap3A_127 = vector.shape_cast %mul3A_122 : vector<16xf32> to vector<1x16xf32>
        tpu.vector_store %arg12[%swap3A_123, %swap3A_124], %swap3A_127 {strides = array<i32>} : memref<128x64xf32, #tpu.memory_space<vmem>>, vector<1x16xf32>,
        %get3A_128 = arith.index_cast %add3A_106 : i32 to index
        %get3A_129 = arith.constant 32 : index
        %get3A_130 = tpu.vector_load %arg12[%get3A_128, %get3A_129] {strides = array<i32>} : memref<128x64xf32, #tpu.memory_space<vmem>>, vector<1x16xf32>,
        %get3A_131 = vector.shape_cast %get3A_130 : vector<1x16xf32> to vector<16xf32>
        %mul3A_132 = vector.broadcast %squeeze3A : f32 to vector<16xf32>
        %mul3A_133 = arith.mulf %get3A_131, %mul3A_132 : vector<16xf32>
        %swap3A_134 = arith.index_cast %add3A_106 : i32 to index
        %swap3A_135 = arith.constant 32 : index
        %swap3A_136 = tpu.vector_load %arg12[%swap3A_134, %swap3A_135] {strides = array<i32>} : memref<128x64xf32, #tpu.memory_space<vmem>>, vector<1x16xf32>,
        %swap3A_137 = vector.shape_cast %swap3A_136 : vector<1x16xf32> to vector<16xf32>
        %swap3A_138 = vector.shape_cast %mul3A_133 : vector<16xf32> to vector<1x16xf32>
        tpu.vector_store %arg12[%swap3A_134, %swap3A_135], %swap3A_138 {strides = array<i32>} : memref<128x64xf32, #tpu.memory_space<vmem>>, vector<1x16xf32>,
        %get3A_139 = arith.index_cast %add3A_106 : i32 to index
        %get3A_140 = arith.constant 48 : index
        %get3A_141 = tpu.vector_load %arg12[%get3A_139, %get3A_140] {strides = array<i32>} : memref<128x64xf32, #tpu.memory_space<vmem>>, vector<1x16xf32>,
        %get3A_142 = vector.shape_cast %get3A_141 : vector<1x16xf32> to vector<16xf32>
        %mul3A_143 = vector.broadcast %squeeze3A : f32 to vector<16xf32>
        %mul3A_144 = arith.mulf %get3A_142, %mul3A_143 : vector<16xf32>
        %swap3A_145 = arith.index_cast %add3A_106 : i32 to index
        %swap3A_146 = arith.constant 48 : index
        %swap3A_147 = tpu.vector_load %arg12[%swap3A_145, %swap3A_146] {strides = array<i32>} : memref<128x64xf32, #tpu.memory_space<vmem>>, vector<1x16xf32>,
        %swap3A_148 = vector.shape_cast %swap3A_147 : vector<1x16xf32> to vector<16xf32>
        %swap3A_149 = vector.shape_cast %mul3A_144 : vector<16xf32> to vector<1x16xf32>
        tpu.vector_store %arg12[%swap3A_145, %swap3A_146], %swap3A_149 {strides = array<i32>} : memref<128x64xf32, #tpu.memory_space<vmem>>, vector<1x16xf32>,
        %mul3A_150 = arith.constant 16 : i32
        %mul3A_151 = arith.muli %scan3A_97, %mul3A_150 : i32
        %add3A_152 = arith.constant 1 : i32
        %add3A_153 = arith.addi %mul3A_151, %add3A_152 : i32
        %slice3A_154 = vector.extract_strided_slice %get3A_102 {offsets = [1], sizes = [1], strides = [1]} : vector<16xf32> to vector<1xf32>
        %squeeze3A_155 = vector.extract %slice3A_154[0] : f32 from vector<1xf32>
        %get3A_156 = arith.index_cast %add3A_153 : i32 to index
        %get3A_157 = arith.constant 0 : index
        %get3A_158 = tpu.vector_load %arg12[%get3A_156, %get3A_157] {strides = array<i32>} : memref<128x64xf32, #tpu.memory_space<vmem>>, vector<1x16xf32>,
        %get3A_159 = vector.shape_cast %get3A_158 : vector<1x16xf32> to vector<16xf32>
        %mul3A_160 = vector.broadcast %squeeze3A_155 : f32 to vector<16xf32>
        %mul3A_161 = arith.mulf %get3A_159, %mul3A_160 : vector<16xf32>
        %swap3A_162 = arith.index_cast %add3A_153 : i32 to index
        %swap3A_163 = arith.constant 0 : index
        %swap3A_164 = tpu.vector_load %arg12[%swap3A_162, %swap3A_163] {strides = array<i32>} : memref<128x64xf32, #tpu.memory_space<vmem>>, vector<1x16xf32>,
        %swap3A_165 = vector.shape_cast %swap3A_164 : vector<1x16xf32> to vector<16xf32>
        %swap3A_166 = vector.shape_cast %mul3A_161 : vector<16xf32> to vector<1x16xf32>
        tpu.vector_store %arg12[%swap3A_162, %swap3A_163], %swap3A_166 {strides = array<i32>} : memref<128x64xf32, #tpu.memory_space<vmem>>, vector<1x16xf32>,
        %get3A_167 = arith.index_cast %add3A_153 : i32 to index
        %get3A_168 = arith.constant 16 : index
        %get3A_169 = tpu.vector_load %arg12[%get3A_167, %get3A_168] {strides = array<i32>} : memref<128x64xf32, #tpu.memory_space<vmem>>, vector<1x16xf32>,
        %get3A_170 = vector.shape_cast %get3A_169 : vector<1x16xf32> to vector<16xf32>
        %mul3A_171 = vector.broadcast %squeeze3A_155 : f32 to vector<16xf32>
        %mul3A_172 = arith.mulf %get3A_170, %mul3A_171 : vector<16xf32>
        %swap3A_173 = arith.index_cast %add3A_153 : i32 to index
        %swap3A_174 = arith.constant 16 : index
        %swap3A_175 = tpu.vector_load %arg12[%swap3A_173, %swap3A_174] {strides = array<i32>} : memref<128x64xf32, #tpu.memory_space<vmem>>, vector<1x16xf32>,
        %swap3A_176 = vector.shape_cast %swap3A_175 : vector<1x16xf32> to vector<16xf32>
        %swap3A_177 = vector.shape_cast %mul3A_172 : vector<16xf32> to vector<1x16xf32>
        tpu.vector_store %arg12[%swap3A_173, %swap3A_174], %swap3A_177 {strides = array<i32>} : memref<128x64xf32, #tpu.memory_space<vmem>>, vector<1x16xf32>,
        %get3A_178 = arith.index_cast %add3A_153 : i32 to index
        %get3A_179 = arith.constant 32 : index
        %get3A_180 = tpu.vector_load %arg12[%get3A_178, %get3A_179] {strides = array<i32>} : memref<128x64xf32, #tpu.memory_space<vmem>>, vector<1x16xf32>,
        %get3A_181 = vector.shape_cast %get3A_180 : vector<1x16xf32> to vector<16xf32>
        %mul3A_182 = vector.broadcast %squeeze3A_155 : f32 to vector<16xf32>
        %mul3A_183 = arith.mulf %get3A_181, %mul3A_182 : vector<16xf32>
        %swap3A_184 = arith.index_cast %add3A_153 : i32 to index
        %swap3A_185 = arith.constant 32 : index
        %swap3A_186 = tpu.vector_load %arg12[%swap3A_184, %swap3A_185] {strides = array<i32>} : memref<128x64xf32, #tpu.memory_space<vmem>>, vector<1x16xf32>,
        %swap3A_187 = vector.shape_cast %swap3A_186 : vector<1x16xf32> to vector<16xf32>
        %swap3A_188 = vector.shape_cast %mul3A_183 : vector<16xf32> to vector<1x16xf32>
        tpu.vector_store %arg12[%swap3A_184, %swap3A_185], %swap3A_188 {strides = array<i32>} : memref<128x64xf32, #tpu.memory_space<vmem>>, vector<1x16xf32>,
        %get3A_189 = arith.index_cast %add3A_153 : i32 to index
        %get3A_190 = arith.constant 48 : index
        %get3A_191 = tpu.vector_load %arg12[%get3A_189, %get3A_190] {strides = array<i32>} : memref<128x64xf32, #tpu.memory_space<vmem>>, vector<1x16xf32>,
        %get3A_192 = vector.shape_cast %get3A_191 : vector<1x16xf32> to vector<16xf32>
        %mul3A_193 = vector.broadcast %squeeze3A_155 : f32 to vector<16xf32>
        %mul3A_194 = arith.mulf %get3A_192, %mul3A_193 : vector<16xf32>
        %swap3A_195 = arith.index_cast %add3A_153 : i32 to index
        %swap3A_196 = arith.constant 48 : index
        %swap3A_197 = tpu.vector_load %arg12[%swap3A_195, %swap3A_196] {strides = array<i32>} : memref<128x64xf32, #tpu.memory_space<vmem>>, vector<1x16xf32>,
        %swap3A_198 = vector.shape_cast %swap3A_197 : vector<1x16xf32> to vector<16xf32>
        %swap3A_199 = vector.shape_cast %mul3A_194 : vector<16xf32> to vector<1x16xf32>
        tpu.vector_store %arg12[%swap3A_195, %swap3A_196], %swap3A_199 {strides = array<i32>} : memref<128x64xf32, #tpu.memory_space<vmem>>, vector<1x16xf32>,
        %mul3A_200 = arith.constant 16 : i32
        %mul3A_201 = arith.muli %scan3A_97, %mul3A_200 : i32
        %add3A_202 = arith.constant 2 : i32
        %add3A_203 = arith.addi %mul3A_201, %add3A_202 : i32
        %slice3A_204 = vector.extract_strided_slice %get3A_102 {offsets = [2], sizes = [1], strides = [1]} : vector<16xf32> to vector<1xf32>
        %squeeze3A_205 = vector.extract %slice3A_204[0] : f32 from vector<1xf32>
        %get3A_206 = arith.index_cast %add3A_203 : i32 to index
        %get3A_207 = arith.constant 0 : index
        %get3A_208 = tpu.vector_load %arg12[%get3A_206, %get3A_207] {strides = array<i32>} : memref<128x64xf32, #tpu.memory_space<vmem>>, vector<1x16xf32>,
        %get3A_209 = vector.shape_cast %get3A_208 : vector<1x16xf32> to vector<16xf32>
        %mul3A_210 = vector.broadcast %squeeze3A_205 : f32 to vector<16xf32>
        %mul3A_211 = arith.mulf %get3A_209, %mul3A_210 : vector<16xf32>
        %swap3A_212 = arith.index_cast %add3A_203 : i32 to index
        %swap3A_213 = arith.constant 0 : index
        %swap3A_214 = tpu.vector_load %arg12[%swap3A_212, %swap3A_213] {strides = array<i32>} : memref<128x64xf32, #tpu.memory_space<vmem>>, vector<1x16xf32>,
        %swap3A_215 = vector.shape_cast %swap3A_214 : vector<1x16xf32> to vector<16xf32>
        %swap3A_216 = vector.shape_cast %mul3A_211 : vector<16xf32> to vector<1x16xf32>
        tpu.vector_store %arg12[%swap3A_212, %swap3A_213], %swap3A_216 {strides = array<i32>} : memref<128x64xf32, #tpu.memory_space<vmem>>, vector<1x16xf32>,
        %get3A_217 = arith.index_cast %add3A_203 : i32 to index
        %get3A_218 = arith.constant 16 : index
        %get3A_219 = tpu.vector_load %arg12[%get3A_217, %get3A_218] {strides = array<i32>} : memref<128x64xf32, #tpu.memory_space<vmem>>, vector<1x16xf32>,
        %get3A_220 = vector.shape_cast %get3A_219 : vector<1x16xf32> to vector<16xf32>
        %mul3A_221 = vector.broadcast %squeeze3A_205 : f32 to vector<16xf32>
        %mul3A_222 = arith.mulf %get3A_220, %mul3A_221 : vector<16xf32>
        %swap3A_223 = arith.index_cast %add3A_203 : i32 to index
        %swap3A_224 = arith.constant 16 : index
        %swap3A_225 = tpu.vector_load %arg12[%swap3A_223, %swap3A_224] {strides = array<i32>} : memref<128x64xf32, #tpu.memory_space<vmem>>, vector<1x16xf32>,
        %swap3A_226 = vector.shape_cast %swap3A_225 : vector<1x16xf32> to vector<16xf32>
        %swap3A_227 = vector.shape_cast %mul3A_222 : vector<16xf32> to vector<1x16xf32>
        tpu.vector_store %arg12[%swap3A_223, %swap3A_224], %swap3A_227 {strides = array<i32>} : memref<128x64xf32, #tpu.memory_space<vmem>>, vector<1x16xf32>,
        %get3A_228 = arith.index_cast %add3A_203 : i32 to index
        %get3A_229 = arith.constant 32 : index
        %get3A_230 = tpu.vector_load %arg12[%get3A_228, %get3A_229] {strides = array<i32>} : memref<128x64xf32, #tpu.memory_space<vmem>>, vector<1x16xf32>,
        %get3A_231 = vector.shape_cast %get3A_230 : vector<1x16xf32> to vector<16xf32>
        %mul3A_232 = vector.broadcast %squeeze3A_205 : f32 to vector<16xf32>
        %mul3A_233 = arith.mulf %get3A_231, %mul3A_232 : vector<16xf32>
        %swap3A_234 = arith.index_cast %add3A_203 : i32 to index
        %swap3A_235 = arith.constant 32 : index
        %swap3A_236 = tpu.vector_load %arg12[%swap3A_234, %swap3A_235] {strides = array<i32>} : memref<128x64xf32, #tpu.memory_space<vmem>>, vector<1x16xf32>,
        %swap3A_237 = vector.shape_cast %swap3A_236 : vector<1x16xf32> to vector<16xf32>
        %swap3A_238 = vector.shape_cast %mul3A_233 : vector<16xf32> to vector<1x16xf32>
        tpu.vector_store %arg12[%swap3A_234, %swap3A_235], %swap3A_238 {strides = array<i32>} : memref<128x64xf32, #tpu.memory_space<vmem>>, vector<1x16xf32>,
        %get3A_239 = arith.index_cast %add3A_203 : i32 to index
        %get3A_240 = arith.constant 48 : index
        %get3A_241 = tpu.vector_load %arg12[%get3A_239, %get3A_240] {strides = array<i32>} : memref<128x64xf32, #tpu.memory_space<vmem>>, vector<1x16xf32>,
        %get3A_242 = vector.shape_cast %get3A_241 : vector<1x16xf32> to vector<16xf32>
        %mul3A_243 = vector.broadcast %squeeze3A_205 : f32 to vector<16xf32>
        %mul3A_244 = arith.mulf %get3A_242, %mul3A_243 : vector<16xf32>
        %swap3A_245 = arith.index_cast %add3A_203 : i32 to index
        %swap3A_246 = arith.constant 48 : index
        %swap3A_247 = tpu.vector_load %arg12[%swap3A_245, %swap3A_246] {strides = array<i32>} : memref<128x64xf32, #tpu.memory_space<vmem>>, vector<1x16xf32>,
        %swap3A_248 = vector.shape_cast %swap3A_247 : vector<1x16xf32> to vector<16xf32>
        %swap3A_249 = vector.shape_cast %mul3A_244 : vector<16xf32> to vector<1x16xf32>
        tpu.vector_store %arg12[%swap3A_245, %swap3A_246], %swap3A_249 {strides = array<i32>} : memref<128x64xf32, #tpu.memory_space<vmem>>, vector<1x16xf32>,
        %mul3A_250 = arith.constant 16 : i32
        %mul3A_251 = arith.muli %scan3A_97, %mul3A_250 : i32
        %add3A_252 = arith.constant 3 : i32
        %add3A_253 = arith.addi %mul3A_251, %add3A_252 : i32
        %slice3A_254 = vector.extract_strided_slice %get3A_102 {offsets = [3], sizes = [1], strides = [1]} : vector<16xf32> to vector<1xf32>
        %squeeze3A_255 = vector.extract %slice3A_254[0] : f32 from vector<1xf32>
        %get3A_256 = arith.index_cast %add3A_253 : i32 to index
        %get3A_257 = arith.constant 0 : index
        %get3A_258 = tpu.vector_load %arg12[%get3A_256, %get3A_257] {strides = array<i32>} : memref<128x64xf32, #tpu.memory_space<vmem>>, vector<1x16xf32>,
        %get3A_259 = vector.shape_cast %get3A_258 : vector<1x16xf32> to vector<16xf32>
        %mul3A_260 = vector.broadcast %squeeze3A_255 : f32 to vector<16xf32>
        %mul3A_261 = arith.mulf %get3A_259, %mul3A_260 : vector<16xf32>
        %swap3A_262 = arith.index_cast %add3A_253 : i32 to index
        %swap3A_263 = arith.constant 0 : index
        %swap3A_264 = tpu.vector_load %arg12[%swap3A_262, %swap3A_263] {strides = array<i32>} : memref<128x64xf32, #tpu.memory_space<vmem>>, vector<1x16xf32>,
        %swap3A_265 = vector.shape_cast %swap3A_264 : vector<1x16xf32> to vector<16xf32>
        %swap3A_266 = vector.shape_cast %mul3A_261 : vector<16xf32> to vector<1x16xf32>
        tpu.vector_store %arg12[%swap3A_262, %swap3A_263], %swap3A_266 {strides = array<i32>} : memref<128x64xf32, #tpu.memory_space<vmem>>, vector<1x16xf32>,
        %get3A_267 = arith.index_cast %add3A_253 : i32 to index
        %get3A_268 = arith.constant 16 : index
        %get3A_269 = tpu.vector_load %arg12[%get3A_267, %get3A_268] {strides = array<i32>} : memref<128x64xf32, #tpu.memory_space<vmem>>, vector<1x16xf32>,
        %get3A_270 = vector.shape_cast %get3A_269 : vector<1x16xf32> to vector<16xf32>
        %mul3A_271 = vector.broadcast %squeeze3A_255 : f32 to vector<16xf32>
        %mul3A_272 = arith.mulf %get3A_270, %mul3A_271 : vector<16xf32>
        %swap3A_273 = arith.index_cast %add3A_253 : i32 to index
        %swap3A_274 = arith.constant 16 : index
        %swap3A_275 = tpu.vector_load %arg12[%swap3A_273, %swap3A_274] {strides = array<i32>} : memref<128x64xf32, #tpu.memory_space<vmem>>, vector<1x16xf32>,
        %swap3A_276 = vector.shape_cast %swap3A_275 : vector<1x16xf32> to vector<16xf32>
        %swap3A_277 = vector.shape_cast %mul3A_272 : vector<16xf32> to vector<1x16xf32>
        tpu.vector_store %arg12[%swap3A_273, %swap3A_274], %swap3A_277 {strides = array<i32>} : memref<128x64xf32, #tpu.memory_space<vmem>>, vector<1x16xf32>,
        %get3A_278 = arith.index_cast %add3A_253 : i32 to index
        %get3A_279 = arith.constant 32 : index
        %get3A_280 = tpu.vector_load %arg12[%get3A_278, %get3A_279] {strides = array<i32>} : memref<128x64xf32, #tpu.memory_space<vmem>>, vector<1x16xf32>,
        %get3A_281 = vector.shape_cast %get3A_280 : vector<1x16xf32> to vector<16xf32>
        %mul3A_282 = vector.broadcast %squeeze3A_255 : f32 to vector<16xf32>
        %mul3A_283 = arith.mulf %get3A_281, %mul3A_282 : vector<16xf32>
        %swap3A_284 = arith.index_cast %add3A_253 : i32 to index
        %swap3A_285 = arith.constant 32 : index
        %swap3A_286 = tpu.vector_load %arg12[%swap3A_284, %swap3A_285] {strides = array<i32>} : memref<128x64xf32, #tpu.memory_space<vmem>>, vector<1x16xf32>,
        %swap3A_287 = vector.shape_cast %swap3A_286 : vector<1x16xf32> to vector<16xf32>
        %swap3A_288 = vector.shape_cast %mul3A_283 : vector<16xf32> to vector<1x16xf32>
        tpu.vector_store %arg12[%swap3A_284, %swap3A_285], %swap3A_288 {strides = array<i32>} : memref<128x64xf32, #tpu.memory_space<vmem>>, vector<1x16xf32>,
        %get3A_289 = arith.index_cast %add3A_253 : i32 to index
        %get3A_290 = arith.constant 48 : index
        %get3A_291 = tpu.vector_load %arg12[%get3A_289, %get3A_290] {strides = array<i32>} : memref<128x64xf32, #tpu.memory_space<vmem>>, vector<1x16xf32>,
        %get3A_292 = vector.shape_cast %get3A_291 : vector<1x16xf32> to vector<16xf32>
        %mul3A_293 = vector.broadcast %squeeze3A_255 : f32 to vector<16xf32>
        %mul3A_294 = arith.mulf %get3A_292, %mul3A_293 : vector<16xf32>
        %swap3A_295 = arith.index_cast %add3A_253 : i32 to index
        %swap3A_296 = arith.constant 48 : index
        %swap3A_297 = tpu.vector_load %arg12[%swap3A_295, %swap3A_296] {strides = array<i32>} : memref<128x64xf32, #tpu.memory_space<vmem>>, vector<1x16xf32>,
        %swap3A_298 = vector.shape_cast %swap3A_297 : vector<1x16xf32> to vector<16xf32>
        %swap3A_299 = vector.shape_cast %mul3A_294 : vector<16xf32> to vector<1x16xf32>
        tpu.vector_store %arg12[%swap3A_295, %swap3A_296], %swap3A_299 {strides = array<i32>} : memref<128x64xf32, #tpu.memory_space<vmem>>, vector<1x16xf32>,
        %mul3A_300 = arith.constant 16 : i32
        %mul3A_301 = arith.muli %scan3A_97, %mul3A_300 : i32
        %add3A_302 = arith.constant 4 : i32
        %add3A_303 = arith.addi %mul3A_301, %add3A_302 : i32
        %slice3A_304 = vector.extract_strided_slice %get3A_102 {offsets = [4], sizes = [1], strides = [1]} : vector<16xf32> to vector<1xf32>
        %squeeze3A_305 = vector.extract %slice3A_304[0] : f32 from vector<1xf32>
        %get3A_306 = arith.index_cast %add3A_303 : i32 to index
        %get3A_307 = arith.constant 0 : index
        %get3A_308 = tpu.vector_load %arg12[%get3A_306, %get3A_307] {strides = array<i32>} : memref<128x64xf32, #tpu.memory_space<vmem>>, vector<1x16xf32>,
        %get3A_309 = vector.shape_cast %get3A_308 : vector<1x16xf32> to vector<16xf32>
        %mul3A_310 = vector.broadcast %squeeze3A_305 : f32 to vector<16xf32>
        %mul3A_311 = arith.mulf %get3A_309, %mul3A_310 : vector<16xf32>
        %swap3A_312 = arith.index_cast %add3A_303 : i32 to index
        %swap3A_313 = arith.constant 0 : index
        %swap3A_314 = tpu.vector_load %arg12[%swap3A_312, %swap3A_313] {strides = array<i32>} : memref<128x64xf32, #tpu.memory_space<vmem>>, vector<1x16xf32>,
        %swap3A_315 = vector.shape_cast %swap3A_314 : vector<1x16xf32> to vector<16xf32>
        %swap3A_316 = vector.shape_cast %mul3A_311 : vector<16xf32> to vector<1x16xf32>
        tpu.vector_store %arg12[%swap3A_312, %swap3A_313], %swap3A_316 {strides = array<i32>} : memref<128x64xf32, #tpu.memory_space<vmem>>, vector<1x16xf32>,
        %get3A_317 = arith.index_cast %add3A_303 : i32 to index
        %get3A_318 = arith.constant 16 : index
        %get3A_319 = tpu.vector_load %arg12[%get3A_317, %get3A_318] {strides = array<i32>} : memref<128x64xf32, #tpu.memory_space<vmem>>, vector<1x16xf32>,
        %get3A_320 = vector.shape_cast %get3A_319 : vector<1x16xf32> to vector<16xf32>
        %mul3A_321 = vector.broadcast %squeeze3A_305 : f32 to vector<16xf32>
        %mul3A_322 = arith.mulf %get3A_320, %mul3A_321 : vector<16xf32>
        %swap3A_323 = arith.index_cast %add3A_303 : i32 to index
        %swap3A_324 = arith.constant 16 : index
        %swap3A_325 = tpu.vector_load %arg12[%swap3A_323, %swap3A_324] {strides = array<i32>} : memref<128x64xf32, #tpu.memory_space<vmem>>, vector<1x16xf32>,
        %swap3A_326 = vector.shape_cast %swap3A_325 : vector<1x16xf32> to vector<16xf32>
        %swap3A_327 = vector.shape_cast %mul3A_322 : vector<16xf32> to vector<1x16xf32>
        tpu.vector_store %arg12[%swap3A_323, %swap3A_324], %swap3A_327 {strides = array<i32>} : memref<128x64xf32, #tpu.memory_space<vmem>>, vector<1x16xf32>,
        %get3A_328 = arith.index_cast %add3A_303 : i32 to index
        %get3A_329 = arith.constant 32 : index
        %get3A_330 = tpu.vector_load %arg12[%get3A_328, %get3A_329] {strides = array<i32>} : memref<128x64xf32, #tpu.memory_space<vmem>>, vector<1x16xf32>,
        %get3A_331 = vector.shape_cast %get3A_330 : vector<1x16xf32> to vector<16xf32>
        %mul3A_332 = vector.broadcast %squeeze3A_305 : f32 to vector<16xf32>
        %mul3A_333 = arith.mulf %get3A_331, %mul3A_332 : vector<16xf32>
        %swap3A_334 = arith.index_cast %add3A_303 : i32 to index
        %swap3A_335 = arith.constant 32 : index
        %swap3A_336 = tpu.vector_load %arg12[%swap3A_334, %swap3A_335] {strides = array<i32>} : memref<128x64xf32, #tpu.memory_space<vmem>>, vector<1x16xf32>,
        %swap3A_337 = vector.shape_cast %swap3A_336 : vector<1x16xf32> to vector<16xf32>
        %swap3A_338 = vector.shape_cast %mul3A_333 : vector<16xf32> to vector<1x16xf32>
        tpu.vector_store %arg12[%swap3A_334, %swap3A_335], %swap3A_338 {strides = array<i32>} : memref<128x64xf32, #tpu.memory_space<vmem>>, vector<1x16xf32>,
        %get3A_339 = arith.index_cast %add3A_303 : i32 to index
        %get3A_340 = arith.constant 48 : index
        %get3A_341 = tpu.vector_load %arg12[%get3A_339, %get3A_340] {strides = array<i32>} : memref<128x64xf32, #tpu.memory_space<vmem>>, vector<1x16xf32>,
        %get3A_342 = vector.shape_cast %get3A_341 : vector<1x16xf32> to vector<16xf32>
        %mul3A_343 = vector.broadcast %squeeze3A_305 : f32 to vector<16xf32>
        %mul3A_344 = arith.mulf %get3A_342, %mul3A_343 : vector<16xf32>
        %swap3A_345 = arith.index_cast %add3A_303 : i32 to index
        %swap3A_346 = arith.constant 48 : index
        %swap3A_347 = tpu.vector_load %arg12[%swap3A_345, %swap3A_346] {strides = array<i32>} : memref<128x64xf32, #tpu.memory_space<vmem>>, vector<1x16xf32>,
        %swap3A_348 = vector.shape_cast %swap3A_347 : vector<1x16xf32> to vector<16xf32>
        %swap3A_349 = vector.shape_cast %mul3A_344 : vector<16xf32> to vector<1x16xf32>
        tpu.vector_store %arg12[%swap3A_345, %swap3A_346], %swap3A_349 {strides = array<i32>} : memref<128x64xf32, #tpu.memory_space<vmem>>, vector<1x16xf32>,
        %mul3A_350 = arith.constant 16 : i32
        %mul3A_351 = arith.muli %scan3A_97, %mul3A_350 : i32
        %add3A_352 = arith.constant 5 : i32
        %add3A_353 = arith.addi %mul3A_351, %add3A_352 : i32
        %slice3A_354 = vector.extract_strided_slice %get3A_102 {offsets = [5], sizes = [1], strides = [1]} : vector<16xf32> to vector<1xf32>
        %squeeze3A_355 = vector.extract %slice3A_354[0] : f32 from vector<1xf32>
        %get3A_356 = arith.index_cast %add3A_353 : i32 to index
        %get3A_357 = arith.constant 0 : index
        %get3A_358 = tpu.vector_load %arg12[%get3A_356, %get3A_357] {strides = array<i32>} : memref<128x64xf32, #tpu.memory_space<vmem>>, vector<1x16xf32>,
        %get3A_359 = vector.shape_cast %get3A_358 : vector<1x16xf32> to vector<16xf32>
        %mul3A_360 = vector.broadcast %squeeze3A_355 : f32 to vector<16xf32>
        %mul3A_361 = arith.mulf %get3A_359, %mul3A_360 : vector<16xf32>
        %swap3A_362 = arith.index_cast %add3A_353 : i32 to index
        %swap3A_363 = arith.constant 0 : index
        %swap3A_364 = tpu.vector_load %arg12[%swap3A_362, %swap3A_363] {strides = array<i32>} : memref<128x64xf32, #tpu.memory_space<vmem>>, vector<1x16xf32>,
        %swap3A_365 = vector.shape_cast %swap3A_364 : vector<1x16xf32> to vector<16xf32>
        %swap3A_366 = vector.shape_cast %mul3A_361 : vector<16xf32> to vector<1x16xf32>
        tpu.vector_store %arg12[%swap3A_362, %swap3A_363], %swap3A_366 {strides = array<i32>} : memref<128x64xf32, #tpu.memory_space<vmem>>, vector<1x16xf32>,
        %get3A_367 = arith.index_cast %add3A_353 : i32 to index
        %get3A_368 = arith.constant 16 : index
        %get3A_369 = tpu.vector_load %arg12[%get3A_367, %get3A_368] {strides = array<i32>} : memref<128x64xf32, #tpu.memory_space<vmem>>, vector<1x16xf32>,
        %get3A_370 = vector.shape_cast %get3A_369 : vector<1x16xf32> to vector<16xf32>
        %mul3A_371 = vector.broadcast %squeeze3A_355 : f32 to vector<16xf32>
        %mul3A_372 = arith.mulf %get3A_370, %mul3A_371 : vector<16xf32>
        %swap3A_373 = arith.index_cast %add3A_353 : i32 to index
        %swap3A_374 = arith.constant 16 : index
        %swap3A_375 = tpu.vector_load %arg12[%swap3A_373, %swap3A_374] {strides = array<i32>} : memref<128x64xf32, #tpu.memory_space<vmem>>, vector<1x16xf32>,
        %swap3A_376 = vector.shape_cast %swap3A_375 : vector<1x16xf32> to vector<16xf32>
        %swap3A_377 = vector.shape_cast %mul3A_372 : vector<16xf32> to vector<1x16xf32>
        tpu.vector_store %arg12[%swap3A_373, %swap3A_374], %swap3A_377 {strides = array<i32>} : memref<128x64xf32, #tpu.memory_space<vmem>>, vector<1x16xf32>,
        %get3A_378 = arith.index_cast %add3A_353 : i32 to index
        %get3A_379 = arith.constant 32 : index
        %get3A_380 = tpu.vector_load %arg12[%get3A_378, %get3A_379] {strides = array<i32>} : memref<128x64xf32, #tpu.memory_space<vmem>>, vector<1x16xf32>,
        %get3A_381 = vector.shape_cast %get3A_380 : vector<1x16xf32> to vector<16xf32>
        %mul3A_382 = vector.broadcast %squeeze3A_355 : f32 to vector<16xf32>
        %mul3A_383 = arith.mulf %get3A_381, %mul3A_382 : vector<16xf32>
        %swap3A_384 = arith.index_cast %add3A_353 : i32 to index
        %swap3A_385 = arith.constant 32 : index
        %swap3A_386 = tpu.vector_load %arg12[%swap3A_384, %swap3A_385] {strides = array<i32>} : memref<128x64xf32, #tpu.memory_space<vmem>>, vector<1x16xf32>,
        %swap3A_387 = vector.shape_cast %swap3A_386 : vector<1x16xf32> to vector<16xf32>
        %swap3A_388 = vector.shape_cast %mul3A_383 : vector<16xf32> to vector<1x16xf32>
        tpu.vector_store %arg12[%swap3A_384, %swap3A_385], %swap3A_388 {strides = array<i32>} : memref<128x64xf32, #tpu.memory_space<vmem>>, vector<1x16xf32>,
        %get3A_389 = arith.index_cast %add3A_353 : i32 to index
        %get3A_390 = arith.constant 48 : index
        %get3A_391 = tpu.vector_load %arg12[%get3A_389, %get3A_390] {strides = array<i32>} : memref<128x64xf32, #tpu.memory_space<vmem>>, vector<1x16xf32>,
        %get3A_392 = vector.shape_cast %get3A_391 : vector<1x16xf32> to vector<16xf32>
        %mul3A_393 = vector.broadcast %squeeze3A_355 : f32 to vector<16xf32>
        %mul3A_394 = arith.mulf %get3A_392, %mul3A_393 : vector<16xf32>
        %swap3A_395 = arith.index_cast %add3A_353 : i32 to index
        %swap3A_396 = arith.constant 48 : index
        %swap3A_397 = tpu.vector_load %arg12[%swap3A_395, %swap3A_396] {strides = array<i32>} : memref<128x64xf32, #tpu.memory_space<vmem>>, vector<1x16xf32>,
        %swap3A_398 = vector.shape_cast %swap3A_397 : vector<1x16xf32> to vector<16xf32>
        %swap3A_399 = vector.shape_cast %mul3A_394 : vector<16xf32> to vector<1x16xf32>
        tpu.vector_store %arg12[%swap3A_395, %swap3A_396], %swap3A_399 {strides = array<i32>} : memref<128x64xf32, #tpu.memory_space<vmem>>, vector<1x16xf32>,
        %mul3A_400 = arith.constant 16 : i32
        %mul3A_401 = arith.muli %scan3A_97, %mul3A_400 : i32
        %add3A_402 = arith.constant 6 : i32
        %add3A_403 = arith.addi %mul3A_401, %add3A_402 : i32
        %slice3A_404 = vector.extract_strided_slice %get3A_102 {offsets = [6], sizes = [1], strides = [1]} : vector<16xf32> to vector<1xf32>
        %squeeze3A_405 = vector.extract %slice3A_404[0] : f32 from vector<1xf32>
        %get3A_406 = arith.index_cast %add3A_403 : i32 to index
        %get3A_407 = arith.constant 0 : index
        %get3A_408 = tpu.vector_load %arg12[%get3A_406, %get3A_407] {strides = array<i32>} : memref<128x64xf32, #tpu.memory_space<vmem>>, vector<1x16xf32>,
        %get3A_409 = vector.shape_cast %get3A_408 : vector<1x16xf32> to vector<16xf32>
        %mul3A_410 = vector.broadcast %squeeze3A_405 : f32 to vector<16xf32>
        %mul3A_411 = arith.mulf %get3A_409, %mul3A_410 : vector<16xf32>
        %swap3A_412 = arith.index_cast %add3A_403 : i32 to index
        %swap3A_413 = arith.constant 0 : index
        %swap3A_414 = tpu.vector_load %arg12[%swap3A_412, %swap3A_413] {strides = array<i32>} : memref<128x64xf32, #tpu.memory_space<vmem>>, vector<1x16xf32>,
        %swap3A_415 = vector.shape_cast %swap3A_414 : vector<1x16xf32> to vector<16xf32>
        %swap3A_416 = vector.shape_cast %mul3A_411 : vector<16xf32> to vector<1x16xf32>
        tpu.vector_store %arg12[%swap3A_412, %swap3A_413], %swap3A_416 {strides = array<i32>} : memref<128x64xf32, #tpu.memory_space<vmem>>, vector<1x16xf32>,
        %get3A_417 = arith.index_cast %add3A_403 : i32 to index
        %get3A_418 = arith.constant 16 : index
        %get3A_419 = tpu.vector_load %arg12[%get3A_417, %get3A_418] {strides = array<i32>} : memref<128x64xf32, #tpu.memory_space<vmem>>, vector<1x16xf32>,
        %get3A_420 = vector.shape_cast %get3A_419 : vector<1x16xf32> to vector<16xf32>
        %mul3A_421 = vector.broadcast %squeeze3A_405 : f32 to vector<16xf32>
        %mul3A_422 = arith.mulf %get3A_420, %mul3A_421 : vector<16xf32>
        %swap3A_423 = arith.index_cast %add3A_403 : i32 to index
        %swap3A_424 = arith.constant 16 : index
        %swap3A_425 = tpu.vector_load %arg12[%swap3A_423, %swap3A_424] {strides = array<i32>} : memref<128x64xf32, #tpu.memory_space<vmem>>, vector<1x16xf32>,
        %swap3A_426 = vector.shape_cast %swap3A_425 : vector<1x16xf32> to vector<16xf32>
        %swap3A_427 = vector.shape_cast %mul3A_422 : vector<16xf32> to vector<1x16xf32>
        tpu.vector_store %arg12[%swap3A_423, %swap3A_424], %swap3A_427 {strides = array<i32>} : memref<128x64xf32, #tpu.memory_space<vmem>>, vector<1x16xf32>,
        %get3A_428 = arith.index_cast %add3A_403 : i32 to index
        %get3A_429 = arith.constant 32 : index
        %get3A_430 = tpu.vector_load %arg12[%get3A_428, %get3A_429] {strides = array<i32>} : memref<128x64xf32, #tpu.memory_space<vmem>>, vector<1x16xf32>,
        %get3A_431 = vector.shape_cast %get3A_430 : vector<1x16xf32> to vector<16xf32>
        %mul3A_432 = vector.broadcast %squeeze3A_405 : f32 to vector<16xf32>
        %mul3A_433 = arith.mulf %get3A_431, %mul3A_432 : vector<16xf32>
        %swap3A_434 = arith.index_cast %add3A_403 : i32 to index
        %swap3A_435 = arith.constant 32 : index
        %swap3A_436 = tpu.vector_load %arg12[%swap3A_434, %swap3A_435] {strides = array<i32>} : memref<128x64xf32, #tpu.memory_space<vmem>>, vector<1x16xf32>,
        %swap3A_437 = vector.shape_cast %swap3A_436 : vector<1x16xf32> to vector<16xf32>
        %swap3A_438 = vector.shape_cast %mul3A_433 : vector<16xf32> to vector<1x16xf32>
        tpu.vector_store %arg12[%swap3A_434, %swap3A_435], %swap3A_438 {strides = array<i32>} : memref<128x64xf32, #tpu.memory_space<vmem>>, vector<1x16xf32>,
        %get3A_439 = arith.index_cast %add3A_403 : i32 to index
        %get3A_440 = arith.constant 48 : index
        %get3A_441 = tpu.vector_load %arg12[%get3A_439, %get3A_440] {strides = array<i32>} : memref<128x64xf32, #tpu.memory_space<vmem>>, vector<1x16xf32>,
        %get3A_442 = vector.shape_cast %get3A_441 : vector<1x16xf32> to vector<16xf32>
        %mul3A_443 = vector.broadcast %squeeze3A_405 : f32 to vector<16xf32>
        %mul3A_444 = arith.mulf %get3A_442, %mul3A_443 : vector<16xf32>
        %swap3A_445 = arith.index_cast %add3A_403 : i32 to index
        %swap3A_446 = arith.constant 48 : index
        %swap3A_447 = tpu.vector_load %arg12[%swap3A_445, %swap3A_446] {strides = array<i32>} : memref<128x64xf32, #tpu.memory_space<vmem>>, vector<1x16xf32>,
        %swap3A_448 = vector.shape_cast %swap3A_447 : vector<1x16xf32> to vector<16xf32>
        %swap3A_449 = vector.shape_cast %mul3A_444 : vector<16xf32> to vector<1x16xf32>
        tpu.vector_store %arg12[%swap3A_445, %swap3A_446], %swap3A_449 {strides = array<i32>} : memref<128x64xf32, #tpu.memory_space<vmem>>, vector<1x16xf32>,
        %mul3A_450 = arith.constant 16 : i32
        %mul3A_451 = arith.muli %scan3A_97, %mul3A_450 : i32
        %add3A_452 = arith.constant 7 : i32
        %add3A_453 = arith.addi %mul3A_451, %add3A_452 : i32
        %slice3A_454 = vector.extract_strided_slice %get3A_102 {offsets = [7], sizes = [1], strides = [1]} : vector<16xf32> to vector<1xf32>
        %squeeze3A_455 = vector.extract %slice3A_454[0] : f32 from vector<1xf32>
        %get3A_456 = arith.index_cast %add3A_453 : i32 to index
        %get3A_457 = arith.constant 0 : index
        %get3A_458 = tpu.vector_load %arg12[%get3A_456, %get3A_457] {strides = array<i32>} : memref<128x64xf32, #tpu.memory_space<vmem>>, vector<1x16xf32>,
        %get3A_459 = vector.shape_cast %get3A_458 : vector<1x16xf32> to vector<16xf32>
        %mul3A_460 = vector.broadcast %squeeze3A_455 : f32 to vector<16xf32>
        %mul3A_461 = arith.mulf %get3A_459, %mul3A_460 : vector<16xf32>
        %swap3A_462 = arith.index_cast %add3A_453 : i32 to index
        %swap3A_463 = arith.constant 0 : index
        %swap3A_464 = tpu.vector_load %arg12[%swap3A_462, %swap3A_463] {strides = array<i32>} : memref<128x64xf32, #tpu.memory_space<vmem>>, vector<1x16xf32>,
        %swap3A_465 = vector.shape_cast %swap3A_464 : vector<1x16xf32> to vector<16xf32>
        %swap3A_466 = vector.shape_cast %mul3A_461 : vector<16xf32> to vector<1x16xf32>
        tpu.vector_store %arg12[%swap3A_462, %swap3A_463], %swap3A_466 {strides = array<i32>} : memref<128x64xf32, #tpu.memory_space<vmem>>, vector<1x16xf32>,
        %get3A_467 = arith.index_cast %add3A_453 : i32 to index
        %get3A_468 = arith.constant 16 : index
        %get3A_469 = tpu.vector_load %arg12[%get3A_467, %get3A_468] {strides = array<i32>} : memref<128x64xf32, #tpu.memory_space<vmem>>, vector<1x16xf32>,
        %get3A_470 = vector.shape_cast %get3A_469 : vector<1x16xf32> to vector<16xf32>
        %mul3A_471 = vector.broadcast %squeeze3A_455 : f32 to vector<16xf32>
        %mul3A_472 = arith.mulf %get3A_470, %mul3A_471 : vector<16xf32>
        %swap3A_473 = arith.index_cast %add3A_453 : i32 to index
        %swap3A_474 = arith.constant 16 : index
        %swap3A_475 = tpu.vector_load %arg12[%swap3A_473, %swap3A_474] {strides = array<i32>} : memref<128x64xf32, #tpu.memory_space<vmem>>, vector<1x16xf32>,
        %swap3A_476 = vector.shape_cast %swap3A_475 : vector<1x16xf32> to vector<16xf32>
        %swap3A_477 = vector.shape_cast %mul3A_472 : vector<16xf32> to vector<1x16xf32>
        tpu.vector_store %arg12[%swap3A_473, %swap3A_474], %swap3A_477 {strides = array<i32>} : memref<128x64xf32, #tpu.memory_space<vmem>>, vector<1x16xf32>,
        %get3A_478 = arith.index_cast %add3A_453 : i32 to index
        %get3A_479 = arith.constant 32 : index
        %get3A_480 = tpu.vector_load %arg12[%get3A_478, %get3A_479] {strides = array<i32>} : memref<128x64xf32, #tpu.memory_space<vmem>>, vector<1x16xf32>,
        %get3A_481 = vector.shape_cast %get3A_480 : vector<1x16xf32> to vector<16xf32>
        %mul3A_482 = vector.broadcast %squeeze3A_455 : f32 to vector<16xf32>
        %mul3A_483 = arith.mulf %get3A_481, %mul3A_482 : vector<16xf32>
        %swap3A_484 = arith.index_cast %add3A_453 : i32 to index
        %swap3A_485 = arith.constant 32 : index
        %swap3A_486 = tpu.vector_load %arg12[%swap3A_484, %swap3A_485] {strides = array<i32>} : memref<128x64xf32, #tpu.memory_space<vmem>>, vector<1x16xf32>,
        %swap3A_487 = vector.shape_cast %swap3A_486 : vector<1x16xf32> to vector<16xf32>
        %swap3A_488 = vector.shape_cast %mul3A_483 : vector<16xf32> to vector<1x16xf32>
        tpu.vector_store %arg12[%swap3A_484, %swap3A_485], %swap3A_488 {strides = array<i32>} : memref<128x64xf32, #tpu.memory_space<vmem>>, vector<1x16xf32>,
        %get3A_489 = arith.index_cast %add3A_453 : i32 to index
        %get3A_490 = arith.constant 48 : index
        %get3A_491 = tpu.vector_load %arg12[%get3A_489, %get3A_490] {strides = array<i32>} : memref<128x64xf32, #tpu.memory_space<vmem>>, vector<1x16xf32>,
        %get3A_492 = vector.shape_cast %get3A_491 : vector<1x16xf32> to vector<16xf32>
        %mul3A_493 = vector.broadcast %squeeze3A_455 : f32 to vector<16xf32>
        %mul3A_494 = arith.mulf %get3A_492, %mul3A_493 : vector<16xf32>
        %swap3A_495 = arith.index_cast %add3A_453 : i32 to index
        %swap3A_496 = arith.constant 48 : index
        %swap3A_497 = tpu.vector_load %arg12[%swap3A_495, %swap3A_496] {strides = array<i32>} : memref<128x64xf32, #tpu.memory_space<vmem>>, vector<1x16xf32>,
        %swap3A_498 = vector.shape_cast %swap3A_497 : vector<1x16xf32> to vector<16xf32>
        %swap3A_499 = vector.shape_cast %mul3A_494 : vector<16xf32> to vector<1x16xf32>
        tpu.vector_store %arg12[%swap3A_495, %swap3A_496], %swap3A_499 {strides = array<i32>} : memref<128x64xf32, #tpu.memory_space<vmem>>, vector<1x16xf32>,
        %mul3A_500 = arith.constant 16 : i32
        %mul3A_501 = arith.muli %scan3A_97, %mul3A_500 : i32
        %add3A_502 = arith.constant 8 : i32
        %add3A_503 = arith.addi %mul3A_501, %add3A_502 : i32
        %slice3A_504 = vector.extract_strided_slice %get3A_102 {offsets = [8], sizes = [1], strides = [1]} : vector<16xf32> to vector<1xf32>
        %squeeze3A_505 = vector.extract %slice3A_504[0] : f32 from vector<1xf32>
        %get3A_506 = arith.index_cast %add3A_503 : i32 to index
        %get3A_507 = arith.constant 0 : index
        %get3A_508 = tpu.vector_load %arg12[%get3A_506, %get3A_507] {strides = array<i32>} : memref<128x64xf32, #tpu.memory_space<vmem>>, vector<1x16xf32>,
        %get3A_509 = vector.shape_cast %get3A_508 : vector<1x16xf32> to vector<16xf32>
        %mul3A_510 = vector.broadcast %squeeze3A_505 : f32 to vector<16xf32>
        %mul3A_511 = arith.mulf %get3A_509, %mul3A_510 : vector<16xf32>
        %swap3A_512 = arith.index_cast %add3A_503 : i32 to index
        %swap3A_513 = arith.constant 0 : index
        %swap3A_514 = tpu.vector_load %arg12[%swap3A_512, %swap3A_513] {strides = array<i32>} : memref<128x64xf32, #tpu.memory_space<vmem>>, vector<1x16xf32>,
        %swap3A_515 = vector.shape_cast %swap3A_514 : vector<1x16xf32> to vector<16xf32>
        %swap3A_516 = vector.shape_cast %mul3A_511 : vector<16xf32> to vector<1x16xf32>
        tpu.vector_store %arg12[%swap3A_512, %swap3A_513], %swap3A_516 {strides = array<i32>} : memref<128x64xf32, #tpu.memory_space<vmem>>, vector<1x16xf32>,
        %get3A_517 = arith.index_cast %add3A_503 : i32 to index
        %get3A_518 = arith.constant 16 : index
        %get3A_519 = tpu.vector_load %arg12[%get3A_517, %get3A_518] {strides = array<i32>} : memref<128x64xf32, #tpu.memory_space<vmem>>, vector<1x16xf32>,
        %get3A_520 = vector.shape_cast %get3A_519 : vector<1x16xf32> to vector<16xf32>
        %mul3A_521 = vector.broadcast %squeeze3A_505 : f32 to vector<16xf32>
        %mul3A_522 = arith.mulf %get3A_520, %mul3A_521 : vector<16xf32>
        %swap3A_523 = arith.index_cast %add3A_503 : i32 to index
        %swap3A_524 = arith.constant 16 : index
        %swap3A_525 = tpu.vector_load %arg12[%swap3A_523, %swap3A_524] {strides = array<i32>} : memref<128x64xf32, #tpu.memory_space<vmem>>, vector<1x16xf32>,
        %swap3A_526 = vector.shape_cast %swap3A_525 : vector<1x16xf32> to vector<16xf32>
        %swap3A_527 = vector.shape_cast %mul3A_522 : vector<16xf32> to vector<1x16xf32>
        tpu.vector_store %arg12[%swap3A_523, %swap3A_524], %swap3A_527 {strides = array<i32>} : memref<128x64xf32, #tpu.memory_space<vmem>>, vector<1x16xf32>,
        %get3A_528 = arith.index_cast %add3A_503 : i32 to index
        %get3A_529 = arith.constant 32 : index
        %get3A_530 = tpu.vector_load %arg12[%get3A_528, %get3A_529] {strides = array<i32>} : memref<128x64xf32, #tpu.memory_space<vmem>>, vector<1x16xf32>,
        %get3A_531 = vector.shape_cast %get3A_530 : vector<1x16xf32> to vector<16xf32>
        %mul3A_532 = vector.broadcast %squeeze3A_505 : f32 to vector<16xf32>
        %mul3A_533 = arith.mulf %get3A_531, %mul3A_532 : vector<16xf32>
        %swap3A_534 = arith.index_cast %add3A_503 : i32 to index
        %swap3A_535 = arith.constant 32 : index
        %swap3A_536 = tpu.vector_load %arg12[%swap3A_534, %swap3A_535] {strides = array<i32>} : memref<128x64xf32, #tpu.memory_space<vmem>>, vector<1x16xf32>,
        %swap3A_537 = vector.shape_cast %swap3A_536 : vector<1x16xf32> to vector<16xf32>
        %swap3A_538 = vector.shape_cast %mul3A_533 : vector<16xf32> to vector<1x16xf32>
        tpu.vector_store %arg12[%swap3A_534, %swap3A_535], %swap3A_538 {strides = array<i32>} : memref<128x64xf32, #tpu.memory_space<vmem>>, vector<1x16xf32>,
        %get3A_539 = arith.index_cast %add3A_503 : i32 to index
        %get3A_540 = arith.constant 48 : index
        %get3A_541 = tpu.vector_load %arg12[%get3A_539, %get3A_540] {strides = array<i32>} : memref<128x64xf32, #tpu.memory_space<vmem>>, vector<1x16xf32>,
        %get3A_542 = vector.shape_cast %get3A_541 : vector<1x16xf32> to vector<16xf32>
        %mul3A_543 = vector.broadcast %squeeze3A_505 : f32 to vector<16xf32>
        %mul3A_544 = arith.mulf %get3A_542, %mul3A_543 : vector<16xf32>
        %swap3A_545 = arith.index_cast %add3A_503 : i32 to index
        %swap3A_546 = arith.constant 48 : index
        %swap3A_547 = tpu.vector_load %arg12[%swap3A_545, %swap3A_546] {strides = array<i32>} : memref<128x64xf32, #tpu.memory_space<vmem>>, vector<1x16xf32>,
        %swap3A_548 = vector.shape_cast %swap3A_547 : vector<1x16xf32> to vector<16xf32>
        %swap3A_549 = vector.shape_cast %mul3A_544 : vector<16xf32> to vector<1x16xf32>
        tpu.vector_store %arg12[%swap3A_545, %swap3A_546], %swap3A_549 {strides = array<i32>} : memref<128x64xf32, #tpu.memory_space<vmem>>, vector<1x16xf32>,
        %mul3A_550 = arith.constant 16 : i32
        %mul3A_551 = arith.muli %scan3A_97, %mul3A_550 : i32
        %add3A_552 = arith.constant 9 : i32
        %add3A_553 = arith.addi %mul3A_551, %add3A_552 : i32
        %slice3A_554 = vector.extract_strided_slice %get3A_102 {offsets = [9], sizes = [1], strides = [1]} : vector<16xf32> to vector<1xf32>
        %squeeze3A_555 = vector.extract %slice3A_554[0] : f32 from vector<1xf32>
        %get3A_556 = arith.index_cast %add3A_553 : i32 to index
        %get3A_557 = arith.constant 0 : index
        %get3A_558 = tpu.vector_load %arg12[%get3A_556, %get3A_557] {strides = array<i32>} : memref<128x64xf32, #tpu.memory_space<vmem>>, vector<1x16xf32>,
        %get3A_559 = vector.shape_cast %get3A_558 : vector<1x16xf32> to vector<16xf32>
        %mul3A_560 = vector.broadcast %squeeze3A_555 : f32 to vector<16xf32>
        %mul3A_561 = arith.mulf %get3A_559, %mul3A_560 : vector<16xf32>
        %swap3A_562 = arith.index_cast %add3A_553 : i32 to index
        %swap3A_563 = arith.constant 0 : index
        %swap3A_564 = tpu.vector_load %arg12[%swap3A_562, %swap3A_563] {strides = array<i32>} : memref<128x64xf32, #tpu.memory_space<vmem>>, vector<1x16xf32>,
        %swap3A_565 = vector.shape_cast %swap3A_564 : vector<1x16xf32> to vector<16xf32>
        %swap3A_566 = vector.shape_cast %mul3A_561 : vector<16xf32> to vector<1x16xf32>
        tpu.vector_store %arg12[%swap3A_562, %swap3A_563], %swap3A_566 {strides = array<i32>} : memref<128x64xf32, #tpu.memory_space<vmem>>, vector<1x16xf32>,
        %get3A_567 = arith.index_cast %add3A_553 : i32 to index
        %get3A_568 = arith.constant 16 : index
        %get3A_569 = tpu.vector_load %arg12[%get3A_567, %get3A_568] {strides = array<i32>} : memref<128x64xf32, #tpu.memory_space<vmem>>, vector<1x16xf32>,
        %get3A_570 = vector.shape_cast %get3A_569 : vector<1x16xf32> to vector<16xf32>
        %mul3A_571 = vector.broadcast %squeeze3A_555 : f32 to vector<16xf32>
        %mul3A_572 = arith.mulf %get3A_570, %mul3A_571 : vector<16xf32>
        %swap3A_573 = arith.index_cast %add3A_553 : i32 to index
        %swap3A_574 = arith.constant 16 : index
        %swap3A_575 = tpu.vector_load %arg12[%swap3A_573, %swap3A_574] {strides = array<i32>} : memref<128x64xf32, #tpu.memory_space<vmem>>, vector<1x16xf32>,
        %swap3A_576 = vector.shape_cast %swap3A_575 : vector<1x16xf32> to vector<16xf32>
        %swap3A_577 = vector.shape_cast %mul3A_572 : vector<16xf32> to vector<1x16xf32>
        tpu.vector_store %arg12[%swap3A_573, %swap3A_574], %swap3A_577 {strides = array<i32>} : memref<128x64xf32, #tpu.memory_space<vmem>>, vector<1x16xf32>,
        %get3A_578 = arith.index_cast %add3A_553 : i32 to index
        %get3A_579 = arith.constant 32 : index
        %get3A_580 = tpu.vector_load %arg12[%get3A_578, %get3A_579] {strides = array<i32>} : memref<128x64xf32, #tpu.memory_space<vmem>>, vector<1x16xf32>,
        %get3A_581 = vector.shape_cast %get3A_580 : vector<1x16xf32> to vector<16xf32>
        %mul3A_582 = vector.broadcast %squeeze3A_555 : f32 to vector<16xf32>
        %mul3A_583 = arith.mulf %get3A_581, %mul3A_582 : vector<16xf32>
        %swap3A_584 = arith.index_cast %add3A_553 : i32 to index
        %swap3A_585 = arith.constant 32 : index
        %swap3A_586 = tpu.vector_load %arg12[%swap3A_584, %swap3A_585] {strides = array<i32>} : memref<128x64xf32, #tpu.memory_space<vmem>>, vector<1x16xf32>,
        %swap3A_587 = vector.shape_cast %swap3A_586 : vector<1x16xf32> to vector<16xf32>
        %swap3A_588 = vector.shape_cast %mul3A_583 : vector<16xf32> to vector<1x16xf32>
        tpu.vector_store %arg12[%swap3A_584, %swap3A_585], %swap3A_588 {strides = array<i32>} : memref<128x64xf32, #tpu.memory_space<vmem>>, vector<1x16xf32>,
        %get3A_589 = arith.index_cast %add3A_553 : i32 to index
        %get3A_590 = arith.constant 48 : index
        %get3A_591 = tpu.vector_load %arg12[%get3A_589, %get3A_590] {strides = array<i32>} : memref<128x64xf32, #tpu.memory_space<vmem>>, vector<1x16xf32>,
        %get3A_592 = vector.shape_cast %get3A_591 : vector<1x16xf32> to vector<16xf32>
        %mul3A_593 = vector.broadcast %squeeze3A_555 : f32 to vector<16xf32>
        %mul3A_594 = arith.mulf %get3A_592, %mul3A_593 : vector<16xf32>
        %swap3A_595 = arith.index_cast %add3A_553 : i32 to index
        %swap3A_596 = arith.constant 48 : index
        %swap3A_597 = tpu.vector_load %arg12[%swap3A_595, %swap3A_596] {strides = array<i32>} : memref<128x64xf32, #tpu.memory_space<vmem>>, vector<1x16xf32>,
        %swap3A_598 = vector.shape_cast %swap3A_597 : vector<1x16xf32> to vector<16xf32>
        %swap3A_599 = vector.shape_cast %mul3A_594 : vector<16xf32> to vector<1x16xf32>
        tpu.vector_store %arg12[%swap3A_595, %swap3A_596], %swap3A_599 {strides = array<i32>} : memref<128x64xf32, #tpu.memory_space<vmem>>, vector<1x16xf32>,
        %mul3A_600 = arith.constant 16 : i32
        %mul3A_601 = arith.muli %scan3A_97, %mul3A_600 : i32
        %add3A_602 = arith.constant 10 : i32
        %add3A_603 = arith.addi %mul3A_601, %add3A_602 : i32
        %slice3A_604 = vector.extract_strided_slice %get3A_102 {offsets = [10], sizes = [1], strides = [1]} : vector<16xf32> to vector<1xf32>
        %squeeze3A_605 = vector.extract %slice3A_604[0] : f32 from vector<1xf32>
        %get3A_606 = arith.index_cast %add3A_603 : i32 to index
        %get3A_607 = arith.constant 0 : index
        %get3A_608 = tpu.vector_load %arg12[%get3A_606, %get3A_607] {strides = array<i32>} : memref<128x64xf32, #tpu.memory_space<vmem>>, vector<1x16xf32>,
        %get3A_609 = vector.shape_cast %get3A_608 : vector<1x16xf32> to vector<16xf32>
        %mul3A_610 = vector.broadcast %squeeze3A_605 : f32 to vector<16xf32>
        %mul3A_611 = arith.mulf %get3A_609, %mul3A_610 : vector<16xf32>
        %swap3A_612 = arith.index_cast %add3A_603 : i32 to index
        %swap3A_613 = arith.constant 0 : index
        %swap3A_614 = tpu.vector_load %arg12[%swap3A_612, %swap3A_613] {strides = array<i32>} : memref<128x64xf32, #tpu.memory_space<vmem>>, vector<1x16xf32>,
        %swap3A_615 = vector.shape_cast %swap3A_614 : vector<1x16xf32> to vector<16xf32>
        %swap3A_616 = vector.shape_cast %mul3A_611 : vector<16xf32> to vector<1x16xf32>
        tpu.vector_store %arg12[%swap3A_612, %swap3A_613], %swap3A_616 {strides = array<i32>} : memref<128x64xf32, #tpu.memory_space<vmem>>, vector<1x16xf32>,
        %get3A_617 = arith.index_cast %add3A_603 : i32 to index
        %get3A_618 = arith.constant 16 : index
        %get3A_619 = tpu.vector_load %arg12[%get3A_617, %get3A_618] {strides = array<i32>} : memref<128x64xf32, #tpu.memory_space<vmem>>, vector<1x16xf32>,
        %get3A_620 = vector.shape_cast %get3A_619 : vector<1x16xf32> to vector<16xf32>
        %mul3A_621 = vector.broadcast %squeeze3A_605 : f32 to vector<16xf32>
        %mul3A_622 = arith.mulf %get3A_620, %mul3A_621 : vector<16xf32>
        %swap3A_623 = arith.index_cast %add3A_603 : i32 to index
        %swap3A_624 = arith.constant 16 : index
        %swap3A_625 = tpu.vector_load %arg12[%swap3A_623, %swap3A_624] {strides = array<i32>} : memref<128x64xf32, #tpu.memory_space<vmem>>, vector<1x16xf32>,
        %swap3A_626 = vector.shape_cast %swap3A_625 : vector<1x16xf32> to vector<16xf32>
        %swap3A_627 = vector.shape_cast %mul3A_622 : vector<16xf32> to vector<1x16xf32>
        tpu.vector_store %arg12[%swap3A_623, %swap3A_624], %swap3A_627 {strides = array<i32>} : memref<128x64xf32, #tpu.memory_space<vmem>>, vector<1x16xf32>,
        %get3A_628 = arith.index_cast %add3A_603 : i32 to index
        %get3A_629 = arith.constant 32 : index
        %get3A_630 = tpu.vector_load %arg12[%get3A_628, %get3A_629] {strides = array<i32>} : memref<128x64xf32, #tpu.memory_space<vmem>>, vector<1x16xf32>,
        %get3A_631 = vector.shape_cast %get3A_630 : vector<1x16xf32> to vector<16xf32>
        %mul3A_632 = vector.broadcast %squeeze3A_605 : f32 to vector<16xf32>
        %mul3A_633 = arith.mulf %get3A_631, %mul3A_632 : vector<16xf32>
        %swap3A_634 = arith.index_cast %add3A_603 : i32 to index
        %swap3A_635 = arith.constant 32 : index
        %swap3A_636 = tpu.vector_load %arg12[%swap3A_634, %swap3A_635] {strides = array<i32>} : memref<128x64xf32, #tpu.memory_space<vmem>>, vector<1x16xf32>,
        %swap3A_637 = vector.shape_cast %swap3A_636 : vector<1x16xf32> to vector<16xf32>
        %swap3A_638 = vector.shape_cast %mul3A_633 : vector<16xf32> to vector<1x16xf32>
        tpu.vector_store %arg12[%swap3A_634, %swap3A_635], %swap3A_638 {strides = array<i32>} : memref<128x64xf32, #tpu.memory_space<vmem>>, vector<1x16xf32>,
        %get3A_639 = arith.index_cast %add3A_603 : i32 to index
        %get3A_640 = arith.constant 48 : index
        %get3A_641 = tpu.vector_load %arg12[%get3A_639, %get3A_640] {strides = array<i32>} : memref<128x64xf32, #tpu.memory_space<vmem>>, vector<1x16xf32>,
        %get3A_642 = vector.shape_cast %get3A_641 : vector<1x16xf32> to vector<16xf32>
        %mul3A_643 = vector.broadcast %squeeze3A_605 : f32 to vector<16xf32>
        %mul3A_644 = arith.mulf %get3A_642, %mul3A_643 : vector<16xf32>
        %swap3A_645 = arith.index_cast %add3A_603 : i32 to index
        %swap3A_646 = arith.constant 48 : index
        %swap3A_647 = tpu.vector_load %arg12[%swap3A_645, %swap3A_646] {strides = array<i32>} : memref<128x64xf32, #tpu.memory_space<vmem>>, vector<1x16xf32>,
        %swap3A_648 = vector.shape_cast %swap3A_647 : vector<1x16xf32> to vector<16xf32>
        %swap3A_649 = vector.shape_cast %mul3A_644 : vector<16xf32> to vector<1x16xf32>
        tpu.vector_store %arg12[%swap3A_645, %swap3A_646], %swap3A_649 {strides = array<i32>} : memref<128x64xf32, #tpu.memory_space<vmem>>, vector<1x16xf32>,
        %mul3A_650 = arith.constant 16 : i32
        %mul3A_651 = arith.muli %scan3A_97, %mul3A_650 : i32
        %add3A_652 = arith.constant 11 : i32
        %add3A_653 = arith.addi %mul3A_651, %add3A_652 : i32
        %slice3A_654 = vector.extract_strided_slice %get3A_102 {offsets = [11], sizes = [1], strides = [1]} : vector<16xf32> to vector<1xf32>
        %squeeze3A_655 = vector.extract %slice3A_654[0] : f32 from vector<1xf32>
        %get3A_656 = arith.index_cast %add3A_653 : i32 to index
        %get3A_657 = arith.constant 0 : index
        %get3A_658 = tpu.vector_load %arg12[%get3A_656, %get3A_657] {strides = array<i32>} : memref<128x64xf32, #tpu.memory_space<vmem>>, vector<1x16xf32>,
        %get3A_659 = vector.shape_cast %get3A_658 : vector<1x16xf32> to vector<16xf32>
        %mul3A_660 = vector.broadcast %squeeze3A_655 : f32 to vector<16xf32>
        %mul3A_661 = arith.mulf %get3A_659, %mul3A_660 : vector<16xf32>
        %swap3A_662 = arith.index_cast %add3A_653 : i32 to index
        %swap3A_663 = arith.constant 0 : index
        %swap3A_664 = tpu.vector_load %arg12[%swap3A_662, %swap3A_663] {strides = array<i32>} : memref<128x64xf32, #tpu.memory_space<vmem>>, vector<1x16xf32>,
        %swap3A_665 = vector.shape_cast %swap3A_664 : vector<1x16xf32> to vector<16xf32>
        %swap3A_666 = vector.shape_cast %mul3A_661 : vector<16xf32> to vector<1x16xf32>
        tpu.vector_store %arg12[%swap3A_662, %swap3A_663], %swap3A_666 {strides = array<i32>} : memref<128x64xf32, #tpu.memory_space<vmem>>, vector<1x16xf32>,
        %get3A_667 = arith.index_cast %add3A_653 : i32 to index
        %get3A_668 = arith.constant 16 : index
        %get3A_669 = tpu.vector_load %arg12[%get3A_667, %get3A_668] {strides = array<i32>} : memref<128x64xf32, #tpu.memory_space<vmem>>, vector<1x16xf32>,
        %get3A_670 = vector.shape_cast %get3A_669 : vector<1x16xf32> to vector<16xf32>
        %mul3A_671 = vector.broadcast %squeeze3A_655 : f32 to vector<16xf32>
        %mul3A_672 = arith.mulf %get3A_670, %mul3A_671 : vector<16xf32>
        %swap3A_673 = arith.index_cast %add3A_653 : i32 to index
        %swap3A_674 = arith.constant 16 : index
        %swap3A_675 = tpu.vector_load %arg12[%swap3A_673, %swap3A_674] {strides = array<i32>} : memref<128x64xf32, #tpu.memory_space<vmem>>, vector<1x16xf32>,
        %swap3A_676 = vector.shape_cast %swap3A_675 : vector<1x16xf32> to vector<16xf32>
        %swap3A_677 = vector.shape_cast %mul3A_672 : vector<16xf32> to vector<1x16xf32>
        tpu.vector_store %arg12[%swap3A_673, %swap3A_674], %swap3A_677 {strides = array<i32>} : memref<128x64xf32, #tpu.memory_space<vmem>>, vector<1x16xf32>,
        %get3A_678 = arith.index_cast %add3A_653 : i32 to index
        %get3A_679 = arith.constant 32 : index
        %get3A_680 = tpu.vector_load %arg12[%get3A_678, %get3A_679] {strides = array<i32>} : memref<128x64xf32, #tpu.memory_space<vmem>>, vector<1x16xf32>,
        %get3A_681 = vector.shape_cast %get3A_680 : vector<1x16xf32> to vector<16xf32>
        %mul3A_682 = vector.broadcast %squeeze3A_655 : f32 to vector<16xf32>
        %mul3A_683 = arith.mulf %get3A_681, %mul3A_682 : vector<16xf32>
        %swap3A_684 = arith.index_cast %add3A_653 : i32 to index
        %swap3A_685 = arith.constant 32 : index
        %swap3A_686 = tpu.vector_load %arg12[%swap3A_684, %swap3A_685] {strides = array<i32>} : memref<128x64xf32, #tpu.memory_space<vmem>>, vector<1x16xf32>,
        %swap3A_687 = vector.shape_cast %swap3A_686 : vector<1x16xf32> to vector<16xf32>
        %swap3A_688 = vector.shape_cast %mul3A_683 : vector<16xf32> to vector<1x16xf32>
        tpu.vector_store %arg12[%swap3A_684, %swap3A_685], %swap3A_688 {strides = array<i32>} : memref<128x64xf32, #tpu.memory_space<vmem>>, vector<1x16xf32>,
        %get3A_689 = arith.index_cast %add3A_653 : i32 to index
        %get3A_690 = arith.constant 48 : index
        %get3A_691 = tpu.vector_load %arg12[%get3A_689, %get3A_690] {strides = array<i32>} : memref<128x64xf32, #tpu.memory_space<vmem>>, vector<1x16xf32>,
        %get3A_692 = vector.shape_cast %get3A_691 : vector<1x16xf32> to vector<16xf32>
        %mul3A_693 = vector.broadcast %squeeze3A_655 : f32 to vector<16xf32>
        %mul3A_694 = arith.mulf %get3A_692, %mul3A_693 : vector<16xf32>
        %swap3A_695 = arith.index_cast %add3A_653 : i32 to index
        %swap3A_696 = arith.constant 48 : index
        %swap3A_697 = tpu.vector_load %arg12[%swap3A_695, %swap3A_696] {strides = array<i32>} : memref<128x64xf32, #tpu.memory_space<vmem>>, vector<1x16xf32>,
        %swap3A_698 = vector.shape_cast %swap3A_697 : vector<1x16xf32> to vector<16xf32>
        %swap3A_699 = vector.shape_cast %mul3A_694 : vector<16xf32> to vector<1x16xf32>
        tpu.vector_store %arg12[%swap3A_695, %swap3A_696], %swap3A_699 {strides = array<i32>} : memref<128x64xf32, #tpu.memory_space<vmem>>, vector<1x16xf32>,
        %mul3A_700 = arith.constant 16 : i32
        %mul3A_701 = arith.muli %scan3A_97, %mul3A_700 : i32
        %add3A_702 = arith.constant 12 : i32
        %add3A_703 = arith.addi %mul3A_701, %add3A_702 : i32
        %slice3A_704 = vector.extract_strided_slice %get3A_102 {offsets = [12], sizes = [1], strides = [1]} : vector<16xf32> to vector<1xf32>
        %squeeze3A_705 = vector.extract %slice3A_704[0] : f32 from vector<1xf32>
        %get3A_706 = arith.index_cast %add3A_703 : i32 to index
        %get3A_707 = arith.constant 0 : index
        %get3A_708 = tpu.vector_load %arg12[%get3A_706, %get3A_707] {strides = array<i32>} : memref<128x64xf32, #tpu.memory_space<vmem>>, vector<1x16xf32>,
        %get3A_709 = vector.shape_cast %get3A_708 : vector<1x16xf32> to vector<16xf32>
        %mul3A_710 = vector.broadcast %squeeze3A_705 : f32 to vector<16xf32>
        %mul3A_711 = arith.mulf %get3A_709, %mul3A_710 : vector<16xf32>
        %swap3A_712 = arith.index_cast %add3A_703 : i32 to index
        %swap3A_713 = arith.constant 0 : index
        %swap3A_714 = tpu.vector_load %arg12[%swap3A_712, %swap3A_713] {strides = array<i32>} : memref<128x64xf32, #tpu.memory_space<vmem>>, vector<1x16xf32>,
        %swap3A_715 = vector.shape_cast %swap3A_714 : vector<1x16xf32> to vector<16xf32>
        %swap3A_716 = vector.shape_cast %mul3A_711 : vector<16xf32> to vector<1x16xf32>
        tpu.vector_store %arg12[%swap3A_712, %swap3A_713], %swap3A_716 {strides = array<i32>} : memref<128x64xf32, #tpu.memory_space<vmem>>, vector<1x16xf32>,
        %get3A_717 = arith.index_cast %add3A_703 : i32 to index
        %get3A_718 = arith.constant 16 : index
        %get3A_719 = tpu.vector_load %arg12[%get3A_717, %get3A_718] {strides = array<i32>} : memref<128x64xf32, #tpu.memory_space<vmem>>, vector<1x16xf32>,
        %get3A_720 = vector.shape_cast %get3A_719 : vector<1x16xf32> to vector<16xf32>
        %mul3A_721 = vector.broadcast %squeeze3A_705 : f32 to vector<16xf32>
        %mul3A_722 = arith.mulf %get3A_720, %mul3A_721 : vector<16xf32>
        %swap3A_723 = arith.index_cast %add3A_703 : i32 to index
        %swap3A_724 = arith.constant 16 : index
        %swap3A_725 = tpu.vector_load %arg12[%swap3A_723, %swap3A_724] {strides = array<i32>} : memref<128x64xf32, #tpu.memory_space<vmem>>, vector<1x16xf32>,
        %swap3A_726 = vector.shape_cast %swap3A_725 : vector<1x16xf32> to vector<16xf32>
        %swap3A_727 = vector.shape_cast %mul3A_722 : vector<16xf32> to vector<1x16xf32>
        tpu.vector_store %arg12[%swap3A_723, %swap3A_724], %swap3A_727 {strides = array<i32>} : memref<128x64xf32, #tpu.memory_space<vmem>>, vector<1x16xf32>,
        %get3A_728 = arith.index_cast %add3A_703 : i32 to index
        %get3A_729 = arith.constant 32 : index
        %get3A_730 = tpu.vector_load %arg12[%get3A_728, %get3A_729] {strides = array<i32>} : memref<128x64xf32, #tpu.memory_space<vmem>>, vector<1x16xf32>,
        %get3A_731 = vector.shape_cast %get3A_730 : vector<1x16xf32> to vector<16xf32>
        %mul3A_732 = vector.broadcast %squeeze3A_705 : f32 to vector<16xf32>
        %mul3A_733 = arith.mulf %get3A_731, %mul3A_732 : vector<16xf32>
        %swap3A_734 = arith.index_cast %add3A_703 : i32 to index
        %swap3A_735 = arith.constant 32 : index
        %swap3A_736 = tpu.vector_load %arg12[%swap3A_734, %swap3A_735] {strides = array<i32>} : memref<128x64xf32, #tpu.memory_space<vmem>>, vector<1x16xf32>,
        %swap3A_737 = vector.shape_cast %swap3A_736 : vector<1x16xf32> to vector<16xf32>
        %swap3A_738 = vector.shape_cast %mul3A_733 : vector<16xf32> to vector<1x16xf32>
        tpu.vector_store %arg12[%swap3A_734, %swap3A_735], %swap3A_738 {strides = array<i32>} : memref<128x64xf32, #tpu.memory_space<vmem>>, vector<1x16xf32>,
        %get3A_739 = arith.index_cast %add3A_703 : i32 to index
        %get3A_740 = arith.constant 48 : index
        %get3A_741 = tpu.vector_load %arg12[%get3A_739, %get3A_740] {strides = array<i32>} : memref<128x64xf32, #tpu.memory_space<vmem>>, vector<1x16xf32>,
        %get3A_742 = vector.shape_cast %get3A_741 : vector<1x16xf32> to vector<16xf32>
        %mul3A_743 = vector.broadcast %squeeze3A_705 : f32 to vector<16xf32>
        %mul3A_744 = arith.mulf %get3A_742, %mul3A_743 : vector<16xf32>
        %swap3A_745 = arith.index_cast %add3A_703 : i32 to index
        %swap3A_746 = arith.constant 48 : index
        %swap3A_747 = tpu.vector_load %arg12[%swap3A_745, %swap3A_746] {strides = array<i32>} : memref<128x64xf32, #tpu.memory_space<vmem>>, vector<1x16xf32>,
        %swap3A_748 = vector.shape_cast %swap3A_747 : vector<1x16xf32> to vector<16xf32>
        %swap3A_749 = vector.shape_cast %mul3A_744 : vector<16xf32> to vector<1x16xf32>
        tpu.vector_store %arg12[%swap3A_745, %swap3A_746], %swap3A_749 {strides = array<i32>} : memref<128x64xf32, #tpu.memory_space<vmem>>, vector<1x16xf32>,
        %mul3A_750 = arith.constant 16 : i32
        %mul3A_751 = arith.muli %scan3A_97, %mul3A_750 : i32
        %add3A_752 = arith.constant 13 : i32
        %add3A_753 = arith.addi %mul3A_751, %add3A_752 : i32
        %slice3A_754 = vector.extract_strided_slice %get3A_102 {offsets = [13], sizes = [1], strides = [1]} : vector<16xf32> to vector<1xf32>
        %squeeze3A_755 = vector.extract %slice3A_754[0] : f32 from vector<1xf32>
        %get3A_756 = arith.index_cast %add3A_753 : i32 to index
        %get3A_757 = arith.constant 0 : index
        %get3A_758 = tpu.vector_load %arg12[%get3A_756, %get3A_757] {strides = array<i32>} : memref<128x64xf32, #tpu.memory_space<vmem>>, vector<1x16xf32>,
        %get3A_759 = vector.shape_cast %get3A_758 : vector<1x16xf32> to vector<16xf32>
        %mul3A_760 = vector.broadcast %squeeze3A_755 : f32 to vector<16xf32>
        %mul3A_761 = arith.mulf %get3A_759, %mul3A_760 : vector<16xf32>
        %swap3A_762 = arith.index_cast %add3A_753 : i32 to index
        %swap3A_763 = arith.constant 0 : index
        %swap3A_764 = tpu.vector_load %arg12[%swap3A_762, %swap3A_763] {strides = array<i32>} : memref<128x64xf32, #tpu.memory_space<vmem>>, vector<1x16xf32>,
        %swap3A_765 = vector.shape_cast %swap3A_764 : vector<1x16xf32> to vector<16xf32>
        %swap3A_766 = vector.shape_cast %mul3A_761 : vector<16xf32> to vector<1x16xf32>
        tpu.vector_store %arg12[%swap3A_762, %swap3A_763], %swap3A_766 {strides = array<i32>} : memref<128x64xf32, #tpu.memory_space<vmem>>, vector<1x16xf32>,
        %get3A_767 = arith.index_cast %add3A_753 : i32 to index
        %get3A_768 = arith.constant 16 : index
        %get3A_769 = tpu.vector_load %arg12[%get3A_767, %get3A_768] {strides = array<i32>} : memref<128x64xf32, #tpu.memory_space<vmem>>, vector<1x16xf32>,
        %get3A_770 = vector.shape_cast %get3A_769 : vector<1x16xf32> to vector<16xf32>
        %mul3A_771 = vector.broadcast %squeeze3A_755 : f32 to vector<16xf32>
        %mul3A_772 = arith.mulf %get3A_770, %mul3A_771 : vector<16xf32>
        %swap3A_773 = arith.index_cast %add3A_753 : i32 to index
        %swap3A_774 = arith.constant 16 : index
        %swap3A_775 = tpu.vector_load %arg12[%swap3A_773, %swap3A_774] {strides = array<i32>} : memref<128x64xf32, #tpu.memory_space<vmem>>, vector<1x16xf32>,
        %swap3A_776 = vector.shape_cast %swap3A_775 : vector<1x16xf32> to vector<16xf32>
        %swap3A_777 = vector.shape_cast %mul3A_772 : vector<16xf32> to vector<1x16xf32>
        tpu.vector_store %arg12[%swap3A_773, %swap3A_774], %swap3A_777 {strides = array<i32>} : memref<128x64xf32, #tpu.memory_space<vmem>>, vector<1x16xf32>,
        %get3A_778 = arith.index_cast %add3A_753 : i32 to index
        %get3A_779 = arith.constant 32 : index
        %get3A_780 = tpu.vector_load %arg12[%get3A_778, %get3A_779] {strides = array<i32>} : memref<128x64xf32, #tpu.memory_space<vmem>>, vector<1x16xf32>,
        %get3A_781 = vector.shape_cast %get3A_780 : vector<1x16xf32> to vector<16xf32>
        %mul3A_782 = vector.broadcast %squeeze3A_755 : f32 to vector<16xf32>
        %mul3A_783 = arith.mulf %get3A_781, %mul3A_782 : vector<16xf32>
        %swap3A_784 = arith.index_cast %add3A_753 : i32 to index
        %swap3A_785 = arith.constant 32 : index
        %swap3A_786 = tpu.vector_load %arg12[%swap3A_784, %swap3A_785] {strides = array<i32>} : memref<128x64xf32, #tpu.memory_space<vmem>>, vector<1x16xf32>,
        %swap3A_787 = vector.shape_cast %swap3A_786 : vector<1x16xf32> to vector<16xf32>
        %swap3A_788 = vector.shape_cast %mul3A_783 : vector<16xf32> to vector<1x16xf32>
        tpu.vector_store %arg12[%swap3A_784, %swap3A_785], %swap3A_788 {strides = array<i32>} : memref<128x64xf32, #tpu.memory_space<vmem>>, vector<1x16xf32>,
        %get3A_789 = arith.index_cast %add3A_753 : i32 to index
        %get3A_790 = arith.constant 48 : index
        %get3A_791 = tpu.vector_load %arg12[%get3A_789, %get3A_790] {strides = array<i32>} : memref<128x64xf32, #tpu.memory_space<vmem>>, vector<1x16xf32>,
        %get3A_792 = vector.shape_cast %get3A_791 : vector<1x16xf32> to vector<16xf32>
        %mul3A_793 = vector.broadcast %squeeze3A_755 : f32 to vector<16xf32>
        %mul3A_794 = arith.mulf %get3A_792, %mul3A_793 : vector<16xf32>
        %swap3A_795 = arith.index_cast %add3A_753 : i32 to index
        %swap3A_796 = arith.constant 48 : index
        %swap3A_797 = tpu.vector_load %arg12[%swap3A_795, %swap3A_796] {strides = array<i32>} : memref<128x64xf32, #tpu.memory_space<vmem>>, vector<1x16xf32>,
        %swap3A_798 = vector.shape_cast %swap3A_797 : vector<1x16xf32> to vector<16xf32>
        %swap3A_799 = vector.shape_cast %mul3A_794 : vector<16xf32> to vector<1x16xf32>
        tpu.vector_store %arg12[%swap3A_795, %swap3A_796], %swap3A_799 {strides = array<i32>} : memref<128x64xf32, #tpu.memory_space<vmem>>, vector<1x16xf32>,
        %mul3A_800 = arith.constant 16 : i32
        %mul3A_801 = arith.muli %scan3A_97, %mul3A_800 : i32
        %add3A_802 = arith.constant 14 : i32
        %add3A_803 = arith.addi %mul3A_801, %add3A_802 : i32
        %slice3A_804 = vector.extract_strided_slice %get3A_102 {offsets = [14], sizes = [1], strides = [1]} : vector<16xf32> to vector<1xf32>
        %squeeze3A_805 = vector.extract %slice3A_804[0] : f32 from vector<1xf32>
        %get3A_806 = arith.index_cast %add3A_803 : i32 to index
        %get3A_807 = arith.constant 0 : index
        %get3A_808 = tpu.vector_load %arg12[%get3A_806, %get3A_807] {strides = array<i32>} : memref<128x64xf32, #tpu.memory_space<vmem>>, vector<1x16xf32>,
        %get3A_809 = vector.shape_cast %get3A_808 : vector<1x16xf32> to vector<16xf32>
        %mul3A_810 = vector.broadcast %squeeze3A_805 : f32 to vector<16xf32>
        %mul3A_811 = arith.mulf %get3A_809, %mul3A_810 : vector<16xf32>
        %swap3A_812 = arith.index_cast %add3A_803 : i32 to index
        %swap3A_813 = arith.constant 0 : index
        %swap3A_814 = tpu.vector_load %arg12[%swap3A_812, %swap3A_813] {strides = array<i32>} : memref<128x64xf32, #tpu.memory_space<vmem>>, vector<1x16xf32>,
        %swap3A_815 = vector.shape_cast %swap3A_814 : vector<1x16xf32> to vector<16xf32>
        %swap3A_816 = vector.shape_cast %mul3A_811 : vector<16xf32> to vector<1x16xf32>
        tpu.vector_store %arg12[%swap3A_812, %swap3A_813], %swap3A_816 {strides = array<i32>} : memref<128x64xf32, #tpu.memory_space<vmem>>, vector<1x16xf32>,
        %get3A_817 = arith.index_cast %add3A_803 : i32 to index
        %get3A_818 = arith.constant 16 : index
        %get3A_819 = tpu.vector_load %arg12[%get3A_817, %get3A_818] {strides = array<i32>} : memref<128x64xf32, #tpu.memory_space<vmem>>, vector<1x16xf32>,
        %get3A_820 = vector.shape_cast %get3A_819 : vector<1x16xf32> to vector<16xf32>
        %mul3A_821 = vector.broadcast %squeeze3A_805 : f32 to vector<16xf32>
        %mul3A_822 = arith.mulf %get3A_820, %mul3A_821 : vector<16xf32>
        %swap3A_823 = arith.index_cast %add3A_803 : i32 to index
        %swap3A_824 = arith.constant 16 : index
        %swap3A_825 = tpu.vector_load %arg12[%swap3A_823, %swap3A_824] {strides = array<i32>} : memref<128x64xf32, #tpu.memory_space<vmem>>, vector<1x16xf32>,
        %swap3A_826 = vector.shape_cast %swap3A_825 : vector<1x16xf32> to vector<16xf32>
        %swap3A_827 = vector.shape_cast %mul3A_822 : vector<16xf32> to vector<1x16xf32>
        tpu.vector_store %arg12[%swap3A_823, %swap3A_824], %swap3A_827 {strides = array<i32>} : memref<128x64xf32, #tpu.memory_space<vmem>>, vector<1x16xf32>,
        %get3A_828 = arith.index_cast %add3A_803 : i32 to index
        %get3A_829 = arith.constant 32 : index
        %get3A_830 = tpu.vector_load %arg12[%get3A_828, %get3A_829] {strides = array<i32>} : memref<128x64xf32, #tpu.memory_space<vmem>>, vector<1x16xf32>,
        %get3A_831 = vector.shape_cast %get3A_830 : vector<1x16xf32> to vector<16xf32>
        %mul3A_832 = vector.broadcast %squeeze3A_805 : f32 to vector<16xf32>
        %mul3A_833 = arith.mulf %get3A_831, %mul3A_832 : vector<16xf32>
        %swap3A_834 = arith.index_cast %add3A_803 : i32 to index
        %swap3A_835 = arith.constant 32 : index
        %swap3A_836 = tpu.vector_load %arg12[%swap3A_834, %swap3A_835] {strides = array<i32>} : memref<128x64xf32, #tpu.memory_space<vmem>>, vector<1x16xf32>,
        %swap3A_837 = vector.shape_cast %swap3A_836 : vector<1x16xf32> to vector<16xf32>
        %swap3A_838 = vector.shape_cast %mul3A_833 : vector<16xf32> to vector<1x16xf32>
        tpu.vector_store %arg12[%swap3A_834, %swap3A_835], %swap3A_838 {strides = array<i32>} : memref<128x64xf32, #tpu.memory_space<vmem>>, vector<1x16xf32>,
        %get3A_839 = arith.index_cast %add3A_803 : i32 to index
        %get3A_840 = arith.constant 48 : index
        %get3A_841 = tpu.vector_load %arg12[%get3A_839, %get3A_840] {strides = array<i32>} : memref<128x64xf32, #tpu.memory_space<vmem>>, vector<1x16xf32>,
        %get3A_842 = vector.shape_cast %get3A_841 : vector<1x16xf32> to vector<16xf32>
        %mul3A_843 = vector.broadcast %squeeze3A_805 : f32 to vector<16xf32>
        %mul3A_844 = arith.mulf %get3A_842, %mul3A_843 : vector<16xf32>
        %swap3A_845 = arith.index_cast %add3A_803 : i32 to index
        %swap3A_846 = arith.constant 48 : index
        %swap3A_847 = tpu.vector_load %arg12[%swap3A_845, %swap3A_846] {strides = array<i32>} : memref<128x64xf32, #tpu.memory_space<vmem>>, vector<1x16xf32>,
        %swap3A_848 = vector.shape_cast %swap3A_847 : vector<1x16xf32> to vector<16xf32>
        %swap3A_849 = vector.shape_cast %mul3A_844 : vector<16xf32> to vector<1x16xf32>
        tpu.vector_store %arg12[%swap3A_845, %swap3A_846], %swap3A_849 {strides = array<i32>} : memref<128x64xf32, #tpu.memory_space<vmem>>, vector<1x16xf32>,
        %mul3A_850 = arith.constant 16 : i32
        %mul3A_851 = arith.muli %scan3A_97, %mul3A_850 : i32
        %add3A_852 = arith.constant 15 : i32
        %add3A_853 = arith.addi %mul3A_851, %add3A_852 : i32
        %slice3A_854 = vector.extract_strided_slice %get3A_102 {offsets = [15], sizes = [1], strides = [1]} : vector<16xf32> to vector<1xf32>
        %squeeze3A_855 = vector.extract %slice3A_854[0] : f32 from vector<1xf32>
        %get3A_856 = arith.index_cast %add3A_853 : i32 to index
        %get3A_857 = arith.constant 0 : index
        %get3A_858 = tpu.vector_load %arg12[%get3A_856, %get3A_857] {strides = array<i32>} : memref<128x64xf32, #tpu.memory_space<vmem>>, vector<1x16xf32>,
        %get3A_859 = vector.shape_cast %get3A_858 : vector<1x16xf32> to vector<16xf32>
        %mul3A_860 = vector.broadcast %squeeze3A_855 : f32 to vector<16xf32>
        %mul3A_861 = arith.mulf %get3A_859, %mul3A_860 : vector<16xf32>
        %swap3A_862 = arith.index_cast %add3A_853 : i32 to index
        %swap3A_863 = arith.constant 0 : index
        %swap3A_864 = tpu.vector_load %arg12[%swap3A_862, %swap3A_863] {strides = array<i32>} : memref<128x64xf32, #tpu.memory_space<vmem>>, vector<1x16xf32>,
        %swap3A_865 = vector.shape_cast %swap3A_864 : vector<1x16xf32> to vector<16xf32>
        %swap3A_866 = vector.shape_cast %mul3A_861 : vector<16xf32> to vector<1x16xf32>
        tpu.vector_store %arg12[%swap3A_862, %swap3A_863], %swap3A_866 {strides = array<i32>} : memref<128x64xf32, #tpu.memory_space<vmem>>, vector<1x16xf32>,
        %get3A_867 = arith.index_cast %add3A_853 : i32 to index
        %get3A_868 = arith.constant 16 : index
        %get3A_869 = tpu.vector_load %arg12[%get3A_867, %get3A_868] {strides = array<i32>} : memref<128x64xf32, #tpu.memory_space<vmem>>, vector<1x16xf32>,
        %get3A_870 = vector.shape_cast %get3A_869 : vector<1x16xf32> to vector<16xf32>
        %mul3A_871 = vector.broadcast %squeeze3A_855 : f32 to vector<16xf32>
        %mul3A_872 = arith.mulf %get3A_870, %mul3A_871 : vector<16xf32>
        %swap3A_873 = arith.index_cast %add3A_853 : i32 to index
        %swap3A_874 = arith.constant 16 : index
        %swap3A_875 = tpu.vector_load %arg12[%swap3A_873, %swap3A_874] {strides = array<i32>} : memref<128x64xf32, #tpu.memory_space<vmem>>, vector<1x16xf32>,
        %swap3A_876 = vector.shape_cast %swap3A_875 : vector<1x16xf32> to vector<16xf32>
        %swap3A_877 = vector.shape_cast %mul3A_872 : vector<16xf32> to vector<1x16xf32>
        tpu.vector_store %arg12[%swap3A_873, %swap3A_874], %swap3A_877 {strides = array<i32>} : memref<128x64xf32, #tpu.memory_space<vmem>>, vector<1x16xf32>,
        %get3A_878 = arith.index_cast %add3A_853 : i32 to index
        %get3A_879 = arith.constant 32 : index
        %get3A_880 = tpu.vector_load %arg12[%get3A_878, %get3A_879] {strides = array<i32>} : memref<128x64xf32, #tpu.memory_space<vmem>>, vector<1x16xf32>,
        %get3A_881 = vector.shape_cast %get3A_880 : vector<1x16xf32> to vector<16xf32>
        %mul3A_882 = vector.broadcast %squeeze3A_855 : f32 to vector<16xf32>
        %mul3A_883 = arith.mulf %get3A_881, %mul3A_882 : vector<16xf32>
        %swap3A_884 = arith.index_cast %add3A_853 : i32 to index
        %swap3A_885 = arith.constant 32 : index
        %swap3A_886 = tpu.vector_load %arg12[%swap3A_884, %swap3A_885] {strides = array<i32>} : memref<128x64xf32, #tpu.memory_space<vmem>>, vector<1x16xf32>,
        %swap3A_887 = vector.shape_cast %swap3A_886 : vector<1x16xf32> to vector<16xf32>
        %swap3A_888 = vector.shape_cast %mul3A_883 : vector<16xf32> to vector<1x16xf32>
        tpu.vector_store %arg12[%swap3A_884, %swap3A_885], %swap3A_888 {strides = array<i32>} : memref<128x64xf32, #tpu.memory_space<vmem>>, vector<1x16xf32>,
        %get3A_889 = arith.index_cast %add3A_853 : i32 to index
        %get3A_890 = arith.constant 48 : index
        %get3A_891 = tpu.vector_load %arg12[%get3A_889, %get3A_890] {strides = array<i32>} : memref<128x64xf32, #tpu.memory_space<vmem>>, vector<1x16xf32>,
        %get3A_892 = vector.shape_cast %get3A_891 : vector<1x16xf32> to vector<16xf32>
        %mul3A_893 = vector.broadcast %squeeze3A_855 : f32 to vector<16xf32>
        %mul3A_894 = arith.mulf %get3A_892, %mul3A_893 : vector<16xf32>
        %swap3A_895 = arith.index_cast %add3A_853 : i32 to index
        %swap3A_896 = arith.constant 48 : index
        %swap3A_897 = tpu.vector_load %arg12[%swap3A_895, %swap3A_896] {strides = array<i32>} : memref<128x64xf32, #tpu.memory_space<vmem>>, vector<1x16xf32>,
        %swap3A_898 = vector.shape_cast %swap3A_897 : vector<1x16xf32> to vector<16xf32>
        %swap3A_899 = vector.shape_cast %mul3A_894 : vector<16xf32> to vector<1x16xf32>
        tpu.vector_store %arg12[%swap3A_895, %swap3A_896], %swap3A_899 {strides = array<i32>} : memref<128x64xf32, #tpu.memory_space<vmem>>, vector<1x16xf32>,
      }
      %scan3A_96 = arith.constant 8 : i32
      "tpu.region"() ({
        %run_scoped3A_97 = tpu.sem_alloc : memref<!tpu.dma_semaphore, #tpu.memory_space<semaphore_mem>>
        %dma_start3A_98 = arith.constant 0 : i32
        %dma_start3A_99 = tpu.memref_slice %arg10[%scan3A_80, %dma_start3A_98] : memref<80x128xi32, #tpu.memory_space<vmem>> -> memref<1x128xi32, #tpu.memory_space<vmem>>
        %dma_start3A_100 = tpu.memref_squeeze %dma_start3A_99 : memref<1x128xi32, #tpu.memory_space<vmem>> -> memref<128xi32, #tpu.memory_space<vmem>>
        %dma_start3A_101 = arith.constant 0 : i32
        %dma_start3A_102 = arith.constant 0 : i32
        %dma_start3A_103 = tpu.memref_slice %arg14[%dma_start3A_101, %dma_start3A_102] : memref<10240x64xf32, #tpu.memory_space<vmem_shared>> -> memref<10240x64xf32, #tpu.memory_space<vmem_shared>>
        tpu.enqueue_indirect_dma source(%arg12 : memref<128x64xf32, #tpu.memory_space<vmem>>) target(%dma_start3A_103 : memref<10240x64xf32, #tpu.memory_space<vmem_shared>>) offsets(%dma_start3A_100 : memref<128xi32, #tpu.memory_space<vmem>>) semaphore(%run_scoped3A_97 : memref<!tpu.dma_semaphore, #tpu.memory_space<semaphore_mem>>) {add = true}
        %dma_wait3A_104 = arith.constant 0 : i32
        %dma_wait3A_105 = tpu.memref_slice %arg10[%scan3A_80, %dma_wait3A_104] : memref<80x128xi32, #tpu.memory_space<vmem>> -> memref<1x128xi32, #tpu.memory_space<vmem>>
        %dma_wait3A_106 = tpu.memref_squeeze %dma_wait3A_105 : memref<1x128xi32, #tpu.memory_space<vmem>> -> memref<128xi32, #tpu.memory_space<vmem>>
        %dma_wait3A_107 = arith.constant 0 : i32
        %dma_wait3A_108 = arith.constant 0 : i32
        %dma_wait3A_109 = tpu.memref_slice %arg14[%dma_wait3A_107, %dma_wait3A_108] : memref<10240x64xf32, #tpu.memory_space<vmem_shared>> -> memref<10240x64xf32, #tpu.memory_space<vmem_shared>>
        tpu.wait_indirect_dma semaphore(%run_scoped3A_97 : memref<!tpu.dma_semaphore, #tpu.memory_space<semaphore_mem>>) src(%arg12 : memref<128x64xf32, #tpu.memory_space<vmem>>) dst(%dma_wait3A_109 : memref<10240x64xf32, #tpu.memory_space<vmem_shared>>)
        tpu.yield
      }) : () -> ()
    }
    %scan3A_72 = arith.constant 80 : i32
    %barrier3A_73 = arith.constant 0 : index
    tpu.barrier barrier_id(%barrier3A_73)
    %mul3A_74 = arith.constant 640 : i32
    %mul3A_75 = arith.muli %arg1, %mul3A_74 : i32
    %mul3A_76 = arith.constant 640 : i32
    %mul3A_77 = arith.muli %arg1, %mul3A_76 : i32
    %run_scoped3A_78 = arith.constant 1 : i32
    "tpu.region"() ({
      %run_scoped3A_80 = tpu.sem_alloc : memref<!tpu.dma_semaphore, #tpu.memory_space<semaphore_mem>>
      %dma_start3A = arith.constant 0 : i32
      %dma_start3A_81 = tpu.memref_slice %arg7[%arg0, %run_scoped3A_78, %mul3A_77, %dma_start3A] : memref<2x2x10240x64xf32, #tpu.memory_space<hbm>> -> memref<1x1x640x64xf32, #tpu.memory_space<hbm>>
      %dma_start3A_82 = tpu.memref_squeeze %dma_start3A_81 : memref<1x1x640x64xf32, #tpu.memory_space<hbm>> -> memref<640x64xf32, #tpu.memory_space<hbm>>
      %dma_start3A_83 = arith.constant 0 : i32
      %dma_start3A_84 = tpu.memref_slice %arg14[%mul3A_75, %dma_start3A_83] : memref<10240x64xf32, #tpu.memory_space<vmem_shared>> -> memref<640x64xf32, #tpu.memory_space<vmem_shared>>
      tpu.enqueue_dma source(%dma_start3A_84 : memref<640x64xf32, #tpu.memory_space<vmem_shared>>) target(%dma_start3A_82 : memref<640x64xf32, #tpu.memory_space<hbm>>) target_semaphore(%run_scoped3A_80 : memref<!tpu.dma_semaphore, #tpu.memory_space<semaphore_mem>>)
      %dma_wait3A = arith.constant 0 : i32
      %dma_wait3A_85 = tpu.memref_slice %arg7[%arg0, %run_scoped3A_78, %mul3A_77, %dma_wait3A] : memref<2x2x10240x64xf32, #tpu.memory_space<hbm>> -> memref<1x1x640x64xf32, #tpu.memory_space<hbm>>
      %dma_wait3A_86 = tpu.memref_squeeze %dma_wait3A_85 : memref<1x1x640x64xf32, #tpu.memory_space<hbm>> -> memref<640x64xf32, #tpu.memory_space<hbm>>
      %dma_wait3A_87 = arith.constant 0 : i32
      %dma_wait3A_88 = tpu.memref_slice %arg14[%mul3A_75, %dma_wait3A_87] : memref<10240x64xf32, #tpu.memory_space<vmem_shared>> -> memref<640x64xf32, #tpu.memory_space<vmem_shared>>
      tpu.wait_dma2 semaphore(%run_scoped3A_80 : memref<!tpu.dma_semaphore, #tpu.memory_space<semaphore_mem>>) src(%dma_wait3A_88 : memref<640x64xf32, #tpu.memory_space<vmem_shared>>) dst(%dma_wait3A_86 : memref<640x64xf32, #tpu.memory_space<hbm>>)
      tpu.yield
    }) : () -> ()
    %barrier3A_79 = arith.constant 0 : index
    tpu.barrier barrier_id(%barrier3A_79)
    return
  }
}

module attributes {stable_mosaic.version = 14 : i64} {
  func.func @_mm1_body(%arg0: i32, %arg1: memref<1000x128xf32, #tpu.memory_space<vmem>>, %arg2: memref<128x128xf32, #tpu.memory_space<vmem>>, %arg3: memref<1000x128xf32, #tpu.memory_space<vmem>>) attributes {dimension_semantics = [#tpu.dimension_semantics<arbitrary>], iteration_bounds = array<i64: 10>, scalar_prefetch = 0 : i64, scratch_operands = 0 : i64, tpu.core_type = #tpu.core_type<tc>, window_params = [{transform_indices = @transform_0, window_bounds = array<i64: 1000, 128>}, {pipeline_mode = #tpu.pipeline_mode<synchronous>, transform_indices = @transform_1, window_bounds = array<i64: 128, 128>}, {transform_indices = @transform_2, window_bounds = array<i64: 1000, 128>}]} {
    %get3A = arith.constant 0 : index
    %get3A_0 = arith.constant 0 : index
    %get3A_1 = vector.load %arg1[%get3A, %get3A_0] : memref<1000x128xf32, #tpu.memory_space<vmem>>, vector<1000x128xf32>
    %get3A_2 = arith.constant 0 : index
    %get3A_3 = arith.constant 0 : index
    %get3A_4 = vector.load %arg2[%get3A_2, %get3A_3] : memref<128x128xf32, #tpu.memory_space<vmem>>, vector<128x128xf32>
    %dot_general3A = arith.constant dense<0.000000e+00> : vector<1000x128xf32>
    %dot_general3A_5 = tpu.matmul %get3A_1, %get3A_4, %dot_general3A {dimension_numbers = #tpu.dot_dimension_numbers<[1], [0], [0], [1], [0, 0, 1, 1], [], []>, transpose_lhs_hint = false} : vector<1000x128xf32>, vector<128x128xf32>, vector<1000x128xf32> -> vector<1000x128xf32>
    %swap3A = arith.constant 0 : index
    %swap3A_6 = arith.constant 0 : index
    %swap3A_7 = vector.load %arg3[%swap3A, %swap3A_6] : memref<1000x128xf32, #tpu.memory_space<vmem>>, vector<1000x128xf32>
    tpu.vector_store %arg3[%swap3A, %swap3A_6], %dot_general3A_5 {strides = array<i32>} : memref<1000x128xf32, #tpu.memory_space<vmem>>, vector<1000x128xf32>,
    return
  }
  func.func @transform_0(%arg0: i32) -> (i32, i32) {
    %c0_i32 = arith.constant 0 : i32
    %c0_i32_0 = arith.constant 0 : i32
    return %arg0, %c0_i32 : i32, i32
  }
  func.func @transform_1(%arg0: i32) -> (i32, i32) {
    %c0_i32 = arith.constant 0 : i32
    %c0_i32_0 = arith.constant 0 : i32
    %c0_i32_1 = arith.constant 0 : i32
    return %c0_i32, %c0_i32_0 : i32, i32
  }
  func.func @transform_2(%arg0: i32) -> (i32, i32) {
    %c0_i32 = arith.constant 0 : i32
    %c0_i32_0 = arith.constant 0 : i32
    return %arg0, %c0_i32 : i32, i32
  }
}

module attributes {stable_mosaic.version = 14 : i64} {
  func.func @_mm2_body(%arg0: i32, %arg1: memref<2x2x1000x64xf32, #tpu.memory_space<vmem>>, %arg2: memref<2x1x64xf32, #tpu.memory_space<vmem>>, %arg3: memref<2x64x128xf32, #tpu.memory_space<vmem>>, %arg4: memref<1000x128xf32, #tpu.memory_space<vmem>>) attributes {dimension_semantics = [#tpu.dimension_semantics<arbitrary>], iteration_bounds = array<i64: 10>, scalar_prefetch = 0 : i64, scratch_operands = 0 : i64, tpu.core_type = #tpu.core_type<tc>, window_params = [{transform_indices = @transform_0, window_bounds = array<i64: 2, 2, 1000, 64>}, {pipeline_mode = #tpu.pipeline_mode<synchronous>, transform_indices = @transform_1, window_bounds = array<i64: 2, 1, 64>}, {pipeline_mode = #tpu.pipeline_mode<synchronous>, transform_indices = @transform_2, window_bounds = array<i64: 2, 64, 128>}, {transform_indices = @transform_3, window_bounds = array<i64: 1000, 128>}]} {
    %get3A = arith.constant 0 : index
    %get3A_0 = arith.constant 0 : index
    %get3A_1 = arith.constant 0 : index
    %get3A_2 = arith.constant 0 : index
    %get3A_3 = vector.load %arg1[%get3A, %get3A_0, %get3A_1, %get3A_2] : memref<2x2x1000x64xf32, #tpu.memory_space<vmem>>, vector<1x1x1000x64xf32>
    %get3A_4 = vector.shape_cast %get3A_3 : vector<1x1x1000x64xf32> to vector<1000x64xf32>
    %get3A_5 = arith.constant 1 : index
    %get3A_6 = arith.constant 0 : index
    %get3A_7 = arith.constant 0 : index
    %get3A_8 = arith.constant 0 : index
    %get3A_9 = vector.load %arg1[%get3A_5, %get3A_6, %get3A_7, %get3A_8] : memref<2x2x1000x64xf32, #tpu.memory_space<vmem>>, vector<1x1x1000x64xf32>
    %get3A_10 = vector.shape_cast %get3A_9 : vector<1x1x1000x64xf32> to vector<1000x64xf32>
    %add3A = arith.addf %get3A_4, %get3A_10 : vector<1000x64xf32>
    %get3A_11 = arith.constant 0 : index
    %get3A_12 = arith.constant 0 : index
    %get3A_13 = arith.constant 0 : index
    %get3A_14 = vector.load %arg2[%get3A_11, %get3A_12, %get3A_13] : memref<2x1x64xf32, #tpu.memory_space<vmem>>, vector<1x1x64xf32>
    %get3A_15 = vector.shape_cast %get3A_14 : vector<1x1x64xf32> to vector<1x64xf32>
    %add3A_16 = vector.broadcast %get3A_15 : vector<1x64xf32> to vector<1000x64xf32>
    %add3A_17 = arith.addf %add3A, %add3A_16 : vector<1000x64xf32>
    %max3A = arith.constant 0.000000e+00 : f32
    %max3A_18 = vector.broadcast %max3A : f32 to vector<1000x64xf32>
    %max3A_19 = arith.maximumf %add3A_17, %max3A_18 : vector<1000x64xf32>
    %get3A_20 = arith.constant 0 : index
    %get3A_21 = arith.constant 1 : index
    %get3A_22 = arith.constant 0 : index
    %get3A_23 = arith.constant 0 : index
    %get3A_24 = vector.load %arg1[%get3A_20, %get3A_21, %get3A_22, %get3A_23] : memref<2x2x1000x64xf32, #tpu.memory_space<vmem>>, vector<1x1x1000x64xf32>
    %get3A_25 = vector.shape_cast %get3A_24 : vector<1x1x1000x64xf32> to vector<1000x64xf32>
    %get3A_26 = arith.constant 1 : index
    %get3A_27 = arith.constant 1 : index
    %get3A_28 = arith.constant 0 : index
    %get3A_29 = arith.constant 0 : index
    %get3A_30 = vector.load %arg1[%get3A_26, %get3A_27, %get3A_28, %get3A_29] : memref<2x2x1000x64xf32, #tpu.memory_space<vmem>>, vector<1x1x1000x64xf32>
    %get3A_31 = vector.shape_cast %get3A_30 : vector<1x1x1000x64xf32> to vector<1000x64xf32>
    %add3A_32 = arith.addf %get3A_25, %get3A_31 : vector<1000x64xf32>
    %get3A_33 = arith.constant 1 : index
    %get3A_34 = arith.constant 0 : index
    %get3A_35 = arith.constant 0 : index
    %get3A_36 = vector.load %arg2[%get3A_33, %get3A_34, %get3A_35] : memref<2x1x64xf32, #tpu.memory_space<vmem>>, vector<1x1x64xf32>
    %get3A_37 = vector.shape_cast %get3A_36 : vector<1x1x64xf32> to vector<1x64xf32>
    %add3A_38 = vector.broadcast %get3A_37 : vector<1x64xf32> to vector<1000x64xf32>
    %add3A_39 = arith.addf %add3A_32, %add3A_38 : vector<1000x64xf32>
    %max3A_40 = arith.constant 0.000000e+00 : f32
    %max3A_41 = vector.broadcast %max3A_40 : f32 to vector<1000x64xf32>
    %max3A_42 = arith.maximumf %add3A_39, %max3A_41 : vector<1000x64xf32>
    %get3A_43 = arith.constant 0 : index
    %get3A_44 = arith.constant 0 : index
    %get3A_45 = arith.constant 0 : index
    %get3A_46 = vector.load %arg3[%get3A_43, %get3A_44, %get3A_45] : memref<2x64x128xf32, #tpu.memory_space<vmem>>, vector<1x64x128xf32>
    %get3A_47 = vector.shape_cast %get3A_46 : vector<1x64x128xf32> to vector<64x128xf32>
    %dot_general3A = arith.constant dense<0.000000e+00> : vector<1000x128xf32>
    %dot_general3A_48 = tpu.matmul %max3A_19, %get3A_47, %dot_general3A {dimension_numbers = #tpu.dot_dimension_numbers<[1], [0], [0], [1], [0, 0, 1, 1], [], []>, transpose_lhs_hint = false} : vector<1000x64xf32>, vector<64x128xf32>, vector<1000x128xf32> -> vector<1000x128xf32>
    %get3A_49 = arith.constant 1 : index
    %get3A_50 = arith.constant 0 : index
    %get3A_51 = arith.constant 0 : index
    %get3A_52 = vector.load %arg3[%get3A_49, %get3A_50, %get3A_51] : memref<2x64x128xf32, #tpu.memory_space<vmem>>, vector<1x64x128xf32>
    %get3A_53 = vector.shape_cast %get3A_52 : vector<1x64x128xf32> to vector<64x128xf32>
    %dot_general3A_54 = arith.constant dense<0.000000e+00> : vector<1000x128xf32>
    %dot_general3A_55 = tpu.matmul %max3A_42, %get3A_53, %dot_general3A_54 {dimension_numbers = #tpu.dot_dimension_numbers<[1], [0], [0], [1], [0, 0, 1, 1], [], []>, transpose_lhs_hint = false} : vector<1000x64xf32>, vector<64x128xf32>, vector<1000x128xf32> -> vector<1000x128xf32>
    %add3A_56 = arith.addf %dot_general3A_48, %dot_general3A_55 : vector<1000x128xf32>
    %swap3A = arith.constant 0 : index
    %swap3A_57 = arith.constant 0 : index
    %swap3A_58 = vector.load %arg4[%swap3A, %swap3A_57] : memref<1000x128xf32, #tpu.memory_space<vmem>>, vector<1000x128xf32>
    tpu.vector_store %arg4[%swap3A, %swap3A_57], %add3A_56 {strides = array<i32>} : memref<1000x128xf32, #tpu.memory_space<vmem>>, vector<1000x128xf32>,
    return
  }
  func.func @transform_0(%arg0: i32) -> (i32, i32, i32, i32) {
    %c0_i32 = arith.constant 0 : i32
    %c0_i32_0 = arith.constant 0 : i32
    %c0_i32_1 = arith.constant 0 : i32
    %c0_i32_2 = arith.constant 0 : i32
    return %c0_i32, %c0_i32_0, %arg0, %c0_i32_1 : i32, i32, i32, i32
  }
  func.func @transform_1(%arg0: i32) -> (i32, i32, i32) {
    %c0_i32 = arith.constant 0 : i32
    %c0_i32_0 = arith.constant 0 : i32
    %c0_i32_1 = arith.constant 0 : i32
    %c0_i32_2 = arith.constant 0 : i32
    return %c0_i32, %c0_i32_0, %c0_i32_1 : i32, i32, i32
  }
  func.func @transform_2(%arg0: i32) -> (i32, i32, i32) {
    %c0_i32 = arith.constant 0 : i32
    %c0_i32_0 = arith.constant 0 : i32
    %c0_i32_1 = arith.constant 0 : i32
    %c0_i32_2 = arith.constant 0 : i32
    return %c0_i32, %c0_i32_0, %c0_i32_1 : i32, i32, i32
  }
  func.func @transform_3(%arg0: i32) -> (i32, i32) {
    %c0_i32 = arith.constant 0 : i32
    %c0_i32_0 = arith.constant 0 : i32
    return %arg0, %c0_i32 : i32, i32
  }
}

module attributes {stable_mosaic.version = 14 : i64} {
  func.func @_fin_body(%arg0: i32, %arg1: memref<2x2x1000x64xf32, #tpu.memory_space<vmem>>, %arg2: memref<2x1x64xf32, #tpu.memory_space<vmem>>, %arg3: memref<1000x2x64xf32, #tpu.memory_space<vmem>>) attributes {dimension_semantics = [#tpu.dimension_semantics<arbitrary>], iteration_bounds = array<i64: 10>, scalar_prefetch = 0 : i64, scratch_operands = 0 : i64, tpu.core_type = #tpu.core_type<tc>, window_params = [{transform_indices = @transform_0, window_bounds = array<i64: 2, 2, 1000, 64>}, {pipeline_mode = #tpu.pipeline_mode<synchronous>, transform_indices = @transform_1, window_bounds = array<i64: 2, 1, 64>}, {transform_indices = @transform_2, window_bounds = array<i64: 1000, 2, 64>}]} {
    %get3A = arith.constant 0 : index
    %get3A_0 = arith.constant 0 : index
    %get3A_1 = arith.constant 0 : index
    %get3A_2 = arith.constant 0 : index
    %get3A_3 = vector.load %arg1[%get3A, %get3A_0, %get3A_1, %get3A_2] : memref<2x2x1000x64xf32, #tpu.memory_space<vmem>>, vector<1x1x1000x64xf32>
    %get3A_4 = vector.shape_cast %get3A_3 : vector<1x1x1000x64xf32> to vector<1000x64xf32>
    %get3A_5 = arith.constant 1 : index
    %get3A_6 = arith.constant 0 : index
    %get3A_7 = arith.constant 0 : index
    %get3A_8 = arith.constant 0 : index
    %get3A_9 = vector.load %arg1[%get3A_5, %get3A_6, %get3A_7, %get3A_8] : memref<2x2x1000x64xf32, #tpu.memory_space<vmem>>, vector<1x1x1000x64xf32>
    %get3A_10 = vector.shape_cast %get3A_9 : vector<1x1x1000x64xf32> to vector<1000x64xf32>
    %add3A = arith.addf %get3A_4, %get3A_10 : vector<1000x64xf32>
    %get3A_11 = arith.constant 0 : index
    %get3A_12 = arith.constant 0 : index
    %get3A_13 = arith.constant 0 : index
    %get3A_14 = vector.load %arg2[%get3A_11, %get3A_12, %get3A_13] : memref<2x1x64xf32, #tpu.memory_space<vmem>>, vector<1x1x64xf32>
    %get3A_15 = vector.shape_cast %get3A_14 : vector<1x1x64xf32> to vector<1x64xf32>
    %add3A_16 = vector.broadcast %get3A_15 : vector<1x64xf32> to vector<1000x64xf32>
    %add3A_17 = arith.addf %add3A, %add3A_16 : vector<1000x64xf32>
    %swap3A = arith.constant 0 : index
    %swap3A_18 = arith.constant 0 : index
    %swap3A_19 = arith.constant 0 : index
    %swap3A_20 = vector.load %arg3[%swap3A, %swap3A_18, %swap3A_19] : memref<1000x2x64xf32, #tpu.memory_space<vmem>>, vector<1000x1x64xf32>
    %swap3A_21 = vector.shape_cast %swap3A_20 : vector<1000x1x64xf32> to vector<1000x64xf32>
    %swap3A_22 = vector.shape_cast %add3A_17 : vector<1000x64xf32> to vector<1000x1x64xf32>
    tpu.vector_store %arg3[%swap3A, %swap3A_18, %swap3A_19], %swap3A_22 {strides = array<i32>} : memref<1000x2x64xf32, #tpu.memory_space<vmem>>, vector<1000x1x64xf32>,
    %get3A_23 = arith.constant 0 : index
    %get3A_24 = arith.constant 1 : index
    %get3A_25 = arith.constant 0 : index
    %get3A_26 = arith.constant 0 : index
    %get3A_27 = vector.load %arg1[%get3A_23, %get3A_24, %get3A_25, %get3A_26] : memref<2x2x1000x64xf32, #tpu.memory_space<vmem>>, vector<1x1x1000x64xf32>
    %get3A_28 = vector.shape_cast %get3A_27 : vector<1x1x1000x64xf32> to vector<1000x64xf32>
    %get3A_29 = arith.constant 1 : index
    %get3A_30 = arith.constant 1 : index
    %get3A_31 = arith.constant 0 : index
    %get3A_32 = arith.constant 0 : index
    %get3A_33 = vector.load %arg1[%get3A_29, %get3A_30, %get3A_31, %get3A_32] : memref<2x2x1000x64xf32, #tpu.memory_space<vmem>>, vector<1x1x1000x64xf32>
    %get3A_34 = vector.shape_cast %get3A_33 : vector<1x1x1000x64xf32> to vector<1000x64xf32>
    %add3A_35 = arith.addf %get3A_28, %get3A_34 : vector<1000x64xf32>
    %get3A_36 = arith.constant 1 : index
    %get3A_37 = arith.constant 0 : index
    %get3A_38 = arith.constant 0 : index
    %get3A_39 = vector.load %arg2[%get3A_36, %get3A_37, %get3A_38] : memref<2x1x64xf32, #tpu.memory_space<vmem>>, vector<1x1x64xf32>
    %get3A_40 = vector.shape_cast %get3A_39 : vector<1x1x64xf32> to vector<1x64xf32>
    %add3A_41 = vector.broadcast %get3A_40 : vector<1x64xf32> to vector<1000x64xf32>
    %add3A_42 = arith.addf %add3A_35, %add3A_41 : vector<1000x64xf32>
    %swap3A_43 = arith.constant 0 : index
    %swap3A_44 = arith.constant 1 : index
    %swap3A_45 = arith.constant 0 : index
    %swap3A_46 = vector.load %arg3[%swap3A_43, %swap3A_44, %swap3A_45] : memref<1000x2x64xf32, #tpu.memory_space<vmem>>, vector<1000x1x64xf32>
    %swap3A_47 = vector.shape_cast %swap3A_46 : vector<1000x1x64xf32> to vector<1000x64xf32>
    %swap3A_48 = vector.shape_cast %add3A_42 : vector<1000x64xf32> to vector<1000x1x64xf32>
    tpu.vector_store %arg3[%swap3A_43, %swap3A_44, %swap3A_45], %swap3A_48 {strides = array<i32>} : memref<1000x2x64xf32, #tpu.memory_space<vmem>>, vector<1000x1x64xf32>,
    return
  }
  func.func @transform_0(%arg0: i32) -> (i32, i32, i32, i32) {
    %c0_i32 = arith.constant 0 : i32
    %c0_i32_0 = arith.constant 0 : i32
    %c0_i32_1 = arith.constant 0 : i32
    %c0_i32_2 = arith.constant 0 : i32
    return %c0_i32, %c0_i32_0, %arg0, %c0_i32_1 : i32, i32, i32, i32
  }
  func.func @transform_1(%arg0: i32) -> (i32, i32, i32) {
    %c0_i32 = arith.constant 0 : i32
    %c0_i32_0 = arith.constant 0 : i32
    %c0_i32_1 = arith.constant 0 : i32
    %c0_i32_2 = arith.constant 0 : i32
    return %c0_i32, %c0_i32_0, %c0_i32_1 : i32, i32, i32
  }
  func.func @transform_2(%arg0: i32) -> (i32, i32, i32) {
    %c0_i32 = arith.constant 0 : i32
    %c0_i32_0 = arith.constant 0 : i32
    %c0_i32_1 = arith.constant 0 : i32
    return %arg0, %c0_i32, %c0_i32_0 : i32, i32, i32
  }
}

</mosaic_0001>

<sc_bundles>
// kernel: kernel.10.cloned.1.call-start
scs
__scs_entry_jumppad:
0x0: {  	(pc) =	sbr.rel $0x88, $3  }
0x1: {  	(tag) =	ssettag $0x0;
	lr =	simm.s32 $0x1  }
0x2: {  	[smem:$0x3F9A] =	sst lr;
	_ =	strace $0xD0000000  }
0x3: {  	_ = 	snop  }
0x4: {  	_ = 	snop  }
0x5: {  	_ = 	snop  }
0x6: {  	_ = 	snop  }
0x7: {  	_ = 	snop  }
__scs_overlays_trampoline_lowered:
0x8: {  	[smem:$0x3FA9] =	sst s0  }
0x9: {  	[smem:$0x3FAA] =	sst s1  }
0xa: {  	[smem:$0x3FAB] =	sst s2  }
0xb: {  	[smem:$0x3FAC] =	sst s3  }
0xc: {  	[smem:$0x3FAD] =	sst s4  }
0xd: {  	[smem:$0x3FAE] =	sst s5  }
0xe: {  	[smem:$0x3FAF] =	sst s6  }
0xf: {  	[smem:$0x3FB0] =	sst s7  }
0x10: {  	[smem:$0x3FB1] =	sst s8  }
0x11: {  	[smem:$0x3FB2] =	sst s9;
	s0 =	simm.s32 @!p0 $0x0  }
0x12: {  	s1 =	sld [smem:$0x3F98];
	s0 =	simm.s32 @p0 $0x1  }
0x13: {  	[smem:$0x3FB3] =	sst s0;
	s0 =	simm.s32 @!p1 $0x0  }
0x14: {  	s2 =	sld [smem:$0x3F97];
	s0 =	simm.s32 @p1 $0x1  }
0x15: {  	[smem:$0x3FB4] =	sst s0;
	s0 =	simm.s32 @!p2 $0x0  }
0x16: {  	s3 =	sld [smem:$0x3FDB];
	s0 =	simm.s32 @p2 $0x1  }
0x17: {  	s4 =	simm.s32 $0x1BF5;
	[smem:$0x3FB6] =	sst s0  }
0x18: {  	s0 =	sld [smem:$0x3F99];
	_ =	swait.ge [sflag:s4], $0x0  }
0x19: {  	s7 =	sld [smem:$0x3F9A]  }
0x1a: {  	s8 =	sadd.s32 $0xFFFFE003, lr  }
0x1b: {  	s9 =	sadd.s32 $0xFFFFFEF7, lr;
	s5 =	simm.s32 $0xFFFFFFFF;
	p2 =	slt.u32 s8, $0xFFFFF086  }
0x1c: {  	p1 =	slt.u32 s9, $0xF7A;
	s5 =	simm.s32 @!p2 $0x0  }
0x1d: {  	s5 =	simm.s32 @p1 $0x1;
	p0 =	seq.s32 s7, s2  }
0x1e: {  	s7 =	smul.u32 @!p0 $0xF7A, s2;
	p2 =	seq.s32 @!p0 s5, $0x0  }
0x1f: {  	s9 =	smul.u32 $0xF7A, s1;
	s8 =	simm.s32 @!p0 $0x1BF5;
	p2 =	por !p2, p0  }
0x20: {  	[sflag:s8] =	ssyncset.s32 @!p0 $0xFFFFF086;
	s6 =	sadd.s32 @!p0 s3, s7;
	s7 =	simm.s32 @!p0 $0x108  }
0x21: {  	s3 =	sadd.s32 s3, s9;
	s6 =	sadd.s32 @!p0 $0x88, s6;
	s7 =	simm.s32 @p2 $0x1082  }
0x22: {  	[simem:s7], [sflag:s8] =	dma.local @!p0 [hbm:s6], $0xF7A  }
0x23: {  	s9 =	sor.u32 $0xD0000000, s2;
	s6 =	simm.s32 $0x108;
	_ =	swait.ge @!p0 [sflag:s8], $0x0  }
0x24: {  	s3 =	sadd.s32 $0x88, s3;
	s6 =	simm.s32 @!p1 $0x1082;
	[sflag:s4] =	ssyncset.s32 $0xFFFFF086  }
0x25: {  	[simem:s6], [sflag:s4] =	dma.local [hbm:s3], $0xF7A  }
0x26: {  	[smem:$0x3F9A] =	sst s1;
	(tag) =	ssettag s2;
	_ =	strace s9  }
0x27: {  	s1 =	sld [smem:$0x3FAA]  }
0x28: {  	s2 =	sld [smem:$0x3FAB]  }
0x29: {  	s4 =	sld [smem:$0x3FAD]  }
0x2a: {  	p0 =	seq.s32 s5, $0x0;
	s5 =	sld [smem:$0x3FAE]  }
0x2b: {  	s6 =	sld [smem:$0x3FAF]  }
0x2c: {  	s7 =	sld [smem:$0x3FB0]  }
0x2d: {  	s3 =	simm.s32 $0x108;
	s8 =	sld [smem:$0x3FB1]  }
0x2e: {  	s3 =	simm.s32 @!p0 $0x1082;
	s9 =	sld [smem:$0x3FB2]  }
0x2f: {  	lr =	sadd.s32 s0, s3;
	s0 =	sld [smem:$0x3FA9]  }
0x30: {  	s3 =	sld [smem:$0x3FAC]  }
0x31: {  	[smem:$0x3FB5] =	sst s10  }
0x32: {  	s10 =	sld [smem:$0x3FB3];
	_ =	sdelay $0x3  }
0x33: {  	p0 =	seq.s32 s10, $0x1;
	s10 =	sld [smem:$0x3FB5];
	_ =	sdelay $0x3  }
0x34: {  	[smem:$0x3FB5] =	sst s10  }
0x35: {  	s10 =	sld [smem:$0x3FB4];
	_ =	sdelay $0x3  }
0x36: {  	p1 =	seq.s32 s10, $0x1;
	s10 =	sld [smem:$0x3FB5];
	_ =	sdelay $0x3  }
0x37: {  	[smem:$0x3FB5] =	sst s10  }
0x38: {  	s10 =	sld [smem:$0x3FB6]  }
0x39: {  	_ = 	snop;
	(pc) =	sbr.ind lr, $3  }
0x3a: {  	_ = 	snop  }
0x3b: {  	_ = 	snop  }
0x3c: {  	p2 =	seq.s32 s10, $0x1;
	s10 =	sld [smem:$0x3FB5]  }
0x3d: {  	_ =	shalt  }
0x3e: {  	_ =	shalt  }
0x3f: {  	_ =	shalt  }
0x40: {  	_ =	shalt  }
0x41: {  	_ =	shalt  }
0x42: {  	_ =	shalt  }
0x43: {  	_ =	shalt  }
0x44: {  	_ =	shalt  }
0x45: {  	_ =	shalt  }
0x46: {  	_ =	shalt  }
0x47: {  	_ =	shalt  }
0x48: {  	_ =	shalt  }
0x49: {  	_ =	shalt  }
0x4a: {  	_ =	shalt  }
0x4b: {  	_ =	shalt  }
0x4c: {  	_ =	shalt  }
0x4d: {  	_ =	shalt  }
0x4e: {  	_ =	shalt  }
0x4f: {  	_ =	shalt  }
0x50: {  	_ =	shalt  }
0x51: {  	_ =	shalt  }
0x52: {  	_ =	shalt  }
0x53: {  	_ =	shalt  }
0x54: {  	_ =	shalt  }
0x55: {  	_ =	shalt  }
0x56: {  	_ =	shalt  }
0x57: {  	_ =	shalt  }
0x58: {  	_ =	shalt  }
0x59: {  	_ =	shalt  }
0x5a: {  	_ =	shalt  }
0x5b: {  	_ =	shalt  }
0x5c: {  	_ =	shalt  }
0x5d: {  	_ =	shalt  }
0x5e: {  	_ =	shalt  }
0x5f: {  	_ =	shalt  }
0x60: {  	_ =	shalt  }
0x61: {  	_ =	shalt  }
0x62: {  	_ =	shalt  }
0x63: {  	_ =	shalt  }
0x64: {  	_ =	shalt  }
0x65: {  	_ =	shalt  }
0x66: {  	_ =	shalt  }
0x67: {  	_ =	shalt  }
0x68: {  	_ =	shalt  }
0x69: {  	_ =	shalt  }
0x6a: {  	_ =	shalt  }
0x6b: {  	_ =	shalt  }
0x6c: {  	_ =	shalt  }
0x6d: {  	_ =	shalt  }
0x6e: {  	_ =	shalt  }
0x6f: {  	_ =	shalt  }
0x70: {  	_ =	shalt  }
0x71: {  	_ =	shalt  }
0x72: {  	_ =	shalt  }
0x73: {  	_ =	shalt  }
0x74: {  	_ =	shalt  }
0x75: {  	_ =	shalt  }
0x76: {  	_ =	shalt  }
0x77: {  	_ =	shalt  }
0x78: {  	_ =	shalt  }
0x79: {  	_ =	shalt  }
0x7a: {  	_ =	shalt  }
0x7b: {  	_ =	shalt  }
0x7c: {  	_ =	shalt  }
0x7d: {  	_ =	shalt  }
0x7e: {  	_ =	shalt  }
0x7f: {  	_ =	shalt  }
0x80: {  	_ =	shalt  }
0x81: {  	_ =	shalt  }
0x82: {  	_ =	shalt  }
0x83: {  	_ =	shalt  }
0x84: {  	_ =	shalt  }
0x85: {  	_ =	shalt  }
0x86: {  	_ =	shalt  }
0x87: {  	_ =	shalt  }
.Lfunc_end0:
.L_simem_size_0:
called_computation.1_lowered:
.L_overlay_start_0:
0x88: {  	s2 =	sld [smem:$0x3FD9]  }
0x89: {  	s3 =	sld [smem:$0x3FFE];
	_ =	sdelay $0x1  }
0x8a: {  	s1 =	srdreg.scid  }
0x8b: {  	s0 =	sand.u32 $0x1, s1  }
0x8c: {  	s17 =	sshll.u32 s0, $0xA;
	s2 =	sadd.s32 s3, s2  }
0x8d: {  	s2 =	sadd.s32 s2, s17  }
0x8e: {  	[smem:$0x3FC1] =	sst s2  }
0x8f: {  	_ = 	snop  }
0x90: {  	s2 =	sld [smem:$0x3FD0];
	(tm) =	ssettm $0x1  }
0x91: {  	s18 =	sld [smem:$0x3FFB];
	_ =	sdelay $0x3  }
0x92: {  	_ =	strace s18  }
0x93: {  	s3 =	sld [smem:$0x3FFC];
	_ =	sdelay $0x3  }
0x94: {  	_ =	strace s3  }
0x95: {  	s3 =	sld [smem:$0x3FFD];
	_ =	sdelay $0x3  }
0x96: {  	_ =	strace s3  }
0x97: {  	_ =	strace $0x8FFFFFFF  }
0x98: {  	s19 =	sld [smem:$0x3FDB];
	_ =	sdelay $0x1  }
0x99: {  	s4 =	simm.s32 $_scs_section_size  }
0x9a: {  	s5 =	simm.s32 $_size__tile_overlayer_lowered;
	s6 =	simm.s32 $_tile_overlayer_lowered  }
0x9b: {  	s22 =	simm.s32 $0x1BFF;
	s21 =	sshll.u32 s6, $0x1;
	s3 =	sadd.s32 s4, s19  }
0x9c: {  	s7 =	simm.s32 $0x0;
	s20 =	sshll.u32 s5, $0x1;
	s5 =	sadd.s32 s21, s3  }
0x9d: {  	[timem:s7], [sflag:s22] =	dma.local [hbm:s5], s20  }
0x9e: {  	_ =	swait.ge [sflag:s22], s20  }
0x9f: {  	s4 =	ssub.s32 $0x0, s20;
	[sflag:s22] =	ssyncset.done $0x0  }
0xa0: {  	[sflag:s22] =	ssyncadd.s32 s4;
	_ =	sdelay $0x1  }
0xa1: {  	s23 =	simm.s32 $0x1B8B  }
0xa2: {  	_ =	swait.ge [sflag:s23], $0x1  }
0xa3: {  	[sflag:s23] =	ssyncset.done $0x0  }
0xa4: {  	s25 =	simm.s32 $0x1B8E;
	s24 =	sld [smem:$0x3FFE];
	[sflag:s23] =	ssyncadd.s32 $0xFFFFFFFF  }
0xa5: {  	s26 =	simm.s32 $execute0_lowered;
	[smem:$0x3FD2] =	sst s25  }
0xa6: {  	s5 =	sshll.u32 s26, $0x1;
	_ =	strace $0x80000049;
	[dreg:$0x1] =	wrdreg $0xFFFFFFFF  }
0xa7: {  	s28 =	simm.s32 $_size_execute0_lowered;
	s3 =	sadd.s32 s3, s5;
	[dreg:$0x0] =	wrdreg $0x0  }
0xa8: {  	s5 =	sshll.u32 s28, $0x1;
	[dreg:$0x2] =	wrdreg s3  }
0xa9: {  	[dreg:$0x3] =	wrdreg s5  }
0xaa: {  	[dreg:$0x4] =	wrdreg $0xC0  }
0xab: {  	_ =	task [dreg:s7], $0x5FFFF  }
0xac: {  	[dreg:$0x1] =	wrdreg $0xFFFFFFFF  }
0xad: {  	[dreg:$0x0] =	wrdreg $0x60  }
0xae: {  	[dreg:$0x2] =	wrdreg s2  }
0xaf: {  	[dreg:$0x3] =	wrdreg s24  }
0xb0: {  	[dreg:$0x4] =	wrdreg $0xE0000  }
0xb1: {  	[dreg:$0x5] =	wrdreg $0x9  }
0xb2: {  	_ =	task.clear_ibuf [dreg:s7], $0x6FFFF;
	_ =	strace $0x90000049  }
0xb3: {  	s29 =	simm.s32 $0x9;
	_ =	strace $0x8000004B  }
0xb4: {  	_ =	swait.ge [sflag:s29], $0x1  }
0xb5: {  	[sflag:s29] =	ssyncadd.s32 $0xFFFFFFFF  }
0xb6: {  	_ =	strace $0x9000004B  }
0xb7: {  	_ =	sfence  }
0xb8: {  	s30 =	sld [smem:$0x0];
	_ =	sdelay $0x2  }
0xb9: {  	s31 =	sshll.u32 s1, $0xD;
	s1 =	sshrl.u32 s1, $0x2  }
0xba: {  	s3 =	sand.u32 $0x4000, s31;
	s1 =	sadd.s32 s1, s30  }
0xbb: {  	s0 =	sor.u32 s3, s0;
	s1 =	sshll.u32 s1, $0x11  }
0xbc: {  	s0 =	sor.u32 s1, s0  }
0xbd: {  	s0 =	sadd.s32 $0x8F2B, s0  }
0xbe: {  	[sflag:s0] =	ssyncadd.remote.s32 $0x1  }
0xbf: {  	_ =	sfence.sel $0xFFFF  }
0xc0: {  	[dreg:$0x0] =	wrdreg $0xFFFFFFFF;
	(pc) =	sbr.abs _section_cstart, $3  }
0xc1: {  	[dreg:$0x1] =	wrdreg $0xFFFFFFFF  }
0xc2: {  	_ =	task.clear_ibuf [dreg:s7], $0x2FFFF;
	_ =	strace $0x9FFFFFFF  }
0xc3: {  	(tm) =	ssettm $0x7FFFFFFF  }
tec
execute0_lowered:
.L_overlay_start_1:
0x0: {  	(tag) =	ssettag $0x1  }
0x1: {  	s1 =	rddreg [dreg:$0x0]  }
0x2: {  	s5 =	rddreg [dreg:$0x1]  }
0x3: {  	s3 =	rddreg [dreg:$0x2];
	s6 =	srdreg.scid  }
0x4: {  	s2 =	stileid.u32;
	s4 =	simm.s32 $0x0;
	s17 =	simm.s32 $0x2  }
0x5: {  	s18 =	simm.s32 $0x2800;
	s19 =	simm.s32 $0x5000;
	s20 =	simm.s32 $0xC000  }
0x6: {  	s21 =	simm.s32 $0x80;
	s22 =	simm.s32 $0xA000;
	s9 =	smul.u32 $0xA000, s2  }
0x7: {  	s23 =	simm.s32 $0x1;
	s6 =	sand.u32 $0x1, s6;
	s11 =	smul.u32 $0x28000, s2  }
0x8: {  	[smem:$0x7FF] =	sst s4;
	s7 =	sshll.u32 s6, $0x4;
	s8 =	smul.u32 $0x140000, s6  }
0x9: {  	_ =	strace $0x8000004A;
	s6 =	ssub.s32 $0x2, s6;
	s7 =	sor.u32 s2, s7  }
0xa: {  	s10 =	sshrl.u32 s6, $0x1;
	s31 =	sshrl.u32 s11, $0x2;
	s7 =	smul.u32 $0x500, s7  }
0xb: {  	s8 =	sadd.s32 s9, s8;
	s16 =	ssub.s32 s6, s10;
	s13 =	sadd.s32 s31, s3  }
0xc: {  	s9 =	sadd.s32 s9, s3;
	s8 =	sshrl.u32 s8, $0x3;
	s10 =	sadd.s32 $0x2000, s13  }
0xd: {  	s11 =	sadd.s32 $0x4000, s13;
	s16 =	smax.u32 s16, $0x1;
	s12 =	sadd.s32 s7, s5  }
0xe: {  	s15 =	sadd.s32 s8, s5;
	s5 =	sadd.s32 $0x1600, s12;
	s6 =	sadd.s32 $0xB600, s12  }
0xf: {  	s7 =	sadd.s32 $0x15600, s12;
	s8 =	sadd.s32 $0x1F600, s12;
	s12 =	sadd.s32 $0x6000, s13  }
0x10: {  	v0 =	vimm.f32 $0.0e+00;
	s13 =	sadd.s32 $0x8000, s13;
	s14 =	sadd.s32 $0x29600, s15;
	s15 =	sadd.s32 $0x3D600, s15  }
.LBB2_1:
0x11: {  	s25 =	simm.s32 $0x100;
	s24 =	simm.s32 $0x0  }
.LBB2_2:
0x12: {  	p0 =	sne.s32 s25, $0x7F00;
	[tilespmem:s24+$0xC030] =	vst v0;
	s26 =	smov.u32 s25;
	s25 =	sadd.s32 $0x100, s25  }
.Ltmp0:
0x13: {  	[tilespmem:s24+$0xC020] =	vst v0;
	(pc) =	sbr.rel @p0 .LBB2_2-.Ltmp0, $3  }
0x14: {  	[tilespmem:s24+$0xC000] =	vst v0  }
0x15: {  	[tilespmem:s24+$0xC010] =	vst v0;
	_ =	sdelay $0x1  }
0x16: {  	s24 =	sshra.s32 s26, $0x2  }
0x17: {  	[tilespmem:s24+$0xC030] =	vst v0  }
0x18: {  	[tilespmem:s24+$0xC020] =	vst v0  }
0x19: {  	[tilespmem:s24+$0xC000] =	vst v0  }
0x1a: {  	[tilespmem:s24+$0xC010] =	vst v0;
	s24 =	simm.s32 $0x0  }
0x1b: {  	[tilespmem:s24], [sflag:$0x2] =	stream.linear.gather [hbm4b:s5+s24], $0x2800, $0x38;
	[tilespmem:$0x18000] =	vst v63  }
0x1c: {  	_ =	swait.ge [sflag:s17], $0x2800  }
0x1d: {  	[sflag:s17] =	ssyncset.done $0x0  }
0x1e: {  	[sflag:s17] =	ssyncadd.s32 $0xFFFFD800  }
0x1f: {  	[tilespmem:s18], [sflag:$0x2] =	stream.linear.gather [hbm4b:s6+s24], $0x2800, $0x38;
	[tilespmem:$0x18000] =	vst v63  }
0x20: {  	_ =	swait.ge [sflag:s17], $0x2800  }
0x21: {  	[sflag:s17] =	ssyncset.done $0x0  }
0x22: {  	[sflag:s17] =	ssyncadd.s32 $0xFFFFD800  }
0x23: {  	[tilespmem:s19], [sflag:$0x2] =	stream.linear.gather [hbm4b:s7+s24], $0x2800, $0x38;
	[tilespmem:$0x18000] =	vst v63  }
0x24: {  	_ =	swait.ge [sflag:s17], $0x2800  }
0x25: {  	[sflag:s17] =	ssyncset.done $0x0  }
0x26: {  	s25 =	simm.s32 $0x7800;
	[sflag:s17] =	ssyncadd.s32 $0xFFFFD800  }
0x27: {  	[tilespmem:s25], [sflag:$0x2] =	stream.linear.gather [hbm4b:s8+s24], $0x2800, $0x38;
	[tilespmem:$0x18000] =	vst v63  }
0x28: {  	_ =	swait.ge [sflag:s17], $0x2800  }
0x29: {  	[sflag:s17] =	ssyncset.done $0x0  }
0x2a: {  	[sflag:s17] =	ssyncadd.s32 $0xFFFFD800  }
0x2b: {  	[spmem:s9] =	stream.linear.scatter [tilespmem:s20], [sflag:$0x2], $0x2000, $0x38;
	[tilespmem:$0x18000] =	vst v63  }
0x2c: {  	_ =	swait.ge [sflag:s17], $0x2000  }
0x2d: {  	[sflag:s17] =	ssyncset.done $0x0  }
0x2e: {  	[sflag:s17] =	ssyncadd.s32 $0xFFFFE000  }
0x2f: {  	[spmem:s10] =	stream.linear.scatter [tilespmem:s20], [sflag:$0x2], $0x2000, $0x38;
	[tilespmem:$0x18000] =	vst v63  }
0x30: {  	_ =	swait.ge [sflag:s17], $0x2000  }
0x31: {  	[sflag:s17] =	ssyncset.done $0x0  }
0x32: {  	[sflag:s17] =	ssyncadd.s32 $0xFFFFE000  }
0x33: {  	[spmem:s11] =	stream.linear.scatter [tilespmem:s20], [sflag:$0x2], $0x2000, $0x38;
	[tilespmem:$0x18000] =	vst v63  }
0x34: {  	_ =	swait.ge [sflag:s17], $0x2000  }
0x35: {  	[sflag:s17] =	ssyncset.done $0x0  }
0x36: {  	[sflag:s17] =	ssyncadd.s32 $0xFFFFE000  }
0x37: {  	[spmem:s12] =	stream.linear.scatter [tilespmem:s20], [sflag:$0x2], $0x2000, $0x38;
	[tilespmem:$0x18000] =	vst v63  }
0x38: {  	_ =	swait.ge [sflag:s17], $0x2000  }
0x39: {  	[sflag:s17] =	ssyncset.done $0x0  }
0x3a: {  	[sflag:s17] =	ssyncadd.s32 $0xFFFFE000  }
0x3b: {  	[spmem:s13] =	stream.linear.scatter [tilespmem:s20], [sflag:$0x2], $0x2000, $0x38;
	[tilespmem:$0x18000] =	vst v63  }
0x3c: {  	_ =	swait.ge [sflag:s17], $0x2000  }
0x3d: {  	[sflag:s17] =	ssyncset.done $0x0  }
0x3e: {  	[sflag:s17] =	ssyncadd.s32 $0xFFFFE000  }
0x3f: {  	[bflag:$0x0] =	sbarrier.arrive $0xFFFF  }
.LBB2_4:
0x40: {  	s26 =	sshll.u32 s24, $0x7  }
0x41: {  	v1 =	vmov s25;
	[tilespmem:s22], [sflag:$0x1] =	stream.indirect.gather [hbm4b:s1+s21], $0x40, s26, s21, $0xb8;
	[tilespmem:$0x18000] =	vst v63  }
0x42: {  	_ =	swait.ge [sflag:s23], $0x2000  }
0x43: {  	[sflag:s23] =	ssyncset.done $0x0  }
0x44: {  	s28 =	simm.s32 $0xA200;
	s29 =	simm.s32 $0x0;
	[sflag:s23] =	ssyncadd.s32 $0xFFFFE000  }
.LBB2_5:
0x45: {  	s30 =	sshra.s32 s29, $0x2  }
0x46: {  	v2 =	vld.idx.msk [tilespmem:v1+s30+$0x0 ss:$0x1], $0xffff;
	_ =	sdelay $0x1  }
0x47: {  	v3 =	vld [tilespmem:s28+$0xFFFFFE00];
	_ =	sdelay $0x2  }
0x48: {  	v4 =	vbroadcast v2, $0x0;
	_ =	sdelay $0x1  }
0x49: {  	v3 =	vmul.f32 v4, v3;
	_ =	sdelay $0x1  }
0x4a: {  	[tilespmem:s28+$0xFFFFFE00] =	vst v3;
	v3 =	vld [tilespmem:s28+$0xFFFFFE10];
	_ =	sdelay $0x4  }
0x4b: {  	v3 =	vmul.f32 v3, v4;
	_ =	sdelay $0x1  }
0x4c: {  	[tilespmem:s28+$0xFFFFFE10] =	vst v3;
	v3 =	vld [tilespmem:s28+$0xFFFFFE20];
	_ =	sdelay $0x4  }
0x4d: {  	v3 =	vmul.f32 v3, v4;
	_ =	sdelay $0x1  }
0x4e: {  	[tilespmem:s28+$0xFFFFFE20] =	vst v3;
	v3 =	vld [tilespmem:s28+$0xFFFFFE30];
	_ =	sdelay $0x4  }
0x4f: {  	v3 =	vmul.f32 v3, v4;
	_ =	sdelay $0x1  }
0x50: {  	[tilespmem:s28+$0xFFFFFE30] =	vst v3;
	v3 =	vld [tilespmem:s28+$0xFFFFFE40];
	_ =	sdelay $0x2  }
0x51: {  	v50 =	vbroadcast v2, $0x1;
	_ =	sdelay $0x1  }
0x52: {  	v3 =	vmul.f32 v3, v50;
	_ =	sdelay $0x1  }
0x53: {  	[tilespmem:s28+$0xFFFFFE40] =	vst v3;
	v3 =	vld [tilespmem:s28+$0xFFFFFE50];
	_ =	sdelay $0x4  }
0x54: {  	v3 =	vmul.f32 v3, v50;
	_ =	sdelay $0x1  }
0x55: {  	[tilespmem:s28+$0xFFFFFE50] =	vst v3;
	v3 =	vld [tilespmem:s28+$0xFFFFFE60];
	_ =	sdelay $0x4  }
0x56: {  	v3 =	vmul.f32 v3, v50;
	_ =	sdelay $0x1  }
0x57: {  	[tilespmem:s28+$0xFFFFFE60] =	vst v3;
	v3 =	vld [tilespmem:s28+$0xFFFFFE70];
	_ =	sdelay $0x4  }
0x58: {  	v3 =	vmul.f32 v3, v50;
	_ =	sdelay $0x1  }
0x59: {  	[tilespmem:s28+$0xFFFFFE70] =	vst v3;
	v3 =	vld [tilespmem:s28+$0xFFFFFE80];
	_ =	sdelay $0x2  }
0x5a: {  	v51 =	vbroadcast v2, $0x2;
	_ =	sdelay $0x1  }
0x5b: {  	v3 =	vmul.f32 v3, v51;
	_ =	sdelay $0x1  }
0x5c: {  	[tilespmem:s28+$0xFFFFFE80] =	vst v3;
	v3 =	vld [tilespmem:s28+$0xFFFFFE90];
	_ =	sdelay $0x4  }
0x5d: {  	v3 =	vmul.f32 v3, v51;
	_ =	sdelay $0x1  }
0x5e: {  	[tilespmem:s28+$0xFFFFFE90] =	vst v3;
	v3 =	vld [tilespmem:s28+$0xFFFFFEA0];
	_ =	sdelay $0x4  }
0x5f: {  	v3 =	vmul.f32 v3, v51;
	_ =	sdelay $0x1  }
0x60: {  	[tilespmem:s28+$0xFFFFFEA0] =	vst v3;
	v3 =	vld [tilespmem:s28+$0xFFFFFEB0];
	_ =	sdelay $0x4  }
0x61: {  	v3 =	vmul.f32 v3, v51;
	_ =	sdelay $0x1  }
0x62: {  	[tilespmem:s28+$0xFFFFFEB0] =	vst v3;
	v3 =	vld [tilespmem:s28+$0xFFFFFEC0];
	_ =	sdelay $0x2  }
0x63: {  	v52 =	vbroadcast v2, $0x3;
	_ =	sdelay $0x1  }
0x64: {  	v3 =	vmul.f32 v3, v52;
	_ =	sdelay $0x1  }
0x65: {  	[tilespmem:s28+$0xFFFFFEC0] =	vst v3;
	v3 =	vld [tilespmem:s28+$0xFFFFFED0];
	_ =	sdelay $0x4  }
0x66: {  	v3 =	vmul.f32 v3, v52;
	_ =	sdelay $0x1  }
0x67: {  	[tilespmem:s28+$0xFFFFFED0] =	vst v3;
	v3 =	vld [tilespmem:s28+$0xFFFFFEE0];
	_ =	sdelay $0x4  }
0x68: {  	v3 =	vmul.f32 v3, v52;
	_ =	sdelay $0x1  }
0x69: {  	[tilespmem:s28+$0xFFFFFEE0] =	vst v3;
	v3 =	vld [tilespmem:s28+$0xFFFFFEF0];
	_ =	sdelay $0x4  }
0x6a: {  	v3 =	vmul.f32 v3, v52;
	_ =	sdelay $0x1  }
0x6b: {  	[tilespmem:s28+$0xFFFFFEF0] =	vst v3;
	v3 =	vld [tilespmem:s28+$0xFFFFFF00];
	_ =	sdelay $0x2  }
0x6c: {  	v53 =	vbroadcast v2, $0x4;
	_ =	sdelay $0x1  }
0x6d: {  	v3 =	vmul.f32 v3, v53;
	_ =	sdelay $0x1  }
0x6e: {  	[tilespmem:s28+$0xFFFFFF00] =	vst v3;
	v3 =	vld [tilespmem:s28+$0xFFFFFF10];
	_ =	sdelay $0x4  }
0x6f: {  	v3 =	vmul.f32 v3, v53;
	_ =	sdelay $0x1  }
0x70: {  	[tilespmem:s28+$0xFFFFFF10] =	vst v3;
	v3 =	vld [tilespmem:s28+$0xFFFFFF20];
	_ =	sdelay $0x4  }
0x71: {  	v3 =	vmul.f32 v3, v53;
	_ =	sdelay $0x1  }
0x72: {  	[tilespmem:s28+$0xFFFFFF20] =	vst v3;
	v3 =	vld [tilespmem:s28+$0xFFFFFF30];
	_ =	sdelay $0x4  }
0x73: {  	v3 =	vmul.f32 v3, v53;
	_ =	sdelay $0x1  }
0x74: {  	[tilespmem:s28+$0xFFFFFF30] =	vst v3;
	v3 =	vld [tilespmem:s28+$0xFFFFFF40];
	_ =	sdelay $0x2  }
0x75: {  	v54 =	vbroadcast v2, $0x5;
	_ =	sdelay $0x1  }
0x76: {  	v3 =	vmul.f32 v3, v54;
	_ =	sdelay $0x1  }
0x77: {  	[tilespmem:s28+$0xFFFFFF40] =	vst v3;
	v3 =	vld [tilespmem:s28+$0xFFFFFF50];
	_ =	sdelay $0x4  }
0x78: {  	v3 =	vmul.f32 v3, v54;
	_ =	sdelay $0x1  }
0x79: {  	[tilespmem:s28+$0xFFFFFF50] =	vst v3;
	v3 =	vld [tilespmem:s28+$0xFFFFFF60];
	_ =	sdelay $0x4  }
0x7a: {  	v3 =	vmul.f32 v3, v54;
	_ =	sdelay $0x1  }
0x7b: {  	[tilespmem:s28+$0xFFFFFF60] =	vst v3;
	v3 =	vld [tilespmem:s28+$0xFFFFFF70];
	_ =	sdelay $0x4  }
0x7c: {  	v3 =	vmul.f32 v3, v54;
	_ =	sdelay $0x1  }
0x7d: {  	[tilespmem:s28+$0xFFFFFF70] =	vst v3;
	v3 =	vld [tilespmem:s28+$0xFFFFFF80];
	_ =	sdelay $0x2  }
0x7e: {  	v55 =	vbroadcast v2, $0x6;
	_ =	sdelay $0x1  }
0x7f: {  	v3 =	vmul.f32 v3, v55;
	_ =	sdelay $0x1  }
0x80: {  	[tilespmem:s28+$0xFFFFFF80] =	vst v3;
	v3 =	vld [tilespmem:s28+$0xFFFFFF90];
	_ =	sdelay $0x4  }
0x81: {  	v3 =	vmul.f32 v3, v55;
	_ =	sdelay $0x1  }
0x82: {  	[tilespmem:s28+$0xFFFFFF90] =	vst v3;
	v3 =	vld [tilespmem:s28+$0xFFFFFFA0];
	_ =	sdelay $0x4  }
0x83: {  	v3 =	vmul.f32 v3, v55;
	_ =	sdelay $0x1  }
0x84: {  	[tilespmem:s28+$0xFFFFFFA0] =	vst v3;
	v3 =	vld [tilespmem:s28+$0xFFFFFFB0];
	_ =	sdelay $0x4  }
0x85: {  	v3 =	vmul.f32 v3, v55;
	_ =	sdelay $0x1  }
0x86: {  	[tilespmem:s28+$0xFFFFFFB0] =	vst v3;
	v3 =	vld [tilespmem:s28+$0xFFFFFFC0];
	_ =	sdelay $0x2  }
0x87: {  	v56 =	vbroadcast v2, $0x7;
	_ =	sdelay $0x1  }
0x88: {  	v3 =	vmul.f32 v3, v56;
	_ =	sdelay $0x1  }
0x89: {  	[tilespmem:s28+$0xFFFFFFC0] =	vst v3;
	v3 =	vld [tilespmem:s28+$0xFFFFFFD0];
	_ =	sdelay $0x4  }
0x8a: {  	v3 =	vmul.f32 v3, v56;
	_ =	sdelay $0x1  }
0x8b: {  	[tilespmem:s28+$0xFFFFFFD0] =	vst v3;
	v3 =	vld [tilespmem:s28+$0xFFFFFFE0];
	_ =	sdelay $0x4  }
0x8c: {  	v3 =	vmul.f32 v3, v56;
	_ =	sdelay $0x1  }
0x8d: {  	[tilespmem:s28+$0xFFFFFFE0] =	vst v3;
	v3 =	vld [tilespmem:s28+$0xFFFFFFF0];
	_ =	sdelay $0x4  }
0x8e: {  	v3 =	vmul.f32 v3, v56;
	_ =	sdelay $0x1  }
0x8f: {  	[tilespmem:s28+$0xFFFFFFF0] =	vst v3;
	v3 =	vld [tilespmem:s28+$0x0];
	_ =	sdelay $0x2  }
0x90: {  	v57 =	vbroadcast v2, $0x8;
	_ =	sdelay $0x1  }
0x91: {  	v3 =	vmul.f32 v3, v57;
	_ =	sdelay $0x1  }
0x92: {  	[tilespmem:s28+$0x0] =	vst v3;
	v3 =	vld [tilespmem:s28+$0x10];
	_ =	sdelay $0x4  }
0x93: {  	v3 =	vmul.f32 v3, v57;
	_ =	sdelay $0x1  }
0x94: {  	[tilespmem:s28+$0x10] =	vst v3;
	v3 =	vld [tilespmem:s28+$0x20];
	_ =	sdelay $0x4  }
0x95: {  	v3 =	vmul.f32 v3, v57;
	_ =	sdelay $0x1  }
0x96: {  	[tilespmem:s28+$0x20] =	vst v3;
	v3 =	vld [tilespmem:s28+$0x30];
	_ =	sdelay $0x4  }
0x97: {  	v3 =	vmul.f32 v3, v57;
	_ =	sdelay $0x1  }
0x98: {  	[tilespmem:s28+$0x30] =	vst v3;
	v3 =	vld [tilespmem:s28+$0x40];
	_ =	sdelay $0x2  }
0x99: {  	v58 =	vbroadcast v2, $0x9;
	_ =	sdelay $0x1  }
0x9a: {  	v3 =	vmul.f32 v3, v58;
	_ =	sdelay $0x1  }
0x9b: {  	[tilespmem:s28+$0x40] =	vst v3;
	v3 =	vld [tilespmem:s28+$0x50];
	_ =	sdelay $0x4  }
0x9c: {  	v3 =	vmul.f32 v3, v58;
	_ =	sdelay $0x1  }
0x9d: {  	[tilespmem:s28+$0x50] =	vst v3;
	v3 =	vld [tilespmem:s28+$0x60];
	_ =	sdelay $0x4  }
0x9e: {  	v3 =	vmul.f32 v3, v58;
	_ =	sdelay $0x1  }
0x9f: {  	[tilespmem:s28+$0x60] =	vst v3;
	v3 =	vld [tilespmem:s28+$0x70];
	_ =	sdelay $0x4  }
0xa0: {  	v3 =	vmul.f32 v3, v58;
	_ =	sdelay $0x1  }
0xa1: {  	[tilespmem:s28+$0x70] =	vst v3;
	v3 =	vld [tilespmem:s28+$0x80];
	_ =	sdelay $0x2  }
0xa2: {  	v59 =	vbroadcast v2, $0xA;
	_ =	sdelay $0x1  }
0xa3: {  	v3 =	vmul.f32 v3, v59;
	_ =	sdelay $0x1  }
0xa4: {  	[tilespmem:s28+$0x80] =	vst v3;
	v3 =	vld [tilespmem:s28+$0x90];
	_ =	sdelay $0x4  }
0xa5: {  	v3 =	vmul.f32 v3, v59;
	_ =	sdelay $0x1  }
0xa6: {  	[tilespmem:s28+$0x90] =	vst v3;
	v3 =	vld [tilespmem:s28+$0xA0];
	_ =	sdelay $0x4  }
0xa7: {  	v3 =	vmul.f32 v3, v59;
	_ =	sdelay $0x1  }
0xa8: {  	[tilespmem:s28+$0xA0] =	vst v3;
	v3 =	vld [tilespmem:s28+$0xB0];
	_ =	sdelay $0x4  }
0xa9: {  	v3 =	vmul.f32 v3, v59;
	_ =	sdelay $0x1  }
0xaa: {  	[tilespmem:s28+$0xB0] =	vst v3;
	v3 =	vld [tilespmem:s28+$0xC0];
	_ =	sdelay $0x2  }
0xab: {  	v60 =	vbroadcast v2, $0xB;
	_ =	sdelay $0x1  }
0xac: {  	v3 =	vmul.f32 v3, v60;
	_ =	sdelay $0x1  }
0xad: {  	[tilespmem:s28+$0xC0] =	vst v3;
	v3 =	vld [tilespmem:s28+$0xD0];
	_ =	sdelay $0x4  }
0xae: {  	v3 =	vmul.f32 v3, v60;
	_ =	sdelay $0x1  }
0xaf: {  	[tilespmem:s28+$0xD0] =	vst v3;
	v3 =	vld [tilespmem:s28+$0xE0];
	_ =	sdelay $0x4  }
0xb0: {  	v3 =	vmul.f32 v3, v60;
	_ =	sdelay $0x1  }
0xb1: {  	[tilespmem:s28+$0xE0] =	vst v3;
	v3 =	vld [tilespmem:s28+$0xF0];
	_ =	sdelay $0x4  }
0xb2: {  	v3 =	vmul.f32 v3, v60;
	_ =	sdelay $0x1  }
0xb3: {  	[tilespmem:s28+$0xF0] =	vst v3;
	v3 =	vld [tilespmem:s28+$0x100];
	_ =	sdelay $0x2  }
0xb4: {  	v61 =	vbroadcast v2, $0xC;
	_ =	sdelay $0x1  }
0xb5: {  	v3 =	vmul.f32 v3, v61;
	_ =	sdelay $0x1  }
0xb6: {  	[tilespmem:s28+$0x100] =	vst v3;
	v3 =	vld [tilespmem:s28+$0x110];
	_ =	sdelay $0x4  }
0xb7: {  	v3 =	vmul.f32 v3, v61;
	_ =	sdelay $0x1  }
0xb8: {  	[tilespmem:s28+$0x110] =	vst v3;
	v3 =	vld [tilespmem:s28+$0x120];
	_ =	sdelay $0x4  }
0xb9: {  	v3 =	vmul.f32 v3, v61;
	_ =	sdelay $0x1  }
0xba: {  	[tilespmem:s28+$0x120] =	vst v3;
	v3 =	vld [tilespmem:s28+$0x130];
	_ =	sdelay $0x4  }
0xbb: {  	v3 =	vmul.f32 v3, v61;
	_ =	sdelay $0x1  }
0xbc: {  	[tilespmem:s28+$0x130] =	vst v3;
	v3 =	vld [tilespmem:s28+$0x140];
	_ =	sdelay $0x2  }
0xbd: {  	v62 =	vbroadcast v2, $0xD;
	_ =	sdelay $0x1  }
0xbe: {  	v3 =	vmul.f32 v3, v62;
	_ =	sdelay $0x1  }
0xbf: {  	[tilespmem:s28+$0x140] =	vst v3;
	v3 =	vld [tilespmem:s28+$0x150];
	_ =	sdelay $0x4  }
0xc0: {  	v3 =	vmul.f32 v3, v62;
	_ =	sdelay $0x1  }
0xc1: {  	[tilespmem:s28+$0x150] =	vst v3;
	v3 =	vld [tilespmem:s28+$0x160];
	_ =	sdelay $0x4  }
0xc2: {  	v3 =	vmul.f32 v3, v62;
	_ =	sdelay $0x1  }
0xc3: {  	[tilespmem:s28+$0x160] =	vst v3;
	v3 =	vld [tilespmem:s28+$0x170];
	_ =	sdelay $0x4  }
0xc4: {  	v3 =	vmul.f32 v3, v62;
	_ =	sdelay $0x1  }
0xc5: {  	[tilespmem:s28+$0x170] =	vst v3;
	v3 =	vld [tilespmem:s28+$0x180];
	_ =	sdelay $0x2  }
0xc6: {  	v63 =	vbroadcast v2, $0xE;
	_ =	sdelay $0x1  }
0xc7: {  	v3 =	vmul.f32 v3, v63;
	_ =	sdelay $0x1  }
0xc8: {  	[tilespmem:s28+$0x180] =	vst v3;
	v3 =	vld [tilespmem:s28+$0x190];
	_ =	sdelay $0x4  }
0xc9: {  	v3 =	vmul.f32 v3, v63;
	_ =	sdelay $0x1  }
0xca: {  	[tilespmem:s28+$0x190] =	vst v3;
	v3 =	vld [tilespmem:s28+$0x1A0];
	_ =	sdelay $0x4  }
0xcb: {  	v3 =	vmul.f32 v3, v63;
	_ =	sdelay $0x1  }
0xcc: {  	[tilespmem:s28+$0x1A0] =	vst v3;
	v3 =	vld [tilespmem:s28+$0x1B0];
	_ =	sdelay $0x4  }
0xcd: {  	v3 =	vmul.f32 v3, v63;
	_ =	sdelay $0x1  }
0xce: {  	[tilespmem:s28+$0x1B0] =	vst v3;
	v3 =	vld [tilespmem:s28+$0x1C0];
	_ =	sdelay $0x2  }
0xcf: {  	v2 =	vbroadcast v2, $0xF;
	_ =	sdelay $0x1  }
0xd0: {  	v3 =	vmul.f32 v3, v2;
	_ =	sdelay $0x1  }
0xd1: {  	[tilespmem:s28+$0x1C0] =	vst v3;
	v3 =	vld [tilespmem:s28+$0x1D0];
	_ =	sdelay $0x4  }
0xd2: {  	v3 =	vmul.f32 v3, v2;
	_ =	sdelay $0x1  }
0xd3: {  	[tilespmem:s28+$0x1D0] =	vst v3;
	v3 =	vld [tilespmem:s28+$0x1E0];
	_ =	sdelay $0x4  }
0xd4: {  	v3 =	vmul.f32 v3, v2;
	_ =	sdelay $0x1  }
0xd5: {  	[tilespmem:s28+$0x1E0] =	vst v3;
	v3 =	vld [tilespmem:s28+$0x1F0];
	_ =	sdelay $0x1  }
0xd6: {  	p0 =	sne.s32 s29, $0x1C0  }
.Ltmp1:
0xd7: {  	_ = 	snop;
	(pc) =	sbr.rel @p0 .LBB2_5-.Ltmp1, $3  }
0xd8: {  	_ = 	snop  }
0xd9: {  	v2 =	vmul.f32 v3, v2;
	_ =	sdelay $0x1  }
0xda: {  	s29 =	sadd.s32 $0x40, s29;
	[tilespmem:s28+$0x1F0] =	vst v2;
	s28 =	sadd.s32 $0x400, s28  }
0xdb: {  	s24 =	sadd.s32 $0x1, s24  }
0xdc: {  	p0 =	sne.s32 s24, $0x50  }
.Ltmp2:
0xdd: {  	s26 =	sadd.s32 $0x5000, s26;
	(pc) =	sbr.rel @p0 .LBB2_4-.Ltmp2, $4  }
0xde: {  	[spmem:s3] =	stream.indirect.scatter.add.f32 [tilespmem:s22], [sflag:$0x2], $0x40, s26, s21, $0xb8;
	[tilespmem:$0x18000] =	vst v63  }
0xdf: {  	_ =	swait.ge [sflag:s17], $0x2000  }
0xe0: {  	[sflag:s17] =	ssyncset.done $0x0  }
0xe1: {  	s25 =	sadd.s32 $0x80, s25;
	[sflag:s17] =	ssyncadd.s32 $0xFFFFE000  }
0xe2: {  	s24 =	sshll.u32 s2, $0x6  }
0xe3: {  	[bflag:$0x0] =	sbarrier.arrive $0xFFFF;
	s25 =	sshrl.u32 s9, $0x3;
	s24 =	sor.u32 $0x1C02, s24  }
0xe4: {  	[hbm:s14], [sflag:s24] =	dma.local [spmem:s25], $0x1400  }
0xe5: {  	_ =	swait.ge [sflag:s17], $0x1400  }
0xe6: {  	[sflag:s17] =	ssyncset.done $0x0  }
0xe7: {  	[sflag:s17] =	ssyncadd.s32 $0xFFFFEC00  }
0xe8: {  	[bflag:$0x0] =	sbarrier.arrive $0xFFFF  }
0xe9: {  	[spmem:s9] =	stream.linear.scatter [tilespmem:s20], [sflag:$0x2], $0x2000, $0x38;
	[tilespmem:$0x18000] =	vst v63  }
0xea: {  	_ =	swait.ge [sflag:s17], $0x2000  }
0xeb: {  	[sflag:s17] =	ssyncset.done $0x0  }
0xec: {  	[sflag:s17] =	ssyncadd.s32 $0xFFFFE000  }
0xed: {  	[spmem:s10] =	stream.linear.scatter [tilespmem:s20], [sflag:$0x2], $0x2000, $0x38;
	[tilespmem:$0x18000] =	vst v63  }
0xee: {  	_ =	swait.ge [sflag:s17], $0x2000  }
0xef: {  	[sflag:s17] =	ssyncset.done $0x0  }
0xf0: {  	[sflag:s17] =	ssyncadd.s32 $0xFFFFE000  }
0xf1: {  	[spmem:s11] =	stream.linear.scatter [tilespmem:s20], [sflag:$0x2], $0x2000, $0x38;
	[tilespmem:$0x18000] =	vst v63  }
0xf2: {  	_ =	swait.ge [sflag:s17], $0x2000  }
0xf3: {  	[sflag:s17] =	ssyncset.done $0x0  }
0xf4: {  	[sflag:s17] =	ssyncadd.s32 $0xFFFFE000  }
0xf5: {  	[spmem:s12] =	stream.linear.scatter [tilespmem:s20], [sflag:$0x2], $0x2000, $0x38;
	[tilespmem:$0x18000] =	vst v63  }
0xf6: {  	_ =	swait.ge [sflag:s17], $0x2000  }
0xf7: {  	[sflag:s17] =	ssyncset.done $0x0  }
0xf8: {  	[sflag:s17] =	ssyncadd.s32 $0xFFFFE000  }
0xf9: {  	[spmem:s13] =	stream.linear.scatter [tilespmem:s20], [sflag:$0x2], $0x2000, $0x38;
	[tilespmem:$0x18000] =	vst v63  }
0xfa: {  	_ =	swait.ge [sflag:s17], $0x2000  }
0xfb: {  	[sflag:s17] =	ssyncset.done $0x0  }
0xfc: {  	[sflag:s17] =	ssyncadd.s32 $0xFFFFE000  }
0xfd: {  	s26 =	simm.s32 $0x0;
	s28 =	simm.s32 $0x7800;
	[bflag:$0x0] =	sbarrier.arrive $0xFFFF  }
.LBB2_8:
0xfe: {  	s29 =	sshll.u32 s26, $0x7  }
0xff: {  	s30 =	sadd.s32 $0x2800, s29  }
0x100: {  	v1 =	vmov s28;
	[tilespmem:s22], [sflag:$0x1] =	stream.indirect.gather [hbm4b:s1+s21], $0x40, s30, s21, $0xb8;
	[tilespmem:$0x18000] =	vst v63  }
0x101: {  	_ =	swait.ge [sflag:s23], $0x2000  }
0x102: {  	[sflag:s23] =	ssyncset.done $0x0  }
0x103: {  	s31 =	simm.s32 $0x0;
	s30 =	simm.s32 $0xA200;
	[sflag:s23] =	ssyncadd.s32 $0xFFFFE000  }
.LBB2_9:
0x104: {  	s0 =	sshra.s32 s31, $0x2  }
0x105: {  	v2 =	vld.idx.msk [tilespmem:v1+s0+$0x0 ss:$0x1], $0xffff;
	_ =	sdelay $0x1  }
0x106: {  	v3 =	vld [tilespmem:s30+$0xFFFFFE00];
	_ =	sdelay $0x2  }
0x107: {  	v4 =	vbroadcast v2, $0x0;
	_ =	sdelay $0x1  }
0x108: {  	v3 =	vmul.f32 v4, v3;
	_ =	sdelay $0x1  }
0x109: {  	[tilespmem:s30+$0xFFFFFE00] =	vst v3;
	v3 =	vld [tilespmem:s30+$0xFFFFFE10];
	_ =	sdelay $0x4  }
0x10a: {  	v3 =	vmul.f32 v3, v4;
	_ =	sdelay $0x1  }
0x10b: {  	[tilespmem:s30+$0xFFFFFE10] =	vst v3;
	v3 =	vld [tilespmem:s30+$0xFFFFFE20];
	_ =	sdelay $0x4  }
0x10c: {  	v3 =	vmul.f32 v3, v4;
	_ =	sdelay $0x1  }
0x10d: {  	[tilespmem:s30+$0xFFFFFE20] =	vst v3;
	v3 =	vld [tilespmem:s30+$0xFFFFFE30];
	_ =	sdelay $0x4  }
0x10e: {  	v3 =	vmul.f32 v3, v4;
	_ =	sdelay $0x1  }
0x10f: {  	[tilespmem:s30+$0xFFFFFE30] =	vst v3;
	v3 =	vld [tilespmem:s30+$0xFFFFFE40];
	_ =	sdelay $0x2  }
0x110: {  	v50 =	vbroadcast v2, $0x1;
	_ =	sdelay $0x1  }
0x111: {  	v3 =	vmul.f32 v3, v50;
	_ =	sdelay $0x1  }
0x112: {  	[tilespmem:s30+$0xFFFFFE40] =	vst v3;
	v3 =	vld [tilespmem:s30+$0xFFFFFE50];
	_ =	sdelay $0x4  }
0x113: {  	v3 =	vmul.f32 v3, v50;
	_ =	sdelay $0x1  }
0x114: {  	[tilespmem:s30+$0xFFFFFE50] =	vst v3;
	v3 =	vld [tilespmem:s30+$0xFFFFFE60];
	_ =	sdelay $0x4  }
0x115: {  	v3 =	vmul.f32 v3, v50;
	_ =	sdelay $0x1  }
0x116: {  	[tilespmem:s30+$0xFFFFFE60] =	vst v3;
	v3 =	vld [tilespmem:s30+$0xFFFFFE70];
	_ =	sdelay $0x4  }
0x117: {  	v3 =	vmul.f32 v3, v50;
	_ =	sdelay $0x1  }
0x118: {  	[tilespmem:s30+$0xFFFFFE70] =	vst v3;
	v3 =	vld [tilespmem:s30+$0xFFFFFE80];
	_ =	sdelay $0x2  }
0x119: {  	v51 =	vbroadcast v2, $0x2;
	_ =	sdelay $0x1  }
0x11a: {  	v3 =	vmul.f32 v3, v51;
	_ =	sdelay $0x1  }
0x11b: {  	[tilespmem:s30+$0xFFFFFE80] =	vst v3;
	v3 =	vld [tilespmem:s30+$0xFFFFFE90];
	_ =	sdelay $0x4  }
0x11c: {  	v3 =	vmul.f32 v3, v51;
	_ =	sdelay $0x1  }
0x11d: {  	[tilespmem:s30+$0xFFFFFE90] =	vst v3;
	v3 =	vld [tilespmem:s30+$0xFFFFFEA0];
	_ =	sdelay $0x4  }
0x11e: {  	v3 =	vmul.f32 v3, v51;
	_ =	sdelay $0x1  }
0x11f: {  	[tilespmem:s30+$0xFFFFFEA0] =	vst v3;
	v3 =	vld [tilespmem:s30+$0xFFFFFEB0];
	_ =	sdelay $0x4  }
0x120: {  	v3 =	vmul.f32 v3, v51;
	_ =	sdelay $0x1  }
0x121: {  	[tilespmem:s30+$0xFFFFFEB0] =	vst v3;
	v3 =	vld [tilespmem:s30+$0xFFFFFEC0];
	_ =	sdelay $0x2  }
0x122: {  	v52 =	vbroadcast v2, $0x3;
	_ =	sdelay $0x1  }
0x123: {  	v3 =	vmul.f32 v3, v52;
	_ =	sdelay $0x1  }
0x124: {  	[tilespmem:s30+$0xFFFFFEC0] =	vst v3;
	v3 =	vld [tilespmem:s30+$0xFFFFFED0];
	_ =	sdelay $0x4  }
0x125: {  	v3 =	vmul.f32 v3, v52;
	_ =	sdelay $0x1  }
0x126: {  	[tilespmem:s30+$0xFFFFFED0] =	vst v3;
	v3 =	vld [tilespmem:s30+$0xFFFFFEE0];
	_ =	sdelay $0x4  }
0x127: {  	v3 =	vmul.f32 v3, v52;
	_ =	sdelay $0x1  }
0x128: {  	[tilespmem:s30+$0xFFFFFEE0] =	vst v3;
	v3 =	vld [tilespmem:s30+$0xFFFFFEF0];
	_ =	sdelay $0x4  }
0x129: {  	v3 =	vmul.f32 v3, v52;
	_ =	sdelay $0x1  }
0x12a: {  	[tilespmem:s30+$0xFFFFFEF0] =	vst v3;
	v3 =	vld [tilespmem:s30+$0xFFFFFF00];
	_ =	sdelay $0x2  }
0x12b: {  	v53 =	vbroadcast v2, $0x4;
	_ =	sdelay $0x1  }
0x12c: {  	v3 =	vmul.f32 v3, v53;
	_ =	sdelay $0x1  }
0x12d: {  	[tilespmem:s30+$0xFFFFFF00] =	vst v3;
	v3 =	vld [tilespmem:s30+$0xFFFFFF10];
	_ =	sdelay $0x4  }
0x12e: {  	v3 =	vmul.f32 v3, v53;
	_ =	sdelay $0x1  }
0x12f: {  	[tilespmem:s30+$0xFFFFFF10] =	vst v3;
	v3 =	vld [tilespmem:s30+$0xFFFFFF20];
	_ =	sdelay $0x4  }
0x130: {  	v3 =	vmul.f32 v3, v53;
	_ =	sdelay $0x1  }
0x131: {  	[tilespmem:s30+$0xFFFFFF20] =	vst v3;
	v3 =	vld [tilespmem:s30+$0xFFFFFF30];
	_ =	sdelay $0x4  }
0x132: {  	v3 =	vmul.f32 v3, v53;
	_ =	sdelay $0x1  }
0x133: {  	[tilespmem:s30+$0xFFFFFF30] =	vst v3;
	v3 =	vld [tilespmem:s30+$0xFFFFFF40];
	_ =	sdelay $0x2  }
0x134: {  	v54 =	vbroadcast v2, $0x5;
	_ =	sdelay $0x1  }
0x135: {  	v3 =	vmul.f32 v3, v54;
	_ =	sdelay $0x1  }
0x136: {  	[tilespmem:s30+$0xFFFFFF40] =	vst v3;
	v3 =	vld [tilespmem:s30+$0xFFFFFF50];
	_ =	sdelay $0x4  }
0x137: {  	v3 =	vmul.f32 v3, v54;
	_ =	sdelay $0x1  }
0x138: {  	[tilespmem:s30+$0xFFFFFF50] =	vst v3;
	v3 =	vld [tilespmem:s30+$0xFFFFFF60];
	_ =	sdelay $0x4  }
0x139: {  	v3 =	vmul.f32 v3, v54;
	_ =	sdelay $0x1  }
0x13a: {  	[tilespmem:s30+$0xFFFFFF60] =	vst v3;
	v3 =	vld [tilespmem:s30+$0xFFFFFF70];
	_ =	sdelay $0x4  }
0x13b: {  	v3 =	vmul.f32 v3, v54;
	_ =	sdelay $0x1  }
0x13c: {  	[tilespmem:s30+$0xFFFFFF70] =	vst v3;
	v3 =	vld [tilespmem:s30+$0xFFFFFF80];
	_ =	sdelay $0x2  }
0x13d: {  	v55 =	vbroadcast v2, $0x6;
	_ =	sdelay $0x1  }
0x13e: {  	v3 =	vmul.f32 v3, v55;
	_ =	sdelay $0x1  }
0x13f: {  	[tilespmem:s30+$0xFFFFFF80] =	vst v3;
	v3 =	vld [tilespmem:s30+$0xFFFFFF90];
	_ =	sdelay $0x4  }
0x140: {  	v3 =	vmul.f32 v3, v55;
	_ =	sdelay $0x1  }
0x141: {  	[tilespmem:s30+$0xFFFFFF90] =	vst v3;
	v3 =	vld [tilespmem:s30+$0xFFFFFFA0];
	_ =	sdelay $0x4  }
0x142: {  	v3 =	vmul.f32 v3, v55;
	_ =	sdelay $0x1  }
0x143: {  	[tilespmem:s30+$0xFFFFFFA0] =	vst v3;
	v3 =	vld [tilespmem:s30+$0xFFFFFFB0];
	_ =	sdelay $0x4  }
0x144: {  	v3 =	vmul.f32 v3, v55;
	_ =	sdelay $0x1  }
0x145: {  	[tilespmem:s30+$0xFFFFFFB0] =	vst v3;
	v3 =	vld [tilespmem:s30+$0xFFFFFFC0];
	_ =	sdelay $0x2  }
0x146: {  	v56 =	vbroadcast v2, $0x7;
	_ =	sdelay $0x1  }
0x147: {  	v3 =	vmul.f32 v3, v56;
	_ =	sdelay $0x1  }
0x148: {  	[tilespmem:s30+$0xFFFFFFC0] =	vst v3;
	v3 =	vld [tilespmem:s30+$0xFFFFFFD0];
	_ =	sdelay $0x4  }
0x149: {  	v3 =	vmul.f32 v3, v56;
	_ =	sdelay $0x1  }
0x14a: {  	[tilespmem:s30+$0xFFFFFFD0] =	vst v3;
	v3 =	vld [tilespmem:s30+$0xFFFFFFE0];
	_ =	sdelay $0x4  }
0x14b: {  	v3 =	vmul.f32 v3, v56;
	_ =	sdelay $0x1  }
0x14c: {  	[tilespmem:s30+$0xFFFFFFE0] =	vst v3;
	v3 =	vld [tilespmem:s30+$0xFFFFFFF0];
	_ =	sdelay $0x4  }
0x14d: {  	v3 =	vmul.f32 v3, v56;
	_ =	sdelay $0x1  }
0x14e: {  	[tilespmem:s30+$0xFFFFFFF0] =	vst v3;
	v3 =	vld [tilespmem:s30+$0x0];
	_ =	sdelay $0x2  }
0x14f: {  	v57 =	vbroadcast v2, $0x8;
	_ =	sdelay $0x1  }
0x150: {  	v3 =	vmul.f32 v3, v57;
	_ =	sdelay $0x1  }
0x151: {  	[tilespmem:s30+$0x0] =	vst v3;
	v3 =	vld [tilespmem:s30+$0x10];
	_ =	sdelay $0x4  }
0x152: {  	v3 =	vmul.f32 v3, v57;
	_ =	sdelay $0x1  }
0x153: {  	[tilespmem:s30+$0x10] =	vst v3;
	v3 =	vld [tilespmem:s30+$0x20];
	_ =	sdelay $0x4  }
0x154: {  	v3 =	vmul.f32 v3, v57;
	_ =	sdelay $0x1  }
0x155: {  	[tilespmem:s30+$0x20] =	vst v3;
	v3 =	vld [tilespmem:s30+$0x30];
	_ =	sdelay $0x4  }
0x156: {  	v3 =	vmul.f32 v3, v57;
	_ =	sdelay $0x1  }
0x157: {  	[tilespmem:s30+$0x30] =	vst v3;
	v3 =	vld [tilespmem:s30+$0x40];
	_ =	sdelay $0x2  }
0x158: {  	v58 =	vbroadcast v2, $0x9;
	_ =	sdelay $0x1  }
0x159: {  	v3 =	vmul.f32 v3, v58;
	_ =	sdelay $0x1  }
0x15a: {  	[tilespmem:s30+$0x40] =	vst v3;
	v3 =	vld [tilespmem:s30+$0x50];
	_ =	sdelay $0x4  }
0x15b: {  	v3 =	vmul.f32 v3, v58;
	_ =	sdelay $0x1  }
0x15c: {  	[tilespmem:s30+$0x50] =	vst v3;
	v3 =	vld [tilespmem:s30+$0x60];
	_ =	sdelay $0x4  }
0x15d: {  	v3 =	vmul.f32 v3, v58;
	_ =	sdelay $0x1  }
0x15e: {  	[tilespmem:s30+$0x60] =	vst v3;
	v3 =	vld [tilespmem:s30+$0x70];
	_ =	sdelay $0x4  }
0x15f: {  	v3 =	vmul.f32 v3, v58;
	_ =	sdelay $0x1  }
0x160: {  	[tilespmem:s30+$0x70] =	vst v3;
	v3 =	vld [tilespmem:s30+$0x80];
	_ =	sdelay $0x2  }
0x161: {  	v59 =	vbroadcast v2, $0xA;
	_ =	sdelay $0x1  }
0x162: {  	v3 =	vmul.f32 v3, v59;
	_ =	sdelay $0x1  }
0x163: {  	[tilespmem:s30+$0x80] =	vst v3;
	v3 =	vld [tilespmem:s30+$0x90];
	_ =	sdelay $0x4  }
0x164: {  	v3 =	vmul.f32 v3, v59;
	_ =	sdelay $0x1  }
0x165: {  	[tilespmem:s30+$0x90] =	vst v3;
	v3 =	vld [tilespmem:s30+$0xA0];
	_ =	sdelay $0x4  }
0x166: {  	v3 =	vmul.f32 v3, v59;
	_ =	sdelay $0x1  }
0x167: {  	[tilespmem:s30+$0xA0] =	vst v3;
	v3 =	vld [tilespmem:s30+$0xB0];
	_ =	sdelay $0x4  }
0x168: {  	v3 =	vmul.f32 v3, v59;
	_ =	sdelay $0x1  }
0x169: {  	[tilespmem:s30+$0xB0] =	vst v3;
	v3 =	vld [tilespmem:s30+$0xC0];
	_ =	sdelay $0x2  }
0x16a: {  	v60 =	vbroadcast v2, $0xB;
	_ =	sdelay $0x1  }
0x16b: {  	v3 =	vmul.f32 v3, v60;
	_ =	sdelay $0x1  }
0x16c: {  	[tilespmem:s30+$0xC0] =	vst v3;
	v3 =	vld [tilespmem:s30+$0xD0];
	_ =	sdelay $0x4  }
0x16d: {  	v3 =	vmul.f32 v3, v60;
	_ =	sdelay $0x1  }
0x16e: {  	[tilespmem:s30+$0xD0] =	vst v3;
	v3 =	vld [tilespmem:s30+$0xE0];
	_ =	sdelay $0x4  }
0x16f: {  	v3 =	vmul.f32 v3, v60;
	_ =	sdelay $0x1  }
0x170: {  	[tilespmem:s30+$0xE0] =	vst v3;
	v3 =	vld [tilespmem:s30+$0xF0];
	_ =	sdelay $0x4  }
0x171: {  	v3 =	vmul.f32 v3, v60;
	_ =	sdelay $0x1  }
0x172: {  	[tilespmem:s30+$0xF0] =	vst v3;
	v3 =	vld [tilespmem:s30+$0x100];
	_ =	sdelay $0x2  }
0x173: {  	v61 =	vbroadcast v2, $0xC;
	_ =	sdelay $0x1  }
0x174: {  	v3 =	vmul.f32 v3, v61;
	_ =	sdelay $0x1  }
0x175: {  	[tilespmem:s30+$0x100] =	vst v3;
	v3 =	vld [tilespmem:s30+$0x110];
	_ =	sdelay $0x4  }
0x176: {  	v3 =	vmul.f32 v3, v61;
	_ =	sdelay $0x1  }
0x177: {  	[tilespmem:s30+$0x110] =	vst v3;
	v3 =	vld [tilespmem:s30+$0x120];
	_ =	sdelay $0x4  }
0x178: {  	v3 =	vmul.f32 v3, v61;
	_ =	sdelay $0x1  }
0x179: {  	[tilespmem:s30+$0x120] =	vst v3;
	v3 =	vld [tilespmem:s30+$0x130];
	_ =	sdelay $0x4  }
0x17a: {  	v3 =	vmul.f32 v3, v61;
	_ =	sdelay $0x1  }
0x17b: {  	[tilespmem:s30+$0x130] =	vst v3;
	v3 =	vld [tilespmem:s30+$0x140];
	_ =	sdelay $0x2  }
0x17c: {  	v62 =	vbroadcast v2, $0xD;
	_ =	sdelay $0x1  }
0x17d: {  	v3 =	vmul.f32 v3, v62;
	_ =	sdelay $0x1  }
0x17e: {  	[tilespmem:s30+$0x140] =	vst v3;
	v3 =	vld [tilespmem:s30+$0x150];
	_ =	sdelay $0x4  }
0x17f: {  	v3 =	vmul.f32 v3, v62;
	_ =	sdelay $0x1  }
0x180: {  	[tilespmem:s30+$0x150] =	vst v3;
	v3 =	vld [tilespmem:s30+$0x160];
	_ =	sdelay $0x4  }
0x181: {  	v3 =	vmul.f32 v3, v62;
	_ =	sdelay $0x1  }
0x182: {  	[tilespmem:s30+$0x160] =	vst v3;
	v3 =	vld [tilespmem:s30+$0x170];
	_ =	sdelay $0x4  }
0x183: {  	v3 =	vmul.f32 v3, v62;
	_ =	sdelay $0x1  }
0x184: {  	[tilespmem:s30+$0x170] =	vst v3;
	v3 =	vld [tilespmem:s30+$0x180];
	_ =	sdelay $0x2  }
0x185: {  	v63 =	vbroadcast v2, $0xE;
	_ =	sdelay $0x1  }
0x186: {  	v3 =	vmul.f32 v3, v63;
	_ =	sdelay $0x1  }
0x187: {  	[tilespmem:s30+$0x180] =	vst v3;
	v3 =	vld [tilespmem:s30+$0x190];
	_ =	sdelay $0x4  }
0x188: {  	v3 =	vmul.f32 v3, v63;
	_ =	sdelay $0x1  }
0x189: {  	[tilespmem:s30+$0x190] =	vst v3;
	v3 =	vld [tilespmem:s30+$0x1A0];
	_ =	sdelay $0x4  }
0x18a: {  	v3 =	vmul.f32 v3, v63;
	_ =	sdelay $0x1  }
0x18b: {  	[tilespmem:s30+$0x1A0] =	vst v3;
	v3 =	vld [tilespmem:s30+$0x1B0];
	_ =	sdelay $0x4  }
0x18c: {  	v3 =	vmul.f32 v3, v63;
	_ =	sdelay $0x1  }
0x18d: {  	[tilespmem:s30+$0x1B0] =	vst v3;
	v3 =	vld [tilespmem:s30+$0x1C0];
	_ =	sdelay $0x2  }
0x18e: {  	v2 =	vbroadcast v2, $0xF;
	_ =	sdelay $0x1  }
0x18f: {  	v3 =	vmul.f32 v3, v2;
	_ =	sdelay $0x1  }
0x190: {  	[tilespmem:s30+$0x1C0] =	vst v3;
	v3 =	vld [tilespmem:s30+$0x1D0];
	_ =	sdelay $0x4  }
0x191: {  	v3 =	vmul.f32 v3, v2;
	_ =	sdelay $0x1  }
0x192: {  	[tilespmem:s30+$0x1D0] =	vst v3;
	v3 =	vld [tilespmem:s30+$0x1E0];
	_ =	sdelay $0x4  }
0x193: {  	v3 =	vmul.f32 v3, v2;
	_ =	sdelay $0x1  }
0x194: {  	[tilespmem:s30+$0x1E0] =	vst v3;
	v3 =	vld [tilespmem:s30+$0x1F0];
	_ =	sdelay $0x1  }
0x195: {  	p0 =	sne.s32 s31, $0x1C0  }
.Ltmp3:
0x196: {  	_ = 	snop;
	(pc) =	sbr.rel @p0 .LBB2_9-.Ltmp3, $3  }
0x197: {  	_ = 	snop  }
0x198: {  	v2 =	vmul.f32 v3, v2;
	_ =	sdelay $0x1  }
0x199: {  	s31 =	sadd.s32 $0x40, s31;
	[tilespmem:s30+$0x1F0] =	vst v2;
	s30 =	sadd.s32 $0x400, s30  }
0x19a: {  	s26 =	sadd.s32 $0x1, s26  }
0x19b: {  	p0 =	sne.s32 s26, $0x50  }
.Ltmp4:
0x19c: {  	s0 =	sadd.s32 $0x5000, s29;
	(pc) =	sbr.rel @p0 .LBB2_8-.Ltmp4, $4  }
0x19d: {  	[spmem:s3] =	stream.indirect.scatter.add.f32 [tilespmem:s22], [sflag:$0x2], $0x40, s0, s21, $0xb8;
	[tilespmem:$0x18000] =	vst v63  }
0x19e: {  	_ =	swait.ge [sflag:s17], $0x2000  }
0x19f: {  	[sflag:s17] =	ssyncset.done $0x0  }
0x1a0: {  	s28 =	sadd.s32 $0x80, s28;
	[sflag:s17] =	ssyncadd.s32 $0xFFFFE000  }
0x1a1: {  	[bflag:$0x0] =	sbarrier.arrive $0xFFFF;
	s4 =	sadd.s32 $0x1, s4  }
0x1a2: {  	[hbm:s15], [sflag:s24] =	dma.local [spmem:s25], $0x1400  }
0x1a3: {  	p0 =	sne.s32 s4, s16  }
.Ltmp5:
0x1a4: {  	_ =	swait.ge [sflag:s17], $0x1400;
	(pc) =	sbr.rel @p0 .LBB2_1-.Ltmp5, $3  }
0x1a5: {  	[sflag:s17] =	ssyncset.done $0x0  }
0x1a6: {  	[sflag:s17] =	ssyncadd.s32 $0xFFFFEC00  }
0x1a7: {  	[bflag:$0x0] =	sbarrier.arrive $0xFFFF;
	_ =	sdelay $0x1  }
0x1a8: {  	_ =	sfence.sel $0x180000  }
0x1a9: {  	[bflag:$0x0] =	sbarrier.arrive $0xFFFF  }
0x1aa: {  	_ =	strace $0x9000004A  }
0x1ab: {  	[bflag:$0x2] =	sbarrier.arrive $0xFFFF  }
0x1ac: {  	p0 =	sne.s32 s2, $0x0;
	s0 =	rddreg [dreg:$0x3]  }
0x1ad: {  	s0 =	sadd.s32 @!p0 $0x100000, s0  }
0x1ae: {  	[sflag:s0] =	ssyncadd.tile.s32 @!p0 $0x1;
	_ =	shalt  }
.Lfunc_end2:
_tile_overlayer_lowered:
.L_overlay_start_2:
0x1af: {  	(tag) =	ssettag $0x2  }
0x1b0: {  	s0 =	rddreg [dreg:$0x0];
	s2 =	stileid.u32  }
0x1b1: {  	s1 =	rddreg [dreg:$0x1];
	p0 =	sne.s32 s2, $0x0  }
0x1b2: {  	s3 =	rddreg [dreg:$0x2];
	[bflag:$0x3] =	sbarrier.arrive $0xFFFF;
	s2 =	simm.s32 @!p0 $0x1C02  }
0x1b3: {  	[timem:s3], [sflag:s2] =	dma.local @!p0 [hbm:s0], s1  }
0x1b4: {  	s0 =	simm.s32 @!p0 $0x2  }
0x1b5: {  	_ =	swait.ge @!p0 [sflag:s0], s1  }
0x1b6: {  	s1 =	ssub.s32 @!p0 $0x0, s1;
	[sflag:s0] =	ssyncset.done @!p0 $0x0  }
0x1b7: {  	[sflag:s0] =	ssyncadd.s32 @!p0 s1  }
0x1b8: {  	[bflag:$0x3] =	sbarrier.arrive $0xFFFF  }
0x1b9: {  	_ =	shalt  }

// kernel: kernel.7.cloned.1.call-start
scs
__scs_entry_jumppad:
0x0: {  	(pc) =	sbr.rel $0x88, $3  }
0x1: {  	(tag) =	ssettag $0x0;
	lr =	simm.s32 $0x1  }
0x2: {  	[smem:$0x3F9A] =	sst lr;
	_ =	strace $0xD0000000  }
0x3: {  	_ = 	snop  }
0x4: {  	_ = 	snop  }
0x5: {  	_ = 	snop  }
0x6: {  	_ = 	snop  }
0x7: {  	_ = 	snop  }
__scs_overlays_trampoline_lowered:
0x8: {  	[smem:$0x3FA9] =	sst s0  }
0x9: {  	[smem:$0x3FAA] =	sst s1  }
0xa: {  	[smem:$0x3FAB] =	sst s2  }
0xb: {  	[smem:$0x3FAC] =	sst s3  }
0xc: {  	[smem:$0x3FAD] =	sst s4  }
0xd: {  	[smem:$0x3FAE] =	sst s5  }
0xe: {  	[smem:$0x3FAF] =	sst s6  }
0xf: {  	[smem:$0x3FB0] =	sst s7  }
0x10: {  	[smem:$0x3FB1] =	sst s8  }
0x11: {  	[smem:$0x3FB2] =	sst s9;
	s0 =	simm.s32 @!p0 $0x0  }
0x12: {  	s1 =	sld [smem:$0x3F98];
	s0 =	simm.s32 @p0 $0x1  }
0x13: {  	[smem:$0x3FB3] =	sst s0;
	s0 =	simm.s32 @!p1 $0x0  }
0x14: {  	s2 =	sld [smem:$0x3F97];
	s0 =	simm.s32 @p1 $0x1  }
0x15: {  	[smem:$0x3FB4] =	sst s0;
	s0 =	simm.s32 @!p2 $0x0  }
0x16: {  	s3 =	sld [smem:$0x3FDB];
	s0 =	simm.s32 @p2 $0x1  }
0x17: {  	s4 =	simm.s32 $0x1BF5;
	[smem:$0x3FB6] =	sst s0  }
0x18: {  	s0 =	sld [smem:$0x3F99];
	_ =	swait.ge [sflag:s4], $0x0  }
0x19: {  	s7 =	sld [smem:$0x3F9A]  }
0x1a: {  	s8 =	sadd.s32 $0xFFFFE003, lr  }
0x1b: {  	s9 =	sadd.s32 $0xFFFFFEF7, lr;
	s5 =	simm.s32 $0xFFFFFFFF;
	p2 =	slt.u32 s8, $0xFFFFF086  }
0x1c: {  	p1 =	slt.u32 s9, $0xF7A;
	s5 =	simm.s32 @!p2 $0x0  }
0x1d: {  	s5 =	simm.s32 @p1 $0x1;
	p0 =	seq.s32 s7, s2  }
0x1e: {  	s7 =	smul.u32 @!p0 $0xF7A, s2;
	p2 =	seq.s32 @!p0 s5, $0x0  }
0x1f: {  	s9 =	smul.u32 $0xF7A, s1;
	s8 =	simm.s32 @!p0 $0x1BF5;
	p2 =	por !p2, p0  }
0x20: {  	[sflag:s8] =	ssyncset.s32 @!p0 $0xFFFFF086;
	s6 =	sadd.s32 @!p0 s3, s7;
	s7 =	simm.s32 @!p0 $0x108  }
0x21: {  	s3 =	sadd.s32 s3, s9;
	s6 =	sadd.s32 @!p0 $0x88, s6;
	s7 =	simm.s32 @p2 $0x1082  }
0x22: {  	[simem:s7], [sflag:s8] =	dma.local @!p0 [hbm:s6], $0xF7A  }
0x23: {  	s9 =	sor.u32 $0xD0000000, s2;
	s6 =	simm.s32 $0x108;
	_ =	swait.ge @!p0 [sflag:s8], $0x0  }
0x24: {  	s3 =	sadd.s32 $0x88, s3;
	s6 =	simm.s32 @!p1 $0x1082;
	[sflag:s4] =	ssyncset.s32 $0xFFFFF086  }
0x25: {  	[simem:s6], [sflag:s4] =	dma.local [hbm:s3], $0xF7A  }
0x26: {  	[smem:$0x3F9A] =	sst s1;
	(tag) =	ssettag s2;
	_ =	strace s9  }
0x27: {  	s1 =	sld [smem:$0x3FAA]  }
0x28: {  	s2 =	sld [smem:$0x3FAB]  }
0x29: {  	s4 =	sld [smem:$0x3FAD]  }
0x2a: {  	p0 =	seq.s32 s5, $0x0;
	s5 =	sld [smem:$0x3FAE]  }
0x2b: {  	s6 =	sld [smem:$0x3FAF]  }
0x2c: {  	s7 =	sld [smem:$0x3FB0]  }
0x2d: {  	s3 =	simm.s32 $0x108;
	s8 =	sld [smem:$0x3FB1]  }
0x2e: {  	s3 =	simm.s32 @!p0 $0x1082;
	s9 =	sld [smem:$0x3FB2]  }
0x2f: {  	lr =	sadd.s32 s0, s3;
	s0 =	sld [smem:$0x3FA9]  }
0x30: {  	s3 =	sld [smem:$0x3FAC]  }
0x31: {  	[smem:$0x3FB5] =	sst s10  }
0x32: {  	s10 =	sld [smem:$0x3FB3];
	_ =	sdelay $0x3  }
0x33: {  	p0 =	seq.s32 s10, $0x1;
	s10 =	sld [smem:$0x3FB5];
	_ =	sdelay $0x3  }
0x34: {  	[smem:$0x3FB5] =	sst s10  }
0x35: {  	s10 =	sld [smem:$0x3FB4];
	_ =	sdelay $0x3  }
0x36: {  	p1 =	seq.s32 s10, $0x1;
	s10 =	sld [smem:$0x3FB5];
	_ =	sdelay $0x3  }
0x37: {  	[smem:$0x3FB5] =	sst s10  }
0x38: {  	s10 =	sld [smem:$0x3FB6]  }
0x39: {  	_ = 	snop;
	(pc) =	sbr.ind lr, $3  }
0x3a: {  	_ = 	snop  }
0x3b: {  	_ = 	snop  }
0x3c: {  	p2 =	seq.s32 s10, $0x1;
	s10 =	sld [smem:$0x3FB5]  }
0x3d: {  	_ =	shalt  }
0x3e: {  	_ =	shalt  }
0x3f: {  	_ =	shalt  }
0x40: {  	_ =	shalt  }
0x41: {  	_ =	shalt  }
0x42: {  	_ =	shalt  }
0x43: {  	_ =	shalt  }
0x44: {  	_ =	shalt  }
0x45: {  	_ =	shalt  }
0x46: {  	_ =	shalt  }
0x47: {  	_ =	shalt  }
0x48: {  	_ =	shalt  }
0x49: {  	_ =	shalt  }
0x4a: {  	_ =	shalt  }
0x4b: {  	_ =	shalt  }
0x4c: {  	_ =	shalt  }
0x4d: {  	_ =	shalt  }
0x4e: {  	_ =	shalt  }
0x4f: {  	_ =	shalt  }
0x50: {  	_ =	shalt  }
0x51: {  	_ =	shalt  }
0x52: {  	_ =	shalt  }
0x53: {  	_ =	shalt  }
0x54: {  	_ =	shalt  }
0x55: {  	_ =	shalt  }
0x56: {  	_ =	shalt  }
0x57: {  	_ =	shalt  }
0x58: {  	_ =	shalt  }
0x59: {  	_ =	shalt  }
0x5a: {  	_ =	shalt  }
0x5b: {  	_ =	shalt  }
0x5c: {  	_ =	shalt  }
0x5d: {  	_ =	shalt  }
0x5e: {  	_ =	shalt  }
0x5f: {  	_ =	shalt  }
0x60: {  	_ =	shalt  }
0x61: {  	_ =	shalt  }
0x62: {  	_ =	shalt  }
0x63: {  	_ =	shalt  }
0x64: {  	_ =	shalt  }
0x65: {  	_ =	shalt  }
0x66: {  	_ =	shalt  }
0x67: {  	_ =	shalt  }
0x68: {  	_ =	shalt  }
0x69: {  	_ =	shalt  }
0x6a: {  	_ =	shalt  }
0x6b: {  	_ =	shalt  }
0x6c: {  	_ =	shalt  }
0x6d: {  	_ =	shalt  }
0x6e: {  	_ =	shalt  }
0x6f: {  	_ =	shalt  }
0x70: {  	_ =	shalt  }
0x71: {  	_ =	shalt  }
0x72: {  	_ =	shalt  }
0x73: {  	_ =	shalt  }
0x74: {  	_ =	shalt  }
0x75: {  	_ =	shalt  }
0x76: {  	_ =	shalt  }
0x77: {  	_ =	shalt  }
0x78: {  	_ =	shalt  }
0x79: {  	_ =	shalt  }
0x7a: {  	_ =	shalt  }
0x7b: {  	_ =	shalt  }
0x7c: {  	_ =	shalt  }
0x7d: {  	_ =	shalt  }
0x7e: {  	_ =	shalt  }
0x7f: {  	_ =	shalt  }
0x80: {  	_ =	shalt  }
0x81: {  	_ =	shalt  }
0x82: {  	_ =	shalt  }
0x83: {  	_ =	shalt  }
0x84: {  	_ =	shalt  }
0x85: {  	_ =	shalt  }
0x86: {  	_ =	shalt  }
0x87: {  	_ =	shalt  }
.Lfunc_end0:
.L_simem_size_0:
called_computation_lowered:
.L_overlay_start_0:
0x88: {  	s2 =	sld [smem:$0x3FD9]  }
0x89: {  	s3 =	sld [smem:$0x3FFE];
	_ =	sdelay $0x1  }
0x8a: {  	s1 =	srdreg.scid  }
0x8b: {  	s0 =	sand.u32 $0x1, s1  }
0x8c: {  	s17 =	sshll.u32 s0, $0xA;
	s2 =	sadd.s32 s3, s2  }
0x8d: {  	s2 =	sadd.s32 s2, s17  }
0x8e: {  	[smem:$0x3FC1] =	sst s2  }
0x8f: {  	_ = 	snop  }
0x90: {  	s2 =	sld [smem:$0x3FD0];
	(tm) =	ssettm $0x1  }
0x91: {  	s18 =	sld [smem:$0x3FFB];
	_ =	sdelay $0x3  }
0x92: {  	_ =	strace s18  }
0x93: {  	s3 =	sld [smem:$0x3FFC];
	_ =	sdelay $0x3  }
0x94: {  	_ =	strace s3  }
0x95: {  	s3 =	sld [smem:$0x3FFD];
	_ =	sdelay $0x3  }
0x96: {  	_ =	strace s3  }
0x97: {  	_ =	strace $0x8FFFFFFF  }
0x98: {  	s19 =	sld [smem:$0x3FDB];
	_ =	sdelay $0x1  }
0x99: {  	s4 =	simm.s32 $_scs_section_size  }
0x9a: {  	s5 =	simm.s32 $_size__tile_overlayer_lowered;
	s6 =	simm.s32 $_tile_overlayer_lowered  }
0x9b: {  	s22 =	simm.s32 $0x1BFF;
	s21 =	sshll.u32 s6, $0x1;
	s3 =	sadd.s32 s4, s19  }
0x9c: {  	s7 =	simm.s32 $0x0;
	s20 =	sshll.u32 s5, $0x1;
	s5 =	sadd.s32 s21, s3  }
0x9d: {  	[timem:s7], [sflag:s22] =	dma.local [hbm:s5], s20  }
0x9e: {  	_ =	swait.ge [sflag:s22], s20  }
0x9f: {  	s4 =	ssub.s32 $0x0, s20;
	[sflag:s22] =	ssyncset.done $0x0  }
0xa0: {  	[sflag:s22] =	ssyncadd.s32 s4;
	_ =	sdelay $0x1  }
0xa1: {  	s23 =	simm.s32 $0x1B8B  }
0xa2: {  	_ =	swait.ge [sflag:s23], $0x1  }
0xa3: {  	[sflag:s23] =	ssyncset.done $0x0  }
0xa4: {  	s25 =	simm.s32 $0x1B8E;
	s24 =	sld [smem:$0x3FFE];
	[sflag:s23] =	ssyncadd.s32 $0xFFFFFFFF  }
0xa5: {  	s26 =	simm.s32 $execute0_lowered;
	[smem:$0x3FD2] =	sst s25  }
0xa6: {  	s5 =	sshll.u32 s26, $0x1;
	_ =	strace $0x80000046;
	[dreg:$0x1] =	wrdreg $0xFFFFFFFF  }
0xa7: {  	s28 =	simm.s32 $_size_execute0_lowered;
	s3 =	sadd.s32 s3, s5;
	[dreg:$0x0] =	wrdreg $0x0  }
0xa8: {  	s5 =	sshll.u32 s28, $0x1;
	[dreg:$0x2] =	wrdreg s3  }
0xa9: {  	[dreg:$0x3] =	wrdreg s5  }
0xaa: {  	[dreg:$0x4] =	wrdreg $0xC0  }
0xab: {  	_ =	task [dreg:s7], $0x5FFFF  }
0xac: {  	[dreg:$0x1] =	wrdreg $0xFFFFFFFF  }
0xad: {  	[dreg:$0x0] =	wrdreg $0x60  }
0xae: {  	[dreg:$0x2] =	wrdreg s2  }
0xaf: {  	[dreg:$0x3] =	wrdreg s24  }
0xb0: {  	[dreg:$0x4] =	wrdreg $0xE0000  }
0xb1: {  	[dreg:$0x5] =	wrdreg $0x9  }
0xb2: {  	_ =	task.clear_ibuf [dreg:s7], $0x6FFFF;
	_ =	strace $0x90000046  }
0xb3: {  	s29 =	simm.s32 $0x9;
	_ =	strace $0x80000048  }
0xb4: {  	_ =	swait.ge [sflag:s29], $0x1  }
0xb5: {  	[sflag:s29] =	ssyncadd.s32 $0xFFFFFFFF  }
0xb6: {  	_ =	strace $0x90000048  }
0xb7: {  	_ =	sfence  }
0xb8: {  	s30 =	sld [smem:$0x0];
	_ =	sdelay $0x2  }
0xb9: {  	s31 =	sshll.u32 s1, $0xD;
	s1 =	sshrl.u32 s1, $0x2  }
0xba: {  	s3 =	sand.u32 $0x4000, s31;
	s1 =	sadd.s32 s1, s30  }
0xbb: {  	s0 =	sor.u32 s3, s0;
	s1 =	sshll.u32 s1, $0x11  }
0xbc: {  	s0 =	sor.u32 s1, s0  }
0xbd: {  	s0 =	sadd.s32 $0x8F2B, s0  }
0xbe: {  	[sflag:s0] =	ssyncadd.remote.s32 $0x1  }
0xbf: {  	_ =	sfence.sel $0xFFFF  }
0xc0: {  	[dreg:$0x0] =	wrdreg $0xFFFFFFFF;
	(pc) =	sbr.abs _section_cstart, $3  }
0xc1: {  	[dreg:$0x1] =	wrdreg $0xFFFFFFFF  }
0xc2: {  	_ =	task.clear_ibuf [dreg:s7], $0x2FFFF;
	_ =	strace $0x9FFFFFFF  }
0xc3: {  	(tm) =	ssettm $0x7FFFFFFF  }
tec
execute0_lowered:
.L_overlay_start_1:
0x0: {  	(tag) =	ssettag $0x1  }
0x1: {  	s1 =	rddreg [dreg:$0x0]  }
0x2: {  	s5 =	rddreg [dreg:$0x1]  }
0x3: {  	s3 =	rddreg [dreg:$0x2];
	s6 =	srdreg.scid  }
0x4: {  	s2 =	stileid.u32;
	s4 =	simm.s32 $0x0;
	s17 =	simm.s32 $0x2  }
0x5: {  	s18 =	simm.s32 $0x2800;
	s19 =	simm.s32 $0x5000;
	s20 =	simm.s32 $0xC000  }
0x6: {  	s21 =	simm.s32 $0x80;
	s22 =	simm.s32 $0xA000;
	s9 =	smul.u32 $0xA000, s2  }
0x7: {  	s23 =	simm.s32 $0x1;
	s6 =	sand.u32 $0x1, s6;
	s11 =	smul.u32 $0x28000, s2  }
0x8: {  	[smem:$0x7FF] =	sst s4;
	s7 =	sshll.u32 s6, $0x4;
	s8 =	smul.u32 $0x140000, s6  }
0x9: {  	_ =	strace $0x80000047;
	s6 =	ssub.s32 $0x2, s6;
	s7 =	sor.u32 s2, s7  }
0xa: {  	s10 =	sshrl.u32 s6, $0x1;
	s31 =	sshrl.u32 s11, $0x2;
	s7 =	smul.u32 $0x500, s7  }
0xb: {  	s8 =	sadd.s32 s9, s8;
	s16 =	ssub.s32 s6, s10;
	s13 =	sadd.s32 s31, s3  }
0xc: {  	s9 =	sadd.s32 s9, s3;
	s8 =	sshrl.u32 s8, $0x3;
	s10 =	sadd.s32 $0x2000, s13  }
0xd: {  	s11 =	sadd.s32 $0x4000, s13;
	s16 =	smax.u32 s16, $0x1;
	s12 =	sadd.s32 s7, s5  }
0xe: {  	s15 =	sadd.s32 s8, s5;
	s5 =	sadd.s32 $0x1600, s12;
	s6 =	sadd.s32 $0xB600, s12  }
0xf: {  	s7 =	sadd.s32 $0x15600, s12;
	s8 =	sadd.s32 $0x1F600, s12;
	s12 =	sadd.s32 $0x6000, s13  }
0x10: {  	v0 =	vimm.f32 $0.0e+00;
	s13 =	sadd.s32 $0x8000, s13;
	s14 =	sadd.s32 $0x29600, s15;
	s15 =	sadd.s32 $0x3D600, s15  }
.LBB2_1:
0x11: {  	s25 =	simm.s32 $0x100;
	s24 =	simm.s32 $0x0  }
.LBB2_2:
0x12: {  	p0 =	sne.s32 s25, $0x7F00;
	[tilespmem:s24+$0xC030] =	vst v0;
	s26 =	smov.u32 s25;
	s25 =	sadd.s32 $0x100, s25  }
.Ltmp0:
0x13: {  	[tilespmem:s24+$0xC020] =	vst v0;
	(pc) =	sbr.rel @p0 .LBB2_2-.Ltmp0, $3  }
0x14: {  	[tilespmem:s24+$0xC000] =	vst v0  }
0x15: {  	[tilespmem:s24+$0xC010] =	vst v0;
	_ =	sdelay $0x1  }
0x16: {  	s24 =	sshra.s32 s26, $0x2  }
0x17: {  	[tilespmem:s24+$0xC030] =	vst v0  }
0x18: {  	[tilespmem:s24+$0xC020] =	vst v0  }
0x19: {  	[tilespmem:s24+$0xC000] =	vst v0  }
0x1a: {  	[tilespmem:s24+$0xC010] =	vst v0;
	s24 =	simm.s32 $0x0  }
0x1b: {  	[tilespmem:s24], [sflag:$0x2] =	stream.linear.gather [hbm4b:s5+s24], $0x2800, $0x38;
	[tilespmem:$0x18000] =	vst v63  }
0x1c: {  	_ =	swait.ge [sflag:s17], $0x2800  }
0x1d: {  	[sflag:s17] =	ssyncset.done $0x0  }
0x1e: {  	[sflag:s17] =	ssyncadd.s32 $0xFFFFD800  }
0x1f: {  	[tilespmem:s18], [sflag:$0x2] =	stream.linear.gather [hbm4b:s6+s24], $0x2800, $0x38;
	[tilespmem:$0x18000] =	vst v63  }
0x20: {  	_ =	swait.ge [sflag:s17], $0x2800  }
0x21: {  	[sflag:s17] =	ssyncset.done $0x0  }
0x22: {  	[sflag:s17] =	ssyncadd.s32 $0xFFFFD800  }
0x23: {  	[tilespmem:s19], [sflag:$0x2] =	stream.linear.gather [hbm4b:s7+s24], $0x2800, $0x38;
	[tilespmem:$0x18000] =	vst v63  }
0x24: {  	_ =	swait.ge [sflag:s17], $0x2800  }
0x25: {  	[sflag:s17] =	ssyncset.done $0x0  }
0x26: {  	s25 =	simm.s32 $0x7800;
	[sflag:s17] =	ssyncadd.s32 $0xFFFFD800  }
0x27: {  	[tilespmem:s25], [sflag:$0x2] =	stream.linear.gather [hbm4b:s8+s24], $0x2800, $0x38;
	[tilespmem:$0x18000] =	vst v63  }
0x28: {  	_ =	swait.ge [sflag:s17], $0x2800  }
0x29: {  	[sflag:s17] =	ssyncset.done $0x0  }
0x2a: {  	[sflag:s17] =	ssyncadd.s32 $0xFFFFD800  }
0x2b: {  	[spmem:s9] =	stream.linear.scatter [tilespmem:s20], [sflag:$0x2], $0x2000, $0x38;
	[tilespmem:$0x18000] =	vst v63  }
0x2c: {  	_ =	swait.ge [sflag:s17], $0x2000  }
0x2d: {  	[sflag:s17] =	ssyncset.done $0x0  }
0x2e: {  	[sflag:s17] =	ssyncadd.s32 $0xFFFFE000  }
0x2f: {  	[spmem:s10] =	stream.linear.scatter [tilespmem:s20], [sflag:$0x2], $0x2000, $0x38;
	[tilespmem:$0x18000] =	vst v63  }
0x30: {  	_ =	swait.ge [sflag:s17], $0x2000  }
0x31: {  	[sflag:s17] =	ssyncset.done $0x0  }
0x32: {  	[sflag:s17] =	ssyncadd.s32 $0xFFFFE000  }
0x33: {  	[spmem:s11] =	stream.linear.scatter [tilespmem:s20], [sflag:$0x2], $0x2000, $0x38;
	[tilespmem:$0x18000] =	vst v63  }
0x34: {  	_ =	swait.ge [sflag:s17], $0x2000  }
0x35: {  	[sflag:s17] =	ssyncset.done $0x0  }
0x36: {  	[sflag:s17] =	ssyncadd.s32 $0xFFFFE000  }
0x37: {  	[spmem:s12] =	stream.linear.scatter [tilespmem:s20], [sflag:$0x2], $0x2000, $0x38;
	[tilespmem:$0x18000] =	vst v63  }
0x38: {  	_ =	swait.ge [sflag:s17], $0x2000  }
0x39: {  	[sflag:s17] =	ssyncset.done $0x0  }
0x3a: {  	[sflag:s17] =	ssyncadd.s32 $0xFFFFE000  }
0x3b: {  	[spmem:s13] =	stream.linear.scatter [tilespmem:s20], [sflag:$0x2], $0x2000, $0x38;
	[tilespmem:$0x18000] =	vst v63  }
0x3c: {  	_ =	swait.ge [sflag:s17], $0x2000  }
0x3d: {  	[sflag:s17] =	ssyncset.done $0x0  }
0x3e: {  	[sflag:s17] =	ssyncadd.s32 $0xFFFFE000  }
0x3f: {  	[bflag:$0x0] =	sbarrier.arrive $0xFFFF  }
.LBB2_4:
0x40: {  	s26 =	sshll.u32 s24, $0x7  }
0x41: {  	v1 =	vmov s25;
	[tilespmem:s22], [sflag:$0x1] =	stream.indirect.gather [hbm4b:s1+s21], $0x40, s26, s21, $0xb8;
	[tilespmem:$0x18000] =	vst v63  }
0x42: {  	_ =	swait.ge [sflag:s23], $0x2000  }
0x43: {  	[sflag:s23] =	ssyncset.done $0x0  }
0x44: {  	s28 =	simm.s32 $0xA200;
	s29 =	simm.s32 $0x0;
	[sflag:s23] =	ssyncadd.s32 $0xFFFFE000  }
.LBB2_5:
0x45: {  	s30 =	sshra.s32 s29, $0x2  }
0x46: {  	v2 =	vld.idx.msk [tilespmem:v1+s30+$0x0 ss:$0x1], $0xffff;
	_ =	sdelay $0x1  }
0x47: {  	v3 =	vld [tilespmem:s28+$0xFFFFFE00];
	_ =	sdelay $0x2  }
0x48: {  	v4 =	vbroadcast v2, $0x0;
	_ =	sdelay $0x1  }
0x49: {  	v3 =	vmul.f32 v4, v3;
	_ =	sdelay $0x1  }
0x4a: {  	[tilespmem:s28+$0xFFFFFE00] =	vst v3;
	v3 =	vld [tilespmem:s28+$0xFFFFFE10];
	_ =	sdelay $0x4  }
0x4b: {  	v3 =	vmul.f32 v3, v4;
	_ =	sdelay $0x1  }
0x4c: {  	[tilespmem:s28+$0xFFFFFE10] =	vst v3;
	v3 =	vld [tilespmem:s28+$0xFFFFFE20];
	_ =	sdelay $0x4  }
0x4d: {  	v3 =	vmul.f32 v3, v4;
	_ =	sdelay $0x1  }
0x4e: {  	[tilespmem:s28+$0xFFFFFE20] =	vst v3;
	v3 =	vld [tilespmem:s28+$0xFFFFFE30];
	_ =	sdelay $0x4  }
0x4f: {  	v3 =	vmul.f32 v3, v4;
	_ =	sdelay $0x1  }
0x50: {  	[tilespmem:s28+$0xFFFFFE30] =	vst v3;
	v3 =	vld [tilespmem:s28+$0xFFFFFE40];
	_ =	sdelay $0x2  }
0x51: {  	v50 =	vbroadcast v2, $0x1;
	_ =	sdelay $0x1  }
0x52: {  	v3 =	vmul.f32 v3, v50;
	_ =	sdelay $0x1  }
0x53: {  	[tilespmem:s28+$0xFFFFFE40] =	vst v3;
	v3 =	vld [tilespmem:s28+$0xFFFFFE50];
	_ =	sdelay $0x4  }
0x54: {  	v3 =	vmul.f32 v3, v50;
	_ =	sdelay $0x1  }
0x55: {  	[tilespmem:s28+$0xFFFFFE50] =	vst v3;
	v3 =	vld [tilespmem:s28+$0xFFFFFE60];
	_ =	sdelay $0x4  }
0x56: {  	v3 =	vmul.f32 v3, v50;
	_ =	sdelay $0x1  }
0x57: {  	[tilespmem:s28+$0xFFFFFE60] =	vst v3;
	v3 =	vld [tilespmem:s28+$0xFFFFFE70];
	_ =	sdelay $0x4  }
0x58: {  	v3 =	vmul.f32 v3, v50;
	_ =	sdelay $0x1  }
0x59: {  	[tilespmem:s28+$0xFFFFFE70] =	vst v3;
	v3 =	vld [tilespmem:s28+$0xFFFFFE80];
	_ =	sdelay $0x2  }
0x5a: {  	v51 =	vbroadcast v2, $0x2;
	_ =	sdelay $0x1  }
0x5b: {  	v3 =	vmul.f32 v3, v51;
	_ =	sdelay $0x1  }
0x5c: {  	[tilespmem:s28+$0xFFFFFE80] =	vst v3;
	v3 =	vld [tilespmem:s28+$0xFFFFFE90];
	_ =	sdelay $0x4  }
0x5d: {  	v3 =	vmul.f32 v3, v51;
	_ =	sdelay $0x1  }
0x5e: {  	[tilespmem:s28+$0xFFFFFE90] =	vst v3;
	v3 =	vld [tilespmem:s28+$0xFFFFFEA0];
	_ =	sdelay $0x4  }
0x5f: {  	v3 =	vmul.f32 v3, v51;
	_ =	sdelay $0x1  }
0x60: {  	[tilespmem:s28+$0xFFFFFEA0] =	vst v3;
	v3 =	vld [tilespmem:s28+$0xFFFFFEB0];
	_ =	sdelay $0x4  }
0x61: {  	v3 =	vmul.f32 v3, v51;
	_ =	sdelay $0x1  }
0x62: {  	[tilespmem:s28+$0xFFFFFEB0] =	vst v3;
	v3 =	vld [tilespmem:s28+$0xFFFFFEC0];
	_ =	sdelay $0x2  }
0x63: {  	v52 =	vbroadcast v2, $0x3;
	_ =	sdelay $0x1  }
0x64: {  	v3 =	vmul.f32 v3, v52;
	_ =	sdelay $0x1  }
0x65: {  	[tilespmem:s28+$0xFFFFFEC0] =	vst v3;
	v3 =	vld [tilespmem:s28+$0xFFFFFED0];
	_ =	sdelay $0x4  }
0x66: {  	v3 =	vmul.f32 v3, v52;
	_ =	sdelay $0x1  }
0x67: {  	[tilespmem:s28+$0xFFFFFED0] =	vst v3;
	v3 =	vld [tilespmem:s28+$0xFFFFFEE0];
	_ =	sdelay $0x4  }
0x68: {  	v3 =	vmul.f32 v3, v52;
	_ =	sdelay $0x1  }
0x69: {  	[tilespmem:s28+$0xFFFFFEE0] =	vst v3;
	v3 =	vld [tilespmem:s28+$0xFFFFFEF0];
	_ =	sdelay $0x4  }
0x6a: {  	v3 =	vmul.f32 v3, v52;
	_ =	sdelay $0x1  }
0x6b: {  	[tilespmem:s28+$0xFFFFFEF0] =	vst v3;
	v3 =	vld [tilespmem:s28+$0xFFFFFF00];
	_ =	sdelay $0x2  }
0x6c: {  	v53 =	vbroadcast v2, $0x4;
	_ =	sdelay $0x1  }
0x6d: {  	v3 =	vmul.f32 v3, v53;
	_ =	sdelay $0x1  }
0x6e: {  	[tilespmem:s28+$0xFFFFFF00] =	vst v3;
	v3 =	vld [tilespmem:s28+$0xFFFFFF10];
	_ =	sdelay $0x4  }
0x6f: {  	v3 =	vmul.f32 v3, v53;
	_ =	sdelay $0x1  }
0x70: {  	[tilespmem:s28+$0xFFFFFF10] =	vst v3;
	v3 =	vld [tilespmem:s28+$0xFFFFFF20];
	_ =	sdelay $0x4  }
0x71: {  	v3 =	vmul.f32 v3, v53;
	_ =	sdelay $0x1  }
0x72: {  	[tilespmem:s28+$0xFFFFFF20] =	vst v3;
	v3 =	vld [tilespmem:s28+$0xFFFFFF30];
	_ =	sdelay $0x4  }
0x73: {  	v3 =	vmul.f32 v3, v53;
	_ =	sdelay $0x1  }
0x74: {  	[tilespmem:s28+$0xFFFFFF30] =	vst v3;
	v3 =	vld [tilespmem:s28+$0xFFFFFF40];
	_ =	sdelay $0x2  }
0x75: {  	v54 =	vbroadcast v2, $0x5;
	_ =	sdelay $0x1  }
0x76: {  	v3 =	vmul.f32 v3, v54;
	_ =	sdelay $0x1  }
0x77: {  	[tilespmem:s28+$0xFFFFFF40] =	vst v3;
	v3 =	vld [tilespmem:s28+$0xFFFFFF50];
	_ =	sdelay $0x4  }
0x78: {  	v3 =	vmul.f32 v3, v54;
	_ =	sdelay $0x1  }
0x79: {  	[tilespmem:s28+$0xFFFFFF50] =	vst v3;
	v3 =	vld [tilespmem:s28+$0xFFFFFF60];
	_ =	sdelay $0x4  }
0x7a: {  	v3 =	vmul.f32 v3, v54;
	_ =	sdelay $0x1  }
0x7b: {  	[tilespmem:s28+$0xFFFFFF60] =	vst v3;
	v3 =	vld [tilespmem:s28+$0xFFFFFF70];
	_ =	sdelay $0x4  }
0x7c: {  	v3 =	vmul.f32 v3, v54;
	_ =	sdelay $0x1  }
0x7d: {  	[tilespmem:s28+$0xFFFFFF70] =	vst v3;
	v3 =	vld [tilespmem:s28+$0xFFFFFF80];
	_ =	sdelay $0x2  }
0x7e: {  	v55 =	vbroadcast v2, $0x6;
	_ =	sdelay $0x1  }
0x7f: {  	v3 =	vmul.f32 v3, v55;
	_ =	sdelay $0x1  }
0x80: {  	[tilespmem:s28+$0xFFFFFF80] =	vst v3;
	v3 =	vld [tilespmem:s28+$0xFFFFFF90];
	_ =	sdelay $0x4  }
0x81: {  	v3 =	vmul.f32 v3, v55;
	_ =	sdelay $0x1  }
0x82: {  	[tilespmem:s28+$0xFFFFFF90] =	vst v3;
	v3 =	vld [tilespmem:s28+$0xFFFFFFA0];
	_ =	sdelay $0x4  }
0x83: {  	v3 =	vmul.f32 v3, v55;
	_ =	sdelay $0x1  }
0x84: {  	[tilespmem:s28+$0xFFFFFFA0] =	vst v3;
	v3 =	vld [tilespmem:s28+$0xFFFFFFB0];
	_ =	sdelay $0x4  }
0x85: {  	v3 =	vmul.f32 v3, v55;
	_ =	sdelay $0x1  }
0x86: {  	[tilespmem:s28+$0xFFFFFFB0] =	vst v3;
	v3 =	vld [tilespmem:s28+$0xFFFFFFC0];
	_ =	sdelay $0x2  }
0x87: {  	v56 =	vbroadcast v2, $0x7;
	_ =	sdelay $0x1  }
0x88: {  	v3 =	vmul.f32 v3, v56;
	_ =	sdelay $0x1  }
0x89: {  	[tilespmem:s28+$0xFFFFFFC0] =	vst v3;
	v3 =	vld [tilespmem:s28+$0xFFFFFFD0];
	_ =	sdelay $0x4  }
0x8a: {  	v3 =	vmul.f32 v3, v56;
	_ =	sdelay $0x1  }
0x8b: {  	[tilespmem:s28+$0xFFFFFFD0] =	vst v3;
	v3 =	vld [tilespmem:s28+$0xFFFFFFE0];
	_ =	sdelay $0x4  }
0x8c: {  	v3 =	vmul.f32 v3, v56;
	_ =	sdelay $0x1  }
0x8d: {  	[tilespmem:s28+$0xFFFFFFE0] =	vst v3;
	v3 =	vld [tilespmem:s28+$0xFFFFFFF0];
	_ =	sdelay $0x4  }
0x8e: {  	v3 =	vmul.f32 v3, v56;
	_ =	sdelay $0x1  }
0x8f: {  	[tilespmem:s28+$0xFFFFFFF0] =	vst v3;
	v3 =	vld [tilespmem:s28+$0x0];
	_ =	sdelay $0x2  }
0x90: {  	v57 =	vbroadcast v2, $0x8;
	_ =	sdelay $0x1  }
0x91: {  	v3 =	vmul.f32 v3, v57;
	_ =	sdelay $0x1  }
0x92: {  	[tilespmem:s28+$0x0] =	vst v3;
	v3 =	vld [tilespmem:s28+$0x10];
	_ =	sdelay $0x4  }
0x93: {  	v3 =	vmul.f32 v3, v57;
	_ =	sdelay $0x1  }
0x94: {  	[tilespmem:s28+$0x10] =	vst v3;
	v3 =	vld [tilespmem:s28+$0x20];
	_ =	sdelay $0x4  }
0x95: {  	v3 =	vmul.f32 v3, v57;
	_ =	sdelay $0x1  }
0x96: {  	[tilespmem:s28+$0x20] =	vst v3;
	v3 =	vld [tilespmem:s28+$0x30];
	_ =	sdelay $0x4  }
0x97: {  	v3 =	vmul.f32 v3, v57;
	_ =	sdelay $0x1  }
0x98: {  	[tilespmem:s28+$0x30] =	vst v3;
	v3 =	vld [tilespmem:s28+$0x40];
	_ =	sdelay $0x2  }
0x99: {  	v58 =	vbroadcast v2, $0x9;
	_ =	sdelay $0x1  }
0x9a: {  	v3 =	vmul.f32 v3, v58;
	_ =	sdelay $0x1  }
0x9b: {  	[tilespmem:s28+$0x40] =	vst v3;
	v3 =	vld [tilespmem:s28+$0x50];
	_ =	sdelay $0x4  }
0x9c: {  	v3 =	vmul.f32 v3, v58;
	_ =	sdelay $0x1  }
0x9d: {  	[tilespmem:s28+$0x50] =	vst v3;
	v3 =	vld [tilespmem:s28+$0x60];
	_ =	sdelay $0x4  }
0x9e: {  	v3 =	vmul.f32 v3, v58;
	_ =	sdelay $0x1  }
0x9f: {  	[tilespmem:s28+$0x60] =	vst v3;
	v3 =	vld [tilespmem:s28+$0x70];
	_ =	sdelay $0x4  }
0xa0: {  	v3 =	vmul.f32 v3, v58;
	_ =	sdelay $0x1  }
0xa1: {  	[tilespmem:s28+$0x70] =	vst v3;
	v3 =	vld [tilespmem:s28+$0x80];
	_ =	sdelay $0x2  }
0xa2: {  	v59 =	vbroadcast v2, $0xA;
	_ =	sdelay $0x1  }
0xa3: {  	v3 =	vmul.f32 v3, v59;
	_ =	sdelay $0x1  }
0xa4: {  	[tilespmem:s28+$0x80] =	vst v3;
	v3 =	vld [tilespmem:s28+$0x90];
	_ =	sdelay $0x4  }
0xa5: {  	v3 =	vmul.f32 v3, v59;
	_ =	sdelay $0x1  }
0xa6: {  	[tilespmem:s28+$0x90] =	vst v3;
	v3 =	vld [tilespmem:s28+$0xA0];
	_ =	sdelay $0x4  }
0xa7: {  	v3 =	vmul.f32 v3, v59;
	_ =	sdelay $0x1  }
0xa8: {  	[tilespmem:s28+$0xA0] =	vst v3;
	v3 =	vld [tilespmem:s28+$0xB0];
	_ =	sdelay $0x4  }
0xa9: {  	v3 =	vmul.f32 v3, v59;
	_ =	sdelay $0x1  }
0xaa: {  	[tilespmem:s28+$0xB0] =	vst v3;
	v3 =	vld [tilespmem:s28+$0xC0];
	_ =	sdelay $0x2  }
0xab: {  	v60 =	vbroadcast v2, $0xB;
	_ =	sdelay $0x1  }
0xac: {  	v3 =	vmul.f32 v3, v60;
	_ =	sdelay $0x1  }
0xad: {  	[tilespmem:s28+$0xC0] =	vst v3;
	v3 =	vld [tilespmem:s28+$0xD0];
	_ =	sdelay $0x4  }
0xae: {  	v3 =	vmul.f32 v3, v60;
	_ =	sdelay $0x1  }
0xaf: {  	[tilespmem:s28+$0xD0] =	vst v3;
	v3 =	vld [tilespmem:s28+$0xE0];
	_ =	sdelay $0x4  }
0xb0: {  	v3 =	vmul.f32 v3, v60;
	_ =	sdelay $0x1  }
0xb1: {  	[tilespmem:s28+$0xE0] =	vst v3;
	v3 =	vld [tilespmem:s28+$0xF0];
	_ =	sdelay $0x4  }
0xb2: {  	v3 =	vmul.f32 v3, v60;
	_ =	sdelay $0x1  }
0xb3: {  	[tilespmem:s28+$0xF0] =	vst v3;
	v3 =	vld [tilespmem:s28+$0x100];
	_ =	sdelay $0x2  }
0xb4: {  	v61 =	vbroadcast v2, $0xC;
	_ =	sdelay $0x1  }
0xb5: {  	v3 =	vmul.f32 v3, v61;
	_ =	sdelay $0x1  }
0xb6: {  	[tilespmem:s28+$0x100] =	vst v3;
	v3 =	vld [tilespmem:s28+$0x110];
	_ =	sdelay $0x4  }
0xb7: {  	v3 =	vmul.f32 v3, v61;
	_ =	sdelay $0x1  }
0xb8: {  	[tilespmem:s28+$0x110] =	vst v3;
	v3 =	vld [tilespmem:s28+$0x120];
	_ =	sdelay $0x4  }
0xb9: {  	v3 =	vmul.f32 v3, v61;
	_ =	sdelay $0x1  }
0xba: {  	[tilespmem:s28+$0x120] =	vst v3;
	v3 =	vld [tilespmem:s28+$0x130];
	_ =	sdelay $0x4  }
0xbb: {  	v3 =	vmul.f32 v3, v61;
	_ =	sdelay $0x1  }
0xbc: {  	[tilespmem:s28+$0x130] =	vst v3;
	v3 =	vld [tilespmem:s28+$0x140];
	_ =	sdelay $0x2  }
0xbd: {  	v62 =	vbroadcast v2, $0xD;
	_ =	sdelay $0x1  }
0xbe: {  	v3 =	vmul.f32 v3, v62;
	_ =	sdelay $0x1  }
0xbf: {  	[tilespmem:s28+$0x140] =	vst v3;
	v3 =	vld [tilespmem:s28+$0x150];
	_ =	sdelay $0x4  }
0xc0: {  	v3 =	vmul.f32 v3, v62;
	_ =	sdelay $0x1  }
0xc1: {  	[tilespmem:s28+$0x150] =	vst v3;
	v3 =	vld [tilespmem:s28+$0x160];
	_ =	sdelay $0x4  }
0xc2: {  	v3 =	vmul.f32 v3, v62;
	_ =	sdelay $0x1  }
0xc3: {  	[tilespmem:s28+$0x160] =	vst v3;
	v3 =	vld [tilespmem:s28+$0x170];
	_ =	sdelay $0x4  }
0xc4: {  	v3 =	vmul.f32 v3, v62;
	_ =	sdelay $0x1  }
0xc5: {  	[tilespmem:s28+$0x170] =	vst v3;
	v3 =	vld [tilespmem:s28+$0x180];
	_ =	sdelay $0x2  }
0xc6: {  	v63 =	vbroadcast v2, $0xE;
	_ =	sdelay $0x1  }
0xc7: {  	v3 =	vmul.f32 v3, v63;
	_ =	sdelay $0x1  }
0xc8: {  	[tilespmem:s28+$0x180] =	vst v3;
	v3 =	vld [tilespmem:s28+$0x190];
	_ =	sdelay $0x4  }
0xc9: {  	v3 =	vmul.f32 v3, v63;
	_ =	sdelay $0x1  }
0xca: {  	[tilespmem:s28+$0x190] =	vst v3;
	v3 =	vld [tilespmem:s28+$0x1A0];
	_ =	sdelay $0x4  }
0xcb: {  	v3 =	vmul.f32 v3, v63;
	_ =	sdelay $0x1  }
0xcc: {  	[tilespmem:s28+$0x1A0] =	vst v3;
	v3 =	vld [tilespmem:s28+$0x1B0];
	_ =	sdelay $0x4  }
0xcd: {  	v3 =	vmul.f32 v3, v63;
	_ =	sdelay $0x1  }
0xce: {  	[tilespmem:s28+$0x1B0] =	vst v3;
	v3 =	vld [tilespmem:s28+$0x1C0];
	_ =	sdelay $0x2  }
0xcf: {  	v2 =	vbroadcast v2, $0xF;
	_ =	sdelay $0x1  }
0xd0: {  	v3 =	vmul.f32 v3, v2;
	_ =	sdelay $0x1  }
0xd1: {  	[tilespmem:s28+$0x1C0] =	vst v3;
	v3 =	vld [tilespmem:s28+$0x1D0];
	_ =	sdelay $0x4  }
0xd2: {  	v3 =	vmul.f32 v3, v2;
	_ =	sdelay $0x1  }
0xd3: {  	[tilespmem:s28+$0x1D0] =	vst v3;
	v3 =	vld [tilespmem:s28+$0x1E0];
	_ =	sdelay $0x4  }
0xd4: {  	v3 =	vmul.f32 v3, v2;
	_ =	sdelay $0x1  }
0xd5: {  	[tilespmem:s28+$0x1E0] =	vst v3;
	v3 =	vld [tilespmem:s28+$0x1F0];
	_ =	sdelay $0x1  }
0xd6: {  	p0 =	sne.s32 s29, $0x1C0  }
.Ltmp1:
0xd7: {  	_ = 	snop;
	(pc) =	sbr.rel @p0 .LBB2_5-.Ltmp1, $3  }
0xd8: {  	_ = 	snop  }
0xd9: {  	v2 =	vmul.f32 v3, v2;
	_ =	sdelay $0x1  }
0xda: {  	s29 =	sadd.s32 $0x40, s29;
	[tilespmem:s28+$0x1F0] =	vst v2;
	s28 =	sadd.s32 $0x400, s28  }
0xdb: {  	s24 =	sadd.s32 $0x1, s24  }
0xdc: {  	p0 =	sne.s32 s24, $0x50  }
.Ltmp2:
0xdd: {  	s26 =	sadd.s32 $0x5000, s26;
	(pc) =	sbr.rel @p0 .LBB2_4-.Ltmp2, $4  }
0xde: {  	[spmem:s3] =	stream.indirect.scatter.add.f32 [tilespmem:s22], [sflag:$0x2], $0x40, s26, s21, $0xb8;
	[tilespmem:$0x18000] =	vst v63  }
0xdf: {  	_ =	swait.ge [sflag:s17], $0x2000  }
0xe0: {  	[sflag:s17] =	ssyncset.done $0x0  }
0xe1: {  	s25 =	sadd.s32 $0x80, s25;
	[sflag:s17] =	ssyncadd.s32 $0xFFFFE000  }
0xe2: {  	s24 =	sshll.u32 s2, $0x6  }
0xe3: {  	[bflag:$0x0] =	sbarrier.arrive $0xFFFF;
	s25 =	sshrl.u32 s9, $0x3;
	s24 =	sor.u32 $0x1C02, s24  }
0xe4: {  	[hbm:s14], [sflag:s24] =	dma.local [spmem:s25], $0x1400  }
0xe5: {  	_ =	swait.ge [sflag:s17], $0x1400  }
0xe6: {  	[sflag:s17] =	ssyncset.done $0x0  }
0xe7: {  	[sflag:s17] =	ssyncadd.s32 $0xFFFFEC00  }
0xe8: {  	[bflag:$0x0] =	sbarrier.arrive $0xFFFF  }
0xe9: {  	[spmem:s9] =	stream.linear.scatter [tilespmem:s20], [sflag:$0x2], $0x2000, $0x38;
	[tilespmem:$0x18000] =	vst v63  }
0xea: {  	_ =	swait.ge [sflag:s17], $0x2000  }
0xeb: {  	[sflag:s17] =	ssyncset.done $0x0  }
0xec: {  	[sflag:s17] =	ssyncadd.s32 $0xFFFFE000  }
0xed: {  	[spmem:s10] =	stream.linear.scatter [tilespmem:s20], [sflag:$0x2], $0x2000, $0x38;
	[tilespmem:$0x18000] =	vst v63  }
0xee: {  	_ =	swait.ge [sflag:s17], $0x2000  }
0xef: {  	[sflag:s17] =	ssyncset.done $0x0  }
0xf0: {  	[sflag:s17] =	ssyncadd.s32 $0xFFFFE000  }
0xf1: {  	[spmem:s11] =	stream.linear.scatter [tilespmem:s20], [sflag:$0x2], $0x2000, $0x38;
	[tilespmem:$0x18000] =	vst v63  }
0xf2: {  	_ =	swait.ge [sflag:s17], $0x2000  }
0xf3: {  	[sflag:s17] =	ssyncset.done $0x0  }
0xf4: {  	[sflag:s17] =	ssyncadd.s32 $0xFFFFE000  }
0xf5: {  	[spmem:s12] =	stream.linear.scatter [tilespmem:s20], [sflag:$0x2], $0x2000, $0x38;
	[tilespmem:$0x18000] =	vst v63  }
0xf6: {  	_ =	swait.ge [sflag:s17], $0x2000  }
0xf7: {  	[sflag:s17] =	ssyncset.done $0x0  }
0xf8: {  	[sflag:s17] =	ssyncadd.s32 $0xFFFFE000  }
0xf9: {  	[spmem:s13] =	stream.linear.scatter [tilespmem:s20], [sflag:$0x2], $0x2000, $0x38;
	[tilespmem:$0x18000] =	vst v63  }
0xfa: {  	_ =	swait.ge [sflag:s17], $0x2000  }
0xfb: {  	[sflag:s17] =	ssyncset.done $0x0  }
0xfc: {  	[sflag:s17] =	ssyncadd.s32 $0xFFFFE000  }
0xfd: {  	s26 =	simm.s32 $0x0;
	s28 =	simm.s32 $0x7800;
	[bflag:$0x0] =	sbarrier.arrive $0xFFFF  }
.LBB2_8:
0xfe: {  	s29 =	sshll.u32 s26, $0x7  }
0xff: {  	s30 =	sadd.s32 $0x2800, s29  }
0x100: {  	v1 =	vmov s28;
	[tilespmem:s22], [sflag:$0x1] =	stream.indirect.gather [hbm4b:s1+s21], $0x40, s30, s21, $0xb8;
	[tilespmem:$0x18000] =	vst v63  }
0x101: {  	_ =	swait.ge [sflag:s23], $0x2000  }
0x102: {  	[sflag:s23] =	ssyncset.done $0x0  }
0x103: {  	s31 =	simm.s32 $0x0;
	s30 =	simm.s32 $0xA200;
	[sflag:s23] =	ssyncadd.s32 $0xFFFFE000  }
.LBB2_9:
0x104: {  	s0 =	sshra.s32 s31, $0x2  }
0x105: {  	v2 =	vld.idx.msk [tilespmem:v1+s0+$0x0 ss:$0x1], $0xffff;
	_ =	sdelay $0x1  }
0x106: {  	v3 =	vld [tilespmem:s30+$0xFFFFFE00];
	_ =	sdelay $0x2  }
0x107: {  	v4 =	vbroadcast v2, $0x0;
	_ =	sdelay $0x1  }
0x108: {  	v3 =	vmul.f32 v4, v3;
	_ =	sdelay $0x1  }
0x109: {  	[tilespmem:s30+$0xFFFFFE00] =	vst v3;
	v3 =	vld [tilespmem:s30+$0xFFFFFE10];
	_ =	sdelay $0x4  }
0x10a: {  	v3 =	vmul.f32 v3, v4;
	_ =	sdelay $0x1  }
0x10b: {  	[tilespmem:s30+$0xFFFFFE10] =	vst v3;
	v3 =	vld [tilespmem:s30+$0xFFFFFE20];
	_ =	sdelay $0x4  }
0x10c: {  	v3 =	vmul.f32 v3, v4;
	_ =	sdelay $0x1  }
0x10d: {  	[tilespmem:s30+$0xFFFFFE20] =	vst v3;
	v3 =	vld [tilespmem:s30+$0xFFFFFE30];
	_ =	sdelay $0x4  }
0x10e: {  	v3 =	vmul.f32 v3, v4;
	_ =	sdelay $0x1  }
0x10f: {  	[tilespmem:s30+$0xFFFFFE30] =	vst v3;
	v3 =	vld [tilespmem:s30+$0xFFFFFE40];
	_ =	sdelay $0x2  }
0x110: {  	v50 =	vbroadcast v2, $0x1;
	_ =	sdelay $0x1  }
0x111: {  	v3 =	vmul.f32 v3, v50;
	_ =	sdelay $0x1  }
0x112: {  	[tilespmem:s30+$0xFFFFFE40] =	vst v3;
	v3 =	vld [tilespmem:s30+$0xFFFFFE50];
	_ =	sdelay $0x4  }
0x113: {  	v3 =	vmul.f32 v3, v50;
	_ =	sdelay $0x1  }
0x114: {  	[tilespmem:s30+$0xFFFFFE50] =	vst v3;
	v3 =	vld [tilespmem:s30+$0xFFFFFE60];
	_ =	sdelay $0x4  }
0x115: {  	v3 =	vmul.f32 v3, v50;
	_ =	sdelay $0x1  }
0x116: {  	[tilespmem:s30+$0xFFFFFE60] =	vst v3;
	v3 =	vld [tilespmem:s30+$0xFFFFFE70];
	_ =	sdelay $0x4  }
0x117: {  	v3 =	vmul.f32 v3, v50;
	_ =	sdelay $0x1  }
0x118: {  	[tilespmem:s30+$0xFFFFFE70] =	vst v3;
	v3 =	vld [tilespmem:s30+$0xFFFFFE80];
	_ =	sdelay $0x2  }
0x119: {  	v51 =	vbroadcast v2, $0x2;
	_ =	sdelay $0x1  }
0x11a: {  	v3 =	vmul.f32 v3, v51;
	_ =	sdelay $0x1  }
0x11b: {  	[tilespmem:s30+$0xFFFFFE80] =	vst v3;
	v3 =	vld [tilespmem:s30+$0xFFFFFE90];
	_ =	sdelay $0x4  }
0x11c: {  	v3 =	vmul.f32 v3, v51;
	_ =	sdelay $0x1  }
0x11d: {  	[tilespmem:s30+$0xFFFFFE90] =	vst v3;
	v3 =	vld [tilespmem:s30+$0xFFFFFEA0];
	_ =	sdelay $0x4  }
0x11e: {  	v3 =	vmul.f32 v3, v51;
	_ =	sdelay $0x1  }
0x11f: {  	[tilespmem:s30+$0xFFFFFEA0] =	vst v3;
	v3 =	vld [tilespmem:s30+$0xFFFFFEB0];
	_ =	sdelay $0x4  }
0x120: {  	v3 =	vmul.f32 v3, v51;
	_ =	sdelay $0x1  }
0x121: {  	[tilespmem:s30+$0xFFFFFEB0] =	vst v3;
	v3 =	vld [tilespmem:s30+$0xFFFFFEC0];
	_ =	sdelay $0x2  }
0x122: {  	v52 =	vbroadcast v2, $0x3;
	_ =	sdelay $0x1  }
0x123: {  	v3 =	vmul.f32 v3, v52;
	_ =	sdelay $0x1  }
0x124: {  	[tilespmem:s30+$0xFFFFFEC0] =	vst v3;
	v3 =	vld [tilespmem:s30+$0xFFFFFED0];
	_ =	sdelay $0x4  }
0x125: {  	v3 =	vmul.f32 v3, v52;
	_ =	sdelay $0x1  }
0x126: {  	[tilespmem:s30+$0xFFFFFED0] =	vst v3;
	v3 =	vld [tilespmem:s30+$0xFFFFFEE0];
	_ =	sdelay $0x4  }
0x127: {  	v3 =	vmul.f32 v3, v52;
	_ =	sdelay $0x1  }
0x128: {  	[tilespmem:s30+$0xFFFFFEE0] =	vst v3;
	v3 =	vld [tilespmem:s30+$0xFFFFFEF0];
	_ =	sdelay $0x4  }
0x129: {  	v3 =	vmul.f32 v3, v52;
	_ =	sdelay $0x1  }
0x12a: {  	[tilespmem:s30+$0xFFFFFEF0] =	vst v3;
	v3 =	vld [tilespmem:s30+$0xFFFFFF00];
	_ =	sdelay $0x2  }
0x12b: {  	v53 =	vbroadcast v2, $0x4;
	_ =	sdelay $0x1  }
0x12c: {  	v3 =	vmul.f32 v3, v53;
	_ =	sdelay $0x1  }
0x12d: {  	[tilespmem:s30+$0xFFFFFF00] =	vst v3;
	v3 =	vld [tilespmem:s30+$0xFFFFFF10];
	_ =	sdelay $0x4  }
0x12e: {  	v3 =	vmul.f32 v3, v53;
	_ =	sdelay $0x1  }
0x12f: {  	[tilespmem:s30+$0xFFFFFF10] =	vst v3;
	v3 =	vld [tilespmem:s30+$0xFFFFFF20];
	_ =	sdelay $0x4  }
0x130: {  	v3 =	vmul.f32 v3, v53;
	_ =	sdelay $0x1  }
0x131: {  	[tilespmem:s30+$0xFFFFFF20] =	vst v3;
	v3 =	vld [tilespmem:s30+$0xFFFFFF30];
	_ =	sdelay $0x4  }
0x132: {  	v3 =	vmul.f32 v3, v53;
	_ =	sdelay $0x1  }
0x133: {  	[tilespmem:s30+$0xFFFFFF30] =	vst v3;
	v3 =	vld [tilespmem:s30+$0xFFFFFF40];
	_ =	sdelay $0x2  }
0x134: {  	v54 =	vbroadcast v2, $0x5;
	_ =	sdelay $0x1  }
0x135: {  	v3 =	vmul.f32 v3, v54;
	_ =	sdelay $0x1  }
0x136: {  	[tilespmem:s30+$0xFFFFFF40] =	vst v3;
	v3 =	vld [tilespmem:s30+$0xFFFFFF50];
	_ =	sdelay $0x4  }
0x137: {  	v3 =	vmul.f32 v3, v54;
	_ =	sdelay $0x1  }
0x138: {  	[tilespmem:s30+$0xFFFFFF50] =	vst v3;
	v3 =	vld [tilespmem:s30+$0xFFFFFF60];
	_ =	sdelay $0x4  }
0x139: {  	v3 =	vmul.f32 v3, v54;
	_ =	sdelay $0x1  }
0x13a: {  	[tilespmem:s30+$0xFFFFFF60] =	vst v3;
	v3 =	vld [tilespmem:s30+$0xFFFFFF70];
	_ =	sdelay $0x4  }
0x13b: {  	v3 =	vmul.f32 v3, v54;
	_ =	sdelay $0x1  }
0x13c: {  	[tilespmem:s30+$0xFFFFFF70] =	vst v3;
	v3 =	vld [tilespmem:s30+$0xFFFFFF80];
	_ =	sdelay $0x2  }
0x13d: {  	v55 =	vbroadcast v2, $0x6;
	_ =	sdelay $0x1  }
0x13e: {  	v3 =	vmul.f32 v3, v55;
	_ =	sdelay $0x1  }
0x13f: {  	[tilespmem:s30+$0xFFFFFF80] =	vst v3;
	v3 =	vld [tilespmem:s30+$0xFFFFFF90];
	_ =	sdelay $0x4  }
0x140: {  	v3 =	vmul.f32 v3, v55;
	_ =	sdelay $0x1  }
0x141: {  	[tilespmem:s30+$0xFFFFFF90] =	vst v3;
	v3 =	vld [tilespmem:s30+$0xFFFFFFA0];
	_ =	sdelay $0x4  }
0x142: {  	v3 =	vmul.f32 v3, v55;
	_ =	sdelay $0x1  }
0x143: {  	[tilespmem:s30+$0xFFFFFFA0] =	vst v3;
	v3 =	vld [tilespmem:s30+$0xFFFFFFB0];
	_ =	sdelay $0x4  }
0x144: {  	v3 =	vmul.f32 v3, v55;
	_ =	sdelay $0x1  }
0x145: {  	[tilespmem:s30+$0xFFFFFFB0] =	vst v3;
	v3 =	vld [tilespmem:s30+$0xFFFFFFC0];
	_ =	sdelay $0x2  }
0x146: {  	v56 =	vbroadcast v2, $0x7;
	_ =	sdelay $0x1  }
0x147: {  	v3 =	vmul.f32 v3, v56;
	_ =	sdelay $0x1  }
0x148: {  	[tilespmem:s30+$0xFFFFFFC0] =	vst v3;
	v3 =	vld [tilespmem:s30+$0xFFFFFFD0];
	_ =	sdelay $0x4  }
0x149: {  	v3 =	vmul.f32 v3, v56;
	_ =	sdelay $0x1  }
0x14a: {  	[tilespmem:s30+$0xFFFFFFD0] =	vst v3;
	v3 =	vld [tilespmem:s30+$0xFFFFFFE0];
	_ =	sdelay $0x4  }
0x14b: {  	v3 =	vmul.f32 v3, v56;
	_ =	sdelay $0x1  }
0x14c: {  	[tilespmem:s30+$0xFFFFFFE0] =	vst v3;
	v3 =	vld [tilespmem:s30+$0xFFFFFFF0];
	_ =	sdelay $0x4  }
0x14d: {  	v3 =	vmul.f32 v3, v56;
	_ =	sdelay $0x1  }
0x14e: {  	[tilespmem:s30+$0xFFFFFFF0] =	vst v3;
	v3 =	vld [tilespmem:s30+$0x0];
	_ =	sdelay $0x2  }
0x14f: {  	v57 =	vbroadcast v2, $0x8;
	_ =	sdelay $0x1  }
0x150: {  	v3 =	vmul.f32 v3, v57;
	_ =	sdelay $0x1  }
0x151: {  	[tilespmem:s30+$0x0] =	vst v3;
	v3 =	vld [tilespmem:s30+$0x10];
	_ =	sdelay $0x4  }
0x152: {  	v3 =	vmul.f32 v3, v57;
	_ =	sdelay $0x1  }
0x153: {  	[tilespmem:s30+$0x10] =	vst v3;
	v3 =	vld [tilespmem:s30+$0x20];
	_ =	sdelay $0x4  }
0x154: {  	v3 =	vmul.f32 v3, v57;
	_ =	sdelay $0x1  }
0x155: {  	[tilespmem:s30+$0x20] =	vst v3;
	v3 =	vld [tilespmem:s30+$0x30];
	_ =	sdelay $0x4  }
0x156: {  	v3 =	vmul.f32 v3, v57;
	_ =	sdelay $0x1  }
0x157: {  	[tilespmem:s30+$0x30] =	vst v3;
	v3 =	vld [tilespmem:s30+$0x40];
	_ =	sdelay $0x2  }
0x158: {  	v58 =	vbroadcast v2, $0x9;
	_ =	sdelay $0x1  }
0x159: {  	v3 =	vmul.f32 v3, v58;
	_ =	sdelay $0x1  }
0x15a: {  	[tilespmem:s30+$0x40] =	vst v3;
	v3 =	vld [tilespmem:s30+$0x50];
	_ =	sdelay $0x4  }
0x15b: {  	v3 =	vmul.f32 v3, v58;
	_ =	sdelay $0x1  }
0x15c: {  	[tilespmem:s30+$0x50] =	vst v3;
	v3 =	vld [tilespmem:s30+$0x60];
	_ =	sdelay $0x4  }
0x15d: {  	v3 =	vmul.f32 v3, v58;
	_ =	sdelay $0x1  }
0x15e: {  	[tilespmem:s30+$0x60] =	vst v3;
	v3 =	vld [tilespmem:s30+$0x70];
	_ =	sdelay $0x4  }
0x15f: {  	v3 =	vmul.f32 v3, v58;
	_ =	sdelay $0x1  }
0x160: {  	[tilespmem:s30+$0x70] =	vst v3;
	v3 =	vld [tilespmem:s30+$0x80];
	_ =	sdelay $0x2  }
0x161: {  	v59 =	vbroadcast v2, $0xA;
	_ =	sdelay $0x1  }
0x162: {  	v3 =	vmul.f32 v3, v59;
	_ =	sdelay $0x1  }
0x163: {  	[tilespmem:s30+$0x80] =	vst v3;
	v3 =	vld [tilespmem:s30+$0x90];
	_ =	sdelay $0x4  }
0x164: {  	v3 =	vmul.f32 v3, v59;
	_ =	sdelay $0x1  }
0x165: {  	[tilespmem:s30+$0x90] =	vst v3;
	v3 =	vld [tilespmem:s30+$0xA0];
	_ =	sdelay $0x4  }
0x166: {  	v3 =	vmul.f32 v3, v59;
	_ =	sdelay $0x1  }
0x167: {  	[tilespmem:s30+$0xA0] =	vst v3;
	v3 =	vld [tilespmem:s30+$0xB0];
	_ =	sdelay $0x4  }
0x168: {  	v3 =	vmul.f32 v3, v59;
	_ =	sdelay $0x1  }
0x169: {  	[tilespmem:s30+$0xB0] =	vst v3;
	v3 =	vld [tilespmem:s30+$0xC0];
	_ =	sdelay $0x2  }
0x16a: {  	v60 =	vbroadcast v2, $0xB;
	_ =	sdelay $0x1  }
0x16b: {  	v3 =	vmul.f32 v3, v60;
	_ =	sdelay $0x1  }
0x16c: {  	[tilespmem:s30+$0xC0] =	vst v3;
	v3 =	vld [tilespmem:s30+$0xD0];
	_ =	sdelay $0x4  }
0x16d: {  	v3 =	vmul.f32 v3, v60;
	_ =	sdelay $0x1  }
0x16e: {  	[tilespmem:s30+$0xD0] =	vst v3;
	v3 =	vld [tilespmem:s30+$0xE0];
	_ =	sdelay $0x4  }
0x16f: {  	v3 =	vmul.f32 v3, v60;
	_ =	sdelay $0x1  }
0x170: {  	[tilespmem:s30+$0xE0] =	vst v3;
	v3 =	vld [tilespmem:s30+$0xF0];
	_ =	sdelay $0x4  }
0x171: {  	v3 =	vmul.f32 v3, v60;
	_ =	sdelay $0x1  }
0x172: {  	[tilespmem:s30+$0xF0] =	vst v3;
	v3 =	vld [tilespmem:s30+$0x100];
	_ =	sdelay $0x2  }
0x173: {  	v61 =	vbroadcast v2, $0xC;
	_ =	sdelay $0x1  }
0x174: {  	v3 =	vmul.f32 v3, v61;
	_ =	sdelay $0x1  }
0x175: {  	[tilespmem:s30+$0x100] =	vst v3;
	v3 =	vld [tilespmem:s30+$0x110];
	_ =	sdelay $0x4  }
0x176: {  	v3 =	vmul.f32 v3, v61;
	_ =	sdelay $0x1  }
0x177: {  	[tilespmem:s30+$0x110] =	vst v3;
	v3 =	vld [tilespmem:s30+$0x120];
	_ =	sdelay $0x4  }
0x178: {  	v3 =	vmul.f32 v3, v61;
	_ =	sdelay $0x1  }
0x179: {  	[tilespmem:s30+$0x120] =	vst v3;
	v3 =	vld [tilespmem:s30+$0x130];
	_ =	sdelay $0x4  }
0x17a: {  	v3 =	vmul.f32 v3, v61;
	_ =	sdelay $0x1  }
0x17b: {  	[tilespmem:s30+$0x130] =	vst v3;
	v3 =	vld [tilespmem:s30+$0x140];
	_ =	sdelay $0x2  }
0x17c: {  	v62 =	vbroadcast v2, $0xD;
	_ =	sdelay $0x1  }
0x17d: {  	v3 =	vmul.f32 v3, v62;
	_ =	sdelay $0x1  }
0x17e: {  	[tilespmem:s30+$0x140] =	vst v3;
	v3 =	vld [tilespmem:s30+$0x150];
	_ =	sdelay $0x4  }
0x17f: {  	v3 =	vmul.f32 v3, v62;
	_ =	sdelay $0x1  }
0x180: {  	[tilespmem:s30+$0x150] =	vst v3;
	v3 =	vld [tilespmem:s30+$0x160];
	_ =	sdelay $0x4  }
0x181: {  	v3 =	vmul.f32 v3, v62;
	_ =	sdelay $0x1  }
0x182: {  	[tilespmem:s30+$0x160] =	vst v3;
	v3 =	vld [tilespmem:s30+$0x170];
	_ =	sdelay $0x4  }
0x183: {  	v3 =	vmul.f32 v3, v62;
	_ =	sdelay $0x1  }
0x184: {  	[tilespmem:s30+$0x170] =	vst v3;
	v3 =	vld [tilespmem:s30+$0x180];
	_ =	sdelay $0x2  }
0x185: {  	v63 =	vbroadcast v2, $0xE;
	_ =	sdelay $0x1  }
0x186: {  	v3 =	vmul.f32 v3, v63;
	_ =	sdelay $0x1  }
0x187: {  	[tilespmem:s30+$0x180] =	vst v3;
	v3 =	vld [tilespmem:s30+$0x190];
	_ =	sdelay $0x4  }
0x188: {  	v3 =	vmul.f32 v3, v63;
	_ =	sdelay $0x1  }
0x189: {  	[tilespmem:s30+$0x190] =	vst v3;
	v3 =	vld [tilespmem:s30+$0x1A0];
	_ =	sdelay $0x4  }
0x18a: {  	v3 =	vmul.f32 v3, v63;
	_ =	sdelay $0x1  }
0x18b: {  	[tilespmem:s30+$0x1A0] =	vst v3;
	v3 =	vld [tilespmem:s30+$0x1B0];
	_ =	sdelay $0x4  }
0x18c: {  	v3 =	vmul.f32 v3, v63;
	_ =	sdelay $0x1  }
0x18d: {  	[tilespmem:s30+$0x1B0] =	vst v3;
	v3 =	vld [tilespmem:s30+$0x1C0];
	_ =	sdelay $0x2  }
0x18e: {  	v2 =	vbroadcast v2, $0xF;
	_ =	sdelay $0x1  }
0x18f: {  	v3 =	vmul.f32 v3, v2;
	_ =	sdelay $0x1  }
0x190: {  	[tilespmem:s30+$0x1C0] =	vst v3;
	v3 =	vld [tilespmem:s30+$0x1D0];
	_ =	sdelay $0x4  }
0x191: {  	v3 =	vmul.f32 v3, v2;
	_ =	sdelay $0x1  }
0x192: {  	[tilespmem:s30+$0x1D0] =	vst v3;
	v3 =	vld [tilespmem:s30+$0x1E0];
	_ =	sdelay $0x4  }
0x193: {  	v3 =	vmul.f32 v3, v2;
	_ =	sdelay $0x1  }
0x194: {  	[tilespmem:s30+$0x1E0] =	vst v3;
	v3 =	vld [tilespmem:s30+$0x1F0];
	_ =	sdelay $0x1  }
0x195: {  	p0 =	sne.s32 s31, $0x1C0  }
.Ltmp3:
0x196: {  	_ = 	snop;
	(pc) =	sbr.rel @p0 .LBB2_9-.Ltmp3, $3  }
0x197: {  	_ = 	snop  }
0x198: {  	v2 =	vmul.f32 v3, v2;
	_ =	sdelay $0x1  }
0x199: {  	s31 =	sadd.s32 $0x40, s31;
	[tilespmem:s30+$0x1F0] =	vst v2;
	s30 =	sadd.s32 $0x400, s30  }
0x19a: {  	s26 =	sadd.s32 $0x1, s26  }
0x19b: {  	p0 =	sne.s32 s26, $0x50  }
.Ltmp4:
0x19c: {  	s0 =	sadd.s32 $0x5000, s29;
	(pc) =	sbr.rel @p0 .LBB2_8-.Ltmp4, $4  }
0x19d: {  	[spmem:s3] =	stream.indirect.scatter.add.f32 [tilespmem:s22], [sflag:$0x2], $0x40, s0, s21, $0xb8;
	[tilespmem:$0x18000] =	vst v63  }
0x19e: {  	_ =	swait.ge [sflag:s17], $0x2000  }
0x19f: {  	[sflag:s17] =	ssyncset.done $0x0  }
0x1a0: {  	s28 =	sadd.s32 $0x80, s28;
	[sflag:s17] =	ssyncadd.s32 $0xFFFFE000  }
0x1a1: {  	[bflag:$0x0] =	sbarrier.arrive $0xFFFF;
	s4 =	sadd.s32 $0x1, s4  }
0x1a2: {  	[hbm:s15], [sflag:s24] =	dma.local [spmem:s25], $0x1400  }
0x1a3: {  	p0 =	sne.s32 s4, s16  }
.Ltmp5:
0x1a4: {  	_ =	swait.ge [sflag:s17], $0x1400;
	(pc) =	sbr.rel @p0 .LBB2_1-.Ltmp5, $3  }
0x1a5: {  	[sflag:s17] =	ssyncset.done $0x0  }
0x1a6: {  	[sflag:s17] =	ssyncadd.s32 $0xFFFFEC00  }
0x1a7: {  	[bflag:$0x0] =	sbarrier.arrive $0xFFFF;
	_ =	sdelay $0x1  }
0x1a8: {  	_ =	sfence.sel $0x180000  }
0x1a9: {  	[bflag:$0x0] =	sbarrier.arrive $0xFFFF  }
0x1aa: {  	_ =	strace $0x90000047  }
0x1ab: {  	[bflag:$0x2] =	sbarrier.arrive $0xFFFF  }
0x1ac: {  	p0 =	sne.s32 s2, $0x0;
	s0 =	rddreg [dreg:$0x3]  }
0x1ad: {  	s0 =	sadd.s32 @!p0 $0x100000, s0  }
0x1ae: {  	[sflag:s0] =	ssyncadd.tile.s32 @!p0 $0x1;
	_ =	shalt  }
.Lfunc_end2:
_tile_overlayer_lowered:
.L_overlay_start_2:
0x1af: {  	(tag) =	ssettag $0x2  }
0x1b0: {  	s0 =	rddreg [dreg:$0x0];
	s2 =	stileid.u32  }
0x1b1: {  	s1 =	rddreg [dreg:$0x1];
	p0 =	sne.s32 s2, $0x0  }
0x1b2: {  	s3 =	rddreg [dreg:$0x2];
	[bflag:$0x3] =	sbarrier.arrive $0xFFFF;
	s2 =	simm.s32 @!p0 $0x1C02  }
0x1b3: {  	[timem:s3], [sflag:s2] =	dma.local @!p0 [hbm:s0], s1  }
0x1b4: {  	s0 =	simm.s32 @!p0 $0x2  }
0x1b5: {  	_ =	swait.ge @!p0 [sflag:s0], s1  }
0x1b6: {  	s1 =	ssub.s32 @!p0 $0x0, s1;
	[sflag:s0] =	ssyncset.done @!p0 $0x0  }
0x1b7: {  	[sflag:s0] =	ssyncadd.s32 @!p0 s1  }
0x1b8: {  	[bflag:$0x3] =	sbarrier.arrive $0xFFFF  }
0x1b9: {  	_ =	shalt  }

</sc_bundles>
